<compile_context>
chip_gen: v7x
topology: tpu7x:2x2x1
jax: 0.10.2.dev20260603
libtpu: 0.0.44.dev20260713+nightly
codegen_flags: <defaults>
</compile_context>

<pallas_src>
import jax
import jax.numpy as jnp
from jax import lax
from jax.experimental import pallas as pl
from jax.experimental.pallas import tpu as pltpu
from jax.experimental.pallas import tpu_sc as plsc

_NI, _NJ = 4096, 200
_B = _NI * _NJ
_D = 30
_DP = 32
_NC, _NS = 2, 16
_NW = _NC * _NS
_BPW = _B // _NW
_TJ = _NJ // 8
_WG = 512
_NWG = _BPW // _WG


def _emb_body(x_hbm, table_hbm, out_hbm, idx_all,
              wgi0, wgi1, rows0, rows1, comp0, comp1,
              gsem0, gsem1, gsem20, gsem21, wsem0, wsem1):
    wid = lax.axis_index("s") * _NC + lax.axis_index("c")
    base = wid * _BPW
    wgi = (wgi0, wgi1)
    rows = (rows0, rows1)
    comp = (comp0, comp1)
    gsem = (gsem0, gsem1)
    gsem2 = (gsem20, gsem21)
    wsem = (wsem0, wsem1)

    iota = lax.iota(jnp.int32, 16)
    i200 = iota * 200

    pltpu.sync_copy(x_hbm.at[pl.ds(base, _BPW)], idx_all)

    def build_idx(c, b):
        j0 = (c // 2) * 8 + (c % 2) * 4
        for v in range(32):
            jj = v // 8
            r = v % 8
            src = i200 + (3200 * r + j0 + jj)
            vals = plsc.load_gather(idx_all, [src])
            wgi[b][pl.ds(16 * v, 16)] = vals

    def g_start(b):
        h = _WG // 2
        pltpu.async_copy(
            table_hbm.at[wgi[b].at[pl.ds(0, h)]],
            rows[b].at[pl.ds(0, h)], gsem[b])
        pltpu.async_copy(
            table_hbm.at[wgi[b].at[pl.ds(h, h)]],
            rows[b].at[pl.ds(h, h)], gsem2[b])

    def g_wait(b):
        h = _WG // 2
        pltpu.make_async_copy(
            table_hbm.at[wgi[b].at[pl.ds(0, h)]],
            rows[b].at[pl.ds(0, h)], gsem[b]).wait()
        pltpu.make_async_copy(
            table_hbm.at[wgi[b].at[pl.ds(0, h)]],
            rows[b].at[pl.ds(h, h)], gsem2[b]).wait()

    pds = [(iota + d) & 15 for d in range(16)]

    def produce(b):
        for h in (0, 1):
            kbase = 14 * h

            @plsc.parallel_loop(0, _WG // 16, step=1)
            def blk(rb):
                r0 = 16 * rb
                rvec = r0 + iota
                jjv = jnp.full((16,), rb // 8, jnp.int32)
                iiv = 16 * (rb % 8) + iota
                for d in range(16):
                    kv = pds[d] + kbase
                    vals = plsc.load_gather(rows[b], [rvec, kv])
                    plsc.store_scatter(comp[b], [kv, jjv, iiv], vals)

    def w_start(c, b):
        tj = c // 2
        js = c % 2
        pltpu.async_copy(
            comp[b],
            out_hbm.at[:, tj, wid, pl.ds(4 * js, 4), :],
            wsem[b])

    def w_wait(b):
        pltpu.make_async_copy(
            comp[b], out_hbm.at[:, 0, 0, pl.ds(0, 4), :], wsem[b]).wait()

    build_idx(0, 0)
    g_start(0)

    def step(c, b):
        g_wait(b)

        @pl.when(c + 1 < _NWG)
        def _():
            build_idx(c + 1, 1 - b)
            g_start(1 - b)

        @pl.when(c >= 2)
        def _():
            w_wait(b)

        produce(b)
        w_start(c, b)

    def body(p, carry):
        for b in range(2):
            step(2 * p + b, b)
        return carry

    lax.fori_loop(0, _NWG // 2, body, 0)

    w_wait(0)
    w_wait(1)


_RCH = 500
_NRCH = 100000 // _RCH


def _pad_body(tab_hbm, out_hbm, src_v, dst_v):
    wid = lax.axis_index("s") * _NC + lax.axis_index("c")

    def chunk(c, carry):
        cid = wid + _NW * c

        @pl.when(cid < _NRCH)
        def _():
            off = cid * _RCH
            pltpu.sync_copy(tab_hbm.at[pl.ds(off * _D, _RCH * _D)], src_v)

            @plsc.parallel_loop(0, _RCH, step=1)
            def expand(r):
                dst_v[r, pl.ds(0, 16)] = src_v[pl.ds(_D * r, 16)]
                dst_v[r, pl.ds(14, 16)] = src_v[pl.ds(_D * r + 14, 16)]

            pltpu.sync_copy(dst_v, out_hbm.at[pl.ds(off, _RCH)])

        return carry

    lax.fori_loop(0, (_NRCH + _NW - 1) // _NW, chunk, 0)


def _pad_table(table):
    mesh = plsc.VectorSubcoreMesh(core_axis_name="c", subcore_axis_name="s")
    f = pl.kernel(
        _pad_body,
        mesh=mesh,
        out_type=jax.ShapeDtypeStruct((100000, _DP), jnp.float32),
        scratch_types=[
            pltpu.VMEM((_RCH * _D,), jnp.float32),
            pltpu.VMEM((_RCH, _DP), jnp.float32),
        ],
        compiler_params=pltpu.CompilerParams(
            use_tc_tiling_on_sc=False, needs_layout_passes=False),
    )
    return f(table)


def kernel(x, table):
    xf = x.reshape(-1)
    tpad = _pad_table(table.reshape(-1))
    mesh = plsc.VectorSubcoreMesh(core_axis_name="c", subcore_axis_name="s")
    f = pl.kernel(
        _emb_body,
        mesh=mesh,
        out_type=jax.ShapeDtypeStruct((_D, _TJ, _NW, 8, 128), jnp.float32),
        scratch_types=[
            pltpu.VMEM((_BPW,), jnp.int32),
            pltpu.VMEM((_WG,), jnp.int32),
            pltpu.VMEM((_WG,), jnp.int32),
            pltpu.VMEM((_WG, _DP), jnp.float32),
            pltpu.VMEM((_WG, _DP), jnp.float32),
            pltpu.VMEM((_D, 4, 128), jnp.float32),
            pltpu.VMEM((_D, 4, 128), jnp.float32),
            pltpu.SemaphoreType.DMA,
            pltpu.SemaphoreType.DMA,
            pltpu.SemaphoreType.DMA,
            pltpu.SemaphoreType.DMA,
            pltpu.SemaphoreType.DMA,
            pltpu.SemaphoreType.DMA,
        ],
        compiler_params=pltpu.CompilerParams(
            use_tc_tiling_on_sc=False, needs_layout_passes=False),
    )
    out5 = f(xf, tpad)
    return out5.transpose(2, 4, 1, 3, 0).reshape(_NI, _NJ, _D)

# --- scband reference (transcript-rebuilt; emitter-appended) ---
"""Pipeline reference for scband-pretrained-embeddings-50938312130870 (READ-ONLY COPY).

The authoritative reference and input builder live on the scoring server;
editing this copy changes nothing except your own understanding.
"""

import jax, jax.numpy as jnp
import numpy as np

SRC_VOCAB = 50000
TRG_VOCAB = 50000
VOCAB = SRC_VOCAB + TRG_VOCAB
EMB_DIM = 30
PAD_IDX = SRC_VOCAB  # trg_vocab.stoi[PAD_TOKEN] -> first token of target vocab block


def setup_inputs(seed: int = 0) -> dict:
    key = jax.random.key(seed)
    k1, k2 = jax.random.split(key)
    x = jax.random.randint(k1, (4096, 200), 0, VOCAB, dtype=jnp.int32)
    # embedding table stands in for the fasttext-initialized matrix
    table = jax.random.normal(k2, (VOCAB, EMB_DIM), dtype=jnp.float32)
    table = table.at[PAD_IDX].set(0.0)  # padding_idx row is zero in nn.Embedding init
    return {"x": x, "table": table}


def reference(x, table):
    # forward: self.lut(x) -> plain embedding lookup, no scaling
    return jnp.take(table, x, axis=0)

if __name__ == "__main__":
    import jax
    _d = setup_inputs()
    print(jax.jit(kernel)(*tuple(_d.values())))

</pallas_src>

<mosaic_0001>
#map = affine_map<(d0, d1) -> (0)>
#map1 = affine_map<(d0, d1) -> (0, 0)>
module attributes {stable_mosaic.version = 14 : i64} {
  func.func @_pad_body(%arg0: i32, %arg1: i32, %arg2: memref<3000000xf32, #tpu.memory_space<hbm>>, %arg3: memref<100000x32xf32, #tpu.memory_space<hbm>>, %arg4: memref<15000xf32, #tpu.memory_space<vmem>>, %arg5: memref<500x32xf32, #tpu.memory_space<vmem>>) attributes {dimension_semantics = [#tpu.dimension_semantics<core_parallel>, #tpu.dimension_semantics<subcore_parallel>], iteration_bounds = array<i64: 2, 16>, scalar_prefetch = 0 : i64, scratch_operands = 2 : i64, tpu.core_type = #tpu.core_type<sc_vector_subcore>, window_params = [{transform_indices = #map}, {transform_indices = #map1}]} {
    %mul3A = arith.constant 2 : i32
    %mul3A_0 = arith.muli %arg1, %mul3A : i32
    %add3A = arith.addi %mul3A_0, %arg0 : i32
    %scan3A = arith.constant 0 : i32
    %scan3A_1 = arith.constant 0 : i32
    %scan3A_2 = arith.constant 7 : i32
    %scan3A_3 = arith.addi %scan3A_1, %scan3A_2 : i32
    %scan3A_4 = arith.constant 1 : i32
    scf.for %scan3A_6 = %scan3A_1 to %scan3A_3 step %scan3A_4  : i32 {
      %mul3A_7 = arith.constant 32 : i32
      %mul3A_8 = arith.muli %mul3A_7, %scan3A_6 : i32
      %add3A_9 = arith.addi %add3A, %mul3A_8 : i32
      %lt3A = arith.constant 200 : i32
      %lt3A_10 = arith.cmpi slt, %add3A_9, %lt3A : i32
      %convert_element_type3A = arith.extui %lt3A_10 : i1 to i32
      %cond3A = arith.constant 0 : i32
      %cond3A_11 = arith.cmpi ne, %convert_element_type3A, %cond3A : i32
      scf.if %cond3A_11 {
        %mul3A_12 = arith.constant 500 : i32
        %mul3A_13 = arith.muli %add3A_9, %mul3A_12 : i32
        %mul3A_14 = arith.constant 30 : i32
        %mul3A_15 = arith.muli %mul3A_13, %mul3A_14 : i32
        "tpu.region"() ({
          %run_scoped3A = tpu.sem_alloc : memref<!tpu.dma_semaphore, #tpu.memory_space<semaphore_mem>>
          %dma_start3A = tpu.memref_slice %arg2[%mul3A_15] : memref<3000000xf32, #tpu.memory_space<hbm>> -> memref<15000xf32, #tpu.memory_space<hbm>>
          %dma_start3A_18 = tpu.memref_slice %arg2[%mul3A_15] : memref<3000000xf32, #tpu.memory_space<hbm>> -> memref<15000xf32, #tpu.memory_space<hbm>>
          tpu.enqueue_dma source(%dma_start3A_18 : memref<15000xf32, #tpu.memory_space<hbm>>) target(%arg4 : memref<15000xf32, #tpu.memory_space<vmem>>) target_semaphore(%run_scoped3A : memref<!tpu.dma_semaphore, #tpu.memory_space<semaphore_mem>>)
          %dma_wait3A = tpu.memref_slice %arg2[%mul3A_15] : memref<3000000xf32, #tpu.memory_space<hbm>> -> memref<15000xf32, #tpu.memory_space<hbm>>
          %dma_wait3A_19 = tpu.memref_slice %arg2[%mul3A_15] : memref<3000000xf32, #tpu.memory_space<hbm>> -> memref<15000xf32, #tpu.memory_space<hbm>>
          tpu.wait_dma2 semaphore(%run_scoped3A : memref<!tpu.dma_semaphore, #tpu.memory_space<semaphore_mem>>) src(%dma_wait3A_19 : memref<15000xf32, #tpu.memory_space<hbm>>) dst(%arg4 : memref<15000xf32, #tpu.memory_space<vmem>>)
          tpu.yield
        }) : () -> ()
        %parallel_loop3A = arith.constant 0 : i32
        %parallel_loop3A_16 = arith.constant 500 : i32
        %parallel_loop3A_17 = arith.constant 1 : i32
        scf.for %parallel_loop3A_18 = %parallel_loop3A to %parallel_loop3A_16 step %parallel_loop3A_17  : i32 {
          %parallel_loop3A_19 = arith.constant 30 : i32
          %parallel_loop3A_20 = arith.muli %parallel_loop3A_19, %parallel_loop3A_18 : i32
          %parallel_loop3A_21 = arith.index_cast %parallel_loop3A_20 : i32 to index
          %parallel_loop3A_22 = tpu.vector_load %arg4[%parallel_loop3A_21] {strides = array<i32>} : memref<15000xf32, #tpu.memory_space<vmem>>, vector<16xf32>,
          %parallel_loop3A_23 = arith.index_cast %parallel_loop3A_18 : i32 to index
          %parallel_loop3A_24 = arith.constant 0 : index
          %parallel_loop3A_25 = tpu.vector_load %arg5[%parallel_loop3A_23, %parallel_loop3A_24] {strides = array<i32>} : memref<500x32xf32, #tpu.memory_space<vmem>>, vector<16xf32>,
          tpu.vector_store %arg5[%parallel_loop3A_23, %parallel_loop3A_24], %parallel_loop3A_22 {strides = array<i32>} : memref<500x32xf32, #tpu.memory_space<vmem>>, vector<16xf32>,
          %parallel_loop3A_26 = arith.constant 30 : i32
          %parallel_loop3A_27 = arith.muli %parallel_loop3A_26, %parallel_loop3A_18 : i32
          %parallel_loop3A_28 = arith.constant 14 : i32
          %parallel_loop3A_29 = arith.addi %parallel_loop3A_27, %parallel_loop3A_28 : i32
          %parallel_loop3A_30 = arith.index_cast %parallel_loop3A_29 : i32 to index
          %parallel_loop3A_31 = tpu.vector_load %arg4[%parallel_loop3A_30] {strides = array<i32>} : memref<15000xf32, #tpu.memory_space<vmem>>, vector<16xf32>,
          %parallel_loop3A_32 = arith.index_cast %parallel_loop3A_18 : i32 to index
          %parallel_loop3A_33 = arith.constant 14 : index
          %parallel_loop3A_34 = tpu.vector_load %arg5[%parallel_loop3A_32, %parallel_loop3A_33] {strides = array<i32>} : memref<500x32xf32, #tpu.memory_space<vmem>>, vector<16xf32>,
          tpu.vector_store %arg5[%parallel_loop3A_32, %parallel_loop3A_33], %parallel_loop3A_31 {strides = array<i32>} : memref<500x32xf32, #tpu.memory_space<vmem>>, vector<16xf32>,
        } {sc.loop_unroll_factor = 1 : i64, sc.parallel_access}
        "tpu.region"() ({
          %run_scoped3A = tpu.sem_alloc : memref<!tpu.dma_semaphore, #tpu.memory_space<semaphore_mem>>
          %dma_start3A = arith.constant 0 : i32
          %dma_start3A_18 = tpu.memref_slice %arg3[%mul3A_13, %dma_start3A] : memref<100000x32xf32, #tpu.memory_space<hbm>> -> memref<500x32xf32, #tpu.memory_space<hbm>>
          %dma_start3A_19 = arith.constant 0 : i32
          %dma_start3A_20 = tpu.memref_slice %arg3[%mul3A_13, %dma_start3A_19] : memref<100000x32xf32, #tpu.memory_space<hbm>> -> memref<500x32xf32, #tpu.memory_space<hbm>>
          tpu.enqueue_dma source(%arg5 : memref<500x32xf32, #tpu.memory_space<vmem>>) target(%dma_start3A_20 : memref<500x32xf32, #tpu.memory_space<hbm>>) target_semaphore(%run_scoped3A : memref<!tpu.dma_semaphore, #tpu.memory_space<semaphore_mem>>)
          %dma_wait3A = arith.constant 0 : i32
          %dma_wait3A_21 = tpu.memref_slice %arg3[%mul3A_13, %dma_wait3A] : memref<100000x32xf32, #tpu.memory_space<hbm>> -> memref<500x32xf32, #tpu.memory_space<hbm>>
          %dma_wait3A_22 = arith.constant 0 : i32
          %dma_wait3A_23 = tpu.memref_slice %arg3[%mul3A_13, %dma_wait3A_22] : memref<100000x32xf32, #tpu.memory_space<hbm>> -> memref<500x32xf32, #tpu.memory_space<hbm>>
          tpu.wait_dma2 semaphore(%run_scoped3A : memref<!tpu.dma_semaphore, #tpu.memory_space<semaphore_mem>>) src(%arg5 : memref<500x32xf32, #tpu.memory_space<vmem>>) dst(%dma_wait3A_23 : memref<500x32xf32, #tpu.memory_space<hbm>>)
          tpu.yield
        }) : () -> ()
      } else {
      }
    }
    %scan3A_5 = arith.constant 7 : i32
    return
  }
}

#map = affine_map<(d0, d1) -> (0)>
#map1 = affine_map<(d0, d1) -> (0, 0)>
#map2 = affine_map<(d0, d1) -> (0, 0, 0, 0, 0)>
module attributes {stable_mosaic.version = 14 : i64} {
  func.func @_emb_body(%arg0: i32, %arg1: i32, %arg2: memref<819200xi32, #tpu.memory_space<hbm>>, %arg3: memref<100000x32xf32, #tpu.memory_space<hbm>>, %arg4: memref<30x25x32x8x128xf32, #tpu.memory_space<hbm>>, %arg5: memref<25600xi32, #tpu.memory_space<vmem>>, %arg6: memref<512xi32, #tpu.memory_space<vmem>>, %arg7: memref<512xi32, #tpu.memory_space<vmem>>, %arg8: memref<512x32xf32, #tpu.memory_space<vmem>>, %arg9: memref<512x32xf32, #tpu.memory_space<vmem>>, %arg10: memref<30x4x128xf32, #tpu.memory_space<vmem>>, %arg11: memref<30x4x128xf32, #tpu.memory_space<vmem>>, %arg12: memref<!tpu.dma_semaphore, #tpu.memory_space<semaphore_mem>>, %arg13: memref<!tpu.dma_semaphore, #tpu.memory_space<semaphore_mem>>, %arg14: memref<!tpu.dma_semaphore, #tpu.memory_space<semaphore_mem>>, %arg15: memref<!tpu.dma_semaphore, #tpu.memory_space<semaphore_mem>>, %arg16: memref<!tpu.dma_semaphore, #tpu.memory_space<semaphore_mem>>, %arg17: memref<!tpu.dma_semaphore, #tpu.memory_space<semaphore_mem>>) attributes {dimension_semantics = [#tpu.dimension_semantics<core_parallel>, #tpu.dimension_semantics<subcore_parallel>], iteration_bounds = array<i64: 2, 16>, scalar_prefetch = 0 : i64, scratch_operands = 13 : i64, tpu.core_type = #tpu.core_type<sc_vector_subcore>, window_params = [{transform_indices = #map}, {transform_indices = #map1}, {transform_indices = #map2}]} {
    %mul3A = arith.constant 2 : i32
    %mul3A_0 = arith.muli %arg1, %mul3A : i32
    %add3A = arith.addi %mul3A_0, %arg0 : i32
    %mul3A_1 = arith.constant 25600 : i32
    %mul3A_2 = arith.muli %add3A, %mul3A_1 : i32
    %iota3A = tpu.iota {dimensions = array<i32: 0>} : vector<16xi32>
    %mul3A_3 = arith.constant 200 : i32
    %mul3A_4 = vector.broadcast %mul3A_3 : i32 to vector<16xi32>
    %mul3A_5 = arith.muli %iota3A, %mul3A_4 : vector<16xi32>
    "tpu.region"() ({
      %run_scoped3A = tpu.sem_alloc : memref<!tpu.dma_semaphore, #tpu.memory_space<semaphore_mem>>
      %dma_start3A_334 = tpu.memref_slice %arg2[%mul3A_2] : memref<819200xi32, #tpu.memory_space<hbm>> -> memref<25600xi32, #tpu.memory_space<hbm>>
      %dma_start3A_335 = tpu.memref_slice %arg2[%mul3A_2] : memref<819200xi32, #tpu.memory_space<hbm>> -> memref<25600xi32, #tpu.memory_space<hbm>>
      tpu.enqueue_dma source(%dma_start3A_335 : memref<25600xi32, #tpu.memory_space<hbm>>) target(%arg5 : memref<25600xi32, #tpu.memory_space<vmem>>) target_semaphore(%run_scoped3A : memref<!tpu.dma_semaphore, #tpu.memory_space<semaphore_mem>>)
      %dma_wait3A_336 = tpu.memref_slice %arg2[%mul3A_2] : memref<819200xi32, #tpu.memory_space<hbm>> -> memref<25600xi32, #tpu.memory_space<hbm>>
      %dma_wait3A_337 = tpu.memref_slice %arg2[%mul3A_2] : memref<819200xi32, #tpu.memory_space<hbm>> -> memref<25600xi32, #tpu.memory_space<hbm>>
      tpu.wait_dma2 semaphore(%run_scoped3A : memref<!tpu.dma_semaphore, #tpu.memory_space<semaphore_mem>>) src(%dma_wait3A_337 : memref<25600xi32, #tpu.memory_space<hbm>>) dst(%arg5 : memref<25600xi32, #tpu.memory_space<vmem>>)
      tpu.yield
    }) : () -> ()
    %add3A_6 = arith.constant 0 : i32
    %add3A_7 = vector.broadcast %add3A_6 : i32 to vector<16xi32>
    %add3A_8 = arith.addi %iota3A, %add3A_7 : vector<16xi32>
    %and3A = arith.constant 15 : i32
    %and3A_9 = vector.broadcast %and3A : i32 to vector<16xi32>
    %and3A_10 = arith.andi %add3A_8, %and3A_9 : vector<16xi32>
    %add3A_11 = arith.constant 1 : i32
    %add3A_12 = vector.broadcast %add3A_11 : i32 to vector<16xi32>
    %add3A_13 = arith.addi %iota3A, %add3A_12 : vector<16xi32>
    %and3A_14 = arith.constant 15 : i32
    %and3A_15 = vector.broadcast %and3A_14 : i32 to vector<16xi32>
    %and3A_16 = arith.andi %add3A_13, %and3A_15 : vector<16xi32>
    %add3A_17 = arith.constant 2 : i32
    %add3A_18 = vector.broadcast %add3A_17 : i32 to vector<16xi32>
    %add3A_19 = arith.addi %iota3A, %add3A_18 : vector<16xi32>
    %and3A_20 = arith.constant 15 : i32
    %and3A_21 = vector.broadcast %and3A_20 : i32 to vector<16xi32>
    %and3A_22 = arith.andi %add3A_19, %and3A_21 : vector<16xi32>
    %add3A_23 = arith.constant 3 : i32
    %add3A_24 = vector.broadcast %add3A_23 : i32 to vector<16xi32>
    %add3A_25 = arith.addi %iota3A, %add3A_24 : vector<16xi32>
    %and3A_26 = arith.constant 15 : i32
    %and3A_27 = vector.broadcast %and3A_26 : i32 to vector<16xi32>
    %and3A_28 = arith.andi %add3A_25, %and3A_27 : vector<16xi32>
    %add3A_29 = arith.constant 4 : i32
    %add3A_30 = vector.broadcast %add3A_29 : i32 to vector<16xi32>
    %add3A_31 = arith.addi %iota3A, %add3A_30 : vector<16xi32>
    %and3A_32 = arith.constant 15 : i32
    %and3A_33 = vector.broadcast %and3A_32 : i32 to vector<16xi32>
    %and3A_34 = arith.andi %add3A_31, %and3A_33 : vector<16xi32>
    %add3A_35 = arith.constant 5 : i32
    %add3A_36 = vector.broadcast %add3A_35 : i32 to vector<16xi32>
    %add3A_37 = arith.addi %iota3A, %add3A_36 : vector<16xi32>
    %and3A_38 = arith.constant 15 : i32
    %and3A_39 = vector.broadcast %and3A_38 : i32 to vector<16xi32>
    %and3A_40 = arith.andi %add3A_37, %and3A_39 : vector<16xi32>
    %add3A_41 = arith.constant 6 : i32
    %add3A_42 = vector.broadcast %add3A_41 : i32 to vector<16xi32>
    %add3A_43 = arith.addi %iota3A, %add3A_42 : vector<16xi32>
    %and3A_44 = arith.constant 15 : i32
    %and3A_45 = vector.broadcast %and3A_44 : i32 to vector<16xi32>
    %and3A_46 = arith.andi %add3A_43, %and3A_45 : vector<16xi32>
    %add3A_47 = arith.constant 7 : i32
    %add3A_48 = vector.broadcast %add3A_47 : i32 to vector<16xi32>
    %add3A_49 = arith.addi %iota3A, %add3A_48 : vector<16xi32>
    %and3A_50 = arith.constant 15 : i32
    %and3A_51 = vector.broadcast %and3A_50 : i32 to vector<16xi32>
    %and3A_52 = arith.andi %add3A_49, %and3A_51 : vector<16xi32>
    %add3A_53 = arith.constant 8 : i32
    %add3A_54 = vector.broadcast %add3A_53 : i32 to vector<16xi32>
    %add3A_55 = arith.addi %iota3A, %add3A_54 : vector<16xi32>
    %and3A_56 = arith.constant 15 : i32
    %and3A_57 = vector.broadcast %and3A_56 : i32 to vector<16xi32>
    %and3A_58 = arith.andi %add3A_55, %and3A_57 : vector<16xi32>
    %add3A_59 = arith.constant 9 : i32
    %add3A_60 = vector.broadcast %add3A_59 : i32 to vector<16xi32>
    %add3A_61 = arith.addi %iota3A, %add3A_60 : vector<16xi32>
    %and3A_62 = arith.constant 15 : i32
    %and3A_63 = vector.broadcast %and3A_62 : i32 to vector<16xi32>
    %and3A_64 = arith.andi %add3A_61, %and3A_63 : vector<16xi32>
    %add3A_65 = arith.constant 10 : i32
    %add3A_66 = vector.broadcast %add3A_65 : i32 to vector<16xi32>
    %add3A_67 = arith.addi %iota3A, %add3A_66 : vector<16xi32>
    %and3A_68 = arith.constant 15 : i32
    %and3A_69 = vector.broadcast %and3A_68 : i32 to vector<16xi32>
    %and3A_70 = arith.andi %add3A_67, %and3A_69 : vector<16xi32>
    %add3A_71 = arith.constant 11 : i32
    %add3A_72 = vector.broadcast %add3A_71 : i32 to vector<16xi32>
    %add3A_73 = arith.addi %iota3A, %add3A_72 : vector<16xi32>
    %and3A_74 = arith.constant 15 : i32
    %and3A_75 = vector.broadcast %and3A_74 : i32 to vector<16xi32>
    %and3A_76 = arith.andi %add3A_73, %and3A_75 : vector<16xi32>
    %add3A_77 = arith.constant 12 : i32
    %add3A_78 = vector.broadcast %add3A_77 : i32 to vector<16xi32>
    %add3A_79 = arith.addi %iota3A, %add3A_78 : vector<16xi32>
    %and3A_80 = arith.constant 15 : i32
    %and3A_81 = vector.broadcast %and3A_80 : i32 to vector<16xi32>
    %and3A_82 = arith.andi %add3A_79, %and3A_81 : vector<16xi32>
    %add3A_83 = arith.constant 13 : i32
    %add3A_84 = vector.broadcast %add3A_83 : i32 to vector<16xi32>
    %add3A_85 = arith.addi %iota3A, %add3A_84 : vector<16xi32>
    %and3A_86 = arith.constant 15 : i32
    %and3A_87 = vector.broadcast %and3A_86 : i32 to vector<16xi32>
    %and3A_88 = arith.andi %add3A_85, %and3A_87 : vector<16xi32>
    %add3A_89 = arith.constant 14 : i32
    %add3A_90 = vector.broadcast %add3A_89 : i32 to vector<16xi32>
    %add3A_91 = arith.addi %iota3A, %add3A_90 : vector<16xi32>
    %and3A_92 = arith.constant 15 : i32
    %and3A_93 = vector.broadcast %and3A_92 : i32 to vector<16xi32>
    %and3A_94 = arith.andi %add3A_91, %and3A_93 : vector<16xi32>
    %add3A_95 = arith.constant 15 : i32
    %add3A_96 = vector.broadcast %add3A_95 : i32 to vector<16xi32>
    %add3A_97 = arith.addi %iota3A, %add3A_96 : vector<16xi32>
    %and3A_98 = arith.constant 15 : i32
    %and3A_99 = vector.broadcast %and3A_98 : i32 to vector<16xi32>
    %and3A_100 = arith.andi %add3A_97, %and3A_99 : vector<16xi32>
    %add3A_101 = arith.constant 0 : i32
    %add3A_102 = vector.broadcast %add3A_101 : i32 to vector<16xi32>
    %add3A_103 = arith.addi %mul3A_5, %add3A_102 : vector<16xi32>
    %gather3A = tpu.vector_load_idx %arg5[%add3A_103] : memref<25600xi32, #tpu.memory_space<vmem>>[vector<16xi32>], vector<16xi32>,
    %swap3A = arith.constant 0 : index
    %swap3A_104 = tpu.vector_load %arg6[%swap3A] {strides = array<i32>} : memref<512xi32, #tpu.memory_space<vmem>>, vector<16xi32>,
    tpu.vector_store %arg6[%swap3A], %gather3A {strides = array<i32>} : memref<512xi32, #tpu.memory_space<vmem>>, vector<16xi32>,
    %add3A_105 = arith.constant 3200 : i32
    %add3A_106 = vector.broadcast %add3A_105 : i32 to vector<16xi32>
    %add3A_107 = arith.addi %mul3A_5, %add3A_106 : vector<16xi32>
    %gather3A_108 = tpu.vector_load_idx %arg5[%add3A_107] : memref<25600xi32, #tpu.memory_space<vmem>>[vector<16xi32>], vector<16xi32>,
    %swap3A_109 = arith.constant 16 : index
    %swap3A_110 = tpu.vector_load %arg6[%swap3A_109] {strides = array<i32>} : memref<512xi32, #tpu.memory_space<vmem>>, vector<16xi32>,
    tpu.vector_store %arg6[%swap3A_109], %gather3A_108 {strides = array<i32>} : memref<512xi32, #tpu.memory_space<vmem>>, vector<16xi32>,
    %add3A_111 = arith.constant 6400 : i32
    %add3A_112 = vector.broadcast %add3A_111 : i32 to vector<16xi32>
    %add3A_113 = arith.addi %mul3A_5, %add3A_112 : vector<16xi32>
    %gather3A_114 = tpu.vector_load_idx %arg5[%add3A_113] : memref<25600xi32, #tpu.memory_space<vmem>>[vector<16xi32>], vector<16xi32>,
    %swap3A_115 = arith.constant 32 : index
    %swap3A_116 = tpu.vector_load %arg6[%swap3A_115] {strides = array<i32>} : memref<512xi32, #tpu.memory_space<vmem>>, vector<16xi32>,
    tpu.vector_store %arg6[%swap3A_115], %gather3A_114 {strides = array<i32>} : memref<512xi32, #tpu.memory_space<vmem>>, vector<16xi32>,
    %add3A_117 = arith.constant 9600 : i32
    %add3A_118 = vector.broadcast %add3A_117 : i32 to vector<16xi32>
    %add3A_119 = arith.addi %mul3A_5, %add3A_118 : vector<16xi32>
    %gather3A_120 = tpu.vector_load_idx %arg5[%add3A_119] : memref<25600xi32, #tpu.memory_space<vmem>>[vector<16xi32>], vector<16xi32>,
    %swap3A_121 = arith.constant 48 : index
    %swap3A_122 = tpu.vector_load %arg6[%swap3A_121] {strides = array<i32>} : memref<512xi32, #tpu.memory_space<vmem>>, vector<16xi32>,
    tpu.vector_store %arg6[%swap3A_121], %gather3A_120 {strides = array<i32>} : memref<512xi32, #tpu.memory_space<vmem>>, vector<16xi32>,
    %add3A_123 = arith.constant 12800 : i32
    %add3A_124 = vector.broadcast %add3A_123 : i32 to vector<16xi32>
    %add3A_125 = arith.addi %mul3A_5, %add3A_124 : vector<16xi32>
    %gather3A_126 = tpu.vector_load_idx %arg5[%add3A_125] : memref<25600xi32, #tpu.memory_space<vmem>>[vector<16xi32>], vector<16xi32>,
    %swap3A_127 = arith.constant 64 : index
    %swap3A_128 = tpu.vector_load %arg6[%swap3A_127] {strides = array<i32>} : memref<512xi32, #tpu.memory_space<vmem>>, vector<16xi32>,
    tpu.vector_store %arg6[%swap3A_127], %gather3A_126 {strides = array<i32>} : memref<512xi32, #tpu.memory_space<vmem>>, vector<16xi32>,
    %add3A_129 = arith.constant 16000 : i32
    %add3A_130 = vector.broadcast %add3A_129 : i32 to vector<16xi32>
    %add3A_131 = arith.addi %mul3A_5, %add3A_130 : vector<16xi32>
    %gather3A_132 = tpu.vector_load_idx %arg5[%add3A_131] : memref<25600xi32, #tpu.memory_space<vmem>>[vector<16xi32>], vector<16xi32>,
    %swap3A_133 = arith.constant 80 : index
    %swap3A_134 = tpu.vector_load %arg6[%swap3A_133] {strides = array<i32>} : memref<512xi32, #tpu.memory_space<vmem>>, vector<16xi32>,
    tpu.vector_store %arg6[%swap3A_133], %gather3A_132 {strides = array<i32>} : memref<512xi32, #tpu.memory_space<vmem>>, vector<16xi32>,
    %add3A_135 = arith.constant 19200 : i32
    %add3A_136 = vector.broadcast %add3A_135 : i32 to vector<16xi32>
    %add3A_137 = arith.addi %mul3A_5, %add3A_136 : vector<16xi32>
    %gather3A_138 = tpu.vector_load_idx %arg5[%add3A_137] : memref<25600xi32, #tpu.memory_space<vmem>>[vector<16xi32>], vector<16xi32>,
    %swap3A_139 = arith.constant 96 : index
    %swap3A_140 = tpu.vector_load %arg6[%swap3A_139] {strides = array<i32>} : memref<512xi32, #tpu.memory_space<vmem>>, vector<16xi32>,
    tpu.vector_store %arg6[%swap3A_139], %gather3A_138 {strides = array<i32>} : memref<512xi32, #tpu.memory_space<vmem>>, vector<16xi32>,
    %add3A_141 = arith.constant 22400 : i32
    %add3A_142 = vector.broadcast %add3A_141 : i32 to vector<16xi32>
    %add3A_143 = arith.addi %mul3A_5, %add3A_142 : vector<16xi32>
    %gather3A_144 = tpu.vector_load_idx %arg5[%add3A_143] : memref<25600xi32, #tpu.memory_space<vmem>>[vector<16xi32>], vector<16xi32>,
    %swap3A_145 = arith.constant 112 : index
    %swap3A_146 = tpu.vector_load %arg6[%swap3A_145] {strides = array<i32>} : memref<512xi32, #tpu.memory_space<vmem>>, vector<16xi32>,
    tpu.vector_store %arg6[%swap3A_145], %gather3A_144 {strides = array<i32>} : memref<512xi32, #tpu.memory_space<vmem>>, vector<16xi32>,
    %add3A_147 = arith.constant 1 : i32
    %add3A_148 = vector.broadcast %add3A_147 : i32 to vector<16xi32>
    %add3A_149 = arith.addi %mul3A_5, %add3A_148 : vector<16xi32>
    %gather3A_150 = tpu.vector_load_idx %arg5[%add3A_149] : memref<25600xi32, #tpu.memory_space<vmem>>[vector<16xi32>], vector<16xi32>,
    %swap3A_151 = arith.constant 128 : index
    %swap3A_152 = tpu.vector_load %arg6[%swap3A_151] {strides = array<i32>} : memref<512xi32, #tpu.memory_space<vmem>>, vector<16xi32>,
    tpu.vector_store %arg6[%swap3A_151], %gather3A_150 {strides = array<i32>} : memref<512xi32, #tpu.memory_space<vmem>>, vector<16xi32>,
    %add3A_153 = arith.constant 3201 : i32
    %add3A_154 = vector.broadcast %add3A_153 : i32 to vector<16xi32>
    %add3A_155 = arith.addi %mul3A_5, %add3A_154 : vector<16xi32>
    %gather3A_156 = tpu.vector_load_idx %arg5[%add3A_155] : memref<25600xi32, #tpu.memory_space<vmem>>[vector<16xi32>], vector<16xi32>,
    %swap3A_157 = arith.constant 144 : index
    %swap3A_158 = tpu.vector_load %arg6[%swap3A_157] {strides = array<i32>} : memref<512xi32, #tpu.memory_space<vmem>>, vector<16xi32>,
    tpu.vector_store %arg6[%swap3A_157], %gather3A_156 {strides = array<i32>} : memref<512xi32, #tpu.memory_space<vmem>>, vector<16xi32>,
    %add3A_159 = arith.constant 6401 : i32
    %add3A_160 = vector.broadcast %add3A_159 : i32 to vector<16xi32>
    %add3A_161 = arith.addi %mul3A_5, %add3A_160 : vector<16xi32>
    %gather3A_162 = tpu.vector_load_idx %arg5[%add3A_161] : memref<25600xi32, #tpu.memory_space<vmem>>[vector<16xi32>], vector<16xi32>,
    %swap3A_163 = arith.constant 160 : index
    %swap3A_164 = tpu.vector_load %arg6[%swap3A_163] {strides = array<i32>} : memref<512xi32, #tpu.memory_space<vmem>>, vector<16xi32>,
    tpu.vector_store %arg6[%swap3A_163], %gather3A_162 {strides = array<i32>} : memref<512xi32, #tpu.memory_space<vmem>>, vector<16xi32>,
    %add3A_165 = arith.constant 9601 : i32
    %add3A_166 = vector.broadcast %add3A_165 : i32 to vector<16xi32>
    %add3A_167 = arith.addi %mul3A_5, %add3A_166 : vector<16xi32>
    %gather3A_168 = tpu.vector_load_idx %arg5[%add3A_167] : memref<25600xi32, #tpu.memory_space<vmem>>[vector<16xi32>], vector<16xi32>,
    %swap3A_169 = arith.constant 176 : index
    %swap3A_170 = tpu.vector_load %arg6[%swap3A_169] {strides = array<i32>} : memref<512xi32, #tpu.memory_space<vmem>>, vector<16xi32>,
    tpu.vector_store %arg6[%swap3A_169], %gather3A_168 {strides = array<i32>} : memref<512xi32, #tpu.memory_space<vmem>>, vector<16xi32>,
    %add3A_171 = arith.constant 12801 : i32
    %add3A_172 = vector.broadcast %add3A_171 : i32 to vector<16xi32>
    %add3A_173 = arith.addi %mul3A_5, %add3A_172 : vector<16xi32>
    %gather3A_174 = tpu.vector_load_idx %arg5[%add3A_173] : memref<25600xi32, #tpu.memory_space<vmem>>[vector<16xi32>], vector<16xi32>,
    %swap3A_175 = arith.constant 192 : index
    %swap3A_176 = tpu.vector_load %arg6[%swap3A_175] {strides = array<i32>} : memref<512xi32, #tpu.memory_space<vmem>>, vector<16xi32>,
    tpu.vector_store %arg6[%swap3A_175], %gather3A_174 {strides = array<i32>} : memref<512xi32, #tpu.memory_space<vmem>>, vector<16xi32>,
    %add3A_177 = arith.constant 16001 : i32
    %add3A_178 = vector.broadcast %add3A_177 : i32 to vector<16xi32>
    %add3A_179 = arith.addi %mul3A_5, %add3A_178 : vector<16xi32>
    %gather3A_180 = tpu.vector_load_idx %arg5[%add3A_179] : memref<25600xi32, #tpu.memory_space<vmem>>[vector<16xi32>], vector<16xi32>,
    %swap3A_181 = arith.constant 208 : index
    %swap3A_182 = tpu.vector_load %arg6[%swap3A_181] {strides = array<i32>} : memref<512xi32, #tpu.memory_space<vmem>>, vector<16xi32>,
    tpu.vector_store %arg6[%swap3A_181], %gather3A_180 {strides = array<i32>} : memref<512xi32, #tpu.memory_space<vmem>>, vector<16xi32>,
    %add3A_183 = arith.constant 19201 : i32
    %add3A_184 = vector.broadcast %add3A_183 : i32 to vector<16xi32>
    %add3A_185 = arith.addi %mul3A_5, %add3A_184 : vector<16xi32>
    %gather3A_186 = tpu.vector_load_idx %arg5[%add3A_185] : memref<25600xi32, #tpu.memory_space<vmem>>[vector<16xi32>], vector<16xi32>,
    %swap3A_187 = arith.constant 224 : index
    %swap3A_188 = tpu.vector_load %arg6[%swap3A_187] {strides = array<i32>} : memref<512xi32, #tpu.memory_space<vmem>>, vector<16xi32>,
    tpu.vector_store %arg6[%swap3A_187], %gather3A_186 {strides = array<i32>} : memref<512xi32, #tpu.memory_space<vmem>>, vector<16xi32>,
    %add3A_189 = arith.constant 22401 : i32
    %add3A_190 = vector.broadcast %add3A_189 : i32 to vector<16xi32>
    %add3A_191 = arith.addi %mul3A_5, %add3A_190 : vector<16xi32>
    %gather3A_192 = tpu.vector_load_idx %arg5[%add3A_191] : memref<25600xi32, #tpu.memory_space<vmem>>[vector<16xi32>], vector<16xi32>,
    %swap3A_193 = arith.constant 240 : index
    %swap3A_194 = tpu.vector_load %arg6[%swap3A_193] {strides = array<i32>} : memref<512xi32, #tpu.memory_space<vmem>>, vector<16xi32>,
    tpu.vector_store %arg6[%swap3A_193], %gather3A_192 {strides = array<i32>} : memref<512xi32, #tpu.memory_space<vmem>>, vector<16xi32>,
    %add3A_195 = arith.constant 2 : i32
    %add3A_196 = vector.broadcast %add3A_195 : i32 to vector<16xi32>
    %add3A_197 = arith.addi %mul3A_5, %add3A_196 : vector<16xi32>
    %gather3A_198 = tpu.vector_load_idx %arg5[%add3A_197] : memref<25600xi32, #tpu.memory_space<vmem>>[vector<16xi32>], vector<16xi32>,
    %swap3A_199 = arith.constant 256 : index
    %swap3A_200 = tpu.vector_load %arg6[%swap3A_199] {strides = array<i32>} : memref<512xi32, #tpu.memory_space<vmem>>, vector<16xi32>,
    tpu.vector_store %arg6[%swap3A_199], %gather3A_198 {strides = array<i32>} : memref<512xi32, #tpu.memory_space<vmem>>, vector<16xi32>,
    %add3A_201 = arith.constant 3202 : i32
    %add3A_202 = vector.broadcast %add3A_201 : i32 to vector<16xi32>
    %add3A_203 = arith.addi %mul3A_5, %add3A_202 : vector<16xi32>
    %gather3A_204 = tpu.vector_load_idx %arg5[%add3A_203] : memref<25600xi32, #tpu.memory_space<vmem>>[vector<16xi32>], vector<16xi32>,
    %swap3A_205 = arith.constant 272 : index
    %swap3A_206 = tpu.vector_load %arg6[%swap3A_205] {strides = array<i32>} : memref<512xi32, #tpu.memory_space<vmem>>, vector<16xi32>,
    tpu.vector_store %arg6[%swap3A_205], %gather3A_204 {strides = array<i32>} : memref<512xi32, #tpu.memory_space<vmem>>, vector<16xi32>,
    %add3A_207 = arith.constant 6402 : i32
    %add3A_208 = vector.broadcast %add3A_207 : i32 to vector<16xi32>
    %add3A_209 = arith.addi %mul3A_5, %add3A_208 : vector<16xi32>
    %gather3A_210 = tpu.vector_load_idx %arg5[%add3A_209] : memref<25600xi32, #tpu.memory_space<vmem>>[vector<16xi32>], vector<16xi32>,
    %swap3A_211 = arith.constant 288 : index
    %swap3A_212 = tpu.vector_load %arg6[%swap3A_211] {strides = array<i32>} : memref<512xi32, #tpu.memory_space<vmem>>, vector<16xi32>,
    tpu.vector_store %arg6[%swap3A_211], %gather3A_210 {strides = array<i32>} : memref<512xi32, #tpu.memory_space<vmem>>, vector<16xi32>,
    %add3A_213 = arith.constant 9602 : i32
    %add3A_214 = vector.broadcast %add3A_213 : i32 to vector<16xi32>
    %add3A_215 = arith.addi %mul3A_5, %add3A_214 : vector<16xi32>
    %gather3A_216 = tpu.vector_load_idx %arg5[%add3A_215] : memref<25600xi32, #tpu.memory_space<vmem>>[vector<16xi32>], vector<16xi32>,
    %swap3A_217 = arith.constant 304 : index
    %swap3A_218 = tpu.vector_load %arg6[%swap3A_217] {strides = array<i32>} : memref<512xi32, #tpu.memory_space<vmem>>, vector<16xi32>,
    tpu.vector_store %arg6[%swap3A_217], %gather3A_216 {strides = array<i32>} : memref<512xi32, #tpu.memory_space<vmem>>, vector<16xi32>,
    %add3A_219 = arith.constant 12802 : i32
    %add3A_220 = vector.broadcast %add3A_219 : i32 to vector<16xi32>
    %add3A_221 = arith.addi %mul3A_5, %add3A_220 : vector<16xi32>
    %gather3A_222 = tpu.vector_load_idx %arg5[%add3A_221] : memref<25600xi32, #tpu.memory_space<vmem>>[vector<16xi32>], vector<16xi32>,
    %swap3A_223 = arith.constant 320 : index
    %swap3A_224 = tpu.vector_load %arg6[%swap3A_223] {strides = array<i32>} : memref<512xi32, #tpu.memory_space<vmem>>, vector<16xi32>,
    tpu.vector_store %arg6[%swap3A_223], %gather3A_222 {strides = array<i32>} : memref<512xi32, #tpu.memory_space<vmem>>, vector<16xi32>,
    %add3A_225 = arith.constant 16002 : i32
    %add3A_226 = vector.broadcast %add3A_225 : i32 to vector<16xi32>
    %add3A_227 = arith.addi %mul3A_5, %add3A_226 : vector<16xi32>
    %gather3A_228 = tpu.vector_load_idx %arg5[%add3A_227] : memref<25600xi32, #tpu.memory_space<vmem>>[vector<16xi32>], vector<16xi32>,
    %swap3A_229 = arith.constant 336 : index
    %swap3A_230 = tpu.vector_load %arg6[%swap3A_229] {strides = array<i32>} : memref<512xi32, #tpu.memory_space<vmem>>, vector<16xi32>,
    tpu.vector_store %arg6[%swap3A_229], %gather3A_228 {strides = array<i32>} : memref<512xi32, #tpu.memory_space<vmem>>, vector<16xi32>,
    %add3A_231 = arith.constant 19202 : i32
    %add3A_232 = vector.broadcast %add3A_231 : i32 to vector<16xi32>
    %add3A_233 = arith.addi %mul3A_5, %add3A_232 : vector<16xi32>
    %gather3A_234 = tpu.vector_load_idx %arg5[%add3A_233] : memref<25600xi32, #tpu.memory_space<vmem>>[vector<16xi32>], vector<16xi32>,
    %swap3A_235 = arith.constant 352 : index
    %swap3A_236 = tpu.vector_load %arg6[%swap3A_235] {strides = array<i32>} : memref<512xi32, #tpu.memory_space<vmem>>, vector<16xi32>,
    tpu.vector_store %arg6[%swap3A_235], %gather3A_234 {strides = array<i32>} : memref<512xi32, #tpu.memory_space<vmem>>, vector<16xi32>,
    %add3A_237 = arith.constant 22402 : i32
    %add3A_238 = vector.broadcast %add3A_237 : i32 to vector<16xi32>
    %add3A_239 = arith.addi %mul3A_5, %add3A_238 : vector<16xi32>
    %gather3A_240 = tpu.vector_load_idx %arg5[%add3A_239] : memref<25600xi32, #tpu.memory_space<vmem>>[vector<16xi32>], vector<16xi32>,
    %swap3A_241 = arith.constant 368 : index
    %swap3A_242 = tpu.vector_load %arg6[%swap3A_241] {strides = array<i32>} : memref<512xi32, #tpu.memory_space<vmem>>, vector<16xi32>,
    tpu.vector_store %arg6[%swap3A_241], %gather3A_240 {strides = array<i32>} : memref<512xi32, #tpu.memory_space<vmem>>, vector<16xi32>,
    %add3A_243 = arith.constant 3 : i32
    %add3A_244 = vector.broadcast %add3A_243 : i32 to vector<16xi32>
    %add3A_245 = arith.addi %mul3A_5, %add3A_244 : vector<16xi32>
    %gather3A_246 = tpu.vector_load_idx %arg5[%add3A_245] : memref<25600xi32, #tpu.memory_space<vmem>>[vector<16xi32>], vector<16xi32>,
    %swap3A_247 = arith.constant 384 : index
    %swap3A_248 = tpu.vector_load %arg6[%swap3A_247] {strides = array<i32>} : memref<512xi32, #tpu.memory_space<vmem>>, vector<16xi32>,
    tpu.vector_store %arg6[%swap3A_247], %gather3A_246 {strides = array<i32>} : memref<512xi32, #tpu.memory_space<vmem>>, vector<16xi32>,
    %add3A_249 = arith.constant 3203 : i32
    %add3A_250 = vector.broadcast %add3A_249 : i32 to vector<16xi32>
    %add3A_251 = arith.addi %mul3A_5, %add3A_250 : vector<16xi32>
    %gather3A_252 = tpu.vector_load_idx %arg5[%add3A_251] : memref<25600xi32, #tpu.memory_space<vmem>>[vector<16xi32>], vector<16xi32>,
    %swap3A_253 = arith.constant 400 : index
    %swap3A_254 = tpu.vector_load %arg6[%swap3A_253] {strides = array<i32>} : memref<512xi32, #tpu.memory_space<vmem>>, vector<16xi32>,
    tpu.vector_store %arg6[%swap3A_253], %gather3A_252 {strides = array<i32>} : memref<512xi32, #tpu.memory_space<vmem>>, vector<16xi32>,
    %add3A_255 = arith.constant 6403 : i32
    %add3A_256 = vector.broadcast %add3A_255 : i32 to vector<16xi32>
    %add3A_257 = arith.addi %mul3A_5, %add3A_256 : vector<16xi32>
    %gather3A_258 = tpu.vector_load_idx %arg5[%add3A_257] : memref<25600xi32, #tpu.memory_space<vmem>>[vector<16xi32>], vector<16xi32>,
    %swap3A_259 = arith.constant 416 : index
    %swap3A_260 = tpu.vector_load %arg6[%swap3A_259] {strides = array<i32>} : memref<512xi32, #tpu.memory_space<vmem>>, vector<16xi32>,
    tpu.vector_store %arg6[%swap3A_259], %gather3A_258 {strides = array<i32>} : memref<512xi32, #tpu.memory_space<vmem>>, vector<16xi32>,
    %add3A_261 = arith.constant 9603 : i32
    %add3A_262 = vector.broadcast %add3A_261 : i32 to vector<16xi32>
    %add3A_263 = arith.addi %mul3A_5, %add3A_262 : vector<16xi32>
    %gather3A_264 = tpu.vector_load_idx %arg5[%add3A_263] : memref<25600xi32, #tpu.memory_space<vmem>>[vector<16xi32>], vector<16xi32>,
    %swap3A_265 = arith.constant 432 : index
    %swap3A_266 = tpu.vector_load %arg6[%swap3A_265] {strides = array<i32>} : memref<512xi32, #tpu.memory_space<vmem>>, vector<16xi32>,
    tpu.vector_store %arg6[%swap3A_265], %gather3A_264 {strides = array<i32>} : memref<512xi32, #tpu.memory_space<vmem>>, vector<16xi32>,
    %add3A_267 = arith.constant 12803 : i32
    %add3A_268 = vector.broadcast %add3A_267 : i32 to vector<16xi32>
    %add3A_269 = arith.addi %mul3A_5, %add3A_268 : vector<16xi32>
    %gather3A_270 = tpu.vector_load_idx %arg5[%add3A_269] : memref<25600xi32, #tpu.memory_space<vmem>>[vector<16xi32>], vector<16xi32>,
    %swap3A_271 = arith.constant 448 : index
    %swap3A_272 = tpu.vector_load %arg6[%swap3A_271] {strides = array<i32>} : memref<512xi32, #tpu.memory_space<vmem>>, vector<16xi32>,
    tpu.vector_store %arg6[%swap3A_271], %gather3A_270 {strides = array<i32>} : memref<512xi32, #tpu.memory_space<vmem>>, vector<16xi32>,
    %add3A_273 = arith.constant 16003 : i32
    %add3A_274 = vector.broadcast %add3A_273 : i32 to vector<16xi32>
    %add3A_275 = arith.addi %mul3A_5, %add3A_274 : vector<16xi32>
    %gather3A_276 = tpu.vector_load_idx %arg5[%add3A_275] : memref<25600xi32, #tpu.memory_space<vmem>>[vector<16xi32>], vector<16xi32>,
    %swap3A_277 = arith.constant 464 : index
    %swap3A_278 = tpu.vector_load %arg6[%swap3A_277] {strides = array<i32>} : memref<512xi32, #tpu.memory_space<vmem>>, vector<16xi32>,
    tpu.vector_store %arg6[%swap3A_277], %gather3A_276 {strides = array<i32>} : memref<512xi32, #tpu.memory_space<vmem>>, vector<16xi32>,
    %add3A_279 = arith.constant 19203 : i32
    %add3A_280 = vector.broadcast %add3A_279 : i32 to vector<16xi32>
    %add3A_281 = arith.addi %mul3A_5, %add3A_280 : vector<16xi32>
    %gather3A_282 = tpu.vector_load_idx %arg5[%add3A_281] : memref<25600xi32, #tpu.memory_space<vmem>>[vector<16xi32>], vector<16xi32>,
    %swap3A_283 = arith.constant 480 : index
    %swap3A_284 = tpu.vector_load %arg6[%swap3A_283] {strides = array<i32>} : memref<512xi32, #tpu.memory_space<vmem>>, vector<16xi32>,
    tpu.vector_store %arg6[%swap3A_283], %gather3A_282 {strides = array<i32>} : memref<512xi32, #tpu.memory_space<vmem>>, vector<16xi32>,
    %add3A_285 = arith.constant 22403 : i32
    %add3A_286 = vector.broadcast %add3A_285 : i32 to vector<16xi32>
    %add3A_287 = arith.addi %mul3A_5, %add3A_286 : vector<16xi32>
    %gather3A_288 = tpu.vector_load_idx %arg5[%add3A_287] : memref<25600xi32, #tpu.memory_space<vmem>>[vector<16xi32>], vector<16xi32>,
    %swap3A_289 = arith.constant 496 : index
    %swap3A_290 = tpu.vector_load %arg6[%swap3A_289] {strides = array<i32>} : memref<512xi32, #tpu.memory_space<vmem>>, vector<16xi32>,
    tpu.vector_store %arg6[%swap3A_289], %gather3A_288 {strides = array<i32>} : memref<512xi32, #tpu.memory_space<vmem>>, vector<16xi32>,
    %dma_start3A = arith.constant 0 : i32
    %dma_start3A_291 = arith.constant 0 : i32
    %dma_start3A_292 = tpu.memref_slice %arg8[%dma_start3A, %dma_start3A_291] : memref<512x32xf32, #tpu.memory_space<vmem>> -> memref<256x32xf32, #tpu.memory_space<vmem>>
    %dma_start3A_293 = arith.constant 0 : i32
    %dma_start3A_294 = tpu.memref_slice %arg6[%dma_start3A_293] : memref<512xi32, #tpu.memory_space<vmem>> -> memref<256xi32, #tpu.memory_space<vmem>>
    %dma_start3A_295 = arith.constant 0 : i32
    %dma_start3A_296 = arith.constant 0 : i32
    %dma_start3A_297 = tpu.memref_slice %arg3[%dma_start3A_295, %dma_start3A_296] : memref<100000x32xf32, #tpu.memory_space<hbm>> -> memref<100000x32xf32, #tpu.memory_space<hbm>>
    tpu.enqueue_indirect_dma source(%dma_start3A_297 : memref<100000x32xf32, #tpu.memory_space<hbm>>) target(%dma_start3A_292 : memref<256x32xf32, #tpu.memory_space<vmem>>) offsets(%dma_start3A_294 : memref<256xi32, #tpu.memory_space<vmem>>) semaphore(%arg12 : memref<!tpu.dma_semaphore, #tpu.memory_space<semaphore_mem>>)
    %dma_start3A_298 = arith.constant 256 : i32
    %dma_start3A_299 = arith.constant 0 : i32
    %dma_start3A_300 = tpu.memref_slice %arg8[%dma_start3A_298, %dma_start3A_299] : memref<512x32xf32, #tpu.memory_space<vmem>> -> memref<256x32xf32, #tpu.memory_space<vmem>>
    %dma_start3A_301 = arith.constant 256 : i32
    %dma_start3A_302 = tpu.memref_slice %arg6[%dma_start3A_301] : memref<512xi32, #tpu.memory_space<vmem>> -> memref<256xi32, #tpu.memory_space<vmem>>
    %dma_start3A_303 = arith.constant 0 : i32
    %dma_start3A_304 = arith.constant 0 : i32
    %dma_start3A_305 = tpu.memref_slice %arg3[%dma_start3A_303, %dma_start3A_304] : memref<100000x32xf32, #tpu.memory_space<hbm>> -> memref<100000x32xf32, #tpu.memory_space<hbm>>
    tpu.enqueue_indirect_dma source(%dma_start3A_305 : memref<100000x32xf32, #tpu.memory_space<hbm>>) target(%dma_start3A_300 : memref<256x32xf32, #tpu.memory_space<vmem>>) offsets(%dma_start3A_302 : memref<256xi32, #tpu.memory_space<vmem>>) semaphore(%arg14 : memref<!tpu.dma_semaphore, #tpu.memory_space<semaphore_mem>>)
    %scan3A = arith.constant 0 : i32
    %scan3A_306 = arith.constant 0 : i32
    %scan3A_307 = arith.constant 25 : i32
    %scan3A_308 = arith.addi %scan3A_306, %scan3A_307 : i32
    %scan3A_309 = arith.constant 1 : i32
    scf.for %scan3A_334 = %scan3A_306 to %scan3A_308 step %scan3A_309  : i32 {
      %mul3A_335 = arith.constant 2 : i32
      %mul3A_336 = arith.muli %mul3A_335, %scan3A_334 : i32
      %add3A_337 = arith.constant 0 : i32
      %add3A_338 = arith.addi %mul3A_336, %add3A_337 : i32
      %dma_wait3A_339 = arith.constant 0 : i32
      %dma_wait3A_340 = arith.constant 0 : i32
      %dma_wait3A_341 = tpu.memref_slice %arg8[%dma_wait3A_339, %dma_wait3A_340] : memref<512x32xf32, #tpu.memory_space<vmem>> -> memref<256x32xf32, #tpu.memory_space<vmem>>
      %dma_wait3A_342 = arith.constant 0 : i32
      %dma_wait3A_343 = tpu.memref_slice %arg6[%dma_wait3A_342] : memref<512xi32, #tpu.memory_space<vmem>> -> memref<256xi32, #tpu.memory_space<vmem>>
      %dma_wait3A_344 = arith.constant 0 : i32
      %dma_wait3A_345 = arith.constant 0 : i32
      %dma_wait3A_346 = tpu.memref_slice %arg3[%dma_wait3A_344, %dma_wait3A_345] : memref<100000x32xf32, #tpu.memory_space<hbm>> -> memref<100000x32xf32, #tpu.memory_space<hbm>>
      tpu.wait_indirect_dma semaphore(%arg12 : memref<!tpu.dma_semaphore, #tpu.memory_space<semaphore_mem>>) src(%dma_wait3A_346 : memref<100000x32xf32, #tpu.memory_space<hbm>>) dst(%dma_wait3A_341 : memref<256x32xf32, #tpu.memory_space<vmem>>)
      %dma_wait3A_347 = arith.constant 256 : i32
      %dma_wait3A_348 = arith.constant 0 : i32
      %dma_wait3A_349 = tpu.memref_slice %arg8[%dma_wait3A_347, %dma_wait3A_348] : memref<512x32xf32, #tpu.memory_space<vmem>> -> memref<256x32xf32, #tpu.memory_space<vmem>>
      %dma_wait3A_350 = arith.constant 0 : i32
      %dma_wait3A_351 = tpu.memref_slice %arg6[%dma_wait3A_350] : memref<512xi32, #tpu.memory_space<vmem>> -> memref<256xi32, #tpu.memory_space<vmem>>
      %dma_wait3A_352 = arith.constant 0 : i32
      %dma_wait3A_353 = arith.constant 0 : i32
      %dma_wait3A_354 = tpu.memref_slice %arg3[%dma_wait3A_352, %dma_wait3A_353] : memref<100000x32xf32, #tpu.memory_space<hbm>> -> memref<100000x32xf32, #tpu.memory_space<hbm>>
      tpu.wait_indirect_dma semaphore(%arg14 : memref<!tpu.dma_semaphore, #tpu.memory_space<semaphore_mem>>) src(%dma_wait3A_354 : memref<100000x32xf32, #tpu.memory_space<hbm>>) dst(%dma_wait3A_349 : memref<256x32xf32, #tpu.memory_space<vmem>>)
      %add3A_355 = arith.constant 1 : i32
      %add3A_356 = arith.addi %add3A_338, %add3A_355 : i32
      %lt3A = arith.constant 50 : i32
      %lt3A_357 = arith.cmpi slt, %add3A_356, %lt3A : i32
      %convert_element_type3A = arith.extui %lt3A_357 : i1 to i32
      %cond3A = arith.constant 0 : i32
      %cond3A_358 = arith.cmpi ne, %convert_element_type3A, %cond3A : i32
      scf.if %cond3A_358 {
        %add3A_498 = arith.constant 1 : i32
        %add3A_499 = arith.addi %add3A_338, %add3A_498 : i32
        %jit3A_500 = arith.constant 2 : i32
        %div3A_501 = arith.divsi %add3A_499, %jit3A_500 : i32
        %sign3A_502 = arith.constant 0 : i32
        %sign3A_503 = arith.cmpi sgt, %add3A_499, %sign3A_502 : i32
        %sign3A_504 = arith.extui %sign3A_503 : i1 to i32
        %sign3A_505 = arith.constant 0 : i32
        %sign3A_506 = arith.cmpi slt, %add3A_499, %sign3A_505 : i32
        %sign3A_507 = arith.extui %sign3A_506 : i1 to i32
        %sign3A_508 = arith.subi %sign3A_504, %sign3A_507 : i32
        %sign3A_509 = arith.constant 0 : i32
        %sign3A_510 = arith.cmpi sgt, %jit3A_500, %sign3A_509 : i32
        %sign3A_511 = arith.extui %sign3A_510 : i1 to i32
        %sign3A_512 = arith.constant 0 : i32
        %sign3A_513 = arith.cmpi slt, %jit3A_500, %sign3A_512 : i32
        %sign3A_514 = arith.extui %sign3A_513 : i1 to i32
        %sign3A_515 = arith.subi %sign3A_511, %sign3A_514 : i32
        %ne3A_516 = arith.cmpi ne, %sign3A_508, %sign3A_515 : i32
        %rem3A_517 = arith.remsi %add3A_499, %jit3A_500 : i32
        %ne3A_518 = arith.constant 0 : i32
        %ne3A_519 = arith.cmpi ne, %rem3A_517, %ne3A_518 : i32
        %and3A_520 = arith.andi %ne3A_516, %ne3A_519 : i1
        %sub3A_521 = arith.constant 1 : i32
        %sub3A_522 = arith.subi %div3A_501, %sub3A_521 : i32
        %select_n3A_523 = arith.select %and3A_520, %sub3A_522, %div3A_501 : i32
        %mul3A_524 = arith.constant 8 : i32
        %mul3A_525 = arith.muli %select_n3A_523, %mul3A_524 : i32
        %jit3A_526 = arith.constant 2 : i32
        %eq3A_527 = arith.constant 0 : i32
        %eq3A_528 = arith.cmpi eq, %jit3A_526, %eq3A_527 : i32
        %jit3A_529 = arith.constant 1 : i32
        %select_n3A_530 = arith.select %eq3A_528, %jit3A_529, %jit3A_526 : i32
        %rem3A_531 = arith.remsi %add3A_499, %select_n3A_530 : i32
        %ne3A_532 = arith.constant 0 : i32
        %ne3A_533 = arith.cmpi ne, %rem3A_531, %ne3A_532 : i32
        %lt3A_534 = arith.constant 0 : i32
        %lt3A_535 = arith.cmpi slt, %rem3A_531, %lt3A_534 : i32
        %lt3A_536 = arith.constant 0 : i32
        %lt3A_537 = arith.cmpi slt, %select_n3A_530, %lt3A_536 : i32
        %ne3A_538 = arith.xori %lt3A_535, %lt3A_537 : i1
        %and3A_539 = arith.andi %ne3A_538, %ne3A_533 : i1
        %add3A_540 = arith.addi %rem3A_531, %select_n3A_530 : i32
        %select_n3A_541 = arith.select %and3A_539, %add3A_540, %rem3A_531 : i32
        %mul3A_542 = arith.constant 4 : i32
        %mul3A_543 = arith.muli %select_n3A_541, %mul3A_542 : i32
        %add3A_544 = arith.addi %mul3A_525, %mul3A_543 : i32
        %add3A_545 = arith.constant 0 : i32
        %add3A_546 = arith.addi %add3A_545, %add3A_544 : i32
        %add3A_547 = arith.constant 0 : i32
        %add3A_548 = arith.addi %add3A_546, %add3A_547 : i32
        %add3A_549 = vector.broadcast %add3A_548 : i32 to vector<16xi32>
        %add3A_550 = arith.addi %mul3A_5, %add3A_549 : vector<16xi32>
        %gather3A_551 = tpu.vector_load_idx %arg5[%add3A_550] : memref<25600xi32, #tpu.memory_space<vmem>>[vector<16xi32>], vector<16xi32>,
        %swap3A_552 = arith.constant 0 : index
        %swap3A_553 = tpu.vector_load %arg7[%swap3A_552] {strides = array<i32>} : memref<512xi32, #tpu.memory_space<vmem>>, vector<16xi32>,
        tpu.vector_store %arg7[%swap3A_552], %gather3A_551 {strides = array<i32>} : memref<512xi32, #tpu.memory_space<vmem>>, vector<16xi32>,
        %add3A_554 = arith.constant 3200 : i32
        %add3A_555 = arith.addi %add3A_554, %add3A_544 : i32
        %add3A_556 = arith.constant 0 : i32
        %add3A_557 = arith.addi %add3A_555, %add3A_556 : i32
        %add3A_558 = vector.broadcast %add3A_557 : i32 to vector<16xi32>
        %add3A_559 = arith.addi %mul3A_5, %add3A_558 : vector<16xi32>
        %gather3A_560 = tpu.vector_load_idx %arg5[%add3A_559] : memref<25600xi32, #tpu.memory_space<vmem>>[vector<16xi32>], vector<16xi32>,
        %swap3A_561 = arith.constant 16 : index
        %swap3A_562 = tpu.vector_load %arg7[%swap3A_561] {strides = array<i32>} : memref<512xi32, #tpu.memory_space<vmem>>, vector<16xi32>,
        tpu.vector_store %arg7[%swap3A_561], %gather3A_560 {strides = array<i32>} : memref<512xi32, #tpu.memory_space<vmem>>, vector<16xi32>,
        %add3A_563 = arith.constant 6400 : i32
        %add3A_564 = arith.addi %add3A_563, %add3A_544 : i32
        %add3A_565 = arith.constant 0 : i32
        %add3A_566 = arith.addi %add3A_564, %add3A_565 : i32
        %add3A_567 = vector.broadcast %add3A_566 : i32 to vector<16xi32>
        %add3A_568 = arith.addi %mul3A_5, %add3A_567 : vector<16xi32>
        %gather3A_569 = tpu.vector_load_idx %arg5[%add3A_568] : memref<25600xi32, #tpu.memory_space<vmem>>[vector<16xi32>], vector<16xi32>,
        %swap3A_570 = arith.constant 32 : index
        %swap3A_571 = tpu.vector_load %arg7[%swap3A_570] {strides = array<i32>} : memref<512xi32, #tpu.memory_space<vmem>>, vector<16xi32>,
        tpu.vector_store %arg7[%swap3A_570], %gather3A_569 {strides = array<i32>} : memref<512xi32, #tpu.memory_space<vmem>>, vector<16xi32>,
        %add3A_572 = arith.constant 9600 : i32
        %add3A_573 = arith.addi %add3A_572, %add3A_544 : i32
        %add3A_574 = arith.constant 0 : i32
        %add3A_575 = arith.addi %add3A_573, %add3A_574 : i32
        %add3A_576 = vector.broadcast %add3A_575 : i32 to vector<16xi32>
        %add3A_577 = arith.addi %mul3A_5, %add3A_576 : vector<16xi32>
        %gather3A_578 = tpu.vector_load_idx %arg5[%add3A_577] : memref<25600xi32, #tpu.memory_space<vmem>>[vector<16xi32>], vector<16xi32>,
        %swap3A_579 = arith.constant 48 : index
        %swap3A_580 = tpu.vector_load %arg7[%swap3A_579] {strides = array<i32>} : memref<512xi32, #tpu.memory_space<vmem>>, vector<16xi32>,
        tpu.vector_store %arg7[%swap3A_579], %gather3A_578 {strides = array<i32>} : memref<512xi32, #tpu.memory_space<vmem>>, vector<16xi32>,
        %add3A_581 = arith.constant 12800 : i32
        %add3A_582 = arith.addi %add3A_581, %add3A_544 : i32
        %add3A_583 = arith.constant 0 : i32
        %add3A_584 = arith.addi %add3A_582, %add3A_583 : i32
        %add3A_585 = vector.broadcast %add3A_584 : i32 to vector<16xi32>
        %add3A_586 = arith.addi %mul3A_5, %add3A_585 : vector<16xi32>
        %gather3A_587 = tpu.vector_load_idx %arg5[%add3A_586] : memref<25600xi32, #tpu.memory_space<vmem>>[vector<16xi32>], vector<16xi32>,
        %swap3A_588 = arith.constant 64 : index
        %swap3A_589 = tpu.vector_load %arg7[%swap3A_588] {strides = array<i32>} : memref<512xi32, #tpu.memory_space<vmem>>, vector<16xi32>,
        tpu.vector_store %arg7[%swap3A_588], %gather3A_587 {strides = array<i32>} : memref<512xi32, #tpu.memory_space<vmem>>, vector<16xi32>,
        %add3A_590 = arith.constant 16000 : i32
        %add3A_591 = arith.addi %add3A_590, %add3A_544 : i32
        %add3A_592 = arith.constant 0 : i32
        %add3A_593 = arith.addi %add3A_591, %add3A_592 : i32
        %add3A_594 = vector.broadcast %add3A_593 : i32 to vector<16xi32>
        %add3A_595 = arith.addi %mul3A_5, %add3A_594 : vector<16xi32>
        %gather3A_596 = tpu.vector_load_idx %arg5[%add3A_595] : memref<25600xi32, #tpu.memory_space<vmem>>[vector<16xi32>], vector<16xi32>,
        %swap3A_597 = arith.constant 80 : index
        %swap3A_598 = tpu.vector_load %arg7[%swap3A_597] {strides = array<i32>} : memref<512xi32, #tpu.memory_space<vmem>>, vector<16xi32>,
        tpu.vector_store %arg7[%swap3A_597], %gather3A_596 {strides = array<i32>} : memref<512xi32, #tpu.memory_space<vmem>>, vector<16xi32>,
        %add3A_599 = arith.constant 19200 : i32
        %add3A_600 = arith.addi %add3A_599, %add3A_544 : i32
        %add3A_601 = arith.constant 0 : i32
        %add3A_602 = arith.addi %add3A_600, %add3A_601 : i32
        %add3A_603 = vector.broadcast %add3A_602 : i32 to vector<16xi32>
        %add3A_604 = arith.addi %mul3A_5, %add3A_603 : vector<16xi32>
        %gather3A_605 = tpu.vector_load_idx %arg5[%add3A_604] : memref<25600xi32, #tpu.memory_space<vmem>>[vector<16xi32>], vector<16xi32>,
        %swap3A_606 = arith.constant 96 : index
        %swap3A_607 = tpu.vector_load %arg7[%swap3A_606] {strides = array<i32>} : memref<512xi32, #tpu.memory_space<vmem>>, vector<16xi32>,
        tpu.vector_store %arg7[%swap3A_606], %gather3A_605 {strides = array<i32>} : memref<512xi32, #tpu.memory_space<vmem>>, vector<16xi32>,
        %add3A_608 = arith.constant 22400 : i32
        %add3A_609 = arith.addi %add3A_608, %add3A_544 : i32
        %add3A_610 = arith.constant 0 : i32
        %add3A_611 = arith.addi %add3A_609, %add3A_610 : i32
        %add3A_612 = vector.broadcast %add3A_611 : i32 to vector<16xi32>
        %add3A_613 = arith.addi %mul3A_5, %add3A_612 : vector<16xi32>
        %gather3A_614 = tpu.vector_load_idx %arg5[%add3A_613] : memref<25600xi32, #tpu.memory_space<vmem>>[vector<16xi32>], vector<16xi32>,
        %swap3A_615 = arith.constant 112 : index
        %swap3A_616 = tpu.vector_load %arg7[%swap3A_615] {strides = array<i32>} : memref<512xi32, #tpu.memory_space<vmem>>, vector<16xi32>,
        tpu.vector_store %arg7[%swap3A_615], %gather3A_614 {strides = array<i32>} : memref<512xi32, #tpu.memory_space<vmem>>, vector<16xi32>,
        %add3A_617 = arith.constant 0 : i32
        %add3A_618 = arith.addi %add3A_617, %add3A_544 : i32
        %add3A_619 = arith.constant 1 : i32
        %add3A_620 = arith.addi %add3A_618, %add3A_619 : i32
        %add3A_621 = vector.broadcast %add3A_620 : i32 to vector<16xi32>
        %add3A_622 = arith.addi %mul3A_5, %add3A_621 : vector<16xi32>
        %gather3A_623 = tpu.vector_load_idx %arg5[%add3A_622] : memref<25600xi32, #tpu.memory_space<vmem>>[vector<16xi32>], vector<16xi32>,
        %swap3A_624 = arith.constant 128 : index
        %swap3A_625 = tpu.vector_load %arg7[%swap3A_624] {strides = array<i32>} : memref<512xi32, #tpu.memory_space<vmem>>, vector<16xi32>,
        tpu.vector_store %arg7[%swap3A_624], %gather3A_623 {strides = array<i32>} : memref<512xi32, #tpu.memory_space<vmem>>, vector<16xi32>,
        %add3A_626 = arith.constant 3200 : i32
        %add3A_627 = arith.addi %add3A_626, %add3A_544 : i32
        %add3A_628 = arith.constant 1 : i32
        %add3A_629 = arith.addi %add3A_627, %add3A_628 : i32
        %add3A_630 = vector.broadcast %add3A_629 : i32 to vector<16xi32>
        %add3A_631 = arith.addi %mul3A_5, %add3A_630 : vector<16xi32>
        %gather3A_632 = tpu.vector_load_idx %arg5[%add3A_631] : memref<25600xi32, #tpu.memory_space<vmem>>[vector<16xi32>], vector<16xi32>,
        %swap3A_633 = arith.constant 144 : index
        %swap3A_634 = tpu.vector_load %arg7[%swap3A_633] {strides = array<i32>} : memref<512xi32, #tpu.memory_space<vmem>>, vector<16xi32>,
        tpu.vector_store %arg7[%swap3A_633], %gather3A_632 {strides = array<i32>} : memref<512xi32, #tpu.memory_space<vmem>>, vector<16xi32>,
        %add3A_635 = arith.constant 6400 : i32
        %add3A_636 = arith.addi %add3A_635, %add3A_544 : i32
        %add3A_637 = arith.constant 1 : i32
        %add3A_638 = arith.addi %add3A_636, %add3A_637 : i32
        %add3A_639 = vector.broadcast %add3A_638 : i32 to vector<16xi32>
        %add3A_640 = arith.addi %mul3A_5, %add3A_639 : vector<16xi32>
        %gather3A_641 = tpu.vector_load_idx %arg5[%add3A_640] : memref<25600xi32, #tpu.memory_space<vmem>>[vector<16xi32>], vector<16xi32>,
        %swap3A_642 = arith.constant 160 : index
        %swap3A_643 = tpu.vector_load %arg7[%swap3A_642] {strides = array<i32>} : memref<512xi32, #tpu.memory_space<vmem>>, vector<16xi32>,
        tpu.vector_store %arg7[%swap3A_642], %gather3A_641 {strides = array<i32>} : memref<512xi32, #tpu.memory_space<vmem>>, vector<16xi32>,
        %add3A_644 = arith.constant 9600 : i32
        %add3A_645 = arith.addi %add3A_644, %add3A_544 : i32
        %add3A_646 = arith.constant 1 : i32
        %add3A_647 = arith.addi %add3A_645, %add3A_646 : i32
        %add3A_648 = vector.broadcast %add3A_647 : i32 to vector<16xi32>
        %add3A_649 = arith.addi %mul3A_5, %add3A_648 : vector<16xi32>
        %gather3A_650 = tpu.vector_load_idx %arg5[%add3A_649] : memref<25600xi32, #tpu.memory_space<vmem>>[vector<16xi32>], vector<16xi32>,
        %swap3A_651 = arith.constant 176 : index
        %swap3A_652 = tpu.vector_load %arg7[%swap3A_651] {strides = array<i32>} : memref<512xi32, #tpu.memory_space<vmem>>, vector<16xi32>,
        tpu.vector_store %arg7[%swap3A_651], %gather3A_650 {strides = array<i32>} : memref<512xi32, #tpu.memory_space<vmem>>, vector<16xi32>,
        %add3A_653 = arith.constant 12800 : i32
        %add3A_654 = arith.addi %add3A_653, %add3A_544 : i32
        %add3A_655 = arith.constant 1 : i32
        %add3A_656 = arith.addi %add3A_654, %add3A_655 : i32
        %add3A_657 = vector.broadcast %add3A_656 : i32 to vector<16xi32>
        %add3A_658 = arith.addi %mul3A_5, %add3A_657 : vector<16xi32>
        %gather3A_659 = tpu.vector_load_idx %arg5[%add3A_658] : memref<25600xi32, #tpu.memory_space<vmem>>[vector<16xi32>], vector<16xi32>,
        %swap3A_660 = arith.constant 192 : index
        %swap3A_661 = tpu.vector_load %arg7[%swap3A_660] {strides = array<i32>} : memref<512xi32, #tpu.memory_space<vmem>>, vector<16xi32>,
        tpu.vector_store %arg7[%swap3A_660], %gather3A_659 {strides = array<i32>} : memref<512xi32, #tpu.memory_space<vmem>>, vector<16xi32>,
        %add3A_662 = arith.constant 16000 : i32
        %add3A_663 = arith.addi %add3A_662, %add3A_544 : i32
        %add3A_664 = arith.constant 1 : i32
        %add3A_665 = arith.addi %add3A_663, %add3A_664 : i32
        %add3A_666 = vector.broadcast %add3A_665 : i32 to vector<16xi32>
        %add3A_667 = arith.addi %mul3A_5, %add3A_666 : vector<16xi32>
        %gather3A_668 = tpu.vector_load_idx %arg5[%add3A_667] : memref<25600xi32, #tpu.memory_space<vmem>>[vector<16xi32>], vector<16xi32>,
        %swap3A_669 = arith.constant 208 : index
        %swap3A_670 = tpu.vector_load %arg7[%swap3A_669] {strides = array<i32>} : memref<512xi32, #tpu.memory_space<vmem>>, vector<16xi32>,
        tpu.vector_store %arg7[%swap3A_669], %gather3A_668 {strides = array<i32>} : memref<512xi32, #tpu.memory_space<vmem>>, vector<16xi32>,
        %add3A_671 = arith.constant 19200 : i32
        %add3A_672 = arith.addi %add3A_671, %add3A_544 : i32
        %add3A_673 = arith.constant 1 : i32
        %add3A_674 = arith.addi %add3A_672, %add3A_673 : i32
        %add3A_675 = vector.broadcast %add3A_674 : i32 to vector<16xi32>
        %add3A_676 = arith.addi %mul3A_5, %add3A_675 : vector<16xi32>
        %gather3A_677 = tpu.vector_load_idx %arg5[%add3A_676] : memref<25600xi32, #tpu.memory_space<vmem>>[vector<16xi32>], vector<16xi32>,
        %swap3A_678 = arith.constant 224 : index
        %swap3A_679 = tpu.vector_load %arg7[%swap3A_678] {strides = array<i32>} : memref<512xi32, #tpu.memory_space<vmem>>, vector<16xi32>,
        tpu.vector_store %arg7[%swap3A_678], %gather3A_677 {strides = array<i32>} : memref<512xi32, #tpu.memory_space<vmem>>, vector<16xi32>,
        %add3A_680 = arith.constant 22400 : i32
        %add3A_681 = arith.addi %add3A_680, %add3A_544 : i32
        %add3A_682 = arith.constant 1 : i32
        %add3A_683 = arith.addi %add3A_681, %add3A_682 : i32
        %add3A_684 = vector.broadcast %add3A_683 : i32 to vector<16xi32>
        %add3A_685 = arith.addi %mul3A_5, %add3A_684 : vector<16xi32>
        %gather3A_686 = tpu.vector_load_idx %arg5[%add3A_685] : memref<25600xi32, #tpu.memory_space<vmem>>[vector<16xi32>], vector<16xi32>,
        %swap3A_687 = arith.constant 240 : index
        %swap3A_688 = tpu.vector_load %arg7[%swap3A_687] {strides = array<i32>} : memref<512xi32, #tpu.memory_space<vmem>>, vector<16xi32>,
        tpu.vector_store %arg7[%swap3A_687], %gather3A_686 {strides = array<i32>} : memref<512xi32, #tpu.memory_space<vmem>>, vector<16xi32>,
        %add3A_689 = arith.constant 0 : i32
        %add3A_690 = arith.addi %add3A_689, %add3A_544 : i32
        %add3A_691 = arith.constant 2 : i32
        %add3A_692 = arith.addi %add3A_690, %add3A_691 : i32
        %add3A_693 = vector.broadcast %add3A_692 : i32 to vector<16xi32>
        %add3A_694 = arith.addi %mul3A_5, %add3A_693 : vector<16xi32>
        %gather3A_695 = tpu.vector_load_idx %arg5[%add3A_694] : memref<25600xi32, #tpu.memory_space<vmem>>[vector<16xi32>], vector<16xi32>,
        %swap3A_696 = arith.constant 256 : index
        %swap3A_697 = tpu.vector_load %arg7[%swap3A_696] {strides = array<i32>} : memref<512xi32, #tpu.memory_space<vmem>>, vector<16xi32>,
        tpu.vector_store %arg7[%swap3A_696], %gather3A_695 {strides = array<i32>} : memref<512xi32, #tpu.memory_space<vmem>>, vector<16xi32>,
        %add3A_698 = arith.constant 3200 : i32
        %add3A_699 = arith.addi %add3A_698, %add3A_544 : i32
        %add3A_700 = arith.constant 2 : i32
        %add3A_701 = arith.addi %add3A_699, %add3A_700 : i32
        %add3A_702 = vector.broadcast %add3A_701 : i32 to vector<16xi32>
        %add3A_703 = arith.addi %mul3A_5, %add3A_702 : vector<16xi32>
        %gather3A_704 = tpu.vector_load_idx %arg5[%add3A_703] : memref<25600xi32, #tpu.memory_space<vmem>>[vector<16xi32>], vector<16xi32>,
        %swap3A_705 = arith.constant 272 : index
        %swap3A_706 = tpu.vector_load %arg7[%swap3A_705] {strides = array<i32>} : memref<512xi32, #tpu.memory_space<vmem>>, vector<16xi32>,
        tpu.vector_store %arg7[%swap3A_705], %gather3A_704 {strides = array<i32>} : memref<512xi32, #tpu.memory_space<vmem>>, vector<16xi32>,
        %add3A_707 = arith.constant 6400 : i32
        %add3A_708 = arith.addi %add3A_707, %add3A_544 : i32
        %add3A_709 = arith.constant 2 : i32
        %add3A_710 = arith.addi %add3A_708, %add3A_709 : i32
        %add3A_711 = vector.broadcast %add3A_710 : i32 to vector<16xi32>
        %add3A_712 = arith.addi %mul3A_5, %add3A_711 : vector<16xi32>
        %gather3A_713 = tpu.vector_load_idx %arg5[%add3A_712] : memref<25600xi32, #tpu.memory_space<vmem>>[vector<16xi32>], vector<16xi32>,
        %swap3A_714 = arith.constant 288 : index
        %swap3A_715 = tpu.vector_load %arg7[%swap3A_714] {strides = array<i32>} : memref<512xi32, #tpu.memory_space<vmem>>, vector<16xi32>,
        tpu.vector_store %arg7[%swap3A_714], %gather3A_713 {strides = array<i32>} : memref<512xi32, #tpu.memory_space<vmem>>, vector<16xi32>,
        %add3A_716 = arith.constant 9600 : i32
        %add3A_717 = arith.addi %add3A_716, %add3A_544 : i32
        %add3A_718 = arith.constant 2 : i32
        %add3A_719 = arith.addi %add3A_717, %add3A_718 : i32
        %add3A_720 = vector.broadcast %add3A_719 : i32 to vector<16xi32>
        %add3A_721 = arith.addi %mul3A_5, %add3A_720 : vector<16xi32>
        %gather3A_722 = tpu.vector_load_idx %arg5[%add3A_721] : memref<25600xi32, #tpu.memory_space<vmem>>[vector<16xi32>], vector<16xi32>,
        %swap3A_723 = arith.constant 304 : index
        %swap3A_724 = tpu.vector_load %arg7[%swap3A_723] {strides = array<i32>} : memref<512xi32, #tpu.memory_space<vmem>>, vector<16xi32>,
        tpu.vector_store %arg7[%swap3A_723], %gather3A_722 {strides = array<i32>} : memref<512xi32, #tpu.memory_space<vmem>>, vector<16xi32>,
        %add3A_725 = arith.constant 12800 : i32
        %add3A_726 = arith.addi %add3A_725, %add3A_544 : i32
        %add3A_727 = arith.constant 2 : i32
        %add3A_728 = arith.addi %add3A_726, %add3A_727 : i32
        %add3A_729 = vector.broadcast %add3A_728 : i32 to vector<16xi32>
        %add3A_730 = arith.addi %mul3A_5, %add3A_729 : vector<16xi32>
        %gather3A_731 = tpu.vector_load_idx %arg5[%add3A_730] : memref<25600xi32, #tpu.memory_space<vmem>>[vector<16xi32>], vector<16xi32>,
        %swap3A_732 = arith.constant 320 : index
        %swap3A_733 = tpu.vector_load %arg7[%swap3A_732] {strides = array<i32>} : memref<512xi32, #tpu.memory_space<vmem>>, vector<16xi32>,
        tpu.vector_store %arg7[%swap3A_732], %gather3A_731 {strides = array<i32>} : memref<512xi32, #tpu.memory_space<vmem>>, vector<16xi32>,
        %add3A_734 = arith.constant 16000 : i32
        %add3A_735 = arith.addi %add3A_734, %add3A_544 : i32
        %add3A_736 = arith.constant 2 : i32
        %add3A_737 = arith.addi %add3A_735, %add3A_736 : i32
        %add3A_738 = vector.broadcast %add3A_737 : i32 to vector<16xi32>
        %add3A_739 = arith.addi %mul3A_5, %add3A_738 : vector<16xi32>
        %gather3A_740 = tpu.vector_load_idx %arg5[%add3A_739] : memref<25600xi32, #tpu.memory_space<vmem>>[vector<16xi32>], vector<16xi32>,
        %swap3A_741 = arith.constant 336 : index
        %swap3A_742 = tpu.vector_load %arg7[%swap3A_741] {strides = array<i32>} : memref<512xi32, #tpu.memory_space<vmem>>, vector<16xi32>,
        tpu.vector_store %arg7[%swap3A_741], %gather3A_740 {strides = array<i32>} : memref<512xi32, #tpu.memory_space<vmem>>, vector<16xi32>,
        %add3A_743 = arith.constant 19200 : i32
        %add3A_744 = arith.addi %add3A_743, %add3A_544 : i32
        %add3A_745 = arith.constant 2 : i32
        %add3A_746 = arith.addi %add3A_744, %add3A_745 : i32
        %add3A_747 = vector.broadcast %add3A_746 : i32 to vector<16xi32>
        %add3A_748 = arith.addi %mul3A_5, %add3A_747 : vector<16xi32>
        %gather3A_749 = tpu.vector_load_idx %arg5[%add3A_748] : memref<25600xi32, #tpu.memory_space<vmem>>[vector<16xi32>], vector<16xi32>,
        %swap3A_750 = arith.constant 352 : index
        %swap3A_751 = tpu.vector_load %arg7[%swap3A_750] {strides = array<i32>} : memref<512xi32, #tpu.memory_space<vmem>>, vector<16xi32>,
        tpu.vector_store %arg7[%swap3A_750], %gather3A_749 {strides = array<i32>} : memref<512xi32, #tpu.memory_space<vmem>>, vector<16xi32>,
        %add3A_752 = arith.constant 22400 : i32
        %add3A_753 = arith.addi %add3A_752, %add3A_544 : i32
        %add3A_754 = arith.constant 2 : i32
        %add3A_755 = arith.addi %add3A_753, %add3A_754 : i32
        %add3A_756 = vector.broadcast %add3A_755 : i32 to vector<16xi32>
        %add3A_757 = arith.addi %mul3A_5, %add3A_756 : vector<16xi32>
        %gather3A_758 = tpu.vector_load_idx %arg5[%add3A_757] : memref<25600xi32, #tpu.memory_space<vmem>>[vector<16xi32>], vector<16xi32>,
        %swap3A_759 = arith.constant 368 : index
        %swap3A_760 = tpu.vector_load %arg7[%swap3A_759] {strides = array<i32>} : memref<512xi32, #tpu.memory_space<vmem>>, vector<16xi32>,
        tpu.vector_store %arg7[%swap3A_759], %gather3A_758 {strides = array<i32>} : memref<512xi32, #tpu.memory_space<vmem>>, vector<16xi32>,
        %add3A_761 = arith.constant 0 : i32
        %add3A_762 = arith.addi %add3A_761, %add3A_544 : i32
        %add3A_763 = arith.constant 3 : i32
        %add3A_764 = arith.addi %add3A_762, %add3A_763 : i32
        %add3A_765 = vector.broadcast %add3A_764 : i32 to vector<16xi32>
        %add3A_766 = arith.addi %mul3A_5, %add3A_765 : vector<16xi32>
        %gather3A_767 = tpu.vector_load_idx %arg5[%add3A_766] : memref<25600xi32, #tpu.memory_space<vmem>>[vector<16xi32>], vector<16xi32>,
        %swap3A_768 = arith.constant 384 : index
        %swap3A_769 = tpu.vector_load %arg7[%swap3A_768] {strides = array<i32>} : memref<512xi32, #tpu.memory_space<vmem>>, vector<16xi32>,
        tpu.vector_store %arg7[%swap3A_768], %gather3A_767 {strides = array<i32>} : memref<512xi32, #tpu.memory_space<vmem>>, vector<16xi32>,
        %add3A_770 = arith.constant 3200 : i32
        %add3A_771 = arith.addi %add3A_770, %add3A_544 : i32
        %add3A_772 = arith.constant 3 : i32
        %add3A_773 = arith.addi %add3A_771, %add3A_772 : i32
        %add3A_774 = vector.broadcast %add3A_773 : i32 to vector<16xi32>
        %add3A_775 = arith.addi %mul3A_5, %add3A_774 : vector<16xi32>
        %gather3A_776 = tpu.vector_load_idx %arg5[%add3A_775] : memref<25600xi32, #tpu.memory_space<vmem>>[vector<16xi32>], vector<16xi32>,
        %swap3A_777 = arith.constant 400 : index
        %swap3A_778 = tpu.vector_load %arg7[%swap3A_777] {strides = array<i32>} : memref<512xi32, #tpu.memory_space<vmem>>, vector<16xi32>,
        tpu.vector_store %arg7[%swap3A_777], %gather3A_776 {strides = array<i32>} : memref<512xi32, #tpu.memory_space<vmem>>, vector<16xi32>,
        %add3A_779 = arith.constant 6400 : i32
        %add3A_780 = arith.addi %add3A_779, %add3A_544 : i32
        %add3A_781 = arith.constant 3 : i32
        %add3A_782 = arith.addi %add3A_780, %add3A_781 : i32
        %add3A_783 = vector.broadcast %add3A_782 : i32 to vector<16xi32>
        %add3A_784 = arith.addi %mul3A_5, %add3A_783 : vector<16xi32>
        %gather3A_785 = tpu.vector_load_idx %arg5[%add3A_784] : memref<25600xi32, #tpu.memory_space<vmem>>[vector<16xi32>], vector<16xi32>,
        %swap3A_786 = arith.constant 416 : index
        %swap3A_787 = tpu.vector_load %arg7[%swap3A_786] {strides = array<i32>} : memref<512xi32, #tpu.memory_space<vmem>>, vector<16xi32>,
        tpu.vector_store %arg7[%swap3A_786], %gather3A_785 {strides = array<i32>} : memref<512xi32, #tpu.memory_space<vmem>>, vector<16xi32>,
        %add3A_788 = arith.constant 9600 : i32
        %add3A_789 = arith.addi %add3A_788, %add3A_544 : i32
        %add3A_790 = arith.constant 3 : i32
        %add3A_791 = arith.addi %add3A_789, %add3A_790 : i32
        %add3A_792 = vector.broadcast %add3A_791 : i32 to vector<16xi32>
        %add3A_793 = arith.addi %mul3A_5, %add3A_792 : vector<16xi32>
        %gather3A_794 = tpu.vector_load_idx %arg5[%add3A_793] : memref<25600xi32, #tpu.memory_space<vmem>>[vector<16xi32>], vector<16xi32>,
        %swap3A_795 = arith.constant 432 : index
        %swap3A_796 = tpu.vector_load %arg7[%swap3A_795] {strides = array<i32>} : memref<512xi32, #tpu.memory_space<vmem>>, vector<16xi32>,
        tpu.vector_store %arg7[%swap3A_795], %gather3A_794 {strides = array<i32>} : memref<512xi32, #tpu.memory_space<vmem>>, vector<16xi32>,
        %add3A_797 = arith.constant 12800 : i32
        %add3A_798 = arith.addi %add3A_797, %add3A_544 : i32
        %add3A_799 = arith.constant 3 : i32
        %add3A_800 = arith.addi %add3A_798, %add3A_799 : i32
        %add3A_801 = vector.broadcast %add3A_800 : i32 to vector<16xi32>
        %add3A_802 = arith.addi %mul3A_5, %add3A_801 : vector<16xi32>
        %gather3A_803 = tpu.vector_load_idx %arg5[%add3A_802] : memref<25600xi32, #tpu.memory_space<vmem>>[vector<16xi32>], vector<16xi32>,
        %swap3A_804 = arith.constant 448 : index
        %swap3A_805 = tpu.vector_load %arg7[%swap3A_804] {strides = array<i32>} : memref<512xi32, #tpu.memory_space<vmem>>, vector<16xi32>,
        tpu.vector_store %arg7[%swap3A_804], %gather3A_803 {strides = array<i32>} : memref<512xi32, #tpu.memory_space<vmem>>, vector<16xi32>,
        %add3A_806 = arith.constant 16000 : i32
        %add3A_807 = arith.addi %add3A_806, %add3A_544 : i32
        %add3A_808 = arith.constant 3 : i32
        %add3A_809 = arith.addi %add3A_807, %add3A_808 : i32
        %add3A_810 = vector.broadcast %add3A_809 : i32 to vector<16xi32>
        %add3A_811 = arith.addi %mul3A_5, %add3A_810 : vector<16xi32>
        %gather3A_812 = tpu.vector_load_idx %arg5[%add3A_811] : memref<25600xi32, #tpu.memory_space<vmem>>[vector<16xi32>], vector<16xi32>,
        %swap3A_813 = arith.constant 464 : index
        %swap3A_814 = tpu.vector_load %arg7[%swap3A_813] {strides = array<i32>} : memref<512xi32, #tpu.memory_space<vmem>>, vector<16xi32>,
        tpu.vector_store %arg7[%swap3A_813], %gather3A_812 {strides = array<i32>} : memref<512xi32, #tpu.memory_space<vmem>>, vector<16xi32>,
        %add3A_815 = arith.constant 19200 : i32
        %add3A_816 = arith.addi %add3A_815, %add3A_544 : i32
        %add3A_817 = arith.constant 3 : i32
        %add3A_818 = arith.addi %add3A_816, %add3A_817 : i32
        %add3A_819 = vector.broadcast %add3A_818 : i32 to vector<16xi32>
        %add3A_820 = arith.addi %mul3A_5, %add3A_819 : vector<16xi32>
        %gather3A_821 = tpu.vector_load_idx %arg5[%add3A_820] : memref<25600xi32, #tpu.memory_space<vmem>>[vector<16xi32>], vector<16xi32>,
        %swap3A_822 = arith.constant 480 : index
        %swap3A_823 = tpu.vector_load %arg7[%swap3A_822] {strides = array<i32>} : memref<512xi32, #tpu.memory_space<vmem>>, vector<16xi32>,
        tpu.vector_store %arg7[%swap3A_822], %gather3A_821 {strides = array<i32>} : memref<512xi32, #tpu.memory_space<vmem>>, vector<16xi32>,
        %add3A_824 = arith.constant 22400 : i32
        %add3A_825 = arith.addi %add3A_824, %add3A_544 : i32
        %add3A_826 = arith.constant 3 : i32
        %add3A_827 = arith.addi %add3A_825, %add3A_826 : i32
        %add3A_828 = vector.broadcast %add3A_827 : i32 to vector<16xi32>
        %add3A_829 = arith.addi %mul3A_5, %add3A_828 : vector<16xi32>
        %gather3A_830 = tpu.vector_load_idx %arg5[%add3A_829] : memref<25600xi32, #tpu.memory_space<vmem>>[vector<16xi32>], vector<16xi32>,
        %swap3A_831 = arith.constant 496 : index
        %swap3A_832 = tpu.vector_load %arg7[%swap3A_831] {strides = array<i32>} : memref<512xi32, #tpu.memory_space<vmem>>, vector<16xi32>,
        tpu.vector_store %arg7[%swap3A_831], %gather3A_830 {strides = array<i32>} : memref<512xi32, #tpu.memory_space<vmem>>, vector<16xi32>,
        %dma_start3A_833 = arith.constant 0 : i32
        %dma_start3A_834 = arith.constant 0 : i32
        %dma_start3A_835 = tpu.memref_slice %arg9[%dma_start3A_833, %dma_start3A_834] : memref<512x32xf32, #tpu.memory_space<vmem>> -> memref<256x32xf32, #tpu.memory_space<vmem>>
        %dma_start3A_836 = arith.constant 0 : i32
        %dma_start3A_837 = tpu.memref_slice %arg7[%dma_start3A_836] : memref<512xi32, #tpu.memory_space<vmem>> -> memref<256xi32, #tpu.memory_space<vmem>>
        %dma_start3A_838 = arith.constant 0 : i32
        %dma_start3A_839 = arith.constant 0 : i32
        %dma_start3A_840 = tpu.memref_slice %arg3[%dma_start3A_838, %dma_start3A_839] : memref<100000x32xf32, #tpu.memory_space<hbm>> -> memref<100000x32xf32, #tpu.memory_space<hbm>>
        tpu.enqueue_indirect_dma source(%dma_start3A_840 : memref<100000x32xf32, #tpu.memory_space<hbm>>) target(%dma_start3A_835 : memref<256x32xf32, #tpu.memory_space<vmem>>) offsets(%dma_start3A_837 : memref<256xi32, #tpu.memory_space<vmem>>) semaphore(%arg13 : memref<!tpu.dma_semaphore, #tpu.memory_space<semaphore_mem>>)
        %dma_start3A_841 = arith.constant 256 : i32
        %dma_start3A_842 = arith.constant 0 : i32
        %dma_start3A_843 = tpu.memref_slice %arg9[%dma_start3A_841, %dma_start3A_842] : memref<512x32xf32, #tpu.memory_space<vmem>> -> memref<256x32xf32, #tpu.memory_space<vmem>>
        %dma_start3A_844 = arith.constant 256 : i32
        %dma_start3A_845 = tpu.memref_slice %arg7[%dma_start3A_844] : memref<512xi32, #tpu.memory_space<vmem>> -> memref<256xi32, #tpu.memory_space<vmem>>
        %dma_start3A_846 = arith.constant 0 : i32
        %dma_start3A_847 = arith.constant 0 : i32
        %dma_start3A_848 = tpu.memref_slice %arg3[%dma_start3A_846, %dma_start3A_847] : memref<100000x32xf32, #tpu.memory_space<hbm>> -> memref<100000x32xf32, #tpu.memory_space<hbm>>
        tpu.enqueue_indirect_dma source(%dma_start3A_848 : memref<100000x32xf32, #tpu.memory_space<hbm>>) target(%dma_start3A_843 : memref<256x32xf32, #tpu.memory_space<vmem>>) offsets(%dma_start3A_845 : memref<256xi32, #tpu.memory_space<vmem>>) semaphore(%arg15 : memref<!tpu.dma_semaphore, #tpu.memory_space<semaphore_mem>>)
      } else {
      }
      %ge3A = arith.constant 2 : i32
      %ge3A_359 = arith.cmpi sge, %add3A_338, %ge3A : i32
      %convert_element_type3A_360 = arith.extui %ge3A_359 : i1 to i32
      %cond3A_361 = arith.constant 0 : i32
      %cond3A_362 = arith.cmpi ne, %convert_element_type3A_360, %cond3A_361 : i32
      scf.if %cond3A_362 {
        %dma_wait3A_498 = arith.constant 0 : i32
        %dma_wait3A_499 = arith.constant 0 : i32
        %dma_wait3A_500 = arith.constant 0 : i32
        %dma_wait3A_501 = arith.constant 0 : i32
        %dma_wait3A_502 = arith.constant 0 : i32
        %dma_wait3A_503 = tpu.memref_slice %arg4[%dma_wait3A_500, %dma_wait3A_498, %dma_wait3A_499, %dma_wait3A_501, %dma_wait3A_502] : memref<30x25x32x8x128xf32, #tpu.memory_space<hbm>> -> memref<30x1x1x4x128xf32, #tpu.memory_space<hbm>>
        %dma_wait3A_504 = tpu.memref_squeeze %dma_wait3A_503 : memref<30x1x1x4x128xf32, #tpu.memory_space<hbm>> -> memref<30x4x128xf32, #tpu.memory_space<hbm>>
        %dma_wait3A_505 = arith.constant 0 : i32
        %dma_wait3A_506 = arith.constant 0 : i32
        %dma_wait3A_507 = arith.constant 0 : i32
        %dma_wait3A_508 = tpu.memref_slice %arg4[%dma_wait3A_505, %dma_wait3A_498, %dma_wait3A_499, %dma_wait3A_506, %dma_wait3A_507] : memref<30x25x32x8x128xf32, #tpu.memory_space<hbm>> -> memref<30x1x1x4x128xf32, #tpu.memory_space<hbm>>
        %dma_wait3A_509 = tpu.memref_squeeze %dma_wait3A_508 : memref<30x1x1x4x128xf32, #tpu.memory_space<hbm>> -> memref<30x4x128xf32, #tpu.memory_space<hbm>>
        tpu.wait_dma2 semaphore(%arg16 : memref<!tpu.dma_semaphore, #tpu.memory_space<semaphore_mem>>) src(%arg10 : memref<30x4x128xf32, #tpu.memory_space<vmem>>) dst(%dma_wait3A_509 : memref<30x4x128xf32, #tpu.memory_space<hbm>>)
      } else {
      }
      %parallel_loop3A = arith.constant 0 : i32
      %parallel_loop3A_363 = arith.constant 32 : i32
      %parallel_loop3A_364 = arith.constant 1 : i32
      scf.for %parallel_loop3A_498 = %parallel_loop3A to %parallel_loop3A_363 step %parallel_loop3A_364  : i32 {
        %parallel_loop3A_499 = arith.constant 16 : i32
        %parallel_loop3A_500 = arith.muli %parallel_loop3A_499, %parallel_loop3A_498 : i32
        %parallel_loop3A_501 = vector.broadcast %parallel_loop3A_500 : i32 to vector<16xi32>
        %parallel_loop3A_502 = arith.addi %parallel_loop3A_501, %iota3A : vector<16xi32>
        %parallel_loop3A_503 = arith.constant 8 : i32
        %parallel_loop3A_504 = arith.divsi %parallel_loop3A_498, %parallel_loop3A_503 : i32
        %parallel_loop3A_505 = arith.constant 0 : i32
        %parallel_loop3A_506 = arith.cmpi sgt, %parallel_loop3A_498, %parallel_loop3A_505 : i32
        %parallel_loop3A_507 = arith.extui %parallel_loop3A_506 : i1 to i32
        %parallel_loop3A_508 = arith.constant 0 : i32
        %parallel_loop3A_509 = arith.cmpi slt, %parallel_loop3A_498, %parallel_loop3A_508 : i32
        %parallel_loop3A_510 = arith.extui %parallel_loop3A_509 : i1 to i32
        %parallel_loop3A_511 = arith.subi %parallel_loop3A_507, %parallel_loop3A_510 : i32
        %parallel_loop3A_512 = arith.constant 0 : i32
        %parallel_loop3A_513 = arith.cmpi sgt, %parallel_loop3A_503, %parallel_loop3A_512 : i32
        %parallel_loop3A_514 = arith.extui %parallel_loop3A_513 : i1 to i32
        %parallel_loop3A_515 = arith.constant 0 : i32
        %parallel_loop3A_516 = arith.cmpi slt, %parallel_loop3A_503, %parallel_loop3A_515 : i32
        %parallel_loop3A_517 = arith.extui %parallel_loop3A_516 : i1 to i32
        %parallel_loop3A_518 = arith.subi %parallel_loop3A_514, %parallel_loop3A_517 : i32
        %parallel_loop3A_519 = arith.cmpi ne, %parallel_loop3A_511, %parallel_loop3A_518 : i32
        %parallel_loop3A_520 = arith.remsi %parallel_loop3A_498, %parallel_loop3A_503 : i32
        %parallel_loop3A_521 = arith.constant 0 : i32
        %parallel_loop3A_522 = arith.cmpi ne, %parallel_loop3A_520, %parallel_loop3A_521 : i32
        %parallel_loop3A_523 = arith.andi %parallel_loop3A_519, %parallel_loop3A_522 : i1
        %parallel_loop3A_524 = arith.constant 1 : i32
        %parallel_loop3A_525 = arith.subi %parallel_loop3A_504, %parallel_loop3A_524 : i32
        %parallel_loop3A_526 = arith.select %parallel_loop3A_523, %parallel_loop3A_525, %parallel_loop3A_504 : i32
        %parallel_loop3A_527 = vector.broadcast %parallel_loop3A_526 : i32 to vector<16xi32>
        %parallel_loop3A_528 = arith.constant 8 : i32
        %parallel_loop3A_529 = arith.constant 0 : i32
        %parallel_loop3A_530 = arith.cmpi eq, %parallel_loop3A_528, %parallel_loop3A_529 : i32
        %parallel_loop3A_531 = arith.constant 1 : i32
        %parallel_loop3A_532 = arith.select %parallel_loop3A_530, %parallel_loop3A_531, %parallel_loop3A_528 : i32
        %parallel_loop3A_533 = arith.remsi %parallel_loop3A_498, %parallel_loop3A_532 : i32
        %parallel_loop3A_534 = arith.constant 0 : i32
        %parallel_loop3A_535 = arith.cmpi ne, %parallel_loop3A_533, %parallel_loop3A_534 : i32
        %parallel_loop3A_536 = arith.constant 0 : i32
        %parallel_loop3A_537 = arith.cmpi slt, %parallel_loop3A_533, %parallel_loop3A_536 : i32
        %parallel_loop3A_538 = arith.constant 0 : i32
        %parallel_loop3A_539 = arith.cmpi slt, %parallel_loop3A_532, %parallel_loop3A_538 : i32
        %parallel_loop3A_540 = arith.xori %parallel_loop3A_537, %parallel_loop3A_539 : i1
        %parallel_loop3A_541 = arith.andi %parallel_loop3A_540, %parallel_loop3A_535 : i1
        %parallel_loop3A_542 = arith.addi %parallel_loop3A_533, %parallel_loop3A_532 : i32
        %parallel_loop3A_543 = arith.select %parallel_loop3A_541, %parallel_loop3A_542, %parallel_loop3A_533 : i32
        %parallel_loop3A_544 = arith.constant 16 : i32
        %parallel_loop3A_545 = arith.muli %parallel_loop3A_544, %parallel_loop3A_543 : i32
        %parallel_loop3A_546 = vector.broadcast %parallel_loop3A_545 : i32 to vector<16xi32>
        %parallel_loop3A_547 = arith.addi %parallel_loop3A_546, %iota3A : vector<16xi32>
        %parallel_loop3A_548 = arith.constant 0 : i32
        %parallel_loop3A_549 = vector.broadcast %parallel_loop3A_548 : i32 to vector<16xi32>
        %parallel_loop3A_550 = arith.addi %and3A_10, %parallel_loop3A_549 : vector<16xi32>
        %parallel_loop3A_551 = tpu.vector_load_idx %arg8[%parallel_loop3A_502, %parallel_loop3A_550] : memref<512x32xf32, #tpu.memory_space<vmem>>[vector<16xi32>, vector<16xi32>], vector<16xf32>,
        tpu.vector_store_idx %arg10[%parallel_loop3A_550, %parallel_loop3A_527, %parallel_loop3A_547], %parallel_loop3A_551 : memref<30x4x128xf32, #tpu.memory_space<vmem>>[vector<16xi32>, vector<16xi32>, vector<16xi32>], vector<16xf32>,
        %parallel_loop3A_552 = arith.constant 0 : i32
        %parallel_loop3A_553 = vector.broadcast %parallel_loop3A_552 : i32 to vector<16xi32>
        %parallel_loop3A_554 = arith.addi %and3A_16, %parallel_loop3A_553 : vector<16xi32>
        %parallel_loop3A_555 = tpu.vector_load_idx %arg8[%parallel_loop3A_502, %parallel_loop3A_554] : memref<512x32xf32, #tpu.memory_space<vmem>>[vector<16xi32>, vector<16xi32>], vector<16xf32>,
        tpu.vector_store_idx %arg10[%parallel_loop3A_554, %parallel_loop3A_527, %parallel_loop3A_547], %parallel_loop3A_555 : memref<30x4x128xf32, #tpu.memory_space<vmem>>[vector<16xi32>, vector<16xi32>, vector<16xi32>], vector<16xf32>,
        %parallel_loop3A_556 = arith.constant 0 : i32
        %parallel_loop3A_557 = vector.broadcast %parallel_loop3A_556 : i32 to vector<16xi32>
        %parallel_loop3A_558 = arith.addi %and3A_22, %parallel_loop3A_557 : vector<16xi32>
        %parallel_loop3A_559 = tpu.vector_load_idx %arg8[%parallel_loop3A_502, %parallel_loop3A_558] : memref<512x32xf32, #tpu.memory_space<vmem>>[vector<16xi32>, vector<16xi32>], vector<16xf32>,
        tpu.vector_store_idx %arg10[%parallel_loop3A_558, %parallel_loop3A_527, %parallel_loop3A_547], %parallel_loop3A_559 : memref<30x4x128xf32, #tpu.memory_space<vmem>>[vector<16xi32>, vector<16xi32>, vector<16xi32>], vector<16xf32>,
        %parallel_loop3A_560 = arith.constant 0 : i32
        %parallel_loop3A_561 = vector.broadcast %parallel_loop3A_560 : i32 to vector<16xi32>
        %parallel_loop3A_562 = arith.addi %and3A_28, %parallel_loop3A_561 : vector<16xi32>
        %parallel_loop3A_563 = tpu.vector_load_idx %arg8[%parallel_loop3A_502, %parallel_loop3A_562] : memref<512x32xf32, #tpu.memory_space<vmem>>[vector<16xi32>, vector<16xi32>], vector<16xf32>,
        tpu.vector_store_idx %arg10[%parallel_loop3A_562, %parallel_loop3A_527, %parallel_loop3A_547], %parallel_loop3A_563 : memref<30x4x128xf32, #tpu.memory_space<vmem>>[vector<16xi32>, vector<16xi32>, vector<16xi32>], vector<16xf32>,
        %parallel_loop3A_564 = arith.constant 0 : i32
        %parallel_loop3A_565 = vector.broadcast %parallel_loop3A_564 : i32 to vector<16xi32>
        %parallel_loop3A_566 = arith.addi %and3A_34, %parallel_loop3A_565 : vector<16xi32>
        %parallel_loop3A_567 = tpu.vector_load_idx %arg8[%parallel_loop3A_502, %parallel_loop3A_566] : memref<512x32xf32, #tpu.memory_space<vmem>>[vector<16xi32>, vector<16xi32>], vector<16xf32>,
        tpu.vector_store_idx %arg10[%parallel_loop3A_566, %parallel_loop3A_527, %parallel_loop3A_547], %parallel_loop3A_567 : memref<30x4x128xf32, #tpu.memory_space<vmem>>[vector<16xi32>, vector<16xi32>, vector<16xi32>], vector<16xf32>,
        %parallel_loop3A_568 = arith.constant 0 : i32
        %parallel_loop3A_569 = vector.broadcast %parallel_loop3A_568 : i32 to vector<16xi32>
        %parallel_loop3A_570 = arith.addi %and3A_40, %parallel_loop3A_569 : vector<16xi32>
        %parallel_loop3A_571 = tpu.vector_load_idx %arg8[%parallel_loop3A_502, %parallel_loop3A_570] : memref<512x32xf32, #tpu.memory_space<vmem>>[vector<16xi32>, vector<16xi32>], vector<16xf32>,
        tpu.vector_store_idx %arg10[%parallel_loop3A_570, %parallel_loop3A_527, %parallel_loop3A_547], %parallel_loop3A_571 : memref<30x4x128xf32, #tpu.memory_space<vmem>>[vector<16xi32>, vector<16xi32>, vector<16xi32>], vector<16xf32>,
        %parallel_loop3A_572 = arith.constant 0 : i32
        %parallel_loop3A_573 = vector.broadcast %parallel_loop3A_572 : i32 to vector<16xi32>
        %parallel_loop3A_574 = arith.addi %and3A_46, %parallel_loop3A_573 : vector<16xi32>
        %parallel_loop3A_575 = tpu.vector_load_idx %arg8[%parallel_loop3A_502, %parallel_loop3A_574] : memref<512x32xf32, #tpu.memory_space<vmem>>[vector<16xi32>, vector<16xi32>], vector<16xf32>,
        tpu.vector_store_idx %arg10[%parallel_loop3A_574, %parallel_loop3A_527, %parallel_loop3A_547], %parallel_loop3A_575 : memref<30x4x128xf32, #tpu.memory_space<vmem>>[vector<16xi32>, vector<16xi32>, vector<16xi32>], vector<16xf32>,
        %parallel_loop3A_576 = arith.constant 0 : i32
        %parallel_loop3A_577 = vector.broadcast %parallel_loop3A_576 : i32 to vector<16xi32>
        %parallel_loop3A_578 = arith.addi %and3A_52, %parallel_loop3A_577 : vector<16xi32>
        %parallel_loop3A_579 = tpu.vector_load_idx %arg8[%parallel_loop3A_502, %parallel_loop3A_578] : memref<512x32xf32, #tpu.memory_space<vmem>>[vector<16xi32>, vector<16xi32>], vector<16xf32>,
        tpu.vector_store_idx %arg10[%parallel_loop3A_578, %parallel_loop3A_527, %parallel_loop3A_547], %parallel_loop3A_579 : memref<30x4x128xf32, #tpu.memory_space<vmem>>[vector<16xi32>, vector<16xi32>, vector<16xi32>], vector<16xf32>,
        %parallel_loop3A_580 = arith.constant 0 : i32
        %parallel_loop3A_581 = vector.broadcast %parallel_loop3A_580 : i32 to vector<16xi32>
        %parallel_loop3A_582 = arith.addi %and3A_58, %parallel_loop3A_581 : vector<16xi32>
        %parallel_loop3A_583 = tpu.vector_load_idx %arg8[%parallel_loop3A_502, %parallel_loop3A_582] : memref<512x32xf32, #tpu.memory_space<vmem>>[vector<16xi32>, vector<16xi32>], vector<16xf32>,
        tpu.vector_store_idx %arg10[%parallel_loop3A_582, %parallel_loop3A_527, %parallel_loop3A_547], %parallel_loop3A_583 : memref<30x4x128xf32, #tpu.memory_space<vmem>>[vector<16xi32>, vector<16xi32>, vector<16xi32>], vector<16xf32>,
        %parallel_loop3A_584 = arith.constant 0 : i32
        %parallel_loop3A_585 = vector.broadcast %parallel_loop3A_584 : i32 to vector<16xi32>
        %parallel_loop3A_586 = arith.addi %and3A_64, %parallel_loop3A_585 : vector<16xi32>
        %parallel_loop3A_587 = tpu.vector_load_idx %arg8[%parallel_loop3A_502, %parallel_loop3A_586] : memref<512x32xf32, #tpu.memory_space<vmem>>[vector<16xi32>, vector<16xi32>], vector<16xf32>,
        tpu.vector_store_idx %arg10[%parallel_loop3A_586, %parallel_loop3A_527, %parallel_loop3A_547], %parallel_loop3A_587 : memref<30x4x128xf32, #tpu.memory_space<vmem>>[vector<16xi32>, vector<16xi32>, vector<16xi32>], vector<16xf32>,
        %parallel_loop3A_588 = arith.constant 0 : i32
        %parallel_loop3A_589 = vector.broadcast %parallel_loop3A_588 : i32 to vector<16xi32>
        %parallel_loop3A_590 = arith.addi %and3A_70, %parallel_loop3A_589 : vector<16xi32>
        %parallel_loop3A_591 = tpu.vector_load_idx %arg8[%parallel_loop3A_502, %parallel_loop3A_590] : memref<512x32xf32, #tpu.memory_space<vmem>>[vector<16xi32>, vector<16xi32>], vector<16xf32>,
        tpu.vector_store_idx %arg10[%parallel_loop3A_590, %parallel_loop3A_527, %parallel_loop3A_547], %parallel_loop3A_591 : memref<30x4x128xf32, #tpu.memory_space<vmem>>[vector<16xi32>, vector<16xi32>, vector<16xi32>], vector<16xf32>,
        %parallel_loop3A_592 = arith.constant 0 : i32
        %parallel_loop3A_593 = vector.broadcast %parallel_loop3A_592 : i32 to vector<16xi32>
        %parallel_loop3A_594 = arith.addi %and3A_76, %parallel_loop3A_593 : vector<16xi32>
        %parallel_loop3A_595 = tpu.vector_load_idx %arg8[%parallel_loop3A_502, %parallel_loop3A_594] : memref<512x32xf32, #tpu.memory_space<vmem>>[vector<16xi32>, vector<16xi32>], vector<16xf32>,
        tpu.vector_store_idx %arg10[%parallel_loop3A_594, %parallel_loop3A_527, %parallel_loop3A_547], %parallel_loop3A_595 : memref<30x4x128xf32, #tpu.memory_space<vmem>>[vector<16xi32>, vector<16xi32>, vector<16xi32>], vector<16xf32>,
        %parallel_loop3A_596 = arith.constant 0 : i32
        %parallel_loop3A_597 = vector.broadcast %parallel_loop3A_596 : i32 to vector<16xi32>
        %parallel_loop3A_598 = arith.addi %and3A_82, %parallel_loop3A_597 : vector<16xi32>
        %parallel_loop3A_599 = tpu.vector_load_idx %arg8[%parallel_loop3A_502, %parallel_loop3A_598] : memref<512x32xf32, #tpu.memory_space<vmem>>[vector<16xi32>, vector<16xi32>], vector<16xf32>,
        tpu.vector_store_idx %arg10[%parallel_loop3A_598, %parallel_loop3A_527, %parallel_loop3A_547], %parallel_loop3A_599 : memref<30x4x128xf32, #tpu.memory_space<vmem>>[vector<16xi32>, vector<16xi32>, vector<16xi32>], vector<16xf32>,
        %parallel_loop3A_600 = arith.constant 0 : i32
        %parallel_loop3A_601 = vector.broadcast %parallel_loop3A_600 : i32 to vector<16xi32>
        %parallel_loop3A_602 = arith.addi %and3A_88, %parallel_loop3A_601 : vector<16xi32>
        %parallel_loop3A_603 = tpu.vector_load_idx %arg8[%parallel_loop3A_502, %parallel_loop3A_602] : memref<512x32xf32, #tpu.memory_space<vmem>>[vector<16xi32>, vector<16xi32>], vector<16xf32>,
        tpu.vector_store_idx %arg10[%parallel_loop3A_602, %parallel_loop3A_527, %parallel_loop3A_547], %parallel_loop3A_603 : memref<30x4x128xf32, #tpu.memory_space<vmem>>[vector<16xi32>, vector<16xi32>, vector<16xi32>], vector<16xf32>,
        %parallel_loop3A_604 = arith.constant 0 : i32
        %parallel_loop3A_605 = vector.broadcast %parallel_loop3A_604 : i32 to vector<16xi32>
        %parallel_loop3A_606 = arith.addi %and3A_94, %parallel_loop3A_605 : vector<16xi32>
        %parallel_loop3A_607 = tpu.vector_load_idx %arg8[%parallel_loop3A_502, %parallel_loop3A_606] : memref<512x32xf32, #tpu.memory_space<vmem>>[vector<16xi32>, vector<16xi32>], vector<16xf32>,
        tpu.vector_store_idx %arg10[%parallel_loop3A_606, %parallel_loop3A_527, %parallel_loop3A_547], %parallel_loop3A_607 : memref<30x4x128xf32, #tpu.memory_space<vmem>>[vector<16xi32>, vector<16xi32>, vector<16xi32>], vector<16xf32>,
        %parallel_loop3A_608 = arith.constant 0 : i32
        %parallel_loop3A_609 = vector.broadcast %parallel_loop3A_608 : i32 to vector<16xi32>
        %parallel_loop3A_610 = arith.addi %and3A_100, %parallel_loop3A_609 : vector<16xi32>
        %parallel_loop3A_611 = tpu.vector_load_idx %arg8[%parallel_loop3A_502, %parallel_loop3A_610] : memref<512x32xf32, #tpu.memory_space<vmem>>[vector<16xi32>, vector<16xi32>], vector<16xf32>,
        tpu.vector_store_idx %arg10[%parallel_loop3A_610, %parallel_loop3A_527, %parallel_loop3A_547], %parallel_loop3A_611 : memref<30x4x128xf32, #tpu.memory_space<vmem>>[vector<16xi32>, vector<16xi32>, vector<16xi32>], vector<16xf32>,
      } {sc.loop_unroll_factor = 1 : i64, sc.parallel_access}
      %parallel_loop3A_365 = arith.constant 0 : i32
      %parallel_loop3A_366 = arith.constant 32 : i32
      %parallel_loop3A_367 = arith.constant 1 : i32
      scf.for %parallel_loop3A_498 = %parallel_loop3A_365 to %parallel_loop3A_366 step %parallel_loop3A_367  : i32 {
        %parallel_loop3A_499 = arith.constant 16 : i32
        %parallel_loop3A_500 = arith.muli %parallel_loop3A_499, %parallel_loop3A_498 : i32
        %parallel_loop3A_501 = vector.broadcast %parallel_loop3A_500 : i32 to vector<16xi32>
        %parallel_loop3A_502 = arith.addi %parallel_loop3A_501, %iota3A : vector<16xi32>
        %parallel_loop3A_503 = arith.constant 8 : i32
        %parallel_loop3A_504 = arith.divsi %parallel_loop3A_498, %parallel_loop3A_503 : i32
        %parallel_loop3A_505 = arith.constant 0 : i32
        %parallel_loop3A_506 = arith.cmpi sgt, %parallel_loop3A_498, %parallel_loop3A_505 : i32
        %parallel_loop3A_507 = arith.extui %parallel_loop3A_506 : i1 to i32
        %parallel_loop3A_508 = arith.constant 0 : i32
        %parallel_loop3A_509 = arith.cmpi slt, %parallel_loop3A_498, %parallel_loop3A_508 : i32
        %parallel_loop3A_510 = arith.extui %parallel_loop3A_509 : i1 to i32
        %parallel_loop3A_511 = arith.subi %parallel_loop3A_507, %parallel_loop3A_510 : i32
        %parallel_loop3A_512 = arith.constant 0 : i32
        %parallel_loop3A_513 = arith.cmpi sgt, %parallel_loop3A_503, %parallel_loop3A_512 : i32
        %parallel_loop3A_514 = arith.extui %parallel_loop3A_513 : i1 to i32
        %parallel_loop3A_515 = arith.constant 0 : i32
        %parallel_loop3A_516 = arith.cmpi slt, %parallel_loop3A_503, %parallel_loop3A_515 : i32
        %parallel_loop3A_517 = arith.extui %parallel_loop3A_516 : i1 to i32
        %parallel_loop3A_518 = arith.subi %parallel_loop3A_514, %parallel_loop3A_517 : i32
        %parallel_loop3A_519 = arith.cmpi ne, %parallel_loop3A_511, %parallel_loop3A_518 : i32
        %parallel_loop3A_520 = arith.remsi %parallel_loop3A_498, %parallel_loop3A_503 : i32
        %parallel_loop3A_521 = arith.constant 0 : i32
        %parallel_loop3A_522 = arith.cmpi ne, %parallel_loop3A_520, %parallel_loop3A_521 : i32
        %parallel_loop3A_523 = arith.andi %parallel_loop3A_519, %parallel_loop3A_522 : i1
        %parallel_loop3A_524 = arith.constant 1 : i32
        %parallel_loop3A_525 = arith.subi %parallel_loop3A_504, %parallel_loop3A_524 : i32
        %parallel_loop3A_526 = arith.select %parallel_loop3A_523, %parallel_loop3A_525, %parallel_loop3A_504 : i32
        %parallel_loop3A_527 = vector.broadcast %parallel_loop3A_526 : i32 to vector<16xi32>
        %parallel_loop3A_528 = arith.constant 8 : i32
        %parallel_loop3A_529 = arith.constant 0 : i32
        %parallel_loop3A_530 = arith.cmpi eq, %parallel_loop3A_528, %parallel_loop3A_529 : i32
        %parallel_loop3A_531 = arith.constant 1 : i32
        %parallel_loop3A_532 = arith.select %parallel_loop3A_530, %parallel_loop3A_531, %parallel_loop3A_528 : i32
        %parallel_loop3A_533 = arith.remsi %parallel_loop3A_498, %parallel_loop3A_532 : i32
        %parallel_loop3A_534 = arith.constant 0 : i32
        %parallel_loop3A_535 = arith.cmpi ne, %parallel_loop3A_533, %parallel_loop3A_534 : i32
        %parallel_loop3A_536 = arith.constant 0 : i32
        %parallel_loop3A_537 = arith.cmpi slt, %parallel_loop3A_533, %parallel_loop3A_536 : i32
        %parallel_loop3A_538 = arith.constant 0 : i32
        %parallel_loop3A_539 = arith.cmpi slt, %parallel_loop3A_532, %parallel_loop3A_538 : i32
        %parallel_loop3A_540 = arith.xori %parallel_loop3A_537, %parallel_loop3A_539 : i1
        %parallel_loop3A_541 = arith.andi %parallel_loop3A_540, %parallel_loop3A_535 : i1
        %parallel_loop3A_542 = arith.addi %parallel_loop3A_533, %parallel_loop3A_532 : i32
        %parallel_loop3A_543 = arith.select %parallel_loop3A_541, %parallel_loop3A_542, %parallel_loop3A_533 : i32
        %parallel_loop3A_544 = arith.constant 16 : i32
        %parallel_loop3A_545 = arith.muli %parallel_loop3A_544, %parallel_loop3A_543 : i32
        %parallel_loop3A_546 = vector.broadcast %parallel_loop3A_545 : i32 to vector<16xi32>
        %parallel_loop3A_547 = arith.addi %parallel_loop3A_546, %iota3A : vector<16xi32>
        %parallel_loop3A_548 = arith.constant 14 : i32
        %parallel_loop3A_549 = vector.broadcast %parallel_loop3A_548 : i32 to vector<16xi32>
        %parallel_loop3A_550 = arith.addi %and3A_10, %parallel_loop3A_549 : vector<16xi32>
        %parallel_loop3A_551 = tpu.vector_load_idx %arg8[%parallel_loop3A_502, %parallel_loop3A_550] : memref<512x32xf32, #tpu.memory_space<vmem>>[vector<16xi32>, vector<16xi32>], vector<16xf32>,
        tpu.vector_store_idx %arg10[%parallel_loop3A_550, %parallel_loop3A_527, %parallel_loop3A_547], %parallel_loop3A_551 : memref<30x4x128xf32, #tpu.memory_space<vmem>>[vector<16xi32>, vector<16xi32>, vector<16xi32>], vector<16xf32>,
        %parallel_loop3A_552 = arith.constant 14 : i32
        %parallel_loop3A_553 = vector.broadcast %parallel_loop3A_552 : i32 to vector<16xi32>
        %parallel_loop3A_554 = arith.addi %and3A_16, %parallel_loop3A_553 : vector<16xi32>
        %parallel_loop3A_555 = tpu.vector_load_idx %arg8[%parallel_loop3A_502, %parallel_loop3A_554] : memref<512x32xf32, #tpu.memory_space<vmem>>[vector<16xi32>, vector<16xi32>], vector<16xf32>,
        tpu.vector_store_idx %arg10[%parallel_loop3A_554, %parallel_loop3A_527, %parallel_loop3A_547], %parallel_loop3A_555 : memref<30x4x128xf32, #tpu.memory_space<vmem>>[vector<16xi32>, vector<16xi32>, vector<16xi32>], vector<16xf32>,
        %parallel_loop3A_556 = arith.constant 14 : i32
        %parallel_loop3A_557 = vector.broadcast %parallel_loop3A_556 : i32 to vector<16xi32>
        %parallel_loop3A_558 = arith.addi %and3A_22, %parallel_loop3A_557 : vector<16xi32>
        %parallel_loop3A_559 = tpu.vector_load_idx %arg8[%parallel_loop3A_502, %parallel_loop3A_558] : memref<512x32xf32, #tpu.memory_space<vmem>>[vector<16xi32>, vector<16xi32>], vector<16xf32>,
        tpu.vector_store_idx %arg10[%parallel_loop3A_558, %parallel_loop3A_527, %parallel_loop3A_547], %parallel_loop3A_559 : memref<30x4x128xf32, #tpu.memory_space<vmem>>[vector<16xi32>, vector<16xi32>, vector<16xi32>], vector<16xf32>,
        %parallel_loop3A_560 = arith.constant 14 : i32
        %parallel_loop3A_561 = vector.broadcast %parallel_loop3A_560 : i32 to vector<16xi32>
        %parallel_loop3A_562 = arith.addi %and3A_28, %parallel_loop3A_561 : vector<16xi32>
        %parallel_loop3A_563 = tpu.vector_load_idx %arg8[%parallel_loop3A_502, %parallel_loop3A_562] : memref<512x32xf32, #tpu.memory_space<vmem>>[vector<16xi32>, vector<16xi32>], vector<16xf32>,
        tpu.vector_store_idx %arg10[%parallel_loop3A_562, %parallel_loop3A_527, %parallel_loop3A_547], %parallel_loop3A_563 : memref<30x4x128xf32, #tpu.memory_space<vmem>>[vector<16xi32>, vector<16xi32>, vector<16xi32>], vector<16xf32>,
        %parallel_loop3A_564 = arith.constant 14 : i32
        %parallel_loop3A_565 = vector.broadcast %parallel_loop3A_564 : i32 to vector<16xi32>
        %parallel_loop3A_566 = arith.addi %and3A_34, %parallel_loop3A_565 : vector<16xi32>
        %parallel_loop3A_567 = tpu.vector_load_idx %arg8[%parallel_loop3A_502, %parallel_loop3A_566] : memref<512x32xf32, #tpu.memory_space<vmem>>[vector<16xi32>, vector<16xi32>], vector<16xf32>,
        tpu.vector_store_idx %arg10[%parallel_loop3A_566, %parallel_loop3A_527, %parallel_loop3A_547], %parallel_loop3A_567 : memref<30x4x128xf32, #tpu.memory_space<vmem>>[vector<16xi32>, vector<16xi32>, vector<16xi32>], vector<16xf32>,
        %parallel_loop3A_568 = arith.constant 14 : i32
        %parallel_loop3A_569 = vector.broadcast %parallel_loop3A_568 : i32 to vector<16xi32>
        %parallel_loop3A_570 = arith.addi %and3A_40, %parallel_loop3A_569 : vector<16xi32>
        %parallel_loop3A_571 = tpu.vector_load_idx %arg8[%parallel_loop3A_502, %parallel_loop3A_570] : memref<512x32xf32, #tpu.memory_space<vmem>>[vector<16xi32>, vector<16xi32>], vector<16xf32>,
        tpu.vector_store_idx %arg10[%parallel_loop3A_570, %parallel_loop3A_527, %parallel_loop3A_547], %parallel_loop3A_571 : memref<30x4x128xf32, #tpu.memory_space<vmem>>[vector<16xi32>, vector<16xi32>, vector<16xi32>], vector<16xf32>,
        %parallel_loop3A_572 = arith.constant 14 : i32
        %parallel_loop3A_573 = vector.broadcast %parallel_loop3A_572 : i32 to vector<16xi32>
        %parallel_loop3A_574 = arith.addi %and3A_46, %parallel_loop3A_573 : vector<16xi32>
        %parallel_loop3A_575 = tpu.vector_load_idx %arg8[%parallel_loop3A_502, %parallel_loop3A_574] : memref<512x32xf32, #tpu.memory_space<vmem>>[vector<16xi32>, vector<16xi32>], vector<16xf32>,
        tpu.vector_store_idx %arg10[%parallel_loop3A_574, %parallel_loop3A_527, %parallel_loop3A_547], %parallel_loop3A_575 : memref<30x4x128xf32, #tpu.memory_space<vmem>>[vector<16xi32>, vector<16xi32>, vector<16xi32>], vector<16xf32>,
        %parallel_loop3A_576 = arith.constant 14 : i32
        %parallel_loop3A_577 = vector.broadcast %parallel_loop3A_576 : i32 to vector<16xi32>
        %parallel_loop3A_578 = arith.addi %and3A_52, %parallel_loop3A_577 : vector<16xi32>
        %parallel_loop3A_579 = tpu.vector_load_idx %arg8[%parallel_loop3A_502, %parallel_loop3A_578] : memref<512x32xf32, #tpu.memory_space<vmem>>[vector<16xi32>, vector<16xi32>], vector<16xf32>,
        tpu.vector_store_idx %arg10[%parallel_loop3A_578, %parallel_loop3A_527, %parallel_loop3A_547], %parallel_loop3A_579 : memref<30x4x128xf32, #tpu.memory_space<vmem>>[vector<16xi32>, vector<16xi32>, vector<16xi32>], vector<16xf32>,
        %parallel_loop3A_580 = arith.constant 14 : i32
        %parallel_loop3A_581 = vector.broadcast %parallel_loop3A_580 : i32 to vector<16xi32>
        %parallel_loop3A_582 = arith.addi %and3A_58, %parallel_loop3A_581 : vector<16xi32>
        %parallel_loop3A_583 = tpu.vector_load_idx %arg8[%parallel_loop3A_502, %parallel_loop3A_582] : memref<512x32xf32, #tpu.memory_space<vmem>>[vector<16xi32>, vector<16xi32>], vector<16xf32>,
        tpu.vector_store_idx %arg10[%parallel_loop3A_582, %parallel_loop3A_527, %parallel_loop3A_547], %parallel_loop3A_583 : memref<30x4x128xf32, #tpu.memory_space<vmem>>[vector<16xi32>, vector<16xi32>, vector<16xi32>], vector<16xf32>,
        %parallel_loop3A_584 = arith.constant 14 : i32
        %parallel_loop3A_585 = vector.broadcast %parallel_loop3A_584 : i32 to vector<16xi32>
        %parallel_loop3A_586 = arith.addi %and3A_64, %parallel_loop3A_585 : vector<16xi32>
        %parallel_loop3A_587 = tpu.vector_load_idx %arg8[%parallel_loop3A_502, %parallel_loop3A_586] : memref<512x32xf32, #tpu.memory_space<vmem>>[vector<16xi32>, vector<16xi32>], vector<16xf32>,
        tpu.vector_store_idx %arg10[%parallel_loop3A_586, %parallel_loop3A_527, %parallel_loop3A_547], %parallel_loop3A_587 : memref<30x4x128xf32, #tpu.memory_space<vmem>>[vector<16xi32>, vector<16xi32>, vector<16xi32>], vector<16xf32>,
        %parallel_loop3A_588 = arith.constant 14 : i32
        %parallel_loop3A_589 = vector.broadcast %parallel_loop3A_588 : i32 to vector<16xi32>
        %parallel_loop3A_590 = arith.addi %and3A_70, %parallel_loop3A_589 : vector<16xi32>
        %parallel_loop3A_591 = tpu.vector_load_idx %arg8[%parallel_loop3A_502, %parallel_loop3A_590] : memref<512x32xf32, #tpu.memory_space<vmem>>[vector<16xi32>, vector<16xi32>], vector<16xf32>,
        tpu.vector_store_idx %arg10[%parallel_loop3A_590, %parallel_loop3A_527, %parallel_loop3A_547], %parallel_loop3A_591 : memref<30x4x128xf32, #tpu.memory_space<vmem>>[vector<16xi32>, vector<16xi32>, vector<16xi32>], vector<16xf32>,
        %parallel_loop3A_592 = arith.constant 14 : i32
        %parallel_loop3A_593 = vector.broadcast %parallel_loop3A_592 : i32 to vector<16xi32>
        %parallel_loop3A_594 = arith.addi %and3A_76, %parallel_loop3A_593 : vector<16xi32>
        %parallel_loop3A_595 = tpu.vector_load_idx %arg8[%parallel_loop3A_502, %parallel_loop3A_594] : memref<512x32xf32, #tpu.memory_space<vmem>>[vector<16xi32>, vector<16xi32>], vector<16xf32>,
        tpu.vector_store_idx %arg10[%parallel_loop3A_594, %parallel_loop3A_527, %parallel_loop3A_547], %parallel_loop3A_595 : memref<30x4x128xf32, #tpu.memory_space<vmem>>[vector<16xi32>, vector<16xi32>, vector<16xi32>], vector<16xf32>,
        %parallel_loop3A_596 = arith.constant 14 : i32
        %parallel_loop3A_597 = vector.broadcast %parallel_loop3A_596 : i32 to vector<16xi32>
        %parallel_loop3A_598 = arith.addi %and3A_82, %parallel_loop3A_597 : vector<16xi32>
        %parallel_loop3A_599 = tpu.vector_load_idx %arg8[%parallel_loop3A_502, %parallel_loop3A_598] : memref<512x32xf32, #tpu.memory_space<vmem>>[vector<16xi32>, vector<16xi32>], vector<16xf32>,
        tpu.vector_store_idx %arg10[%parallel_loop3A_598, %parallel_loop3A_527, %parallel_loop3A_547], %parallel_loop3A_599 : memref<30x4x128xf32, #tpu.memory_space<vmem>>[vector<16xi32>, vector<16xi32>, vector<16xi32>], vector<16xf32>,
        %parallel_loop3A_600 = arith.constant 14 : i32
        %parallel_loop3A_601 = vector.broadcast %parallel_loop3A_600 : i32 to vector<16xi32>
        %parallel_loop3A_602 = arith.addi %and3A_88, %parallel_loop3A_601 : vector<16xi32>
        %parallel_loop3A_603 = tpu.vector_load_idx %arg8[%parallel_loop3A_502, %parallel_loop3A_602] : memref<512x32xf32, #tpu.memory_space<vmem>>[vector<16xi32>, vector<16xi32>], vector<16xf32>,
        tpu.vector_store_idx %arg10[%parallel_loop3A_602, %parallel_loop3A_527, %parallel_loop3A_547], %parallel_loop3A_603 : memref<30x4x128xf32, #tpu.memory_space<vmem>>[vector<16xi32>, vector<16xi32>, vector<16xi32>], vector<16xf32>,
        %parallel_loop3A_604 = arith.constant 14 : i32
        %parallel_loop3A_605 = vector.broadcast %parallel_loop3A_604 : i32 to vector<16xi32>
        %parallel_loop3A_606 = arith.addi %and3A_94, %parallel_loop3A_605 : vector<16xi32>
        %parallel_loop3A_607 = tpu.vector_load_idx %arg8[%parallel_loop3A_502, %parallel_loop3A_606] : memref<512x32xf32, #tpu.memory_space<vmem>>[vector<16xi32>, vector<16xi32>], vector<16xf32>,
        tpu.vector_store_idx %arg10[%parallel_loop3A_606, %parallel_loop3A_527, %parallel_loop3A_547], %parallel_loop3A_607 : memref<30x4x128xf32, #tpu.memory_space<vmem>>[vector<16xi32>, vector<16xi32>, vector<16xi32>], vector<16xf32>,
        %parallel_loop3A_608 = arith.constant 14 : i32
        %parallel_loop3A_609 = vector.broadcast %parallel_loop3A_608 : i32 to vector<16xi32>
        %parallel_loop3A_610 = arith.addi %and3A_100, %parallel_loop3A_609 : vector<16xi32>
        %parallel_loop3A_611 = tpu.vector_load_idx %arg8[%parallel_loop3A_502, %parallel_loop3A_610] : memref<512x32xf32, #tpu.memory_space<vmem>>[vector<16xi32>, vector<16xi32>], vector<16xf32>,
        tpu.vector_store_idx %arg10[%parallel_loop3A_610, %parallel_loop3A_527, %parallel_loop3A_547], %parallel_loop3A_611 : memref<30x4x128xf32, #tpu.memory_space<vmem>>[vector<16xi32>, vector<16xi32>, vector<16xi32>], vector<16xf32>,
      } {sc.loop_unroll_factor = 1 : i64, sc.parallel_access}
      %jit3A = arith.constant 2 : i32
      %div3A = arith.divsi %add3A_338, %jit3A : i32
      %sign3A = arith.constant 0 : i32
      %sign3A_368 = arith.cmpi sgt, %add3A_338, %sign3A : i32
      %sign3A_369 = arith.extui %sign3A_368 : i1 to i32
      %sign3A_370 = arith.constant 0 : i32
      %sign3A_371 = arith.cmpi slt, %add3A_338, %sign3A_370 : i32
      %sign3A_372 = arith.extui %sign3A_371 : i1 to i32
      %sign3A_373 = arith.subi %sign3A_369, %sign3A_372 : i32
      %sign3A_374 = arith.constant 0 : i32
      %sign3A_375 = arith.cmpi sgt, %jit3A, %sign3A_374 : i32
      %sign3A_376 = arith.extui %sign3A_375 : i1 to i32
      %sign3A_377 = arith.constant 0 : i32
      %sign3A_378 = arith.cmpi slt, %jit3A, %sign3A_377 : i32
      %sign3A_379 = arith.extui %sign3A_378 : i1 to i32
      %sign3A_380 = arith.subi %sign3A_376, %sign3A_379 : i32
      %ne3A = arith.cmpi ne, %sign3A_373, %sign3A_380 : i32
      %rem3A = arith.remsi %add3A_338, %jit3A : i32
      %ne3A_381 = arith.constant 0 : i32
      %ne3A_382 = arith.cmpi ne, %rem3A, %ne3A_381 : i32
      %and3A_383 = arith.andi %ne3A, %ne3A_382 : i1
      %sub3A = arith.constant 1 : i32
      %sub3A_384 = arith.subi %div3A, %sub3A : i32
      %select_n3A = arith.select %and3A_383, %sub3A_384, %div3A : i32
      %jit3A_385 = arith.constant 2 : i32
      %eq3A = arith.constant 0 : i32
      %eq3A_386 = arith.cmpi eq, %jit3A_385, %eq3A : i32
      %jit3A_387 = arith.constant 1 : i32
      %select_n3A_388 = arith.select %eq3A_386, %jit3A_387, %jit3A_385 : i32
      %rem3A_389 = arith.remsi %add3A_338, %select_n3A_388 : i32
      %ne3A_390 = arith.constant 0 : i32
      %ne3A_391 = arith.cmpi ne, %rem3A_389, %ne3A_390 : i32
      %lt3A_392 = arith.constant 0 : i32
      %lt3A_393 = arith.cmpi slt, %rem3A_389, %lt3A_392 : i32
      %lt3A_394 = arith.constant 0 : i32
      %lt3A_395 = arith.cmpi slt, %select_n3A_388, %lt3A_394 : i32
      %ne3A_396 = arith.xori %lt3A_393, %lt3A_395 : i1
      %and3A_397 = arith.andi %ne3A_396, %ne3A_391 : i1
      %add3A_398 = arith.addi %rem3A_389, %select_n3A_388 : i32
      %select_n3A_399 = arith.select %and3A_397, %add3A_398, %rem3A_389 : i32
      %mul3A_400 = arith.constant 4 : i32
      %mul3A_401 = arith.muli %mul3A_400, %select_n3A_399 : i32
      %dma_start3A_402 = arith.constant 0 : i32
      %dma_start3A_403 = arith.constant 0 : i32
      %dma_start3A_404 = tpu.memref_slice %arg4[%dma_start3A_402, %select_n3A, %add3A, %mul3A_401, %dma_start3A_403] : memref<30x25x32x8x128xf32, #tpu.memory_space<hbm>> -> memref<30x1x1x4x128xf32, #tpu.memory_space<hbm>>
      %dma_start3A_405 = tpu.memref_squeeze %dma_start3A_404 : memref<30x1x1x4x128xf32, #tpu.memory_space<hbm>> -> memref<30x4x128xf32, #tpu.memory_space<hbm>>
      %dma_start3A_406 = arith.constant 0 : i32
      %dma_start3A_407 = arith.constant 0 : i32
      %dma_start3A_408 = tpu.memref_slice %arg4[%dma_start3A_406, %select_n3A, %add3A, %mul3A_401, %dma_start3A_407] : memref<30x25x32x8x128xf32, #tpu.memory_space<hbm>> -> memref<30x1x1x4x128xf32, #tpu.memory_space<hbm>>
      %dma_start3A_409 = tpu.memref_squeeze %dma_start3A_408 : memref<30x1x1x4x128xf32, #tpu.memory_space<hbm>> -> memref<30x4x128xf32, #tpu.memory_space<hbm>>
      tpu.enqueue_dma source(%arg10 : memref<30x4x128xf32, #tpu.memory_space<vmem>>) target(%dma_start3A_409 : memref<30x4x128xf32, #tpu.memory_space<hbm>>) target_semaphore(%arg16 : memref<!tpu.dma_semaphore, #tpu.memory_space<semaphore_mem>>)
      %mul3A_410 = arith.constant 2 : i32
      %mul3A_411 = arith.muli %mul3A_410, %scan3A_334 : i32
      %add3A_412 = arith.constant 1 : i32
      %add3A_413 = arith.addi %mul3A_411, %add3A_412 : i32
      %dma_wait3A_414 = arith.constant 0 : i32
      %dma_wait3A_415 = arith.constant 0 : i32
      %dma_wait3A_416 = tpu.memref_slice %arg9[%dma_wait3A_414, %dma_wait3A_415] : memref<512x32xf32, #tpu.memory_space<vmem>> -> memref<256x32xf32, #tpu.memory_space<vmem>>
      %dma_wait3A_417 = arith.constant 0 : i32
      %dma_wait3A_418 = tpu.memref_slice %arg7[%dma_wait3A_417] : memref<512xi32, #tpu.memory_space<vmem>> -> memref<256xi32, #tpu.memory_space<vmem>>
      %dma_wait3A_419 = arith.constant 0 : i32
      %dma_wait3A_420 = arith.constant 0 : i32
      %dma_wait3A_421 = tpu.memref_slice %arg3[%dma_wait3A_419, %dma_wait3A_420] : memref<100000x32xf32, #tpu.memory_space<hbm>> -> memref<100000x32xf32, #tpu.memory_space<hbm>>
      tpu.wait_indirect_dma semaphore(%arg13 : memref<!tpu.dma_semaphore, #tpu.memory_space<semaphore_mem>>) src(%dma_wait3A_421 : memref<100000x32xf32, #tpu.memory_space<hbm>>) dst(%dma_wait3A_416 : memref<256x32xf32, #tpu.memory_space<vmem>>)
      %dma_wait3A_422 = arith.constant 256 : i32
      %dma_wait3A_423 = arith.constant 0 : i32
      %dma_wait3A_424 = tpu.memref_slice %arg9[%dma_wait3A_422, %dma_wait3A_423] : memref<512x32xf32, #tpu.memory_space<vmem>> -> memref<256x32xf32, #tpu.memory_space<vmem>>
      %dma_wait3A_425 = arith.constant 0 : i32
      %dma_wait3A_426 = tpu.memref_slice %arg7[%dma_wait3A_425] : memref<512xi32, #tpu.memory_space<vmem>> -> memref<256xi32, #tpu.memory_space<vmem>>
      %dma_wait3A_427 = arith.constant 0 : i32
      %dma_wait3A_428 = arith.constant 0 : i32
      %dma_wait3A_429 = tpu.memref_slice %arg3[%dma_wait3A_427, %dma_wait3A_428] : memref<100000x32xf32, #tpu.memory_space<hbm>> -> memref<100000x32xf32, #tpu.memory_space<hbm>>
      tpu.wait_indirect_dma semaphore(%arg15 : memref<!tpu.dma_semaphore, #tpu.memory_space<semaphore_mem>>) src(%dma_wait3A_429 : memref<100000x32xf32, #tpu.memory_space<hbm>>) dst(%dma_wait3A_424 : memref<256x32xf32, #tpu.memory_space<vmem>>)
      %add3A_430 = arith.constant 1 : i32
      %add3A_431 = arith.addi %add3A_413, %add3A_430 : i32
      %lt3A_432 = arith.constant 50 : i32
      %lt3A_433 = arith.cmpi slt, %add3A_431, %lt3A_432 : i32
      %convert_element_type3A_434 = arith.extui %lt3A_433 : i1 to i32
      %cond3A_435 = arith.constant 0 : i32
      %cond3A_436 = arith.cmpi ne, %convert_element_type3A_434, %cond3A_435 : i32
      scf.if %cond3A_436 {
        %add3A_498 = arith.constant 1 : i32
        %add3A_499 = arith.addi %add3A_413, %add3A_498 : i32
        %jit3A_500 = arith.constant 2 : i32
        %div3A_501 = arith.divsi %add3A_499, %jit3A_500 : i32
        %sign3A_502 = arith.constant 0 : i32
        %sign3A_503 = arith.cmpi sgt, %add3A_499, %sign3A_502 : i32
        %sign3A_504 = arith.extui %sign3A_503 : i1 to i32
        %sign3A_505 = arith.constant 0 : i32
        %sign3A_506 = arith.cmpi slt, %add3A_499, %sign3A_505 : i32
        %sign3A_507 = arith.extui %sign3A_506 : i1 to i32
        %sign3A_508 = arith.subi %sign3A_504, %sign3A_507 : i32
        %sign3A_509 = arith.constant 0 : i32
        %sign3A_510 = arith.cmpi sgt, %jit3A_500, %sign3A_509 : i32
        %sign3A_511 = arith.extui %sign3A_510 : i1 to i32
        %sign3A_512 = arith.constant 0 : i32
        %sign3A_513 = arith.cmpi slt, %jit3A_500, %sign3A_512 : i32
        %sign3A_514 = arith.extui %sign3A_513 : i1 to i32
        %sign3A_515 = arith.subi %sign3A_511, %sign3A_514 : i32
        %ne3A_516 = arith.cmpi ne, %sign3A_508, %sign3A_515 : i32
        %rem3A_517 = arith.remsi %add3A_499, %jit3A_500 : i32
        %ne3A_518 = arith.constant 0 : i32
        %ne3A_519 = arith.cmpi ne, %rem3A_517, %ne3A_518 : i32
        %and3A_520 = arith.andi %ne3A_516, %ne3A_519 : i1
        %sub3A_521 = arith.constant 1 : i32
        %sub3A_522 = arith.subi %div3A_501, %sub3A_521 : i32
        %select_n3A_523 = arith.select %and3A_520, %sub3A_522, %div3A_501 : i32
        %mul3A_524 = arith.constant 8 : i32
        %mul3A_525 = arith.muli %select_n3A_523, %mul3A_524 : i32
        %jit3A_526 = arith.constant 2 : i32
        %eq3A_527 = arith.constant 0 : i32
        %eq3A_528 = arith.cmpi eq, %jit3A_526, %eq3A_527 : i32
        %jit3A_529 = arith.constant 1 : i32
        %select_n3A_530 = arith.select %eq3A_528, %jit3A_529, %jit3A_526 : i32
        %rem3A_531 = arith.remsi %add3A_499, %select_n3A_530 : i32
        %ne3A_532 = arith.constant 0 : i32
        %ne3A_533 = arith.cmpi ne, %rem3A_531, %ne3A_532 : i32
        %lt3A_534 = arith.constant 0 : i32
        %lt3A_535 = arith.cmpi slt, %rem3A_531, %lt3A_534 : i32
        %lt3A_536 = arith.constant 0 : i32
        %lt3A_537 = arith.cmpi slt, %select_n3A_530, %lt3A_536 : i32
        %ne3A_538 = arith.xori %lt3A_535, %lt3A_537 : i1
        %and3A_539 = arith.andi %ne3A_538, %ne3A_533 : i1
        %add3A_540 = arith.addi %rem3A_531, %select_n3A_530 : i32
        %select_n3A_541 = arith.select %and3A_539, %add3A_540, %rem3A_531 : i32
        %mul3A_542 = arith.constant 4 : i32
        %mul3A_543 = arith.muli %select_n3A_541, %mul3A_542 : i32
        %add3A_544 = arith.addi %mul3A_525, %mul3A_543 : i32
        %add3A_545 = arith.constant 0 : i32
        %add3A_546 = arith.addi %add3A_545, %add3A_544 : i32
        %add3A_547 = arith.constant 0 : i32
        %add3A_548 = arith.addi %add3A_546, %add3A_547 : i32
        %add3A_549 = vector.broadcast %add3A_548 : i32 to vector<16xi32>
        %add3A_550 = arith.addi %mul3A_5, %add3A_549 : vector<16xi32>
        %gather3A_551 = tpu.vector_load_idx %arg5[%add3A_550] : memref<25600xi32, #tpu.memory_space<vmem>>[vector<16xi32>], vector<16xi32>,
        %swap3A_552 = arith.constant 0 : index
        %swap3A_553 = tpu.vector_load %arg6[%swap3A_552] {strides = array<i32>} : memref<512xi32, #tpu.memory_space<vmem>>, vector<16xi32>,
        tpu.vector_store %arg6[%swap3A_552], %gather3A_551 {strides = array<i32>} : memref<512xi32, #tpu.memory_space<vmem>>, vector<16xi32>,
        %add3A_554 = arith.constant 3200 : i32
        %add3A_555 = arith.addi %add3A_554, %add3A_544 : i32
        %add3A_556 = arith.constant 0 : i32
        %add3A_557 = arith.addi %add3A_555, %add3A_556 : i32
        %add3A_558 = vector.broadcast %add3A_557 : i32 to vector<16xi32>
        %add3A_559 = arith.addi %mul3A_5, %add3A_558 : vector<16xi32>
        %gather3A_560 = tpu.vector_load_idx %arg5[%add3A_559] : memref<25600xi32, #tpu.memory_space<vmem>>[vector<16xi32>], vector<16xi32>,
        %swap3A_561 = arith.constant 16 : index
        %swap3A_562 = tpu.vector_load %arg6[%swap3A_561] {strides = array<i32>} : memref<512xi32, #tpu.memory_space<vmem>>, vector<16xi32>,
        tpu.vector_store %arg6[%swap3A_561], %gather3A_560 {strides = array<i32>} : memref<512xi32, #tpu.memory_space<vmem>>, vector<16xi32>,
        %add3A_563 = arith.constant 6400 : i32
        %add3A_564 = arith.addi %add3A_563, %add3A_544 : i32
        %add3A_565 = arith.constant 0 : i32
        %add3A_566 = arith.addi %add3A_564, %add3A_565 : i32
        %add3A_567 = vector.broadcast %add3A_566 : i32 to vector<16xi32>
        %add3A_568 = arith.addi %mul3A_5, %add3A_567 : vector<16xi32>
        %gather3A_569 = tpu.vector_load_idx %arg5[%add3A_568] : memref<25600xi32, #tpu.memory_space<vmem>>[vector<16xi32>], vector<16xi32>,
        %swap3A_570 = arith.constant 32 : index
        %swap3A_571 = tpu.vector_load %arg6[%swap3A_570] {strides = array<i32>} : memref<512xi32, #tpu.memory_space<vmem>>, vector<16xi32>,
        tpu.vector_store %arg6[%swap3A_570], %gather3A_569 {strides = array<i32>} : memref<512xi32, #tpu.memory_space<vmem>>, vector<16xi32>,
        %add3A_572 = arith.constant 9600 : i32
        %add3A_573 = arith.addi %add3A_572, %add3A_544 : i32
        %add3A_574 = arith.constant 0 : i32
        %add3A_575 = arith.addi %add3A_573, %add3A_574 : i32
        %add3A_576 = vector.broadcast %add3A_575 : i32 to vector<16xi32>
        %add3A_577 = arith.addi %mul3A_5, %add3A_576 : vector<16xi32>
        %gather3A_578 = tpu.vector_load_idx %arg5[%add3A_577] : memref<25600xi32, #tpu.memory_space<vmem>>[vector<16xi32>], vector<16xi32>,
        %swap3A_579 = arith.constant 48 : index
        %swap3A_580 = tpu.vector_load %arg6[%swap3A_579] {strides = array<i32>} : memref<512xi32, #tpu.memory_space<vmem>>, vector<16xi32>,
        tpu.vector_store %arg6[%swap3A_579], %gather3A_578 {strides = array<i32>} : memref<512xi32, #tpu.memory_space<vmem>>, vector<16xi32>,
        %add3A_581 = arith.constant 12800 : i32
        %add3A_582 = arith.addi %add3A_581, %add3A_544 : i32
        %add3A_583 = arith.constant 0 : i32
        %add3A_584 = arith.addi %add3A_582, %add3A_583 : i32
        %add3A_585 = vector.broadcast %add3A_584 : i32 to vector<16xi32>
        %add3A_586 = arith.addi %mul3A_5, %add3A_585 : vector<16xi32>
        %gather3A_587 = tpu.vector_load_idx %arg5[%add3A_586] : memref<25600xi32, #tpu.memory_space<vmem>>[vector<16xi32>], vector<16xi32>,
        %swap3A_588 = arith.constant 64 : index
        %swap3A_589 = tpu.vector_load %arg6[%swap3A_588] {strides = array<i32>} : memref<512xi32, #tpu.memory_space<vmem>>, vector<16xi32>,
        tpu.vector_store %arg6[%swap3A_588], %gather3A_587 {strides = array<i32>} : memref<512xi32, #tpu.memory_space<vmem>>, vector<16xi32>,
        %add3A_590 = arith.constant 16000 : i32
        %add3A_591 = arith.addi %add3A_590, %add3A_544 : i32
        %add3A_592 = arith.constant 0 : i32
        %add3A_593 = arith.addi %add3A_591, %add3A_592 : i32
        %add3A_594 = vector.broadcast %add3A_593 : i32 to vector<16xi32>
        %add3A_595 = arith.addi %mul3A_5, %add3A_594 : vector<16xi32>
        %gather3A_596 = tpu.vector_load_idx %arg5[%add3A_595] : memref<25600xi32, #tpu.memory_space<vmem>>[vector<16xi32>], vector<16xi32>,
        %swap3A_597 = arith.constant 80 : index
        %swap3A_598 = tpu.vector_load %arg6[%swap3A_597] {strides = array<i32>} : memref<512xi32, #tpu.memory_space<vmem>>, vector<16xi32>,
        tpu.vector_store %arg6[%swap3A_597], %gather3A_596 {strides = array<i32>} : memref<512xi32, #tpu.memory_space<vmem>>, vector<16xi32>,
        %add3A_599 = arith.constant 19200 : i32
        %add3A_600 = arith.addi %add3A_599, %add3A_544 : i32
        %add3A_601 = arith.constant 0 : i32
        %add3A_602 = arith.addi %add3A_600, %add3A_601 : i32
        %add3A_603 = vector.broadcast %add3A_602 : i32 to vector<16xi32>
        %add3A_604 = arith.addi %mul3A_5, %add3A_603 : vector<16xi32>
        %gather3A_605 = tpu.vector_load_idx %arg5[%add3A_604] : memref<25600xi32, #tpu.memory_space<vmem>>[vector<16xi32>], vector<16xi32>,
        %swap3A_606 = arith.constant 96 : index
        %swap3A_607 = tpu.vector_load %arg6[%swap3A_606] {strides = array<i32>} : memref<512xi32, #tpu.memory_space<vmem>>, vector<16xi32>,
        tpu.vector_store %arg6[%swap3A_606], %gather3A_605 {strides = array<i32>} : memref<512xi32, #tpu.memory_space<vmem>>, vector<16xi32>,
        %add3A_608 = arith.constant 22400 : i32
        %add3A_609 = arith.addi %add3A_608, %add3A_544 : i32
        %add3A_610 = arith.constant 0 : i32
        %add3A_611 = arith.addi %add3A_609, %add3A_610 : i32
        %add3A_612 = vector.broadcast %add3A_611 : i32 to vector<16xi32>
        %add3A_613 = arith.addi %mul3A_5, %add3A_612 : vector<16xi32>
        %gather3A_614 = tpu.vector_load_idx %arg5[%add3A_613] : memref<25600xi32, #tpu.memory_space<vmem>>[vector<16xi32>], vector<16xi32>,
        %swap3A_615 = arith.constant 112 : index
        %swap3A_616 = tpu.vector_load %arg6[%swap3A_615] {strides = array<i32>} : memref<512xi32, #tpu.memory_space<vmem>>, vector<16xi32>,
        tpu.vector_store %arg6[%swap3A_615], %gather3A_614 {strides = array<i32>} : memref<512xi32, #tpu.memory_space<vmem>>, vector<16xi32>,
        %add3A_617 = arith.constant 0 : i32
        %add3A_618 = arith.addi %add3A_617, %add3A_544 : i32
        %add3A_619 = arith.constant 1 : i32
        %add3A_620 = arith.addi %add3A_618, %add3A_619 : i32
        %add3A_621 = vector.broadcast %add3A_620 : i32 to vector<16xi32>
        %add3A_622 = arith.addi %mul3A_5, %add3A_621 : vector<16xi32>
        %gather3A_623 = tpu.vector_load_idx %arg5[%add3A_622] : memref<25600xi32, #tpu.memory_space<vmem>>[vector<16xi32>], vector<16xi32>,
        %swap3A_624 = arith.constant 128 : index
        %swap3A_625 = tpu.vector_load %arg6[%swap3A_624] {strides = array<i32>} : memref<512xi32, #tpu.memory_space<vmem>>, vector<16xi32>,
        tpu.vector_store %arg6[%swap3A_624], %gather3A_623 {strides = array<i32>} : memref<512xi32, #tpu.memory_space<vmem>>, vector<16xi32>,
        %add3A_626 = arith.constant 3200 : i32
        %add3A_627 = arith.addi %add3A_626, %add3A_544 : i32
        %add3A_628 = arith.constant 1 : i32
        %add3A_629 = arith.addi %add3A_627, %add3A_628 : i32
        %add3A_630 = vector.broadcast %add3A_629 : i32 to vector<16xi32>
        %add3A_631 = arith.addi %mul3A_5, %add3A_630 : vector<16xi32>
        %gather3A_632 = tpu.vector_load_idx %arg5[%add3A_631] : memref<25600xi32, #tpu.memory_space<vmem>>[vector<16xi32>], vector<16xi32>,
        %swap3A_633 = arith.constant 144 : index
        %swap3A_634 = tpu.vector_load %arg6[%swap3A_633] {strides = array<i32>} : memref<512xi32, #tpu.memory_space<vmem>>, vector<16xi32>,
        tpu.vector_store %arg6[%swap3A_633], %gather3A_632 {strides = array<i32>} : memref<512xi32, #tpu.memory_space<vmem>>, vector<16xi32>,
        %add3A_635 = arith.constant 6400 : i32
        %add3A_636 = arith.addi %add3A_635, %add3A_544 : i32
        %add3A_637 = arith.constant 1 : i32
        %add3A_638 = arith.addi %add3A_636, %add3A_637 : i32
        %add3A_639 = vector.broadcast %add3A_638 : i32 to vector<16xi32>
        %add3A_640 = arith.addi %mul3A_5, %add3A_639 : vector<16xi32>
        %gather3A_641 = tpu.vector_load_idx %arg5[%add3A_640] : memref<25600xi32, #tpu.memory_space<vmem>>[vector<16xi32>], vector<16xi32>,
        %swap3A_642 = arith.constant 160 : index
        %swap3A_643 = tpu.vector_load %arg6[%swap3A_642] {strides = array<i32>} : memref<512xi32, #tpu.memory_space<vmem>>, vector<16xi32>,
        tpu.vector_store %arg6[%swap3A_642], %gather3A_641 {strides = array<i32>} : memref<512xi32, #tpu.memory_space<vmem>>, vector<16xi32>,
        %add3A_644 = arith.constant 9600 : i32
        %add3A_645 = arith.addi %add3A_644, %add3A_544 : i32
        %add3A_646 = arith.constant 1 : i32
        %add3A_647 = arith.addi %add3A_645, %add3A_646 : i32
        %add3A_648 = vector.broadcast %add3A_647 : i32 to vector<16xi32>
        %add3A_649 = arith.addi %mul3A_5, %add3A_648 : vector<16xi32>
        %gather3A_650 = tpu.vector_load_idx %arg5[%add3A_649] : memref<25600xi32, #tpu.memory_space<vmem>>[vector<16xi32>], vector<16xi32>,
        %swap3A_651 = arith.constant 176 : index
        %swap3A_652 = tpu.vector_load %arg6[%swap3A_651] {strides = array<i32>} : memref<512xi32, #tpu.memory_space<vmem>>, vector<16xi32>,
        tpu.vector_store %arg6[%swap3A_651], %gather3A_650 {strides = array<i32>} : memref<512xi32, #tpu.memory_space<vmem>>, vector<16xi32>,
        %add3A_653 = arith.constant 12800 : i32
        %add3A_654 = arith.addi %add3A_653, %add3A_544 : i32
        %add3A_655 = arith.constant 1 : i32
        %add3A_656 = arith.addi %add3A_654, %add3A_655 : i32
        %add3A_657 = vector.broadcast %add3A_656 : i32 to vector<16xi32>
        %add3A_658 = arith.addi %mul3A_5, %add3A_657 : vector<16xi32>
        %gather3A_659 = tpu.vector_load_idx %arg5[%add3A_658] : memref<25600xi32, #tpu.memory_space<vmem>>[vector<16xi32>], vector<16xi32>,
        %swap3A_660 = arith.constant 192 : index
        %swap3A_661 = tpu.vector_load %arg6[%swap3A_660] {strides = array<i32>} : memref<512xi32, #tpu.memory_space<vmem>>, vector<16xi32>,
        tpu.vector_store %arg6[%swap3A_660], %gather3A_659 {strides = array<i32>} : memref<512xi32, #tpu.memory_space<vmem>>, vector<16xi32>,
        %add3A_662 = arith.constant 16000 : i32
        %add3A_663 = arith.addi %add3A_662, %add3A_544 : i32
        %add3A_664 = arith.constant 1 : i32
        %add3A_665 = arith.addi %add3A_663, %add3A_664 : i32
        %add3A_666 = vector.broadcast %add3A_665 : i32 to vector<16xi32>
        %add3A_667 = arith.addi %mul3A_5, %add3A_666 : vector<16xi32>
        %gather3A_668 = tpu.vector_load_idx %arg5[%add3A_667] : memref<25600xi32, #tpu.memory_space<vmem>>[vector<16xi32>], vector<16xi32>,
        %swap3A_669 = arith.constant 208 : index
        %swap3A_670 = tpu.vector_load %arg6[%swap3A_669] {strides = array<i32>} : memref<512xi32, #tpu.memory_space<vmem>>, vector<16xi32>,
        tpu.vector_store %arg6[%swap3A_669], %gather3A_668 {strides = array<i32>} : memref<512xi32, #tpu.memory_space<vmem>>, vector<16xi32>,
        %add3A_671 = arith.constant 19200 : i32
        %add3A_672 = arith.addi %add3A_671, %add3A_544 : i32
        %add3A_673 = arith.constant 1 : i32
        %add3A_674 = arith.addi %add3A_672, %add3A_673 : i32
        %add3A_675 = vector.broadcast %add3A_674 : i32 to vector<16xi32>
        %add3A_676 = arith.addi %mul3A_5, %add3A_675 : vector<16xi32>
        %gather3A_677 = tpu.vector_load_idx %arg5[%add3A_676] : memref<25600xi32, #tpu.memory_space<vmem>>[vector<16xi32>], vector<16xi32>,
        %swap3A_678 = arith.constant 224 : index
        %swap3A_679 = tpu.vector_load %arg6[%swap3A_678] {strides = array<i32>} : memref<512xi32, #tpu.memory_space<vmem>>, vector<16xi32>,
        tpu.vector_store %arg6[%swap3A_678], %gather3A_677 {strides = array<i32>} : memref<512xi32, #tpu.memory_space<vmem>>, vector<16xi32>,
        %add3A_680 = arith.constant 22400 : i32
        %add3A_681 = arith.addi %add3A_680, %add3A_544 : i32
        %add3A_682 = arith.constant 1 : i32
        %add3A_683 = arith.addi %add3A_681, %add3A_682 : i32
        %add3A_684 = vector.broadcast %add3A_683 : i32 to vector<16xi32>
        %add3A_685 = arith.addi %mul3A_5, %add3A_684 : vector<16xi32>
        %gather3A_686 = tpu.vector_load_idx %arg5[%add3A_685] : memref<25600xi32, #tpu.memory_space<vmem>>[vector<16xi32>], vector<16xi32>,
        %swap3A_687 = arith.constant 240 : index
        %swap3A_688 = tpu.vector_load %arg6[%swap3A_687] {strides = array<i32>} : memref<512xi32, #tpu.memory_space<vmem>>, vector<16xi32>,
        tpu.vector_store %arg6[%swap3A_687], %gather3A_686 {strides = array<i32>} : memref<512xi32, #tpu.memory_space<vmem>>, vector<16xi32>,
        %add3A_689 = arith.constant 0 : i32
        %add3A_690 = arith.addi %add3A_689, %add3A_544 : i32
        %add3A_691 = arith.constant 2 : i32
        %add3A_692 = arith.addi %add3A_690, %add3A_691 : i32
        %add3A_693 = vector.broadcast %add3A_692 : i32 to vector<16xi32>
        %add3A_694 = arith.addi %mul3A_5, %add3A_693 : vector<16xi32>
        %gather3A_695 = tpu.vector_load_idx %arg5[%add3A_694] : memref<25600xi32, #tpu.memory_space<vmem>>[vector<16xi32>], vector<16xi32>,
        %swap3A_696 = arith.constant 256 : index
        %swap3A_697 = tpu.vector_load %arg6[%swap3A_696] {strides = array<i32>} : memref<512xi32, #tpu.memory_space<vmem>>, vector<16xi32>,
        tpu.vector_store %arg6[%swap3A_696], %gather3A_695 {strides = array<i32>} : memref<512xi32, #tpu.memory_space<vmem>>, vector<16xi32>,
        %add3A_698 = arith.constant 3200 : i32
        %add3A_699 = arith.addi %add3A_698, %add3A_544 : i32
        %add3A_700 = arith.constant 2 : i32
        %add3A_701 = arith.addi %add3A_699, %add3A_700 : i32
        %add3A_702 = vector.broadcast %add3A_701 : i32 to vector<16xi32>
        %add3A_703 = arith.addi %mul3A_5, %add3A_702 : vector<16xi32>
        %gather3A_704 = tpu.vector_load_idx %arg5[%add3A_703] : memref<25600xi32, #tpu.memory_space<vmem>>[vector<16xi32>], vector<16xi32>,
        %swap3A_705 = arith.constant 272 : index
        %swap3A_706 = tpu.vector_load %arg6[%swap3A_705] {strides = array<i32>} : memref<512xi32, #tpu.memory_space<vmem>>, vector<16xi32>,
        tpu.vector_store %arg6[%swap3A_705], %gather3A_704 {strides = array<i32>} : memref<512xi32, #tpu.memory_space<vmem>>, vector<16xi32>,
        %add3A_707 = arith.constant 6400 : i32
        %add3A_708 = arith.addi %add3A_707, %add3A_544 : i32
        %add3A_709 = arith.constant 2 : i32
        %add3A_710 = arith.addi %add3A_708, %add3A_709 : i32
        %add3A_711 = vector.broadcast %add3A_710 : i32 to vector<16xi32>
        %add3A_712 = arith.addi %mul3A_5, %add3A_711 : vector<16xi32>
        %gather3A_713 = tpu.vector_load_idx %arg5[%add3A_712] : memref<25600xi32, #tpu.memory_space<vmem>>[vector<16xi32>], vector<16xi32>,
        %swap3A_714 = arith.constant 288 : index
        %swap3A_715 = tpu.vector_load %arg6[%swap3A_714] {strides = array<i32>} : memref<512xi32, #tpu.memory_space<vmem>>, vector<16xi32>,
        tpu.vector_store %arg6[%swap3A_714], %gather3A_713 {strides = array<i32>} : memref<512xi32, #tpu.memory_space<vmem>>, vector<16xi32>,
        %add3A_716 = arith.constant 9600 : i32
        %add3A_717 = arith.addi %add3A_716, %add3A_544 : i32
        %add3A_718 = arith.constant 2 : i32
        %add3A_719 = arith.addi %add3A_717, %add3A_718 : i32
        %add3A_720 = vector.broadcast %add3A_719 : i32 to vector<16xi32>
        %add3A_721 = arith.addi %mul3A_5, %add3A_720 : vector<16xi32>
        %gather3A_722 = tpu.vector_load_idx %arg5[%add3A_721] : memref<25600xi32, #tpu.memory_space<vmem>>[vector<16xi32>], vector<16xi32>,
        %swap3A_723 = arith.constant 304 : index
        %swap3A_724 = tpu.vector_load %arg6[%swap3A_723] {strides = array<i32>} : memref<512xi32, #tpu.memory_space<vmem>>, vector<16xi32>,
        tpu.vector_store %arg6[%swap3A_723], %gather3A_722 {strides = array<i32>} : memref<512xi32, #tpu.memory_space<vmem>>, vector<16xi32>,
        %add3A_725 = arith.constant 12800 : i32
        %add3A_726 = arith.addi %add3A_725, %add3A_544 : i32
        %add3A_727 = arith.constant 2 : i32
        %add3A_728 = arith.addi %add3A_726, %add3A_727 : i32
        %add3A_729 = vector.broadcast %add3A_728 : i32 to vector<16xi32>
        %add3A_730 = arith.addi %mul3A_5, %add3A_729 : vector<16xi32>
        %gather3A_731 = tpu.vector_load_idx %arg5[%add3A_730] : memref<25600xi32, #tpu.memory_space<vmem>>[vector<16xi32>], vector<16xi32>,
        %swap3A_732 = arith.constant 320 : index
        %swap3A_733 = tpu.vector_load %arg6[%swap3A_732] {strides = array<i32>} : memref<512xi32, #tpu.memory_space<vmem>>, vector<16xi32>,
        tpu.vector_store %arg6[%swap3A_732], %gather3A_731 {strides = array<i32>} : memref<512xi32, #tpu.memory_space<vmem>>, vector<16xi32>,
        %add3A_734 = arith.constant 16000 : i32
        %add3A_735 = arith.addi %add3A_734, %add3A_544 : i32
        %add3A_736 = arith.constant 2 : i32
        %add3A_737 = arith.addi %add3A_735, %add3A_736 : i32
        %add3A_738 = vector.broadcast %add3A_737 : i32 to vector<16xi32>
        %add3A_739 = arith.addi %mul3A_5, %add3A_738 : vector<16xi32>
        %gather3A_740 = tpu.vector_load_idx %arg5[%add3A_739] : memref<25600xi32, #tpu.memory_space<vmem>>[vector<16xi32>], vector<16xi32>,
        %swap3A_741 = arith.constant 336 : index
        %swap3A_742 = tpu.vector_load %arg6[%swap3A_741] {strides = array<i32>} : memref<512xi32, #tpu.memory_space<vmem>>, vector<16xi32>,
        tpu.vector_store %arg6[%swap3A_741], %gather3A_740 {strides = array<i32>} : memref<512xi32, #tpu.memory_space<vmem>>, vector<16xi32>,
        %add3A_743 = arith.constant 19200 : i32
        %add3A_744 = arith.addi %add3A_743, %add3A_544 : i32
        %add3A_745 = arith.constant 2 : i32
        %add3A_746 = arith.addi %add3A_744, %add3A_745 : i32
        %add3A_747 = vector.broadcast %add3A_746 : i32 to vector<16xi32>
        %add3A_748 = arith.addi %mul3A_5, %add3A_747 : vector<16xi32>
        %gather3A_749 = tpu.vector_load_idx %arg5[%add3A_748] : memref<25600xi32, #tpu.memory_space<vmem>>[vector<16xi32>], vector<16xi32>,
        %swap3A_750 = arith.constant 352 : index
        %swap3A_751 = tpu.vector_load %arg6[%swap3A_750] {strides = array<i32>} : memref<512xi32, #tpu.memory_space<vmem>>, vector<16xi32>,
        tpu.vector_store %arg6[%swap3A_750], %gather3A_749 {strides = array<i32>} : memref<512xi32, #tpu.memory_space<vmem>>, vector<16xi32>,
        %add3A_752 = arith.constant 22400 : i32
        %add3A_753 = arith.addi %add3A_752, %add3A_544 : i32
        %add3A_754 = arith.constant 2 : i32
        %add3A_755 = arith.addi %add3A_753, %add3A_754 : i32
        %add3A_756 = vector.broadcast %add3A_755 : i32 to vector<16xi32>
        %add3A_757 = arith.addi %mul3A_5, %add3A_756 : vector<16xi32>
        %gather3A_758 = tpu.vector_load_idx %arg5[%add3A_757] : memref<25600xi32, #tpu.memory_space<vmem>>[vector<16xi32>], vector<16xi32>,
        %swap3A_759 = arith.constant 368 : index
        %swap3A_760 = tpu.vector_load %arg6[%swap3A_759] {strides = array<i32>} : memref<512xi32, #tpu.memory_space<vmem>>, vector<16xi32>,
        tpu.vector_store %arg6[%swap3A_759], %gather3A_758 {strides = array<i32>} : memref<512xi32, #tpu.memory_space<vmem>>, vector<16xi32>,
        %add3A_761 = arith.constant 0 : i32
        %add3A_762 = arith.addi %add3A_761, %add3A_544 : i32
        %add3A_763 = arith.constant 3 : i32
        %add3A_764 = arith.addi %add3A_762, %add3A_763 : i32
        %add3A_765 = vector.broadcast %add3A_764 : i32 to vector<16xi32>
        %add3A_766 = arith.addi %mul3A_5, %add3A_765 : vector<16xi32>
        %gather3A_767 = tpu.vector_load_idx %arg5[%add3A_766] : memref<25600xi32, #tpu.memory_space<vmem>>[vector<16xi32>], vector<16xi32>,
        %swap3A_768 = arith.constant 384 : index
        %swap3A_769 = tpu.vector_load %arg6[%swap3A_768] {strides = array<i32>} : memref<512xi32, #tpu.memory_space<vmem>>, vector<16xi32>,
        tpu.vector_store %arg6[%swap3A_768], %gather3A_767 {strides = array<i32>} : memref<512xi32, #tpu.memory_space<vmem>>, vector<16xi32>,
        %add3A_770 = arith.constant 3200 : i32
        %add3A_771 = arith.addi %add3A_770, %add3A_544 : i32
        %add3A_772 = arith.constant 3 : i32
        %add3A_773 = arith.addi %add3A_771, %add3A_772 : i32
        %add3A_774 = vector.broadcast %add3A_773 : i32 to vector<16xi32>
        %add3A_775 = arith.addi %mul3A_5, %add3A_774 : vector<16xi32>
        %gather3A_776 = tpu.vector_load_idx %arg5[%add3A_775] : memref<25600xi32, #tpu.memory_space<vmem>>[vector<16xi32>], vector<16xi32>,
        %swap3A_777 = arith.constant 400 : index
        %swap3A_778 = tpu.vector_load %arg6[%swap3A_777] {strides = array<i32>} : memref<512xi32, #tpu.memory_space<vmem>>, vector<16xi32>,
        tpu.vector_store %arg6[%swap3A_777], %gather3A_776 {strides = array<i32>} : memref<512xi32, #tpu.memory_space<vmem>>, vector<16xi32>,
        %add3A_779 = arith.constant 6400 : i32
        %add3A_780 = arith.addi %add3A_779, %add3A_544 : i32
        %add3A_781 = arith.constant 3 : i32
        %add3A_782 = arith.addi %add3A_780, %add3A_781 : i32
        %add3A_783 = vector.broadcast %add3A_782 : i32 to vector<16xi32>
        %add3A_784 = arith.addi %mul3A_5, %add3A_783 : vector<16xi32>
        %gather3A_785 = tpu.vector_load_idx %arg5[%add3A_784] : memref<25600xi32, #tpu.memory_space<vmem>>[vector<16xi32>], vector<16xi32>,
        %swap3A_786 = arith.constant 416 : index
        %swap3A_787 = tpu.vector_load %arg6[%swap3A_786] {strides = array<i32>} : memref<512xi32, #tpu.memory_space<vmem>>, vector<16xi32>,
        tpu.vector_store %arg6[%swap3A_786], %gather3A_785 {strides = array<i32>} : memref<512xi32, #tpu.memory_space<vmem>>, vector<16xi32>,
        %add3A_788 = arith.constant 9600 : i32
        %add3A_789 = arith.addi %add3A_788, %add3A_544 : i32
        %add3A_790 = arith.constant 3 : i32
        %add3A_791 = arith.addi %add3A_789, %add3A_790 : i32
        %add3A_792 = vector.broadcast %add3A_791 : i32 to vector<16xi32>
        %add3A_793 = arith.addi %mul3A_5, %add3A_792 : vector<16xi32>
        %gather3A_794 = tpu.vector_load_idx %arg5[%add3A_793] : memref<25600xi32, #tpu.memory_space<vmem>>[vector<16xi32>], vector<16xi32>,
        %swap3A_795 = arith.constant 432 : index
        %swap3A_796 = tpu.vector_load %arg6[%swap3A_795] {strides = array<i32>} : memref<512xi32, #tpu.memory_space<vmem>>, vector<16xi32>,
        tpu.vector_store %arg6[%swap3A_795], %gather3A_794 {strides = array<i32>} : memref<512xi32, #tpu.memory_space<vmem>>, vector<16xi32>,
        %add3A_797 = arith.constant 12800 : i32
        %add3A_798 = arith.addi %add3A_797, %add3A_544 : i32
        %add3A_799 = arith.constant 3 : i32
        %add3A_800 = arith.addi %add3A_798, %add3A_799 : i32
        %add3A_801 = vector.broadcast %add3A_800 : i32 to vector<16xi32>
        %add3A_802 = arith.addi %mul3A_5, %add3A_801 : vector<16xi32>
        %gather3A_803 = tpu.vector_load_idx %arg5[%add3A_802] : memref<25600xi32, #tpu.memory_space<vmem>>[vector<16xi32>], vector<16xi32>,
        %swap3A_804 = arith.constant 448 : index
        %swap3A_805 = tpu.vector_load %arg6[%swap3A_804] {strides = array<i32>} : memref<512xi32, #tpu.memory_space<vmem>>, vector<16xi32>,
        tpu.vector_store %arg6[%swap3A_804], %gather3A_803 {strides = array<i32>} : memref<512xi32, #tpu.memory_space<vmem>>, vector<16xi32>,
        %add3A_806 = arith.constant 16000 : i32
        %add3A_807 = arith.addi %add3A_806, %add3A_544 : i32
        %add3A_808 = arith.constant 3 : i32
        %add3A_809 = arith.addi %add3A_807, %add3A_808 : i32
        %add3A_810 = vector.broadcast %add3A_809 : i32 to vector<16xi32>
        %add3A_811 = arith.addi %mul3A_5, %add3A_810 : vector<16xi32>
        %gather3A_812 = tpu.vector_load_idx %arg5[%add3A_811] : memref<25600xi32, #tpu.memory_space<vmem>>[vector<16xi32>], vector<16xi32>,
        %swap3A_813 = arith.constant 464 : index
        %swap3A_814 = tpu.vector_load %arg6[%swap3A_813] {strides = array<i32>} : memref<512xi32, #tpu.memory_space<vmem>>, vector<16xi32>,
        tpu.vector_store %arg6[%swap3A_813], %gather3A_812 {strides = array<i32>} : memref<512xi32, #tpu.memory_space<vmem>>, vector<16xi32>,
        %add3A_815 = arith.constant 19200 : i32
        %add3A_816 = arith.addi %add3A_815, %add3A_544 : i32
        %add3A_817 = arith.constant 3 : i32
        %add3A_818 = arith.addi %add3A_816, %add3A_817 : i32
        %add3A_819 = vector.broadcast %add3A_818 : i32 to vector<16xi32>
        %add3A_820 = arith.addi %mul3A_5, %add3A_819 : vector<16xi32>
        %gather3A_821 = tpu.vector_load_idx %arg5[%add3A_820] : memref<25600xi32, #tpu.memory_space<vmem>>[vector<16xi32>], vector<16xi32>,
        %swap3A_822 = arith.constant 480 : index
        %swap3A_823 = tpu.vector_load %arg6[%swap3A_822] {strides = array<i32>} : memref<512xi32, #tpu.memory_space<vmem>>, vector<16xi32>,
        tpu.vector_store %arg6[%swap3A_822], %gather3A_821 {strides = array<i32>} : memref<512xi32, #tpu.memory_space<vmem>>, vector<16xi32>,
        %add3A_824 = arith.constant 22400 : i32
        %add3A_825 = arith.addi %add3A_824, %add3A_544 : i32
        %add3A_826 = arith.constant 3 : i32
        %add3A_827 = arith.addi %add3A_825, %add3A_826 : i32
        %add3A_828 = vector.broadcast %add3A_827 : i32 to vector<16xi32>
        %add3A_829 = arith.addi %mul3A_5, %add3A_828 : vector<16xi32>
        %gather3A_830 = tpu.vector_load_idx %arg5[%add3A_829] : memref<25600xi32, #tpu.memory_space<vmem>>[vector<16xi32>], vector<16xi32>,
        %swap3A_831 = arith.constant 496 : index
        %swap3A_832 = tpu.vector_load %arg6[%swap3A_831] {strides = array<i32>} : memref<512xi32, #tpu.memory_space<vmem>>, vector<16xi32>,
        tpu.vector_store %arg6[%swap3A_831], %gather3A_830 {strides = array<i32>} : memref<512xi32, #tpu.memory_space<vmem>>, vector<16xi32>,
        %dma_start3A_833 = arith.constant 0 : i32
        %dma_start3A_834 = arith.constant 0 : i32
        %dma_start3A_835 = tpu.memref_slice %arg8[%dma_start3A_833, %dma_start3A_834] : memref<512x32xf32, #tpu.memory_space<vmem>> -> memref<256x32xf32, #tpu.memory_space<vmem>>
        %dma_start3A_836 = arith.constant 0 : i32
        %dma_start3A_837 = tpu.memref_slice %arg6[%dma_start3A_836] : memref<512xi32, #tpu.memory_space<vmem>> -> memref<256xi32, #tpu.memory_space<vmem>>
        %dma_start3A_838 = arith.constant 0 : i32
        %dma_start3A_839 = arith.constant 0 : i32
        %dma_start3A_840 = tpu.memref_slice %arg3[%dma_start3A_838, %dma_start3A_839] : memref<100000x32xf32, #tpu.memory_space<hbm>> -> memref<100000x32xf32, #tpu.memory_space<hbm>>
        tpu.enqueue_indirect_dma source(%dma_start3A_840 : memref<100000x32xf32, #tpu.memory_space<hbm>>) target(%dma_start3A_835 : memref<256x32xf32, #tpu.memory_space<vmem>>) offsets(%dma_start3A_837 : memref<256xi32, #tpu.memory_space<vmem>>) semaphore(%arg12 : memref<!tpu.dma_semaphore, #tpu.memory_space<semaphore_mem>>)
        %dma_start3A_841 = arith.constant 256 : i32
        %dma_start3A_842 = arith.constant 0 : i32
        %dma_start3A_843 = tpu.memref_slice %arg8[%dma_start3A_841, %dma_start3A_842] : memref<512x32xf32, #tpu.memory_space<vmem>> -> memref<256x32xf32, #tpu.memory_space<vmem>>
        %dma_start3A_844 = arith.constant 256 : i32
        %dma_start3A_845 = tpu.memref_slice %arg6[%dma_start3A_844] : memref<512xi32, #tpu.memory_space<vmem>> -> memref<256xi32, #tpu.memory_space<vmem>>
        %dma_start3A_846 = arith.constant 0 : i32
        %dma_start3A_847 = arith.constant 0 : i32
        %dma_start3A_848 = tpu.memref_slice %arg3[%dma_start3A_846, %dma_start3A_847] : memref<100000x32xf32, #tpu.memory_space<hbm>> -> memref<100000x32xf32, #tpu.memory_space<hbm>>
        tpu.enqueue_indirect_dma source(%dma_start3A_848 : memref<100000x32xf32, #tpu.memory_space<hbm>>) target(%dma_start3A_843 : memref<256x32xf32, #tpu.memory_space<vmem>>) offsets(%dma_start3A_845 : memref<256xi32, #tpu.memory_space<vmem>>) semaphore(%arg14 : memref<!tpu.dma_semaphore, #tpu.memory_space<semaphore_mem>>)
      } else {
      }
      %ge3A_437 = arith.constant 2 : i32
      %ge3A_438 = arith.cmpi sge, %add3A_413, %ge3A_437 : i32
      %convert_element_type3A_439 = arith.extui %ge3A_438 : i1 to i32
      %cond3A_440 = arith.constant 0 : i32
      %cond3A_441 = arith.cmpi ne, %convert_element_type3A_439, %cond3A_440 : i32
      scf.if %cond3A_441 {
        %dma_wait3A_498 = arith.constant 0 : i32
        %dma_wait3A_499 = arith.constant 0 : i32
        %dma_wait3A_500 = arith.constant 0 : i32
        %dma_wait3A_501 = arith.constant 0 : i32
        %dma_wait3A_502 = arith.constant 0 : i32
        %dma_wait3A_503 = tpu.memref_slice %arg4[%dma_wait3A_500, %dma_wait3A_498, %dma_wait3A_499, %dma_wait3A_501, %dma_wait3A_502] : memref<30x25x32x8x128xf32, #tpu.memory_space<hbm>> -> memref<30x1x1x4x128xf32, #tpu.memory_space<hbm>>
        %dma_wait3A_504 = tpu.memref_squeeze %dma_wait3A_503 : memref<30x1x1x4x128xf32, #tpu.memory_space<hbm>> -> memref<30x4x128xf32, #tpu.memory_space<hbm>>
        %dma_wait3A_505 = arith.constant 0 : i32
        %dma_wait3A_506 = arith.constant 0 : i32
        %dma_wait3A_507 = arith.constant 0 : i32
        %dma_wait3A_508 = tpu.memref_slice %arg4[%dma_wait3A_505, %dma_wait3A_498, %dma_wait3A_499, %dma_wait3A_506, %dma_wait3A_507] : memref<30x25x32x8x128xf32, #tpu.memory_space<hbm>> -> memref<30x1x1x4x128xf32, #tpu.memory_space<hbm>>
        %dma_wait3A_509 = tpu.memref_squeeze %dma_wait3A_508 : memref<30x1x1x4x128xf32, #tpu.memory_space<hbm>> -> memref<30x4x128xf32, #tpu.memory_space<hbm>>
        tpu.wait_dma2 semaphore(%arg17 : memref<!tpu.dma_semaphore, #tpu.memory_space<semaphore_mem>>) src(%arg11 : memref<30x4x128xf32, #tpu.memory_space<vmem>>) dst(%dma_wait3A_509 : memref<30x4x128xf32, #tpu.memory_space<hbm>>)
      } else {
      }
      %parallel_loop3A_442 = arith.constant 0 : i32
      %parallel_loop3A_443 = arith.constant 32 : i32
      %parallel_loop3A_444 = arith.constant 1 : i32
      scf.for %parallel_loop3A_498 = %parallel_loop3A_442 to %parallel_loop3A_443 step %parallel_loop3A_444  : i32 {
        %parallel_loop3A_499 = arith.constant 16 : i32
        %parallel_loop3A_500 = arith.muli %parallel_loop3A_499, %parallel_loop3A_498 : i32
        %parallel_loop3A_501 = vector.broadcast %parallel_loop3A_500 : i32 to vector<16xi32>
        %parallel_loop3A_502 = arith.addi %parallel_loop3A_501, %iota3A : vector<16xi32>
        %parallel_loop3A_503 = arith.constant 8 : i32
        %parallel_loop3A_504 = arith.divsi %parallel_loop3A_498, %parallel_loop3A_503 : i32
        %parallel_loop3A_505 = arith.constant 0 : i32
        %parallel_loop3A_506 = arith.cmpi sgt, %parallel_loop3A_498, %parallel_loop3A_505 : i32
        %parallel_loop3A_507 = arith.extui %parallel_loop3A_506 : i1 to i32
        %parallel_loop3A_508 = arith.constant 0 : i32
        %parallel_loop3A_509 = arith.cmpi slt, %parallel_loop3A_498, %parallel_loop3A_508 : i32
        %parallel_loop3A_510 = arith.extui %parallel_loop3A_509 : i1 to i32
        %parallel_loop3A_511 = arith.subi %parallel_loop3A_507, %parallel_loop3A_510 : i32
        %parallel_loop3A_512 = arith.constant 0 : i32
        %parallel_loop3A_513 = arith.cmpi sgt, %parallel_loop3A_503, %parallel_loop3A_512 : i32
        %parallel_loop3A_514 = arith.extui %parallel_loop3A_513 : i1 to i32
        %parallel_loop3A_515 = arith.constant 0 : i32
        %parallel_loop3A_516 = arith.cmpi slt, %parallel_loop3A_503, %parallel_loop3A_515 : i32
        %parallel_loop3A_517 = arith.extui %parallel_loop3A_516 : i1 to i32
        %parallel_loop3A_518 = arith.subi %parallel_loop3A_514, %parallel_loop3A_517 : i32
        %parallel_loop3A_519 = arith.cmpi ne, %parallel_loop3A_511, %parallel_loop3A_518 : i32
        %parallel_loop3A_520 = arith.remsi %parallel_loop3A_498, %parallel_loop3A_503 : i32
        %parallel_loop3A_521 = arith.constant 0 : i32
        %parallel_loop3A_522 = arith.cmpi ne, %parallel_loop3A_520, %parallel_loop3A_521 : i32
        %parallel_loop3A_523 = arith.andi %parallel_loop3A_519, %parallel_loop3A_522 : i1
        %parallel_loop3A_524 = arith.constant 1 : i32
        %parallel_loop3A_525 = arith.subi %parallel_loop3A_504, %parallel_loop3A_524 : i32
        %parallel_loop3A_526 = arith.select %parallel_loop3A_523, %parallel_loop3A_525, %parallel_loop3A_504 : i32
        %parallel_loop3A_527 = vector.broadcast %parallel_loop3A_526 : i32 to vector<16xi32>
        %parallel_loop3A_528 = arith.constant 8 : i32
        %parallel_loop3A_529 = arith.constant 0 : i32
        %parallel_loop3A_530 = arith.cmpi eq, %parallel_loop3A_528, %parallel_loop3A_529 : i32
        %parallel_loop3A_531 = arith.constant 1 : i32
        %parallel_loop3A_532 = arith.select %parallel_loop3A_530, %parallel_loop3A_531, %parallel_loop3A_528 : i32
        %parallel_loop3A_533 = arith.remsi %parallel_loop3A_498, %parallel_loop3A_532 : i32
        %parallel_loop3A_534 = arith.constant 0 : i32
        %parallel_loop3A_535 = arith.cmpi ne, %parallel_loop3A_533, %parallel_loop3A_534 : i32
        %parallel_loop3A_536 = arith.constant 0 : i32
        %parallel_loop3A_537 = arith.cmpi slt, %parallel_loop3A_533, %parallel_loop3A_536 : i32
        %parallel_loop3A_538 = arith.constant 0 : i32
        %parallel_loop3A_539 = arith.cmpi slt, %parallel_loop3A_532, %parallel_loop3A_538 : i32
        %parallel_loop3A_540 = arith.xori %parallel_loop3A_537, %parallel_loop3A_539 : i1
        %parallel_loop3A_541 = arith.andi %parallel_loop3A_540, %parallel_loop3A_535 : i1
        %parallel_loop3A_542 = arith.addi %parallel_loop3A_533, %parallel_loop3A_532 : i32
        %parallel_loop3A_543 = arith.select %parallel_loop3A_541, %parallel_loop3A_542, %parallel_loop3A_533 : i32
        %parallel_loop3A_544 = arith.constant 16 : i32
        %parallel_loop3A_545 = arith.muli %parallel_loop3A_544, %parallel_loop3A_543 : i32
        %parallel_loop3A_546 = vector.broadcast %parallel_loop3A_545 : i32 to vector<16xi32>
        %parallel_loop3A_547 = arith.addi %parallel_loop3A_546, %iota3A : vector<16xi32>
        %parallel_loop3A_548 = arith.constant 0 : i32
        %parallel_loop3A_549 = vector.broadcast %parallel_loop3A_548 : i32 to vector<16xi32>
        %parallel_loop3A_550 = arith.addi %and3A_10, %parallel_loop3A_549 : vector<16xi32>
        %parallel_loop3A_551 = tpu.vector_load_idx %arg9[%parallel_loop3A_502, %parallel_loop3A_550] : memref<512x32xf32, #tpu.memory_space<vmem>>[vector<16xi32>, vector<16xi32>], vector<16xf32>,
        tpu.vector_store_idx %arg11[%parallel_loop3A_550, %parallel_loop3A_527, %parallel_loop3A_547], %parallel_loop3A_551 : memref<30x4x128xf32, #tpu.memory_space<vmem>>[vector<16xi32>, vector<16xi32>, vector<16xi32>], vector<16xf32>,
        %parallel_loop3A_552 = arith.constant 0 : i32
        %parallel_loop3A_553 = vector.broadcast %parallel_loop3A_552 : i32 to vector<16xi32>
        %parallel_loop3A_554 = arith.addi %and3A_16, %parallel_loop3A_553 : vector<16xi32>
        %parallel_loop3A_555 = tpu.vector_load_idx %arg9[%parallel_loop3A_502, %parallel_loop3A_554] : memref<512x32xf32, #tpu.memory_space<vmem>>[vector<16xi32>, vector<16xi32>], vector<16xf32>,
        tpu.vector_store_idx %arg11[%parallel_loop3A_554, %parallel_loop3A_527, %parallel_loop3A_547], %parallel_loop3A_555 : memref<30x4x128xf32, #tpu.memory_space<vmem>>[vector<16xi32>, vector<16xi32>, vector<16xi32>], vector<16xf32>,
        %parallel_loop3A_556 = arith.constant 0 : i32
        %parallel_loop3A_557 = vector.broadcast %parallel_loop3A_556 : i32 to vector<16xi32>
        %parallel_loop3A_558 = arith.addi %and3A_22, %parallel_loop3A_557 : vector<16xi32>
        %parallel_loop3A_559 = tpu.vector_load_idx %arg9[%parallel_loop3A_502, %parallel_loop3A_558] : memref<512x32xf32, #tpu.memory_space<vmem>>[vector<16xi32>, vector<16xi32>], vector<16xf32>,
        tpu.vector_store_idx %arg11[%parallel_loop3A_558, %parallel_loop3A_527, %parallel_loop3A_547], %parallel_loop3A_559 : memref<30x4x128xf32, #tpu.memory_space<vmem>>[vector<16xi32>, vector<16xi32>, vector<16xi32>], vector<16xf32>,
        %parallel_loop3A_560 = arith.constant 0 : i32
        %parallel_loop3A_561 = vector.broadcast %parallel_loop3A_560 : i32 to vector<16xi32>
        %parallel_loop3A_562 = arith.addi %and3A_28, %parallel_loop3A_561 : vector<16xi32>
        %parallel_loop3A_563 = tpu.vector_load_idx %arg9[%parallel_loop3A_502, %parallel_loop3A_562] : memref<512x32xf32, #tpu.memory_space<vmem>>[vector<16xi32>, vector<16xi32>], vector<16xf32>,
        tpu.vector_store_idx %arg11[%parallel_loop3A_562, %parallel_loop3A_527, %parallel_loop3A_547], %parallel_loop3A_563 : memref<30x4x128xf32, #tpu.memory_space<vmem>>[vector<16xi32>, vector<16xi32>, vector<16xi32>], vector<16xf32>,
        %parallel_loop3A_564 = arith.constant 0 : i32
        %parallel_loop3A_565 = vector.broadcast %parallel_loop3A_564 : i32 to vector<16xi32>
        %parallel_loop3A_566 = arith.addi %and3A_34, %parallel_loop3A_565 : vector<16xi32>
        %parallel_loop3A_567 = tpu.vector_load_idx %arg9[%parallel_loop3A_502, %parallel_loop3A_566] : memref<512x32xf32, #tpu.memory_space<vmem>>[vector<16xi32>, vector<16xi32>], vector<16xf32>,
        tpu.vector_store_idx %arg11[%parallel_loop3A_566, %parallel_loop3A_527, %parallel_loop3A_547], %parallel_loop3A_567 : memref<30x4x128xf32, #tpu.memory_space<vmem>>[vector<16xi32>, vector<16xi32>, vector<16xi32>], vector<16xf32>,
        %parallel_loop3A_568 = arith.constant 0 : i32
        %parallel_loop3A_569 = vector.broadcast %parallel_loop3A_568 : i32 to vector<16xi32>
        %parallel_loop3A_570 = arith.addi %and3A_40, %parallel_loop3A_569 : vector<16xi32>
        %parallel_loop3A_571 = tpu.vector_load_idx %arg9[%parallel_loop3A_502, %parallel_loop3A_570] : memref<512x32xf32, #tpu.memory_space<vmem>>[vector<16xi32>, vector<16xi32>], vector<16xf32>,
        tpu.vector_store_idx %arg11[%parallel_loop3A_570, %parallel_loop3A_527, %parallel_loop3A_547], %parallel_loop3A_571 : memref<30x4x128xf32, #tpu.memory_space<vmem>>[vector<16xi32>, vector<16xi32>, vector<16xi32>], vector<16xf32>,
        %parallel_loop3A_572 = arith.constant 0 : i32
        %parallel_loop3A_573 = vector.broadcast %parallel_loop3A_572 : i32 to vector<16xi32>
        %parallel_loop3A_574 = arith.addi %and3A_46, %parallel_loop3A_573 : vector<16xi32>
        %parallel_loop3A_575 = tpu.vector_load_idx %arg9[%parallel_loop3A_502, %parallel_loop3A_574] : memref<512x32xf32, #tpu.memory_space<vmem>>[vector<16xi32>, vector<16xi32>], vector<16xf32>,
        tpu.vector_store_idx %arg11[%parallel_loop3A_574, %parallel_loop3A_527, %parallel_loop3A_547], %parallel_loop3A_575 : memref<30x4x128xf32, #tpu.memory_space<vmem>>[vector<16xi32>, vector<16xi32>, vector<16xi32>], vector<16xf32>,
        %parallel_loop3A_576 = arith.constant 0 : i32
        %parallel_loop3A_577 = vector.broadcast %parallel_loop3A_576 : i32 to vector<16xi32>
        %parallel_loop3A_578 = arith.addi %and3A_52, %parallel_loop3A_577 : vector<16xi32>
        %parallel_loop3A_579 = tpu.vector_load_idx %arg9[%parallel_loop3A_502, %parallel_loop3A_578] : memref<512x32xf32, #tpu.memory_space<vmem>>[vector<16xi32>, vector<16xi32>], vector<16xf32>,
        tpu.vector_store_idx %arg11[%parallel_loop3A_578, %parallel_loop3A_527, %parallel_loop3A_547], %parallel_loop3A_579 : memref<30x4x128xf32, #tpu.memory_space<vmem>>[vector<16xi32>, vector<16xi32>, vector<16xi32>], vector<16xf32>,
        %parallel_loop3A_580 = arith.constant 0 : i32
        %parallel_loop3A_581 = vector.broadcast %parallel_loop3A_580 : i32 to vector<16xi32>
        %parallel_loop3A_582 = arith.addi %and3A_58, %parallel_loop3A_581 : vector<16xi32>
        %parallel_loop3A_583 = tpu.vector_load_idx %arg9[%parallel_loop3A_502, %parallel_loop3A_582] : memref<512x32xf32, #tpu.memory_space<vmem>>[vector<16xi32>, vector<16xi32>], vector<16xf32>,
        tpu.vector_store_idx %arg11[%parallel_loop3A_582, %parallel_loop3A_527, %parallel_loop3A_547], %parallel_loop3A_583 : memref<30x4x128xf32, #tpu.memory_space<vmem>>[vector<16xi32>, vector<16xi32>, vector<16xi32>], vector<16xf32>,
        %parallel_loop3A_584 = arith.constant 0 : i32
        %parallel_loop3A_585 = vector.broadcast %parallel_loop3A_584 : i32 to vector<16xi32>
        %parallel_loop3A_586 = arith.addi %and3A_64, %parallel_loop3A_585 : vector<16xi32>
        %parallel_loop3A_587 = tpu.vector_load_idx %arg9[%parallel_loop3A_502, %parallel_loop3A_586] : memref<512x32xf32, #tpu.memory_space<vmem>>[vector<16xi32>, vector<16xi32>], vector<16xf32>,
        tpu.vector_store_idx %arg11[%parallel_loop3A_586, %parallel_loop3A_527, %parallel_loop3A_547], %parallel_loop3A_587 : memref<30x4x128xf32, #tpu.memory_space<vmem>>[vector<16xi32>, vector<16xi32>, vector<16xi32>], vector<16xf32>,
        %parallel_loop3A_588 = arith.constant 0 : i32
        %parallel_loop3A_589 = vector.broadcast %parallel_loop3A_588 : i32 to vector<16xi32>
        %parallel_loop3A_590 = arith.addi %and3A_70, %parallel_loop3A_589 : vector<16xi32>
        %parallel_loop3A_591 = tpu.vector_load_idx %arg9[%parallel_loop3A_502, %parallel_loop3A_590] : memref<512x32xf32, #tpu.memory_space<vmem>>[vector<16xi32>, vector<16xi32>], vector<16xf32>,
        tpu.vector_store_idx %arg11[%parallel_loop3A_590, %parallel_loop3A_527, %parallel_loop3A_547], %parallel_loop3A_591 : memref<30x4x128xf32, #tpu.memory_space<vmem>>[vector<16xi32>, vector<16xi32>, vector<16xi32>], vector<16xf32>,
        %parallel_loop3A_592 = arith.constant 0 : i32
        %parallel_loop3A_593 = vector.broadcast %parallel_loop3A_592 : i32 to vector<16xi32>
        %parallel_loop3A_594 = arith.addi %and3A_76, %parallel_loop3A_593 : vector<16xi32>
        %parallel_loop3A_595 = tpu.vector_load_idx %arg9[%parallel_loop3A_502, %parallel_loop3A_594] : memref<512x32xf32, #tpu.memory_space<vmem>>[vector<16xi32>, vector<16xi32>], vector<16xf32>,
        tpu.vector_store_idx %arg11[%parallel_loop3A_594, %parallel_loop3A_527, %parallel_loop3A_547], %parallel_loop3A_595 : memref<30x4x128xf32, #tpu.memory_space<vmem>>[vector<16xi32>, vector<16xi32>, vector<16xi32>], vector<16xf32>,
        %parallel_loop3A_596 = arith.constant 0 : i32
        %parallel_loop3A_597 = vector.broadcast %parallel_loop3A_596 : i32 to vector<16xi32>
        %parallel_loop3A_598 = arith.addi %and3A_82, %parallel_loop3A_597 : vector<16xi32>
        %parallel_loop3A_599 = tpu.vector_load_idx %arg9[%parallel_loop3A_502, %parallel_loop3A_598] : memref<512x32xf32, #tpu.memory_space<vmem>>[vector<16xi32>, vector<16xi32>], vector<16xf32>,
        tpu.vector_store_idx %arg11[%parallel_loop3A_598, %parallel_loop3A_527, %parallel_loop3A_547], %parallel_loop3A_599 : memref<30x4x128xf32, #tpu.memory_space<vmem>>[vector<16xi32>, vector<16xi32>, vector<16xi32>], vector<16xf32>,
        %parallel_loop3A_600 = arith.constant 0 : i32
        %parallel_loop3A_601 = vector.broadcast %parallel_loop3A_600 : i32 to vector<16xi32>
        %parallel_loop3A_602 = arith.addi %and3A_88, %parallel_loop3A_601 : vector<16xi32>
        %parallel_loop3A_603 = tpu.vector_load_idx %arg9[%parallel_loop3A_502, %parallel_loop3A_602] : memref<512x32xf32, #tpu.memory_space<vmem>>[vector<16xi32>, vector<16xi32>], vector<16xf32>,
        tpu.vector_store_idx %arg11[%parallel_loop3A_602, %parallel_loop3A_527, %parallel_loop3A_547], %parallel_loop3A_603 : memref<30x4x128xf32, #tpu.memory_space<vmem>>[vector<16xi32>, vector<16xi32>, vector<16xi32>], vector<16xf32>,
        %parallel_loop3A_604 = arith.constant 0 : i32
        %parallel_loop3A_605 = vector.broadcast %parallel_loop3A_604 : i32 to vector<16xi32>
        %parallel_loop3A_606 = arith.addi %and3A_94, %parallel_loop3A_605 : vector<16xi32>
        %parallel_loop3A_607 = tpu.vector_load_idx %arg9[%parallel_loop3A_502, %parallel_loop3A_606] : memref<512x32xf32, #tpu.memory_space<vmem>>[vector<16xi32>, vector<16xi32>], vector<16xf32>,
        tpu.vector_store_idx %arg11[%parallel_loop3A_606, %parallel_loop3A_527, %parallel_loop3A_547], %parallel_loop3A_607 : memref<30x4x128xf32, #tpu.memory_space<vmem>>[vector<16xi32>, vector<16xi32>, vector<16xi32>], vector<16xf32>,
        %parallel_loop3A_608 = arith.constant 0 : i32
        %parallel_loop3A_609 = vector.broadcast %parallel_loop3A_608 : i32 to vector<16xi32>
        %parallel_loop3A_610 = arith.addi %and3A_100, %parallel_loop3A_609 : vector<16xi32>
        %parallel_loop3A_611 = tpu.vector_load_idx %arg9[%parallel_loop3A_502, %parallel_loop3A_610] : memref<512x32xf32, #tpu.memory_space<vmem>>[vector<16xi32>, vector<16xi32>], vector<16xf32>,
        tpu.vector_store_idx %arg11[%parallel_loop3A_610, %parallel_loop3A_527, %parallel_loop3A_547], %parallel_loop3A_611 : memref<30x4x128xf32, #tpu.memory_space<vmem>>[vector<16xi32>, vector<16xi32>, vector<16xi32>], vector<16xf32>,
      } {sc.loop_unroll_factor = 1 : i64, sc.parallel_access}
      %parallel_loop3A_445 = arith.constant 0 : i32
      %parallel_loop3A_446 = arith.constant 32 : i32
      %parallel_loop3A_447 = arith.constant 1 : i32
      scf.for %parallel_loop3A_498 = %parallel_loop3A_445 to %parallel_loop3A_446 step %parallel_loop3A_447  : i32 {
        %parallel_loop3A_499 = arith.constant 16 : i32
        %parallel_loop3A_500 = arith.muli %parallel_loop3A_499, %parallel_loop3A_498 : i32
        %parallel_loop3A_501 = vector.broadcast %parallel_loop3A_500 : i32 to vector<16xi32>
        %parallel_loop3A_502 = arith.addi %parallel_loop3A_501, %iota3A : vector<16xi32>
        %parallel_loop3A_503 = arith.constant 8 : i32
        %parallel_loop3A_504 = arith.divsi %parallel_loop3A_498, %parallel_loop3A_503 : i32
        %parallel_loop3A_505 = arith.constant 0 : i32
        %parallel_loop3A_506 = arith.cmpi sgt, %parallel_loop3A_498, %parallel_loop3A_505 : i32
        %parallel_loop3A_507 = arith.extui %parallel_loop3A_506 : i1 to i32
        %parallel_loop3A_508 = arith.constant 0 : i32
        %parallel_loop3A_509 = arith.cmpi slt, %parallel_loop3A_498, %parallel_loop3A_508 : i32
        %parallel_loop3A_510 = arith.extui %parallel_loop3A_509 : i1 to i32
        %parallel_loop3A_511 = arith.subi %parallel_loop3A_507, %parallel_loop3A_510 : i32
        %parallel_loop3A_512 = arith.constant 0 : i32
        %parallel_loop3A_513 = arith.cmpi sgt, %parallel_loop3A_503, %parallel_loop3A_512 : i32
        %parallel_loop3A_514 = arith.extui %parallel_loop3A_513 : i1 to i32
        %parallel_loop3A_515 = arith.constant 0 : i32
        %parallel_loop3A_516 = arith.cmpi slt, %parallel_loop3A_503, %parallel_loop3A_515 : i32
        %parallel_loop3A_517 = arith.extui %parallel_loop3A_516 : i1 to i32
        %parallel_loop3A_518 = arith.subi %parallel_loop3A_514, %parallel_loop3A_517 : i32
        %parallel_loop3A_519 = arith.cmpi ne, %parallel_loop3A_511, %parallel_loop3A_518 : i32
        %parallel_loop3A_520 = arith.remsi %parallel_loop3A_498, %parallel_loop3A_503 : i32
        %parallel_loop3A_521 = arith.constant 0 : i32
        %parallel_loop3A_522 = arith.cmpi ne, %parallel_loop3A_520, %parallel_loop3A_521 : i32
        %parallel_loop3A_523 = arith.andi %parallel_loop3A_519, %parallel_loop3A_522 : i1
        %parallel_loop3A_524 = arith.constant 1 : i32
        %parallel_loop3A_525 = arith.subi %parallel_loop3A_504, %parallel_loop3A_524 : i32
        %parallel_loop3A_526 = arith.select %parallel_loop3A_523, %parallel_loop3A_525, %parallel_loop3A_504 : i32
        %parallel_loop3A_527 = vector.broadcast %parallel_loop3A_526 : i32 to vector<16xi32>
        %parallel_loop3A_528 = arith.constant 8 : i32
        %parallel_loop3A_529 = arith.constant 0 : i32
        %parallel_loop3A_530 = arith.cmpi eq, %parallel_loop3A_528, %parallel_loop3A_529 : i32
        %parallel_loop3A_531 = arith.constant 1 : i32
        %parallel_loop3A_532 = arith.select %parallel_loop3A_530, %parallel_loop3A_531, %parallel_loop3A_528 : i32
        %parallel_loop3A_533 = arith.remsi %parallel_loop3A_498, %parallel_loop3A_532 : i32
        %parallel_loop3A_534 = arith.constant 0 : i32
        %parallel_loop3A_535 = arith.cmpi ne, %parallel_loop3A_533, %parallel_loop3A_534 : i32
        %parallel_loop3A_536 = arith.constant 0 : i32
        %parallel_loop3A_537 = arith.cmpi slt, %parallel_loop3A_533, %parallel_loop3A_536 : i32
        %parallel_loop3A_538 = arith.constant 0 : i32
        %parallel_loop3A_539 = arith.cmpi slt, %parallel_loop3A_532, %parallel_loop3A_538 : i32
        %parallel_loop3A_540 = arith.xori %parallel_loop3A_537, %parallel_loop3A_539 : i1
        %parallel_loop3A_541 = arith.andi %parallel_loop3A_540, %parallel_loop3A_535 : i1
        %parallel_loop3A_542 = arith.addi %parallel_loop3A_533, %parallel_loop3A_532 : i32
        %parallel_loop3A_543 = arith.select %parallel_loop3A_541, %parallel_loop3A_542, %parallel_loop3A_533 : i32
        %parallel_loop3A_544 = arith.constant 16 : i32
        %parallel_loop3A_545 = arith.muli %parallel_loop3A_544, %parallel_loop3A_543 : i32
        %parallel_loop3A_546 = vector.broadcast %parallel_loop3A_545 : i32 to vector<16xi32>
        %parallel_loop3A_547 = arith.addi %parallel_loop3A_546, %iota3A : vector<16xi32>
        %parallel_loop3A_548 = arith.constant 14 : i32
        %parallel_loop3A_549 = vector.broadcast %parallel_loop3A_548 : i32 to vector<16xi32>
        %parallel_loop3A_550 = arith.addi %and3A_10, %parallel_loop3A_549 : vector<16xi32>
        %parallel_loop3A_551 = tpu.vector_load_idx %arg9[%parallel_loop3A_502, %parallel_loop3A_550] : memref<512x32xf32, #tpu.memory_space<vmem>>[vector<16xi32>, vector<16xi32>], vector<16xf32>,
        tpu.vector_store_idx %arg11[%parallel_loop3A_550, %parallel_loop3A_527, %parallel_loop3A_547], %parallel_loop3A_551 : memref<30x4x128xf32, #tpu.memory_space<vmem>>[vector<16xi32>, vector<16xi32>, vector<16xi32>], vector<16xf32>,
        %parallel_loop3A_552 = arith.constant 14 : i32
        %parallel_loop3A_553 = vector.broadcast %parallel_loop3A_552 : i32 to vector<16xi32>
        %parallel_loop3A_554 = arith.addi %and3A_16, %parallel_loop3A_553 : vector<16xi32>
        %parallel_loop3A_555 = tpu.vector_load_idx %arg9[%parallel_loop3A_502, %parallel_loop3A_554] : memref<512x32xf32, #tpu.memory_space<vmem>>[vector<16xi32>, vector<16xi32>], vector<16xf32>,
        tpu.vector_store_idx %arg11[%parallel_loop3A_554, %parallel_loop3A_527, %parallel_loop3A_547], %parallel_loop3A_555 : memref<30x4x128xf32, #tpu.memory_space<vmem>>[vector<16xi32>, vector<16xi32>, vector<16xi32>], vector<16xf32>,
        %parallel_loop3A_556 = arith.constant 14 : i32
        %parallel_loop3A_557 = vector.broadcast %parallel_loop3A_556 : i32 to vector<16xi32>
        %parallel_loop3A_558 = arith.addi %and3A_22, %parallel_loop3A_557 : vector<16xi32>
        %parallel_loop3A_559 = tpu.vector_load_idx %arg9[%parallel_loop3A_502, %parallel_loop3A_558] : memref<512x32xf32, #tpu.memory_space<vmem>>[vector<16xi32>, vector<16xi32>], vector<16xf32>,
        tpu.vector_store_idx %arg11[%parallel_loop3A_558, %parallel_loop3A_527, %parallel_loop3A_547], %parallel_loop3A_559 : memref<30x4x128xf32, #tpu.memory_space<vmem>>[vector<16xi32>, vector<16xi32>, vector<16xi32>], vector<16xf32>,
        %parallel_loop3A_560 = arith.constant 14 : i32
        %parallel_loop3A_561 = vector.broadcast %parallel_loop3A_560 : i32 to vector<16xi32>
        %parallel_loop3A_562 = arith.addi %and3A_28, %parallel_loop3A_561 : vector<16xi32>
        %parallel_loop3A_563 = tpu.vector_load_idx %arg9[%parallel_loop3A_502, %parallel_loop3A_562] : memref<512x32xf32, #tpu.memory_space<vmem>>[vector<16xi32>, vector<16xi32>], vector<16xf32>,
        tpu.vector_store_idx %arg11[%parallel_loop3A_562, %parallel_loop3A_527, %parallel_loop3A_547], %parallel_loop3A_563 : memref<30x4x128xf32, #tpu.memory_space<vmem>>[vector<16xi32>, vector<16xi32>, vector<16xi32>], vector<16xf32>,
        %parallel_loop3A_564 = arith.constant 14 : i32
        %parallel_loop3A_565 = vector.broadcast %parallel_loop3A_564 : i32 to vector<16xi32>
        %parallel_loop3A_566 = arith.addi %and3A_34, %parallel_loop3A_565 : vector<16xi32>
        %parallel_loop3A_567 = tpu.vector_load_idx %arg9[%parallel_loop3A_502, %parallel_loop3A_566] : memref<512x32xf32, #tpu.memory_space<vmem>>[vector<16xi32>, vector<16xi32>], vector<16xf32>,
        tpu.vector_store_idx %arg11[%parallel_loop3A_566, %parallel_loop3A_527, %parallel_loop3A_547], %parallel_loop3A_567 : memref<30x4x128xf32, #tpu.memory_space<vmem>>[vector<16xi32>, vector<16xi32>, vector<16xi32>], vector<16xf32>,
        %parallel_loop3A_568 = arith.constant 14 : i32
        %parallel_loop3A_569 = vector.broadcast %parallel_loop3A_568 : i32 to vector<16xi32>
        %parallel_loop3A_570 = arith.addi %and3A_40, %parallel_loop3A_569 : vector<16xi32>
        %parallel_loop3A_571 = tpu.vector_load_idx %arg9[%parallel_loop3A_502, %parallel_loop3A_570] : memref<512x32xf32, #tpu.memory_space<vmem>>[vector<16xi32>, vector<16xi32>], vector<16xf32>,
        tpu.vector_store_idx %arg11[%parallel_loop3A_570, %parallel_loop3A_527, %parallel_loop3A_547], %parallel_loop3A_571 : memref<30x4x128xf32, #tpu.memory_space<vmem>>[vector<16xi32>, vector<16xi32>, vector<16xi32>], vector<16xf32>,
        %parallel_loop3A_572 = arith.constant 14 : i32
        %parallel_loop3A_573 = vector.broadcast %parallel_loop3A_572 : i32 to vector<16xi32>
        %parallel_loop3A_574 = arith.addi %and3A_46, %parallel_loop3A_573 : vector<16xi32>
        %parallel_loop3A_575 = tpu.vector_load_idx %arg9[%parallel_loop3A_502, %parallel_loop3A_574] : memref<512x32xf32, #tpu.memory_space<vmem>>[vector<16xi32>, vector<16xi32>], vector<16xf32>,
        tpu.vector_store_idx %arg11[%parallel_loop3A_574, %parallel_loop3A_527, %parallel_loop3A_547], %parallel_loop3A_575 : memref<30x4x128xf32, #tpu.memory_space<vmem>>[vector<16xi32>, vector<16xi32>, vector<16xi32>], vector<16xf32>,
        %parallel_loop3A_576 = arith.constant 14 : i32
        %parallel_loop3A_577 = vector.broadcast %parallel_loop3A_576 : i32 to vector<16xi32>
        %parallel_loop3A_578 = arith.addi %and3A_52, %parallel_loop3A_577 : vector<16xi32>
        %parallel_loop3A_579 = tpu.vector_load_idx %arg9[%parallel_loop3A_502, %parallel_loop3A_578] : memref<512x32xf32, #tpu.memory_space<vmem>>[vector<16xi32>, vector<16xi32>], vector<16xf32>,
        tpu.vector_store_idx %arg11[%parallel_loop3A_578, %parallel_loop3A_527, %parallel_loop3A_547], %parallel_loop3A_579 : memref<30x4x128xf32, #tpu.memory_space<vmem>>[vector<16xi32>, vector<16xi32>, vector<16xi32>], vector<16xf32>,
        %parallel_loop3A_580 = arith.constant 14 : i32
        %parallel_loop3A_581 = vector.broadcast %parallel_loop3A_580 : i32 to vector<16xi32>
        %parallel_loop3A_582 = arith.addi %and3A_58, %parallel_loop3A_581 : vector<16xi32>
        %parallel_loop3A_583 = tpu.vector_load_idx %arg9[%parallel_loop3A_502, %parallel_loop3A_582] : memref<512x32xf32, #tpu.memory_space<vmem>>[vector<16xi32>, vector<16xi32>], vector<16xf32>,
        tpu.vector_store_idx %arg11[%parallel_loop3A_582, %parallel_loop3A_527, %parallel_loop3A_547], %parallel_loop3A_583 : memref<30x4x128xf32, #tpu.memory_space<vmem>>[vector<16xi32>, vector<16xi32>, vector<16xi32>], vector<16xf32>,
        %parallel_loop3A_584 = arith.constant 14 : i32
        %parallel_loop3A_585 = vector.broadcast %parallel_loop3A_584 : i32 to vector<16xi32>
        %parallel_loop3A_586 = arith.addi %and3A_64, %parallel_loop3A_585 : vector<16xi32>
        %parallel_loop3A_587 = tpu.vector_load_idx %arg9[%parallel_loop3A_502, %parallel_loop3A_586] : memref<512x32xf32, #tpu.memory_space<vmem>>[vector<16xi32>, vector<16xi32>], vector<16xf32>,
        tpu.vector_store_idx %arg11[%parallel_loop3A_586, %parallel_loop3A_527, %parallel_loop3A_547], %parallel_loop3A_587 : memref<30x4x128xf32, #tpu.memory_space<vmem>>[vector<16xi32>, vector<16xi32>, vector<16xi32>], vector<16xf32>,
        %parallel_loop3A_588 = arith.constant 14 : i32
        %parallel_loop3A_589 = vector.broadcast %parallel_loop3A_588 : i32 to vector<16xi32>
        %parallel_loop3A_590 = arith.addi %and3A_70, %parallel_loop3A_589 : vector<16xi32>
        %parallel_loop3A_591 = tpu.vector_load_idx %arg9[%parallel_loop3A_502, %parallel_loop3A_590] : memref<512x32xf32, #tpu.memory_space<vmem>>[vector<16xi32>, vector<16xi32>], vector<16xf32>,
        tpu.vector_store_idx %arg11[%parallel_loop3A_590, %parallel_loop3A_527, %parallel_loop3A_547], %parallel_loop3A_591 : memref<30x4x128xf32, #tpu.memory_space<vmem>>[vector<16xi32>, vector<16xi32>, vector<16xi32>], vector<16xf32>,
        %parallel_loop3A_592 = arith.constant 14 : i32
        %parallel_loop3A_593 = vector.broadcast %parallel_loop3A_592 : i32 to vector<16xi32>
        %parallel_loop3A_594 = arith.addi %and3A_76, %parallel_loop3A_593 : vector<16xi32>
        %parallel_loop3A_595 = tpu.vector_load_idx %arg9[%parallel_loop3A_502, %parallel_loop3A_594] : memref<512x32xf32, #tpu.memory_space<vmem>>[vector<16xi32>, vector<16xi32>], vector<16xf32>,
        tpu.vector_store_idx %arg11[%parallel_loop3A_594, %parallel_loop3A_527, %parallel_loop3A_547], %parallel_loop3A_595 : memref<30x4x128xf32, #tpu.memory_space<vmem>>[vector<16xi32>, vector<16xi32>, vector<16xi32>], vector<16xf32>,
        %parallel_loop3A_596 = arith.constant 14 : i32
        %parallel_loop3A_597 = vector.broadcast %parallel_loop3A_596 : i32 to vector<16xi32>
        %parallel_loop3A_598 = arith.addi %and3A_82, %parallel_loop3A_597 : vector<16xi32>
        %parallel_loop3A_599 = tpu.vector_load_idx %arg9[%parallel_loop3A_502, %parallel_loop3A_598] : memref<512x32xf32, #tpu.memory_space<vmem>>[vector<16xi32>, vector<16xi32>], vector<16xf32>,
        tpu.vector_store_idx %arg11[%parallel_loop3A_598, %parallel_loop3A_527, %parallel_loop3A_547], %parallel_loop3A_599 : memref<30x4x128xf32, #tpu.memory_space<vmem>>[vector<16xi32>, vector<16xi32>, vector<16xi32>], vector<16xf32>,
        %parallel_loop3A_600 = arith.constant 14 : i32
        %parallel_loop3A_601 = vector.broadcast %parallel_loop3A_600 : i32 to vector<16xi32>
        %parallel_loop3A_602 = arith.addi %and3A_88, %parallel_loop3A_601 : vector<16xi32>
        %parallel_loop3A_603 = tpu.vector_load_idx %arg9[%parallel_loop3A_502, %parallel_loop3A_602] : memref<512x32xf32, #tpu.memory_space<vmem>>[vector<16xi32>, vector<16xi32>], vector<16xf32>,
        tpu.vector_store_idx %arg11[%parallel_loop3A_602, %parallel_loop3A_527, %parallel_loop3A_547], %parallel_loop3A_603 : memref<30x4x128xf32, #tpu.memory_space<vmem>>[vector<16xi32>, vector<16xi32>, vector<16xi32>], vector<16xf32>,
        %parallel_loop3A_604 = arith.constant 14 : i32
        %parallel_loop3A_605 = vector.broadcast %parallel_loop3A_604 : i32 to vector<16xi32>
        %parallel_loop3A_606 = arith.addi %and3A_94, %parallel_loop3A_605 : vector<16xi32>
        %parallel_loop3A_607 = tpu.vector_load_idx %arg9[%parallel_loop3A_502, %parallel_loop3A_606] : memref<512x32xf32, #tpu.memory_space<vmem>>[vector<16xi32>, vector<16xi32>], vector<16xf32>,
        tpu.vector_store_idx %arg11[%parallel_loop3A_606, %parallel_loop3A_527, %parallel_loop3A_547], %parallel_loop3A_607 : memref<30x4x128xf32, #tpu.memory_space<vmem>>[vector<16xi32>, vector<16xi32>, vector<16xi32>], vector<16xf32>,
        %parallel_loop3A_608 = arith.constant 14 : i32
        %parallel_loop3A_609 = vector.broadcast %parallel_loop3A_608 : i32 to vector<16xi32>
        %parallel_loop3A_610 = arith.addi %and3A_100, %parallel_loop3A_609 : vector<16xi32>
        %parallel_loop3A_611 = tpu.vector_load_idx %arg9[%parallel_loop3A_502, %parallel_loop3A_610] : memref<512x32xf32, #tpu.memory_space<vmem>>[vector<16xi32>, vector<16xi32>], vector<16xf32>,
        tpu.vector_store_idx %arg11[%parallel_loop3A_610, %parallel_loop3A_527, %parallel_loop3A_547], %parallel_loop3A_611 : memref<30x4x128xf32, #tpu.memory_space<vmem>>[vector<16xi32>, vector<16xi32>, vector<16xi32>], vector<16xf32>,
      } {sc.loop_unroll_factor = 1 : i64, sc.parallel_access}
      %jit3A_448 = arith.constant 2 : i32
      %div3A_449 = arith.divsi %add3A_413, %jit3A_448 : i32
      %sign3A_450 = arith.constant 0 : i32
      %sign3A_451 = arith.cmpi sgt, %add3A_413, %sign3A_450 : i32
      %sign3A_452 = arith.extui %sign3A_451 : i1 to i32
      %sign3A_453 = arith.constant 0 : i32
      %sign3A_454 = arith.cmpi slt, %add3A_413, %sign3A_453 : i32
      %sign3A_455 = arith.extui %sign3A_454 : i1 to i32
      %sign3A_456 = arith.subi %sign3A_452, %sign3A_455 : i32
      %sign3A_457 = arith.constant 0 : i32
      %sign3A_458 = arith.cmpi sgt, %jit3A_448, %sign3A_457 : i32
      %sign3A_459 = arith.extui %sign3A_458 : i1 to i32
      %sign3A_460 = arith.constant 0 : i32
      %sign3A_461 = arith.cmpi slt, %jit3A_448, %sign3A_460 : i32
      %sign3A_462 = arith.extui %sign3A_461 : i1 to i32
      %sign3A_463 = arith.subi %sign3A_459, %sign3A_462 : i32
      %ne3A_464 = arith.cmpi ne, %sign3A_456, %sign3A_463 : i32
      %rem3A_465 = arith.remsi %add3A_413, %jit3A_448 : i32
      %ne3A_466 = arith.constant 0 : i32
      %ne3A_467 = arith.cmpi ne, %rem3A_465, %ne3A_466 : i32
      %and3A_468 = arith.andi %ne3A_464, %ne3A_467 : i1
      %sub3A_469 = arith.constant 1 : i32
      %sub3A_470 = arith.subi %div3A_449, %sub3A_469 : i32
      %select_n3A_471 = arith.select %and3A_468, %sub3A_470, %div3A_449 : i32
      %jit3A_472 = arith.constant 2 : i32
      %eq3A_473 = arith.constant 0 : i32
      %eq3A_474 = arith.cmpi eq, %jit3A_472, %eq3A_473 : i32
      %jit3A_475 = arith.constant 1 : i32
      %select_n3A_476 = arith.select %eq3A_474, %jit3A_475, %jit3A_472 : i32
      %rem3A_477 = arith.remsi %add3A_413, %select_n3A_476 : i32
      %ne3A_478 = arith.constant 0 : i32
      %ne3A_479 = arith.cmpi ne, %rem3A_477, %ne3A_478 : i32
      %lt3A_480 = arith.constant 0 : i32
      %lt3A_481 = arith.cmpi slt, %rem3A_477, %lt3A_480 : i32
      %lt3A_482 = arith.constant 0 : i32
      %lt3A_483 = arith.cmpi slt, %select_n3A_476, %lt3A_482 : i32
      %ne3A_484 = arith.xori %lt3A_481, %lt3A_483 : i1
      %and3A_485 = arith.andi %ne3A_484, %ne3A_479 : i1
      %add3A_486 = arith.addi %rem3A_477, %select_n3A_476 : i32
      %select_n3A_487 = arith.select %and3A_485, %add3A_486, %rem3A_477 : i32
      %mul3A_488 = arith.constant 4 : i32
      %mul3A_489 = arith.muli %mul3A_488, %select_n3A_487 : i32
      %dma_start3A_490 = arith.constant 0 : i32
      %dma_start3A_491 = arith.constant 0 : i32
      %dma_start3A_492 = tpu.memref_slice %arg4[%dma_start3A_490, %select_n3A_471, %add3A, %mul3A_489, %dma_start3A_491] : memref<30x25x32x8x128xf32, #tpu.memory_space<hbm>> -> memref<30x1x1x4x128xf32, #tpu.memory_space<hbm>>
      %dma_start3A_493 = tpu.memref_squeeze %dma_start3A_492 : memref<30x1x1x4x128xf32, #tpu.memory_space<hbm>> -> memref<30x4x128xf32, #tpu.memory_space<hbm>>
      %dma_start3A_494 = arith.constant 0 : i32
      %dma_start3A_495 = arith.constant 0 : i32
      %dma_start3A_496 = tpu.memref_slice %arg4[%dma_start3A_494, %select_n3A_471, %add3A, %mul3A_489, %dma_start3A_495] : memref<30x25x32x8x128xf32, #tpu.memory_space<hbm>> -> memref<30x1x1x4x128xf32, #tpu.memory_space<hbm>>
      %dma_start3A_497 = tpu.memref_squeeze %dma_start3A_496 : memref<30x1x1x4x128xf32, #tpu.memory_space<hbm>> -> memref<30x4x128xf32, #tpu.memory_space<hbm>>
      tpu.enqueue_dma source(%arg11 : memref<30x4x128xf32, #tpu.memory_space<vmem>>) target(%dma_start3A_497 : memref<30x4x128xf32, #tpu.memory_space<hbm>>) target_semaphore(%arg17 : memref<!tpu.dma_semaphore, #tpu.memory_space<semaphore_mem>>)
    }
    %scan3A_310 = arith.constant 25 : i32
    %dma_wait3A = arith.constant 0 : i32
    %dma_wait3A_311 = arith.constant 0 : i32
    %dma_wait3A_312 = arith.constant 0 : i32
    %dma_wait3A_313 = arith.constant 0 : i32
    %dma_wait3A_314 = arith.constant 0 : i32
    %dma_wait3A_315 = tpu.memref_slice %arg4[%dma_wait3A_312, %dma_wait3A, %dma_wait3A_311, %dma_wait3A_313, %dma_wait3A_314] : memref<30x25x32x8x128xf32, #tpu.memory_space<hbm>> -> memref<30x1x1x4x128xf32, #tpu.memory_space<hbm>>
    %dma_wait3A_316 = tpu.memref_squeeze %dma_wait3A_315 : memref<30x1x1x4x128xf32, #tpu.memory_space<hbm>> -> memref<30x4x128xf32, #tpu.memory_space<hbm>>
    %dma_wait3A_317 = arith.constant 0 : i32
    %dma_wait3A_318 = arith.constant 0 : i32
    %dma_wait3A_319 = arith.constant 0 : i32
    %dma_wait3A_320 = tpu.memref_slice %arg4[%dma_wait3A_317, %dma_wait3A, %dma_wait3A_311, %dma_wait3A_318, %dma_wait3A_319] : memref<30x25x32x8x128xf32, #tpu.memory_space<hbm>> -> memref<30x1x1x4x128xf32, #tpu.memory_space<hbm>>
    %dma_wait3A_321 = tpu.memref_squeeze %dma_wait3A_320 : memref<30x1x1x4x128xf32, #tpu.memory_space<hbm>> -> memref<30x4x128xf32, #tpu.memory_space<hbm>>
    tpu.wait_dma2 semaphore(%arg16 : memref<!tpu.dma_semaphore, #tpu.memory_space<semaphore_mem>>) src(%arg10 : memref<30x4x128xf32, #tpu.memory_space<vmem>>) dst(%dma_wait3A_321 : memref<30x4x128xf32, #tpu.memory_space<hbm>>)
    %dma_wait3A_322 = arith.constant 0 : i32
    %dma_wait3A_323 = arith.constant 0 : i32
    %dma_wait3A_324 = arith.constant 0 : i32
    %dma_wait3A_325 = arith.constant 0 : i32
    %dma_wait3A_326 = arith.constant 0 : i32
    %dma_wait3A_327 = tpu.memref_slice %arg4[%dma_wait3A_324, %dma_wait3A_322, %dma_wait3A_323, %dma_wait3A_325, %dma_wait3A_326] : memref<30x25x32x8x128xf32, #tpu.memory_space<hbm>> -> memref<30x1x1x4x128xf32, #tpu.memory_space<hbm>>
    %dma_wait3A_328 = tpu.memref_squeeze %dma_wait3A_327 : memref<30x1x1x4x128xf32, #tpu.memory_space<hbm>> -> memref<30x4x128xf32, #tpu.memory_space<hbm>>
    %dma_wait3A_329 = arith.constant 0 : i32
    %dma_wait3A_330 = arith.constant 0 : i32
    %dma_wait3A_331 = arith.constant 0 : i32
    %dma_wait3A_332 = tpu.memref_slice %arg4[%dma_wait3A_329, %dma_wait3A_322, %dma_wait3A_323, %dma_wait3A_330, %dma_wait3A_331] : memref<30x25x32x8x128xf32, #tpu.memory_space<hbm>> -> memref<30x1x1x4x128xf32, #tpu.memory_space<hbm>>
    %dma_wait3A_333 = tpu.memref_squeeze %dma_wait3A_332 : memref<30x1x1x4x128xf32, #tpu.memory_space<hbm>> -> memref<30x4x128xf32, #tpu.memory_space<hbm>>
    tpu.wait_dma2 semaphore(%arg17 : memref<!tpu.dma_semaphore, #tpu.memory_space<semaphore_mem>>) src(%arg11 : memref<30x4x128xf32, #tpu.memory_space<vmem>>) dst(%dma_wait3A_333 : memref<30x4x128xf32, #tpu.memory_space<hbm>>)
    return
  }
}

</mosaic_0001>

<sc_bundles>
// kernel: kernel.4.cloned.1.call-start
scs
__scs_entry_jumppad:
0x0: {  	(pc) =	sbr.rel $0x88, $3  }
0x1: {  	(tag) =	ssettag $0x0;
	lr =	simm.s32 $0x1  }
0x2: {  	[smem:$0x3F9F] =	sst lr;
	_ =	strace $0xD0000000  }
0x3: {  	_ = 	snop  }
0x4: {  	_ = 	snop  }
0x5: {  	_ = 	snop  }
0x6: {  	_ = 	snop  }
0x7: {  	_ = 	snop  }
__scs_overlays_trampoline_lowered:
0x8: {  	[smem:$0x3FAE] =	sst s0  }
0x9: {  	[smem:$0x3FAF] =	sst s1  }
0xa: {  	[smem:$0x3FB0] =	sst s2  }
0xb: {  	[smem:$0x3FB1] =	sst s3  }
0xc: {  	[smem:$0x3FB2] =	sst s4  }
0xd: {  	[smem:$0x3FB3] =	sst s5  }
0xe: {  	[smem:$0x3FB4] =	sst s6  }
0xf: {  	[smem:$0x3FB5] =	sst s7  }
0x10: {  	[smem:$0x3FB6] =	sst s8  }
0x11: {  	[smem:$0x3FB7] =	sst s9;
	s0 =	simm.s32 @!p0 $0x0  }
0x12: {  	s1 =	sld [smem:$0x3F9D];
	s0 =	simm.s32 @p0 $0x1  }
0x13: {  	[smem:$0x3FB8] =	sst s0;
	s0 =	simm.s32 @!p1 $0x0  }
0x14: {  	s2 =	sld [smem:$0x3F9C];
	s0 =	simm.s32 @p1 $0x1  }
0x15: {  	[smem:$0x3FB9] =	sst s0;
	s0 =	simm.s32 @!p2 $0x0  }
0x16: {  	s3 =	sld [smem:$0x3FDB];
	s0 =	simm.s32 @p2 $0x1  }
0x17: {  	s4 =	simm.s32 $0x1BF5;
	[smem:$0x3FBB] =	sst s0  }
0x18: {  	s0 =	sld [smem:$0x3F9E];
	_ =	swait.ge [sflag:s4], $0x0  }
0x19: {  	s7 =	sld [smem:$0x3F9F]  }
0x1a: {  	s8 =	sadd.s32 $0xFFFFE003, lr  }
0x1b: {  	s9 =	sadd.s32 $0xFFFFFEF7, lr;
	s5 =	simm.s32 $0xFFFFFFFF;
	p2 =	slt.u32 s8, $0xFFFFF086  }
0x1c: {  	p1 =	slt.u32 s9, $0xF7A;
	s5 =	simm.s32 @!p2 $0x0  }
0x1d: {  	s5 =	simm.s32 @p1 $0x1;
	p0 =	seq.s32 s7, s2  }
0x1e: {  	s7 =	smul.u32 @!p0 $0xF7A, s2;
	p2 =	seq.s32 @!p0 s5, $0x0  }
0x1f: {  	s9 =	smul.u32 $0xF7A, s1;
	s8 =	simm.s32 @!p0 $0x1BF5;
	p2 =	por !p2, p0  }
0x20: {  	[sflag:s8] =	ssyncset.s32 @!p0 $0xFFFFF086;
	s6 =	sadd.s32 @!p0 s3, s7;
	s7 =	simm.s32 @!p0 $0x108  }
0x21: {  	s3 =	sadd.s32 s3, s9;
	s6 =	sadd.s32 @!p0 $0x88, s6;
	s7 =	simm.s32 @p2 $0x1082  }
0x22: {  	[simem:s7], [sflag:s8] =	dma.local @!p0 [hbm:s6], $0xF7A  }
0x23: {  	s9 =	sor.u32 $0xD0000000, s2;
	s6 =	simm.s32 $0x108;
	_ =	swait.ge @!p0 [sflag:s8], $0x0  }
0x24: {  	s3 =	sadd.s32 $0x88, s3;
	s6 =	simm.s32 @!p1 $0x1082;
	[sflag:s4] =	ssyncset.s32 $0xFFFFF086  }
0x25: {  	[simem:s6], [sflag:s4] =	dma.local [hbm:s3], $0xF7A  }
0x26: {  	[smem:$0x3F9F] =	sst s1;
	(tag) =	ssettag s2;
	_ =	strace s9  }
0x27: {  	s1 =	sld [smem:$0x3FAF]  }
0x28: {  	s2 =	sld [smem:$0x3FB0]  }
0x29: {  	s4 =	sld [smem:$0x3FB2]  }
0x2a: {  	p0 =	seq.s32 s5, $0x0;
	s5 =	sld [smem:$0x3FB3]  }
0x2b: {  	s6 =	sld [smem:$0x3FB4]  }
0x2c: {  	s7 =	sld [smem:$0x3FB5]  }
0x2d: {  	s3 =	simm.s32 $0x108;
	s8 =	sld [smem:$0x3FB6]  }
0x2e: {  	s3 =	simm.s32 @!p0 $0x1082;
	s9 =	sld [smem:$0x3FB7]  }
0x2f: {  	lr =	sadd.s32 s0, s3;
	s0 =	sld [smem:$0x3FAE]  }
0x30: {  	s3 =	sld [smem:$0x3FB1]  }
0x31: {  	[smem:$0x3FBA] =	sst s10  }
0x32: {  	s10 =	sld [smem:$0x3FB8];
	_ =	sdelay $0x3  }
0x33: {  	p0 =	seq.s32 s10, $0x1;
	s10 =	sld [smem:$0x3FBA];
	_ =	sdelay $0x3  }
0x34: {  	[smem:$0x3FBA] =	sst s10  }
0x35: {  	s10 =	sld [smem:$0x3FB9];
	_ =	sdelay $0x3  }
0x36: {  	p1 =	seq.s32 s10, $0x1;
	s10 =	sld [smem:$0x3FBA];
	_ =	sdelay $0x3  }
0x37: {  	[smem:$0x3FBA] =	sst s10  }
0x38: {  	s10 =	sld [smem:$0x3FBB]  }
0x39: {  	_ = 	snop;
	(pc) =	sbr.ind lr, $3  }
0x3a: {  	_ = 	snop  }
0x3b: {  	_ = 	snop  }
0x3c: {  	p2 =	seq.s32 s10, $0x1;
	s10 =	sld [smem:$0x3FBA]  }
0x3d: {  	_ =	shalt  }
0x3e: {  	_ =	shalt  }
0x3f: {  	_ =	shalt  }
0x40: {  	_ =	shalt  }
0x41: {  	_ =	shalt  }
0x42: {  	_ =	shalt  }
0x43: {  	_ =	shalt  }
0x44: {  	_ =	shalt  }
0x45: {  	_ =	shalt  }
0x46: {  	_ =	shalt  }
0x47: {  	_ =	shalt  }
0x48: {  	_ =	shalt  }
0x49: {  	_ =	shalt  }
0x4a: {  	_ =	shalt  }
0x4b: {  	_ =	shalt  }
0x4c: {  	_ =	shalt  }
0x4d: {  	_ =	shalt  }
0x4e: {  	_ =	shalt  }
0x4f: {  	_ =	shalt  }
0x50: {  	_ =	shalt  }
0x51: {  	_ =	shalt  }
0x52: {  	_ =	shalt  }
0x53: {  	_ =	shalt  }
0x54: {  	_ =	shalt  }
0x55: {  	_ =	shalt  }
0x56: {  	_ =	shalt  }
0x57: {  	_ =	shalt  }
0x58: {  	_ =	shalt  }
0x59: {  	_ =	shalt  }
0x5a: {  	_ =	shalt  }
0x5b: {  	_ =	shalt  }
0x5c: {  	_ =	shalt  }
0x5d: {  	_ =	shalt  }
0x5e: {  	_ =	shalt  }
0x5f: {  	_ =	shalt  }
0x60: {  	_ =	shalt  }
0x61: {  	_ =	shalt  }
0x62: {  	_ =	shalt  }
0x63: {  	_ =	shalt  }
0x64: {  	_ =	shalt  }
0x65: {  	_ =	shalt  }
0x66: {  	_ =	shalt  }
0x67: {  	_ =	shalt  }
0x68: {  	_ =	shalt  }
0x69: {  	_ =	shalt  }
0x6a: {  	_ =	shalt  }
0x6b: {  	_ =	shalt  }
0x6c: {  	_ =	shalt  }
0x6d: {  	_ =	shalt  }
0x6e: {  	_ =	shalt  }
0x6f: {  	_ =	shalt  }
0x70: {  	_ =	shalt  }
0x71: {  	_ =	shalt  }
0x72: {  	_ =	shalt  }
0x73: {  	_ =	shalt  }
0x74: {  	_ =	shalt  }
0x75: {  	_ =	shalt  }
0x76: {  	_ =	shalt  }
0x77: {  	_ =	shalt  }
0x78: {  	_ =	shalt  }
0x79: {  	_ =	shalt  }
0x7a: {  	_ =	shalt  }
0x7b: {  	_ =	shalt  }
0x7c: {  	_ =	shalt  }
0x7d: {  	_ =	shalt  }
0x7e: {  	_ =	shalt  }
0x7f: {  	_ =	shalt  }
0x80: {  	_ =	shalt  }
0x81: {  	_ =	shalt  }
0x82: {  	_ =	shalt  }
0x83: {  	_ =	shalt  }
0x84: {  	_ =	shalt  }
0x85: {  	_ =	shalt  }
0x86: {  	_ =	shalt  }
0x87: {  	_ =	shalt  }
.Lfunc_end0:
.L_simem_size_0:
called_computation_lowered:
.L_overlay_start_0:
0x88: {  	s2 =	sld [smem:$0x3FD9]  }
0x89: {  	s3 =	sld [smem:$0x3FFE];
	_ =	sdelay $0x1  }
0x8a: {  	s1 =	srdreg.scid  }
0x8b: {  	s0 =	sand.u32 $0x1, s1  }
0x8c: {  	s16 =	sshll.u32 s0, $0xA;
	s2 =	sadd.s32 s3, s2  }
0x8d: {  	s2 =	sadd.s32 s2, s16  }
0x8e: {  	[smem:$0x3FC6] =	sst s2  }
0x8f: {  	_ = 	snop  }
0x90: {  	(tm) =	ssettm $0x1  }
0x91: {  	s17 =	sld [smem:$0x3FFB];
	_ =	sdelay $0x3  }
0x92: {  	_ =	strace s17  }
0x93: {  	s2 =	sld [smem:$0x3FFC];
	_ =	sdelay $0x3  }
0x94: {  	_ =	strace s2  }
0x95: {  	s2 =	sld [smem:$0x3FFD];
	_ =	sdelay $0x3  }
0x96: {  	_ =	strace s2  }
0x97: {  	_ =	strace $0x8FFFFFFF  }
0x98: {  	s18 =	sld [smem:$0x3FDB];
	_ =	sdelay $0x1  }
0x99: {  	s19 =	simm.s32 $_scs_section_size  }
0x9a: {  	s4 =	simm.s32 $_size__tile_overlayer_lowered;
	s5 =	simm.s32 $_tile_overlayer_lowered  }
0x9b: {  	s22 =	simm.s32 $0x1BFF;
	s21 =	sshll.u32 s5, $0x1;
	s2 =	sadd.s32 s19, s18  }
0x9c: {  	s6 =	simm.s32 $0x0;
	s20 =	sshll.u32 s4, $0x1;
	s4 =	sadd.s32 s21, s2  }
0x9d: {  	[timem:s6], [sflag:s22] =	dma.local [hbm:s4], s20  }
0x9e: {  	_ =	swait.ge [sflag:s22], s20  }
0x9f: {  	s3 =	ssub.s32 $0x0, s20;
	[sflag:s22] =	ssyncset.done $0x0  }
0xa0: {  	[sflag:s22] =	ssyncadd.s32 s3;
	_ =	sdelay $0x1  }
0xa1: {  	s23 =	simm.s32 $0x1B8B  }
0xa2: {  	_ =	swait.ge [sflag:s23], $0x1  }
0xa3: {  	[sflag:s23] =	ssyncset.done $0x0  }
0xa4: {  	s25 =	simm.s32 $0x1B8E;
	s24 =	sld [smem:$0x3FFE];
	[sflag:s23] =	ssyncadd.s32 $0xFFFFFFFF  }
0xa5: {  	s26 =	simm.s32 $execute0_lowered;
	[smem:$0x3FD2] =	sst s25  }
0xa6: {  	s4 =	sshll.u32 s26, $0x1;
	_ =	strace $0x80000046;
	[dreg:$0x1] =	wrdreg $0xFFFFFFFF  }
0xa7: {  	s28 =	simm.s32 $_size_execute0_lowered;
	s2 =	sadd.s32 s2, s4;
	[dreg:$0x0] =	wrdreg $0x0  }
0xa8: {  	s4 =	sshll.u32 s28, $0x1;
	[dreg:$0x2] =	wrdreg s2  }
0xa9: {  	[dreg:$0x3] =	wrdreg s4  }
0xaa: {  	[dreg:$0x4] =	wrdreg $0xC0  }
0xab: {  	_ =	task [dreg:s6], $0x5FFFF  }
0xac: {  	[dreg:$0x1] =	wrdreg $0xFFFFFFFF  }
0xad: {  	[dreg:$0x0] =	wrdreg $0x60  }
0xae: {  	[dreg:$0x2] =	wrdreg s24  }
0xaf: {  	[dreg:$0x3] =	wrdreg $0x9  }
0xb0: {  	_ =	task.clear_ibuf [dreg:s6], $0x4FFFF;
	_ =	strace $0x90000046  }
0xb1: {  	s29 =	simm.s32 $0x9;
	_ =	strace $0x80000048  }
0xb2: {  	_ =	swait.ge [sflag:s29], $0x1  }
0xb3: {  	[sflag:s29] =	ssyncadd.s32 $0xFFFFFFFF  }
0xb4: {  	_ =	strace $0x90000048  }
0xb5: {  	_ =	sfence  }
0xb6: {  	s30 =	sld [smem:$0x0];
	_ =	sdelay $0x2  }
0xb7: {  	s31 =	sshll.u32 s1, $0xD;
	s1 =	sshrl.u32 s1, $0x2  }
0xb8: {  	s3 =	sand.u32 $0x4000, s31;
	s1 =	sadd.s32 s1, s30  }
0xb9: {  	s0 =	sor.u32 s3, s0;
	s1 =	sshll.u32 s1, $0x11  }
0xba: {  	s0 =	sor.u32 s1, s0  }
0xbb: {  	s0 =	sadd.s32 $0x8F2B, s0  }
0xbc: {  	[sflag:s0] =	ssyncadd.remote.s32 $0x1  }
0xbd: {  	_ =	sfence.sel $0xFFFF  }
0xbe: {  	[dreg:$0x0] =	wrdreg $0xFFFFFFFF;
	(pc) =	sbr.abs _section_cstart, $3  }
0xbf: {  	[dreg:$0x1] =	wrdreg $0xFFFFFFFF  }
0xc0: {  	_ =	task.clear_ibuf [dreg:s6], $0x2FFFF;
	_ =	strace $0x9FFFFFFF  }
0xc1: {  	(tm) =	ssettm $0x7FFFFFFF  }
tec
execute0_lowered:
.L_overlay_start_1:
0x0: {  	(tag) =	ssettag $0x1  }
0x1: {  	s3 =	rddreg [dreg:$0x0];
	s2 =	srdreg.scid  }
0x2: {  	s0 =	rddreg [dreg:$0x1];
	s1 =	simm.s32 $0x0;
	s8 =	simm.s32 $0x2  }
.Ltmp0:
0x3: {  	s9 =	simm.s32 $0x3A98;
	s2 =	sand.u32 $0x1, s2;
	(pc) =	sbr.rel .LBB2_1-.Ltmp0, $4  }
0x4: {  	s10 =	simm.s32 $0x1;
	s11 =	simm.s32 $0x0;
	s6 =	ssub.s32 $0x2, s2  }
0x5: {  	[smem:$0x7FF] =	sst s1;
	s4 =	sadd.s32 $0xA00, s3;
	s7 =	sshrl.u32 s6, $0x1  }
0x6: {  	s5 =	sadd.s32 $0x5C400, s3;
	s3 =	stileid.u32;
	s7 =	ssub.s32 s6, s7  }
0x7: {  	_ =	strace $0x80000047;
	s6 =	sshll.u32 s3, $0x1;
	s7 =	smax.u32 s7, $0x1  }
.LBB2_7:
0x8: {  	s11 =	sadd.s32 $0x1, s11  }
0x9: {  	p0 =	sne.s32 s11, s7  }
.Ltmp1:
0xa: {  	_ = 	snop;
	(pc) =	sbr.rel @!p0 .LBB2_8-.Ltmp1, $1  }
0xb: {  	_ =	sdelay $0x3  }
.LBB2_1:
.Ltmp2:
0xc: {  	(pc) =	sbr.rel .LBB2_2-.Ltmp2, $2  }
0xd: {  	_ =	sdelay $0x2  }
0xe: {  	s12 =	simm.s32 $0x0  }
.LBB2_6:
0xf: {  	s12 =	sadd.s32 $0x1, s12  }
0x10: {  	p0 =	sne.s32 s12, $0x7  }
.Ltmp3:
0x11: {  	_ = 	snop;
	(pc) =	sbr.rel @!p0 .LBB2_7-.Ltmp3, $1  }
0x12: {  	_ =	sdelay $0x3  }
.LBB2_2:
0x13: {  	s13 =	sshll.u32 s12, $0x5  }
0x14: {  	s13 =	sor.u32 s6, s13  }
0x15: {  	p0 =	sgt.u32 s13, $0xC7  }
.Ltmp4:
0x16: {  	_ = 	snop;
	(pc) =	sbr.rel @p0 .LBB2_6-.Ltmp4, $1  }
0x17: {  	_ =	sdelay $0x3  }
0x18: {  	s13 =	sor.u32 s2, s13  }
0x19: {  	s14 =	smul.u32 $0x753, s13;
	_ =	sdelay $0x1  }
0x1a: {  	s17 =	simm.s32 $0x0;
	s14 =	sadd.s32 s4, s14  }
0x1b: {  	[tilespmem:s17], [sflag:$0x2] =	stream.linear.gather [hbm4b:s14+s17], $0x3A98, $0x38;
	[tilespmem:$0x7918] =	vst v63  }
0x1c: {  	_ =	swait.ge [sflag:s8], $0x3A98  }
0x1d: {  	[sflag:s8] =	ssyncset.done $0x0  }
0x1e: {  	[sflag:s8] =	ssyncadd.s32 $0xFFFFC568  }
0x1f: {  	v0 =	vld [tilespmem:s17+$0x0];
	_ =	sdelay $0x3  }
0x20: {  	s15 =	simm.s32 $0x1E;
	s14 =	simm.s32 $0x0  }
0x21: {  	v1 =	vld [tilespmem:s15+$0x0];
	[tilespmem:s14+$0x3A98] =	vst v0  }
0x22: {  	v0 =	vld [tilespmem:s17+$0xE];
	_ =	sdelay $0x2  }
0x23: {  	s18 =	simm.s32 $0x20  }
0x24: {  	s16 =	simm.s32 $0x100;
	[tilespmem:s18+$0x3A98] =	vst v1;
	s17 =	simm.s32 $0x3C  }
.LBB2_4:
0x25: {  	v1 =	vld [tilespmem:s17+$0x0];
	[tilespmem:s14+$0x3AA6] =	vst v0;
	s19 =	smov.u32 s16;
	s14 =	smov.u32 s18;
	p0 =	sne.s32 s16, $0xF980  }
.Ltmp5:
0x26: {  	s16 =	sadd.s32 $0x80, s16;
	v0 =	vld [tilespmem:s15+$0xE];
	(pc) =	sbr.rel @p0 .LBB2_4-.Ltmp5, $3  }
0x27: {  	s15 =	smov.u32 s17;
	_ =	sdelay $0x1  }
0x28: {  	s18 =	sshra.s32 s19, $0x2  }
0x29: {  	s17 =	sadd.s32 $0x1E, s17;
	[tilespmem:s18+$0x3A98] =	vst v1  }
0x2a: {  	v1 =	vld [tilespmem:s15+$0xE];
	_ =	sdelay $0x2  }
0x2b: {  	s13 =	smul.u32 $0x7D0, s13  }
0x2c: {  	[tilespmem:s14+$0x3AA6] =	vst v0  }
.Ltmp6:
0x2d: {  	s13 =	sadd.s32 s5, s13;
	[tilespmem:s18+$0x3AA6] =	vst v1;
	(pc) =	sbr.rel .LBB2_6-.Ltmp6, $4  }
0x2e: {  	[hbm4b:s13+s1] =	stream.linear.scatter [tilespmem:s9], [sflag:$0x1], $0x3E80, $0x38;
	[tilespmem:$0x7918] =	vst v63  }
0x2f: {  	_ =	swait.ge [sflag:s10], $0x3E80  }
0x30: {  	[sflag:s10] =	ssyncset.done $0x0  }
0x31: {  	[sflag:s10] =	ssyncadd.s32 $0xFFFFC180  }
.LBB2_8:
0x32: {  	_ =	sfence.sel $0x180000  }
0x33: {  	[bflag:$0x0] =	sbarrier.arrive $0xFFFF  }
0x34: {  	p0 =	sne.s32 s3, $0x0;
	_ =	strace $0x90000047  }
0x35: {  	s0 =	sadd.s32 @!p0 $0x100000, s0;
	[bflag:$0x2] =	sbarrier.arrive $0xFFFF  }
0x36: {  	[sflag:s0] =	ssyncadd.tile.s32 @!p0 $0x1;
	_ =	shalt  }
.Lfunc_end2:
_tile_overlayer_lowered:
.L_overlay_start_2:
0x37: {  	(tag) =	ssettag $0x2  }
0x38: {  	s0 =	rddreg [dreg:$0x0];
	s2 =	stileid.u32  }
0x39: {  	s1 =	rddreg [dreg:$0x1];
	p0 =	sne.s32 s2, $0x0  }
0x3a: {  	s3 =	rddreg [dreg:$0x2];
	[bflag:$0x3] =	sbarrier.arrive $0xFFFF;
	s2 =	simm.s32 @!p0 $0x1C01  }
0x3b: {  	[timem:s3], [sflag:s2] =	dma.local @!p0 [hbm:s0], s1  }
0x3c: {  	s0 =	simm.s32 @!p0 $0x1  }
0x3d: {  	_ =	swait.ge @!p0 [sflag:s0], s1  }
0x3e: {  	s1 =	ssub.s32 @!p0 $0x0, s1;
	[sflag:s0] =	ssyncset.done @!p0 $0x0  }
0x3f: {  	[sflag:s0] =	ssyncadd.s32 @!p0 s1  }
0x40: {  	[bflag:$0x3] =	sbarrier.arrive $0xFFFF  }
0x41: {  	_ =	shalt  }

// kernel: kernel.7.cloned.1.call-start
scs
__scs_entry_jumppad:
0x0: {  	(pc) =	sbr.rel $0x88, $3  }
0x1: {  	(tag) =	ssettag $0x0;
	lr =	simm.s32 $0x1  }
0x2: {  	[smem:$0x3F9F] =	sst lr;
	_ =	strace $0xD0000000  }
0x3: {  	_ = 	snop  }
0x4: {  	_ = 	snop  }
0x5: {  	_ = 	snop  }
0x6: {  	_ = 	snop  }
0x7: {  	_ = 	snop  }
__scs_overlays_trampoline_lowered:
0x8: {  	[smem:$0x3FAE] =	sst s0  }
0x9: {  	[smem:$0x3FAF] =	sst s1  }
0xa: {  	[smem:$0x3FB0] =	sst s2  }
0xb: {  	[smem:$0x3FB1] =	sst s3  }
0xc: {  	[smem:$0x3FB2] =	sst s4  }
0xd: {  	[smem:$0x3FB3] =	sst s5  }
0xe: {  	[smem:$0x3FB4] =	sst s6  }
0xf: {  	[smem:$0x3FB5] =	sst s7  }
0x10: {  	[smem:$0x3FB6] =	sst s8  }
0x11: {  	[smem:$0x3FB7] =	sst s9;
	s0 =	simm.s32 @!p0 $0x0  }
0x12: {  	s1 =	sld [smem:$0x3F9D];
	s0 =	simm.s32 @p0 $0x1  }
0x13: {  	[smem:$0x3FB8] =	sst s0;
	s0 =	simm.s32 @!p1 $0x0  }
0x14: {  	s2 =	sld [smem:$0x3F9C];
	s0 =	simm.s32 @p1 $0x1  }
0x15: {  	[smem:$0x3FB9] =	sst s0;
	s0 =	simm.s32 @!p2 $0x0  }
0x16: {  	s3 =	sld [smem:$0x3FDB];
	s0 =	simm.s32 @p2 $0x1  }
0x17: {  	s4 =	simm.s32 $0x1BF5;
	[smem:$0x3FBB] =	sst s0  }
0x18: {  	s0 =	sld [smem:$0x3F9E];
	_ =	swait.ge [sflag:s4], $0x0  }
0x19: {  	s7 =	sld [smem:$0x3F9F]  }
0x1a: {  	s8 =	sadd.s32 $0xFFFFE003, lr  }
0x1b: {  	s9 =	sadd.s32 $0xFFFFFEF7, lr;
	s5 =	simm.s32 $0xFFFFFFFF;
	p2 =	slt.u32 s8, $0xFFFFF086  }
0x1c: {  	p1 =	slt.u32 s9, $0xF7A;
	s5 =	simm.s32 @!p2 $0x0  }
0x1d: {  	s5 =	simm.s32 @p1 $0x1;
	p0 =	seq.s32 s7, s2  }
0x1e: {  	s7 =	smul.u32 @!p0 $0xF7A, s2;
	p2 =	seq.s32 @!p0 s5, $0x0  }
0x1f: {  	s9 =	smul.u32 $0xF7A, s1;
	s8 =	simm.s32 @!p0 $0x1BF5;
	p2 =	por !p2, p0  }
0x20: {  	[sflag:s8] =	ssyncset.s32 @!p0 $0xFFFFF086;
	s6 =	sadd.s32 @!p0 s3, s7;
	s7 =	simm.s32 @!p0 $0x108  }
0x21: {  	s3 =	sadd.s32 s3, s9;
	s6 =	sadd.s32 @!p0 $0x88, s6;
	s7 =	simm.s32 @p2 $0x1082  }
0x22: {  	[simem:s7], [sflag:s8] =	dma.local @!p0 [hbm:s6], $0xF7A  }
0x23: {  	s9 =	sor.u32 $0xD0000000, s2;
	s6 =	simm.s32 $0x108;
	_ =	swait.ge @!p0 [sflag:s8], $0x0  }
0x24: {  	s3 =	sadd.s32 $0x88, s3;
	s6 =	simm.s32 @!p1 $0x1082;
	[sflag:s4] =	ssyncset.s32 $0xFFFFF086  }
0x25: {  	[simem:s6], [sflag:s4] =	dma.local [hbm:s3], $0xF7A  }
0x26: {  	[smem:$0x3F9F] =	sst s1;
	(tag) =	ssettag s2;
	_ =	strace s9  }
0x27: {  	s1 =	sld [smem:$0x3FAF]  }
0x28: {  	s2 =	sld [smem:$0x3FB0]  }
0x29: {  	s4 =	sld [smem:$0x3FB2]  }
0x2a: {  	p0 =	seq.s32 s5, $0x0;
	s5 =	sld [smem:$0x3FB3]  }
0x2b: {  	s6 =	sld [smem:$0x3FB4]  }
0x2c: {  	s7 =	sld [smem:$0x3FB5]  }
0x2d: {  	s3 =	simm.s32 $0x108;
	s8 =	sld [smem:$0x3FB6]  }
0x2e: {  	s3 =	simm.s32 @!p0 $0x1082;
	s9 =	sld [smem:$0x3FB7]  }
0x2f: {  	lr =	sadd.s32 s0, s3;
	s0 =	sld [smem:$0x3FAE]  }
0x30: {  	s3 =	sld [smem:$0x3FB1]  }
0x31: {  	[smem:$0x3FBA] =	sst s10  }
0x32: {  	s10 =	sld [smem:$0x3FB8];
	_ =	sdelay $0x3  }
0x33: {  	p0 =	seq.s32 s10, $0x1;
	s10 =	sld [smem:$0x3FBA];
	_ =	sdelay $0x3  }
0x34: {  	[smem:$0x3FBA] =	sst s10  }
0x35: {  	s10 =	sld [smem:$0x3FB9];
	_ =	sdelay $0x3  }
0x36: {  	p1 =	seq.s32 s10, $0x1;
	s10 =	sld [smem:$0x3FBA];
	_ =	sdelay $0x3  }
0x37: {  	[smem:$0x3FBA] =	sst s10  }
0x38: {  	s10 =	sld [smem:$0x3FBB]  }
0x39: {  	_ = 	snop;
	(pc) =	sbr.ind lr, $3  }
0x3a: {  	_ = 	snop  }
0x3b: {  	_ = 	snop  }
0x3c: {  	p2 =	seq.s32 s10, $0x1;
	s10 =	sld [smem:$0x3FBA]  }
0x3d: {  	_ =	shalt  }
0x3e: {  	_ =	shalt  }
0x3f: {  	_ =	shalt  }
0x40: {  	_ =	shalt  }
0x41: {  	_ =	shalt  }
0x42: {  	_ =	shalt  }
0x43: {  	_ =	shalt  }
0x44: {  	_ =	shalt  }
0x45: {  	_ =	shalt  }
0x46: {  	_ =	shalt  }
0x47: {  	_ =	shalt  }
0x48: {  	_ =	shalt  }
0x49: {  	_ =	shalt  }
0x4a: {  	_ =	shalt  }
0x4b: {  	_ =	shalt  }
0x4c: {  	_ =	shalt  }
0x4d: {  	_ =	shalt  }
0x4e: {  	_ =	shalt  }
0x4f: {  	_ =	shalt  }
0x50: {  	_ =	shalt  }
0x51: {  	_ =	shalt  }
0x52: {  	_ =	shalt  }
0x53: {  	_ =	shalt  }
0x54: {  	_ =	shalt  }
0x55: {  	_ =	shalt  }
0x56: {  	_ =	shalt  }
0x57: {  	_ =	shalt  }
0x58: {  	_ =	shalt  }
0x59: {  	_ =	shalt  }
0x5a: {  	_ =	shalt  }
0x5b: {  	_ =	shalt  }
0x5c: {  	_ =	shalt  }
0x5d: {  	_ =	shalt  }
0x5e: {  	_ =	shalt  }
0x5f: {  	_ =	shalt  }
0x60: {  	_ =	shalt  }
0x61: {  	_ =	shalt  }
0x62: {  	_ =	shalt  }
0x63: {  	_ =	shalt  }
0x64: {  	_ =	shalt  }
0x65: {  	_ =	shalt  }
0x66: {  	_ =	shalt  }
0x67: {  	_ =	shalt  }
0x68: {  	_ =	shalt  }
0x69: {  	_ =	shalt  }
0x6a: {  	_ =	shalt  }
0x6b: {  	_ =	shalt  }
0x6c: {  	_ =	shalt  }
0x6d: {  	_ =	shalt  }
0x6e: {  	_ =	shalt  }
0x6f: {  	_ =	shalt  }
0x70: {  	_ =	shalt  }
0x71: {  	_ =	shalt  }
0x72: {  	_ =	shalt  }
0x73: {  	_ =	shalt  }
0x74: {  	_ =	shalt  }
0x75: {  	_ =	shalt  }
0x76: {  	_ =	shalt  }
0x77: {  	_ =	shalt  }
0x78: {  	_ =	shalt  }
0x79: {  	_ =	shalt  }
0x7a: {  	_ =	shalt  }
0x7b: {  	_ =	shalt  }
0x7c: {  	_ =	shalt  }
0x7d: {  	_ =	shalt  }
0x7e: {  	_ =	shalt  }
0x7f: {  	_ =	shalt  }
0x80: {  	_ =	shalt  }
0x81: {  	_ =	shalt  }
0x82: {  	_ =	shalt  }
0x83: {  	_ =	shalt  }
0x84: {  	_ =	shalt  }
0x85: {  	_ =	shalt  }
0x86: {  	_ =	shalt  }
0x87: {  	_ =	shalt  }
.Lfunc_end0:
.L_simem_size_0:
called_computation.1_lowered:
.L_overlay_start_0:
0x88: {  	s2 =	sld [smem:$0x3FD9]  }
0x89: {  	s3 =	sld [smem:$0x3FFE];
	_ =	sdelay $0x1  }
0x8a: {  	s1 =	srdreg.scid  }
0x8b: {  	s0 =	sand.u32 $0x1, s1  }
0x8c: {  	s17 =	sshll.u32 s0, $0xA;
	s2 =	sadd.s32 s3, s2  }
0x8d: {  	s2 =	sadd.s32 s2, s17  }
0x8e: {  	[smem:$0x3FC6] =	sst s2  }
0x8f: {  	_ = 	snop  }
0x90: {  	s2 =	sld [smem:$0x3FD0];
	(tm) =	ssettm $0x1  }
0x91: {  	s18 =	sld [smem:$0x3FFB];
	_ =	sdelay $0x3  }
0x92: {  	_ =	strace s18  }
0x93: {  	s3 =	sld [smem:$0x3FFC];
	_ =	sdelay $0x3  }
0x94: {  	_ =	strace s3  }
0x95: {  	s3 =	sld [smem:$0x3FFD];
	_ =	sdelay $0x3  }
0x96: {  	_ =	strace s3  }
0x97: {  	_ =	strace $0x8FFFFFFF  }
0x98: {  	s19 =	sld [smem:$0x3FDB];
	_ =	sdelay $0x1  }
0x99: {  	s4 =	simm.s32 $_scs_section_size  }
0x9a: {  	s5 =	simm.s32 $_size__tile_overlayer_lowered;
	s6 =	simm.s32 $_tile_overlayer_lowered  }
0x9b: {  	s22 =	simm.s32 $0x1BFF;
	s21 =	sshll.u32 s6, $0x1;
	s3 =	sadd.s32 s4, s19  }
0x9c: {  	s7 =	simm.s32 $0x0;
	s20 =	sshll.u32 s5, $0x1;
	s5 =	sadd.s32 s21, s3  }
0x9d: {  	[timem:s7], [sflag:s22] =	dma.local [hbm:s5], s20  }
0x9e: {  	_ =	swait.ge [sflag:s22], s20  }
0x9f: {  	s4 =	ssub.s32 $0x0, s20;
	[sflag:s22] =	ssyncset.done $0x0  }
0xa0: {  	[sflag:s22] =	ssyncadd.s32 s4;
	_ =	sdelay $0x1  }
0xa1: {  	s23 =	simm.s32 $0x1B8B  }
0xa2: {  	_ =	swait.ge [sflag:s23], $0x1  }
0xa3: {  	[sflag:s23] =	ssyncset.done $0x0  }
0xa4: {  	s25 =	simm.s32 $0x1B8E;
	s24 =	sld [smem:$0x3FFE];
	[sflag:s23] =	ssyncadd.s32 $0xFFFFFFFF  }
0xa5: {  	s26 =	simm.s32 $execute0_lowered;
	[smem:$0x3FD2] =	sst s25  }
0xa6: {  	s5 =	sshll.u32 s26, $0x1;
	_ =	strace $0x80000049;
	[dreg:$0x1] =	wrdreg $0xFFFFFFFF  }
0xa7: {  	s28 =	simm.s32 $_size_execute0_lowered;
	s3 =	sadd.s32 s3, s5;
	[dreg:$0x0] =	wrdreg $0x0  }
0xa8: {  	s5 =	sshll.u32 s28, $0x1;
	[dreg:$0x2] =	wrdreg s3  }
0xa9: {  	[dreg:$0x3] =	wrdreg s5  }
0xaa: {  	[dreg:$0x4] =	wrdreg $0xC0  }
0xab: {  	_ =	task [dreg:s7], $0x5FFFF  }
0xac: {  	[dreg:$0x1] =	wrdreg $0xFFFFFFFF  }
0xad: {  	[dreg:$0x0] =	wrdreg $0x60  }
0xae: {  	[dreg:$0x2] =	wrdreg s24  }
0xaf: {  	[dreg:$0x3] =	wrdreg s2  }
0xb0: {  	[dreg:$0x4] =	wrdreg $0x9  }
0xb1: {  	_ =	task.clear_ibuf [dreg:s7], $0x5FFFF;
	_ =	strace $0x90000049  }
0xb2: {  	s29 =	simm.s32 $0x9;
	_ =	strace $0x8000004B  }
0xb3: {  	_ =	swait.ge [sflag:s29], $0x1  }
0xb4: {  	[sflag:s29] =	ssyncadd.s32 $0xFFFFFFFF  }
0xb5: {  	_ =	strace $0x9000004B  }
0xb6: {  	_ =	sfence  }
0xb7: {  	s30 =	sld [smem:$0x0];
	_ =	sdelay $0x2  }
0xb8: {  	s31 =	sshll.u32 s1, $0xD;
	s1 =	sshrl.u32 s1, $0x2  }
0xb9: {  	s3 =	sand.u32 $0x4000, s31;
	s1 =	sadd.s32 s1, s30  }
0xba: {  	s0 =	sor.u32 s3, s0;
	s1 =	sshll.u32 s1, $0x11  }
0xbb: {  	s0 =	sor.u32 s1, s0  }
0xbc: {  	s0 =	sadd.s32 $0x8F2B, s0  }
0xbd: {  	[sflag:s0] =	ssyncadd.remote.s32 $0x1  }
0xbe: {  	_ =	sfence.sel $0xFFFF  }
0xbf: {  	[dreg:$0x0] =	wrdreg $0xFFFFFFFF;
	(pc) =	sbr.abs _section_cstart, $3  }
0xc0: {  	[dreg:$0x1] =	wrdreg $0xFFFFFFFF  }
0xc1: {  	_ =	task.clear_ibuf [dreg:s7], $0x2FFFF;
	_ =	strace $0x9FFFFFFF  }
0xc2: {  	(tm) =	ssettm $0x7FFFFFFF  }
0xc3: {  	_ =	shalt  }
tec
execute0_lowered:
.L_overlay_start_1:
0x0: {  	(tag) =	ssettag $0x1  }
0x1: {  	v0 =	vimm.s32 $0xFEDCBA9  }
0x2: {  	vm15 =	vcmask $0x300;
	v1 =	vimm.s32 $0xF;
	vm0 =	vcmask $0x704  }
0x3: {  	v2 =	vimm.s32 $0x87654321;
	vm1 =	vcmask $0xB08;
	vm2 =	vcmask $0xF0C  }
0x4: {  	vm3 =	vcmask $0x1310;
	vm4 =	vcmask $0x1714;
	vm5 =	vcmask $0x1B18  }
0x5: {  	vm6 =	vcmask $0x1F1C;
	vm7 =	vcmask $0x2320;
	v56 =	vimm.s32 $0x20F  }
0x6: {  	vm8 =	vcmask $0x2724;
	vm9 =	vcmask $0x2B28;
	vm10 =	vcmask $0x2F2C  }
0x7: {  	vm11 =	vcmask $0x3330;
	vm12 =	vcmask $0x3734;
	v58 =	vimm.s32 $0x10FEDCBA  }
0x8: {  	v59 =	vimm.s32 $0x98765432;
	vm13 =	vcmask $0x3B38;
	v60 =	vimm.s32 $0x40F  }
0x9: {  	v9 =	vimm.s32 $0x210FEDCB;
	v10 =	vimm.s32 $0x60F;
	v17 =	vimm.s32 $0x3210FEDC  }
0xa: {  	v18 =	vimm.s32 $0xBA987654;
	v19 =	vimm.s32 $0x80F;
	v22 =	vimm.s32 $0x43210FED  }
0xb: {  	v23 =	vimm.s32 $0xCBA98765;
	v34 =	vimm.s32 $0x543210FE;
	v36 =	vimm.s32 $0xC0F  }
0xc: {  	v37 =	vimm.s32 $0xDCBA9876;
	v38 =	vimm.s32 $0x6543210F;
	v40 =	vimm.s32 $0xE0F  }
0xd: {  	v41 =	vimm.s32 $0x100F;
	v46 =	vimm.s32 $0x76543210;
	v47 =	vimm.s32 $0xFEDCBA98  }
0xe: {  	v48 =	vimm.s32 $0x120F;
	v52 =	vimm.s32 $0x140F;
	v53 =	vimm.s32 $0x160F  }
0xf: {  	v0 =	vunpack.c.l.s4.s8 v0;
	v1 =	vsel vm15, $0x200, v1;
	v2 =	vunpack.c.l.s4.s8 v2  }
0x10: {  	v62 =	vsel vm15, $0x600, v60;
	v50 =	vsel vm15, $0x1400, v48;
	v1 =	vsel vm0, $0x401, v1  }
0x11: {  	v1 =	vsel vm1, $0x602, v1;
	v3 =	vunpack.c.0.s8.s32 v0;
	v55 =	vunpack.c.0.s8.s32 v2  }
0x12: {  	v51 =	vsel vm0, $0x1601, v50;
	v2 =	vsel vm15, $0x400, v56;
	v54 =	vsel vm2, $0x803, v1  }
0x13: {  	v2 =	vsel vm0, $0x601, v2;
	v0 =	vsel vm3, $0xA04, v54;
	v1 =	vcombine.low v55, v3  }
0x14: {  	[tilespmem:$0x1F9A0] =	vst v3;
	v2 =	vsel vm1, $0x802, v2;
	v3 =	vunpack.c.l.s4.s8 v59;
	v0 =	vsel vm4, $0xC05, v0  }
0x15: {  	v2 =	vsel vm2, $0xA03, v2;
	v0 =	vsel vm5, $0xE06, v0;
	v1 =	vand.u32 $0xF, v1  }
0x16: {  	v57 =	vsel vm3, $0xC04, v2;
	v2 =	vunpack.c.l.s4.s8 v58;
	v0 =	vsel vm6, $0x1007, v0  }
0x17: {  	v3 =	vunpack.c.0.s8.s32 v3;
	[tilespmem:$0x1F9C0] =	vst v1;
	v1 =	vsel vm4, $0xE05, v57;
	v0 =	vsel vm7, $0x1208, v0  }
0x18: {  	v1 =	vsel vm5, $0x1006, v1;
	v4 =	vunpack.c.0.s8.s32 v2;
	v2 =	vsel vm15, $0x800, v10  }
0x19: {  	v10 =	vimm.s32 $0x180F;
	v0 =	vsel vm8, $0x1409, v0;
	v1 =	vsel vm6, $0x1207, v1  }
0x1a: {  	v16 =	vsel vm0, $0xA01, v2;
	v2 =	vunpack.c.l.s4.s8 v17;
	v0 =	vsel vm9, $0x160A, v0  }
0x1b: {  	[tilespmem:$0x1F9F0] =	vst v3;
	v1 =	vsel vm7, $0x1408, v1;
	v63 =	vcombine.low v3, v4;
	v3 =	vunpack.c.l.s4.s8 v9  }
0x1c: {  	[tilespmem:$0x1F9E0] =	vst v4;
	v4 =	vimm.s32 $0xA9876543;
	v0 =	vsel vm10, $0x180B, v0;
	v1 =	vsel vm8, $0x1609, v1  }
0x1d: {  	v4 =	vunpack.c.l.s4.s8 v4;
	v0 =	vsel vm11, $0x1A0C, v0;
	v3 =	vunpack.c.0.s8.s32 v3  }
0x1e: {  	v61 =	vsel vm9, $0x180A, v1;
	v1 =	vsel vm0, $0x801, v62;
	v0 =	vsel vm12, $0x1C0D, v0  }
0x1f: {  	v1 =	vsel vm1, $0xA02, v1;
	v4 =	vunpack.c.0.s8.s32 v4;
	v0 =	vsel vm13, $0x1E0E, v0;
	[tilespmem:$0x1FA00] =	vst v3  }
0x20: {  	v54 =	vand.u32 $0xF, v63;
	v1 =	vsel vm2, $0xC03, v1;
	[tilespmem:$0x1F9D0] =	vst v0;
	v0 =	vsel vm10, $0x1A0B, v61  }
0x21: {  	v1 =	vsel vm3, $0xE04, v1;
	[tilespmem:$0x1FA10] =	vst v4;
	v3 =	vcombine.low v4, v3;
	v4 =	vunpack.c.0.s8.s32 v2  }
0x22: {  	v2 =	vsel vm15, $0xA00, v19;
	v19 =	vimm.s32 $0x1C0F;
	v0 =	vsel vm11, $0x1C0C, v0  }
0x23: {  	v1 =	vsel vm4, $0x1005, v1;
	v2 =	vsel vm0, $0xC01, v2;
	v0 =	vsel vm12, $0x1E0D, v0  }
0x24: {  	v1 =	vsel vm5, $0x1206, v1;
	v58 =	vand.u32 $0xF, v3;
	v3 =	vunpack.c.l.s4.s8 v18  }
0x25: {  	v21 =	vsel vm1, $0xE02, v2;
	v2 =	vunpack.c.l.s4.s8 v22;
	v18 =	vimm.s32 $0x1A0F  }
0x26: {  	v22 =	vimm.s32 $0x1E0F;
	v1 =	vsel vm6, $0x1407, v1;
	v57 =	vsel vm13, $0xE, v0  }
0x27: {  	v11 =	vsel vm7, $0x1608, v1;
	v1 =	vsel vm1, $0xC02, v16;
	v3 =	vunpack.c.0.s8.s32 v3  }
0x28: {  	v5 =	vunpack.c.0.s8.s32 v2;
	v16 =	vsel vm15, $0x1A00, v10;
	v0 =	vsel vm8, $0x1809, v11  }
0x29: {  	[tilespmem:$0x1FA20] =	vst v4;
	v1 =	vsel vm2, $0xE03, v1;
	v17 =	vsel vm0, $0x1C01, v16;
	v0 =	vsel vm9, $0x1A0A, v0  }
0x2a: {  	v1 =	vsel vm3, $0x1004, v1;
	[tilespmem:$0x1FA30] =	vst v3;
	v3 =	vcombine.low v3, v4;
	v4 =	vimm.s32 $0xA0F  }
0x2b: {  	v0 =	vsel vm10, $0x1C0B, v0;
	v1 =	vsel vm4, $0x1205, v1;
	v4 =	vsel vm15, $0xC00, v4  }
0x2c: {  	v0 =	vsel vm11, $0x1E0C, v0;
	v1 =	vsel vm5, $0x1406, v1;
	v56 =	vand.u32 $0xF, v3  }
0x2d: {  	v3 =	vunpack.c.l.s4.s8 v23;
	v30 =	vsel vm0, $0xE01, v4;
	v4 =	vimm.s32 $0xEDCBA987  }
0x2e: {  	v1 =	vsel vm6, $0x1607, v1;
	v0 =	vsel vm12, $0xD, v0;
	v2 =	vsel vm1, $0x1002, v30  }
0x2f: {  	v4 =	vunpack.c.l.s4.s8 v4;
	v30 =	vsel vm15, $0x2000, v22;
	v1 =	vsel vm7, $0x1808, v1  }
0x30: {  	v22 =	vimm.s32 $0x220F;
	v12 =	vsel vm13, $0x20E, v0;
	v1 =	vsel vm8, $0x1A09, v1  }
0x31: {  	v3 =	vunpack.c.0.s8.s32 v3;
	v20 =	vsel vm9, $0x1C0A, v1;
	v1 =	vsel vm2, $0x1003, v21  }
0x32: {  	v32 =	vsel vm2, $0x1203, v2;
	v2 =	vunpack.c.l.s4.s8 v37;
	v1 =	vsel vm3, $0x1204, v1  }
0x33: {  	v4 =	vunpack.c.0.s8.s32 v4;
	v33 =	vcombine.low v3, v5;
	v1 =	vsel vm4, $0x1405, v1  }
0x34: {  	[tilespmem:$0x1FA50] =	vst v3;
	v3 =	vunpack.c.l.s4.s8 v34;
	v27 =	vunpack.c.0.s8.s32 v2;
	v1 =	vsel vm5, $0x1606, v1  }
0x35: {  	v34 =	vimm.s32 $0x1211100F;
	v0 =	vsel vm10, $0x1E0B, v20;
	v1 =	vsel vm6, $0x1807, v1  }
0x36: {  	v0 =	vsel vm11, $0xC, v0;
	v60 =	vand.u32 $0xF, v33;
	v1 =	vsel vm7, $0x1A08, v1  }
0x37: {  	v26 =	vunpack.c.0.s8.s32 v3;
	v3 =	vunpack.c.l.s4.s8 v38;
	v1 =	vsel vm8, $0x1C09, v1  }
0x38: {  	v0 =	vsel vm12, $0x20D, v0;
	v31 =	vsel vm9, $0x1E0A, v1;
	v1 =	vsel vm3, $0x1404, v32  }
0x39: {  	v33 =	vimm.s32 $0xE1D1C1B;
	v59 =	vsel vm13, $0x40E, v0;
	v1 =	vsel vm4, $0x1605, v1  }
0x3a: {  	v3 =	vunpack.c.0.s8.s32 v3;
	v2 =	vcombine.low v27, v26;
	v1 =	vsel vm5, $0x1806, v1  }
0x3b: {  	v0 =	vsel vm10, $0xB, v31;
	v35 =	vsel vm6, $0x1A07, v1;
	v1 =	vsel vm15, $0xE00, v36  }
0x3c: {  	[tilespmem:$0x1FA60] =	vst v3;
	v3 =	vcombine.low v4, v3;
	v0 =	vsel vm11, $0x20C, v0;
	v1 =	vsel vm0, $0x1001, v1  }
0x3d: {  	v2 =	vand.u32 $0xF, v2;
	v0 =	vsel vm12, $0x40D, v0;
	v1 =	vsel vm1, $0x1202, v1  }
0x3e: {  	v63 =	vsel vm13, $0x60E, v0;
	v0 =	vsel vm7, $0x1C08, v35;
	v1 =	vsel vm2, $0x1403, v1  }
0x3f: {  	[tilespmem:$0x1FA80] =	vst v2;
	v2 =	vsel vm15, $0x1200, v41;
	v0 =	vsel vm8, $0x1E09, v0;
	v1 =	vsel vm3, $0x1604, v1  }
0x40: {  	v44 =	vand.u32 $0xF, v3;
	v0 =	vsel vm9, $0xA, v0;
	v1 =	vsel vm4, $0x1805, v1  }
0x41: {  	v2 =	vsel vm0, $0x1401, v2;
	v0 =	vsel vm10, $0x20B, v0;
	v1 =	vsel vm5, $0x1A06, v1  }
0x42: {  	v3 =	vunpack.c.l.s4.s8 v47;
	v0 =	vsel vm11, $0x40C, v0;
	v1 =	vsel vm6, $0x1C07, v1  }
0x43: {  	v31 =	vimm.s32 $0x1A191817;
	v0 =	vsel vm12, $0x60D, v0;
	v39 =	vsel vm7, $0x1E08, v1  }
0x44: {  	v43 =	vsel vm13, $0x80E, v0;
	v1 =	vsel vm15, $0x1000, v40;
	v0 =	vsel vm8, $0x9, v39  }
0x45: {  	v2 =	vsel vm1, $0x1602, v2;
	v1 =	vsel vm0, $0x1201, v1;
	v0 =	vsel vm9, $0x20A, v0  }
0x46: {  	v45 =	vsel vm2, $0x1803, v2;
	v1 =	vsel vm1, $0x1402, v1;
	v0 =	vsel vm10, $0x40B, v0  }
0x47: {  	v2 =	vunpack.c.l.s4.s8 v46;
	v1 =	vsel vm2, $0x1603, v1;
	v0 =	vsel vm11, $0x60C, v0  }
0x48: {  	v42 =	vsel vm3, $0x1804, v1;
	v1 =	vsel vm3, $0x1A04, v45;
	v0 =	vsel vm12, $0x80D, v0  }
0x49: {  	v3 =	vunpack.c.0.s8.s32 v3;
	v1 =	vsel vm4, $0x1C05, v1;
	v0 =	vsel vm13, $0xA0E, v0  }
0x4a: {  	v35 =	vunpack.c.0.s8.s32 v34;
	v1 =	vsel vm5, $0x1E06, v1;
	[tilespmem:$0x1FA90] =	vst v0;
	v0 =	vsel vm4, $0x1A05, v42  }
0x4b: {  	v2 =	vunpack.c.0.s8.s32 v2;
	v1 =	vsel vm6, $0x7, v1;
	v0 =	vsel vm5, $0x1C06, v0  }
0x4c: {  	v3 =	vand.u32 $0xF, v3;
	v1 =	vsel vm7, $0x208, v1;
	v0 =	vsel vm6, $0x1E07, v0  }
0x4d: {  	v62 =	vcombine.low v3, v2;
	v1 =	vsel vm8, $0x409, v1;
	v0 =	vsel vm7, $0x8, v0  }
0x4e: {  	v2 =	vsel vm15, $0x1800, v53;
	v1 =	vsel vm9, $0x60A, v1;
	v0 =	vsel vm8, $0x209, v0  }
0x4f: {  	v2 =	vsel vm0, $0x1A01, v2;
	v1 =	vsel vm10, $0x80B, v1;
	v0 =	vsel vm9, $0x40A, v0  }
0x50: {  	v2 =	vsel vm1, $0x1C02, v2;
	v1 =	vsel vm11, $0xA0C, v1;
	v0 =	vsel vm10, $0x60B, v0  }
0x51: {  	v49 =	vsel vm12, $0xC0D, v1;
	v1 =	vsel vm15, $0x1600, v52;
	v0 =	vsel vm11, $0x80C, v0  }
0x52: {  	v2 =	vsel vm2, $0x1E03, v2;
	v1 =	vsel vm0, $0x1801, v1;
	v0 =	vsel vm12, $0xA0D, v0  }
0x53: {  	v1 =	vsel vm1, $0x1A02, v1;
	v61 =	vsel vm13, $0xC0E, v0;
	v0 =	vsel vm1, $0x1802, v51  }
0x54: {  	v2 =	vsel vm3, $0x4, v2;
	v1 =	vsel vm2, $0x1C03, v1;
	v0 =	vsel vm2, $0x1A03, v0  }
0x55: {  	v2 =	vsel vm4, $0x205, v2;
	v1 =	vsel vm3, $0x1E04, v1;
	v0 =	vsel vm3, $0x1C04, v0  }
0x56: {  	v2 =	vsel vm5, $0x406, v2;
	v1 =	vsel vm4, $0x5, v1;
	v0 =	vsel vm4, $0x1E05, v0  }
0x57: {  	v2 =	vsel vm6, $0x607, v2;
	v1 =	vsel vm5, $0x206, v1;
	v0 =	vsel vm5, $0x6, v0  }
0x58: {  	v2 =	vsel vm7, $0x808, v2;
	v1 =	vsel vm6, $0x407, v1;
	v0 =	vsel vm6, $0x207, v0  }
0x59: {  	v2 =	vsel vm8, $0xA09, v2;
	v1 =	vsel vm7, $0x608, v1;
	v0 =	vsel vm7, $0x408, v0  }
0x5a: {  	v2 =	vsel vm9, $0xC0A, v2;
	v1 =	vsel vm8, $0x809, v1;
	v0 =	vsel vm8, $0x609, v0  }
0x5b: {  	v9 =	vsel vm10, $0xE0B, v2;
	v1 =	vsel vm9, $0xA0A, v1;
	v0 =	vsel vm9, $0x80A, v0  }
0x5c: {  	v2 =	vsel vm15, $0x1E00, v19;
	v1 =	vsel vm10, $0xC0B, v1;
	v0 =	vsel vm10, $0xA0B, v0  }
0x5d: {  	[tilespmem:$0x1F9B0] =	vst v55;
	v55 =	vsel vm11, $0xE0C, v1;
	v1 =	vsel vm11, $0x100C, v9;
	v0 =	vsel vm11, $0xC0C, v0  }
0x5e: {  	[tilespmem:$0x1FAA0] =	vst v2;
	v2 =	vsel vm0, $0x1, v2;
	v11 =	vsel vm12, $0x120D, v1;
	v0 =	vsel vm12, $0xE0D, v0  }
0x5f: {  	v1 =	vsel vm15, $0x1C00, v18;
	v47 =	vsel vm13, $0x100E, v0;
	v0 =	vsel vm12, $0x100D, v55  }
0x60: {  	v1 =	vsel vm0, $0x1E01, v1;
	v48 =	vsel vm13, $0x120E, v0;
	v0 =	vsel vm1, $0x1E02, v17  }
0x61: {  	v2 =	vsel vm1, $0x202, v2;
	v1 =	vsel vm1, $0x2, v1;
	v0 =	vsel vm2, $0x3, v0  }
0x62: {  	v2 =	vsel vm2, $0x403, v2;
	v1 =	vsel vm2, $0x203, v1;
	v0 =	vsel vm3, $0x204, v0  }
0x63: {  	v2 =	vsel vm3, $0x604, v2;
	v1 =	vsel vm3, $0x404, v1;
	v0 =	vsel vm4, $0x405, v0  }
0x64: {  	v2 =	vsel vm4, $0x805, v2;
	v1 =	vsel vm4, $0x605, v1;
	v0 =	vsel vm5, $0x606, v0  }
0x65: {  	v2 =	vsel vm5, $0xA06, v2;
	v1 =	vsel vm5, $0x806, v1;
	v0 =	vsel vm6, $0x807, v0  }
0x66: {  	v2 =	vsel vm6, $0xC07, v2;
	v1 =	vsel vm6, $0xA07, v1;
	v0 =	vsel vm7, $0xA08, v0  }
0x67: {  	v2 =	vsel vm7, $0xE08, v2;
	v1 =	vsel vm7, $0xC08, v1;
	v0 =	vsel vm8, $0xC09, v0  }
0x68: {  	v2 =	vsel vm8, $0x1009, v2;
	v1 =	vsel vm8, $0xE09, v1;
	v0 =	vsel vm9, $0xE0A, v0  }
0x69: {  	v2 =	vsel vm9, $0x120A, v2;
	v1 =	vsel vm9, $0x100A, v1;
	v0 =	vsel vm10, $0x100B, v0  }
0x6a: {  	v21 =	vsel vm10, $0x140B, v2;
	v1 =	vsel vm10, $0x120B, v1;
	v0 =	vsel vm11, $0x120C, v0  }
0x6b: {  	v20 =	vsel vm11, $0x140C, v1;
	v1 =	vsel vm11, $0x160C, v21;
	v0 =	vsel vm12, $0x140D, v0  }
0x6c: {  	v23 =	vsel vm12, $0x180D, v1;
	v50 =	vsel vm13, $0x160E, v0;
	v0 =	vsel vm12, $0x160D, v20  }
0x6d: {  	v1 =	vsel vm0, $0x2201, v30;
	v7 =	vsel vm13, $0x180E, v0;
	v0 =	vunpack.c.0.s8.s32 v31  }
0x6e: {  	v37 =	vimm.s32 $0x200F;
	[tilespmem:$0x1FAD0] =	vst v35;
	v32 =	vsel vm1, $0x2402, v1;
	v1 =	vunpack.c.0.s8.s32 v33  }
0x6f: {  	v38 =	vsel vm15, $0x2200, v37;
	v36 =	vimm.s32 $0x16151413;
	[tilespmem:$0x1FAB0] =	vst v0;
	v0 =	vsel vm2, $0x2603, v32  }
0x70: {  	v35 =	vimm.s32 $0x280F;
	[tilespmem:$0x1FAC0] =	vst v1;
	v1 =	vunpack.c.0.s8.s32 v36;
	v0 =	vsel vm3, $0x2804, v0  }
0x71: {  	v41 =	vimm.s32 $0x13121110;
	v37 =	vsel vm15, $0x2A00, v35;
	v0 =	vsel vm4, $0x2A05, v0  }
0x72: {  	v40 =	vimm.s32 $0xF0E1D1C;
	[tilespmem:$0x1FAE0] =	vst v1;
	v1 =	vsel vm0, $0x2401, v38;
	v0 =	vsel vm5, $0x2C06, v0  }
0x73: {  	v39 =	vimm.s32 $0x1B1A1918;
	v1 =	vsel vm1, $0x2602, v1;
	v0 =	vsel vm6, $0x2E07, v0  }
0x74: {  	v42 =	vimm.s32 $0x17161514;
	v1 =	vsel vm2, $0x2803, v1;
	v0 =	vsel vm7, $0x3008, v0  }
0x75: {  	v2 =	vunpack.c.0.s8.s32 v39;
	v1 =	vsel vm3, $0x2A04, v1;
	v0 =	vsel vm8, $0x3209, v0  }
0x76: {  	v52 =	vimm.s32 $0x100F0E1D;
	v1 =	vsel vm4, $0x2C05, v1;
	v0 =	vsel vm9, $0x340A, v0  }
0x77: {  	[tilespmem:$0x1FAF0] =	vst v2;
	v2 =	vunpack.c.0.s8.s32 v40;
	v1 =	vsel vm5, $0x2E06, v1;
	v0 =	vsel vm10, $0x360B, v0  }
0x78: {  	v51 =	vimm.s32 $0x1C1B1A19;
	v1 =	vsel vm6, $0x3007, v1;
	v0 =	vsel vm11, $0x380C, v0  }
0x79: {  	[tilespmem:$0x1FB00] =	vst v2;
	v2 =	vunpack.c.0.s8.s32 v41;
	v46 =	vsel vm7, $0x3208, v1;
	v0 =	vsel vm12, $0x3A0D, v0  }
0x7a: {  	v39 =	vimm.s32 $0x2A0F;
	v6 =	vsel vm13, $0x1C0E, v0;
	v0 =	vsel vm8, $0x3409, v46  }
0x7b: {  	v40 =	vimm.s32 $0x2C0F;
	[tilespmem:$0x1FB10] =	vst v2;
	v2 =	vunpack.c.0.s8.s32 v42;
	v0 =	vsel vm9, $0x360A, v0  }
0x7c: {  	v9 =	vimm.s32 $0x14131211;
	v55 =	vunpack.c.0.s8.s32 v52;
	v0 =	vsel vm10, $0x380B, v0  }
0x7d: {  	v52 =	vimm.s32 $0x300F;
	v17 =	vimm.s32 $0x11100F0E;
	v0 =	vsel vm11, $0x3A0C, v0  }
0x7e: {  	v20 =	vimm.s32 $0x15141312;
	v1 =	vunpack.c.0.s8.s32 v51;
	v0 =	vsel vm12, $0x1C0D, v0  }
0x7f: {  	[tilespmem:$0x1FB20] =	vst v2;
	v19 =	vunpack.c.0.s8.s32 v17;
	v38 =	vsel vm13, $0x1E0E, v0;
	v0 =	vunpack.c.0.s8.s32 v20  }
0x80: {  	v30 =	vsel vm15, $0x2400, v22;
	v32 =	vimm.s32 $0x260F;
	[tilespmem:$0x1FB30] =	vst v1;
	v1 =	vunpack.c.0.s8.s32 v9  }
0x81: {  	v31 =	vimm.s32 $0x240F;
	v2 =	vsel vm15, $0x2800, v32;
	[tilespmem:$0x1FB90] =	vst v0;
	v0 =	vsel vm0, $0x2601, v30  }
0x82: {  	v2 =	vsel vm0, $0x2A01, v2;
	[tilespmem:$0x1FB50] =	vst v1;
	v1 =	vsel vm15, $0x2600, v31;
	v0 =	vsel vm1, $0x2802, v0  }
0x83: {  	v2 =	vsel vm1, $0x2C02, v2;
	v1 =	vsel vm0, $0x2801, v1;
	v0 =	vsel vm2, $0x2A03, v0  }
0x84: {  	v2 =	vsel vm2, $0x2E03, v2;
	v1 =	vsel vm1, $0x2A02, v1;
	v0 =	vsel vm3, $0x2C04, v0  }
0x85: {  	v2 =	vsel vm3, $0x3004, v2;
	v1 =	vsel vm2, $0x2C03, v1;
	v0 =	vsel vm4, $0x2E05, v0  }
0x86: {  	v2 =	vsel vm4, $0x3205, v2;
	v1 =	vsel vm3, $0x2E04, v1;
	v0 =	vsel vm5, $0x3006, v0  }
0x87: {  	v2 =	vsel vm5, $0x3406, v2;
	v1 =	vsel vm4, $0x3005, v1;
	v0 =	vsel vm6, $0x3207, v0  }
0x88: {  	v2 =	vsel vm6, $0x3607, v2;
	v1 =	vsel vm5, $0x3206, v1;
	v0 =	vsel vm7, $0x3408, v0  }
0x89: {  	v2 =	vsel vm7, $0x3808, v2;
	v1 =	vsel vm6, $0x3407, v1;
	v0 =	vsel vm8, $0x3609, v0  }
0x8a: {  	v2 =	vsel vm8, $0x3A09, v2;
	v1 =	vsel vm7, $0x3608, v1;
	v0 =	vsel vm9, $0x380A, v0  }
0x8b: {  	v2 =	vsel vm9, $0x1C0A, v2;
	v1 =	vsel vm8, $0x3809, v1;
	v0 =	vsel vm10, $0x3A0B, v0  }
0x8c: {  	v46 =	vimm.s32 $0x2E0F;
	v1 =	vsel vm9, $0x3A0A, v1;
	v0 =	vsel vm11, $0x1C0C, v0  }
0x8d: {  	v2 =	vsel vm10, $0x1E0B, v2;
	v1 =	vsel vm10, $0x1C0B, v1;
	v0 =	vsel vm12, $0x1E0D, v0  }
0x8e: {  	v51 =	vsel vm15, $0x3000, v46;
	v33 =	vsel vm11, $0x1E0C, v1;
	v0 =	vsel vm13, $0x200E, v0  }
0x8f: {  	v34 =	vsel vm11, $0x200C, v2;
	v2 =	vsel vm15, $0x2E00, v40;
	[tilespmem:$0x1FBB0] =	vst v0;
	v0 =	vsel vm12, $0x200D, v33  }
0x90: {  	v2 =	vsel vm0, $0x3001, v2;
	v1 =	vsel vm12, $0x220D, v34;
	v0 =	vsel vm13, $0x220E, v0  }
0x91: {  	v36 =	vsel vm13, $0x240E, v1;
	v1 =	vsel vm15, $0x2C00, v39;
	[tilespmem:$0x1FBC0] =	vst v0;
	v0 =	vsel vm0, $0x2C01, v37  }
0x92: {  	v2 =	vsel vm1, $0x3202, v2;
	v1 =	vsel vm0, $0x2E01, v1;
	v0 =	vsel vm1, $0x2E02, v0  }
0x93: {  	v2 =	vsel vm2, $0x3403, v2;
	v1 =	vsel vm1, $0x3002, v1;
	v0 =	vsel vm2, $0x3003, v0  }
0x94: {  	v2 =	vsel vm3, $0x3604, v2;
	v1 =	vsel vm2, $0x3203, v1;
	v0 =	vsel vm3, $0x3204, v0  }
0x95: {  	v2 =	vsel vm4, $0x3805, v2;
	v1 =	vsel vm3, $0x3404, v1;
	v0 =	vsel vm4, $0x3405, v0  }
0x96: {  	v2 =	vsel vm5, $0x3A06, v2;
	v1 =	vsel vm4, $0x3605, v1;
	v0 =	vsel vm5, $0x3606, v0  }
0x97: {  	v2 =	vsel vm6, $0x1C07, v2;
	v1 =	vsel vm5, $0x3806, v1;
	v0 =	vsel vm6, $0x3807, v0  }
0x98: {  	v2 =	vsel vm7, $0x1E08, v2;
	v1 =	vsel vm6, $0x3A07, v1;
	v0 =	vsel vm7, $0x3A08, v0  }
0x99: {  	v2 =	vsel vm8, $0x2009, v2;
	v1 =	vsel vm7, $0x1C08, v1;
	v0 =	vsel vm8, $0x1C09, v0  }
0x9a: {  	v2 =	vsel vm9, $0x220A, v2;
	v1 =	vsel vm8, $0x1E09, v1;
	v0 =	vsel vm9, $0x1E0A, v0  }
0x9b: {  	v2 =	vsel vm10, $0x240B, v2;
	v1 =	vsel vm9, $0x200A, v1;
	v0 =	vsel vm10, $0x200B, v0  }
0x9c: {  	v42 =	vsel vm11, $0x260C, v2;
	v1 =	vsel vm10, $0x220B, v1;
	v0 =	vsel vm11, $0x220C, v0  }
0x9d: {  	v41 =	vsel vm11, $0x240C, v1;
	v1 =	vsel vm12, $0x280D, v42;
	v0 =	vsel vm12, $0x240D, v0  }
0x9e: {  	[tilespmem:$0x1FA40] =	vst v5;
	v40 =	vsel vm13, $0x2A0E, v1;
	v5 =	vsel vm13, $0x260E, v0;
	v0 =	vsel vm12, $0x260D, v41  }
0x9f: {  	[tilespmem:$0x1FB80] =	vst v19;
	v1 =	vsel vm15, $0x3200, v52;
	v19 =	vsel vm13, $0x280E, v0;
	v0 =	vsel vm0, $0x3201, v51  }
0xa0: {  	v1 =	vsel vm0, $0x3401, v1;
	v0 =	vsel vm1, $0x3402, v0  }
0xa1: {  	v1 =	vsel vm1, $0x3602, v1;
	v0 =	vsel vm2, $0x3603, v0  }
0xa2: {  	v1 =	vsel vm2, $0x3803, v1;
	v0 =	vsel vm3, $0x3804, v0  }
0xa3: {  	v1 =	vsel vm3, $0x3A04, v1;
	v0 =	vsel vm4, $0x3A05, v0  }
0xa4: {  	v1 =	vsel vm4, $0x1C05, v1;
	v0 =	vsel vm5, $0x1C06, v0  }
0xa5: {  	v10 =	vimm.s32 $0x18171615;
	v1 =	vsel vm5, $0x1E06, v1;
	v0 =	vsel vm6, $0x1E07, v0  }
0xa6: {  	v16 =	vimm.s32 $0x1D1C1B1A;
	v1 =	vsel vm6, $0x2007, v1;
	v0 =	vsel vm7, $0x2008, v0  }
0xa7: {  	v45 =	vsel vm13, $0xE0E, v49;
	v1 =	vsel vm7, $0x2208, v1;
	v0 =	vsel vm8, $0x2209, v0  }
0xa8: {  	v18 =	vunpack.c.0.s8.s32 v16;
	v1 =	vsel vm8, $0x2409, v1;
	v0 =	vsel vm9, $0x240A, v0  }
0xa9: {  	v49 =	vsel vm13, $0x140E, v11;
	v1 =	vsel vm9, $0x260A, v1;
	v0 =	vsel vm10, $0x260B, v0  }
0xaa: {  	v11 =	vunpack.c.0.s8.s32 v10;
	v1 =	vsel vm10, $0x280B, v1;
	v0 =	vsel vm11, $0x280C, v0  }
0xab: {  	[tilespmem:$0x1FA70] =	vst v4;
	v21 =	vimm.s32 $0x19181716;
	v9 =	vsel vm11, $0x2A0C, v1;
	v0 =	vsel vm12, $0x2A0D, v0  }
0xac: {  	[tilespmem:$0x1FB70] =	vst v18;
	v53 =	vsel vm13, $0x1A0E, v23;
	v41 =	vsel vm13, $0x2C0E, v0;
	v0 =	vsel vm12, $0x2C0D, v9  }
0xad: {  	[tilespmem:$0x1FB60] =	vst v11;
	v23 =	vunpack.c.0.s8.s32 v21;
	v52 =	vsel vm13, $0x2E0E, v0;
	v0 =	vlaneseq.u32  }
0xae: {  	[tilespmem:$0x1FB40] =	vst v55;
	v4 =	vmul.u32 $0xC8, v0  }
0xaf: {  	[tilespmem:$0x1FBA0] =	vst v23  }
0xb0: {  	v55 =	vimm.s32 $0x320F;
	[tilespmem:$0x1FBD0] =	vst v36;
	v20 =	vadd.s32 $0xC80, v4  }
0xb1: {  	v2 =	vsel vm15, $0x3400, v55;
	v21 =	vadd.s32 $0x1900, v4;
	[tilespmem:$0x1FBE0] =	vst v20  }
0xb2: {  	s1 =	rddreg [dreg:$0x0];
	s3 =	simm.s32 $0x0;
	v2 =	vsel vm0, $0x3601, v2;
	v22 =	vadd.s32 $0x2580, v4;
	[tilespmem:$0x1FBF0] =	vst v21  }
0xb3: {  	[smem:$0x7FF] =	sst s3;
	v2 =	vsel vm1, $0x3802, v2;
	v23 =	vadd.s32 $0x3200, v4;
	[tilespmem:$0x1FC00] =	vst v22  }
0xb4: {  	s7 =	rddreg [dreg:$0x1];
	v2 =	vsel vm2, $0x3A03, v2;
	v30 =	vadd.s32 $0x3E80, v4;
	_ =	strace $0x8000004A;
	[tilespmem:$0x1FC10] =	vst v23  }
0xb5: {  	v2 =	vsel vm3, $0x1C04, v2;
	v31 =	vadd.s32 $0x4B00, v4;
	[tilespmem:$0x1FC20] =	vst v30  }
0xb6: {  	v2 =	vsel vm4, $0x1E05, v2;
	v32 =	vadd.s32 $0x5780, v4;
	[tilespmem:$0x1FC30] =	vst v31  }
0xb7: {  	v2 =	vsel vm5, $0x2006, v2;
	v33 =	vor.u32 $0x1, v4;
	[tilespmem:$0x1FC40] =	vst v32  }
0xb8: {  	v2 =	vsel vm6, $0x2207, v2;
	v35 =	vadd.s32 $0xC81, v4;
	[tilespmem:$0x1FC50] =	vst v33  }
0xb9: {  	v2 =	vsel vm7, $0x2408, v2;
	v36 =	vadd.s32 $0x1901, v4;
	[tilespmem:$0x1FC60] =	vst v35  }
0xba: {  	v2 =	vsel vm8, $0x2609, v2;
	v39 =	vadd.s32 $0x2581, v4;
	[tilespmem:$0x1FC70] =	vst v36  }
0xbb: {  	v2 =	vsel vm9, $0x280A, v2;
	v42 =	vadd.s32 $0x3201, v4;
	[tilespmem:$0x1FC80] =	vst v39  }
0xbc: {  	v2 =	vsel vm10, $0x2A0B, v2;
	v55 =	vadd.s32 $0x3E81, v4;
	[tilespmem:$0x1FC90] =	vst v42  }
0xbd: {  	v10 =	vsel vm11, $0x2C0C, v2;
	v9 =	vadd.s32 $0x4B01, v4;
	[tilespmem:$0x1FCA0] =	vst v55  }
0xbe: {  	v11 =	vimm.s32 $0x340F;
	v1 =	vsel vm12, $0x2E0D, v10;
	v10 =	vadd.s32 $0x5781, v4;
	[tilespmem:$0x1FCB0] =	vst v9  }
0xbf: {  	v16 =	vsel vm15, $0x3600, v11;
	v17 =	vimm.s32 $0x360F;
	v11 =	vor.u32 $0x2, v4;
	[tilespmem:$0x1FCC0] =	vst v10  }
0xc0: {  	v37 =	vsel vm13, $0x300E, v1;
	v1 =	vsel vm0, $0x3801, v16;
	v16 =	vadd.s32 $0xC82, v4;
	[tilespmem:$0x1FCD0] =	vst v11  }
0xc1: {  	v18 =	vimm.s32 $0x380F;
	v2 =	vsel vm15, $0x3800, v17;
	v17 =	vadd.s32 $0x1902, v4;
	[tilespmem:$0x1FCE0] =	vst v16  }
0xc2: {  	v3 =	vsel vm15, $0x3A00, v18;
	v18 =	vadd.s32 $0x2582, v4;
	[tilespmem:$0x1FCF0] =	vst v17  }
0xc3: {  	v20 =	vadd.s32 $0x3202, v4;
	[tilespmem:$0x1FD00] =	vst v18  }
0xc4: {  	v21 =	vadd.s32 $0x3E82, v4;
	[tilespmem:$0x1FD10] =	vst v20  }
0xc5: {  	v22 =	vadd.s32 $0x4B02, v4;
	[tilespmem:$0x1FD20] =	vst v21  }
0xc6: {  	[tilespmem:$0x1FD30] =	vst v22  }
0xc7: {  	[tilespmem:$0x1FDC0] =	vst v4  }
0xc8: {  	[tilespmem:$0x1FDF0] =	vst v54  }
0xc9: {  	[tilespmem:$0x1FE00] =	vst v12  }
0xca: {  	[tilespmem:$0x1FE10] =	vst v56  }
0xcb: {  	[tilespmem:$0x1FE20] =	vst v57  }
0xcc: {  	[tilespmem:$0x1FE30] =	vst v58  }
0xcd: {  	[tilespmem:$0x1FE40] =	vst v59  }
0xce: {  	[tilespmem:$0x1FE50] =	vst v63  }
0xcf: {  	[tilespmem:$0x1FE60] =	vst v26  }
0xd0: {  	[tilespmem:$0x1FE70] =	vst v27  }
0xd1: {  	[tilespmem:$0x1FE80] =	vst v43  }
0xd2: {  	[tilespmem:$0x1FE90] =	vst v60  }
0xd3: {  	[tilespmem:$0x1FEA0] =	vst v44  }
0xd4: {  	[tilespmem:$0x1FEB0] =	vst v62  }
0xd5: {  	[tilespmem:$0x1FEC0] =	vst v61  }
0xd6: {  	[tilespmem:$0x1FED0] =	vst v45  }
0xd7: {  	[tilespmem:$0x1FEE0] =	vst v47  }
0xd8: {  	v2 =	vsel vm0, $0x3A01, v2;
	v1 =	vsel vm1, $0x3A02, v1;
	[tilespmem:$0x1FEF0] =	vst v48  }
0xd9: {  	v3 =	vsel vm0, $0x1C01, v3;
	v2 =	vsel vm1, $0x1C02, v2;
	v1 =	vsel vm2, $0x1C03, v1;
	[tilespmem:$0x1FF00] =	vst v49  }
0xda: {  	v3 =	vsel vm1, $0x1E02, v3;
	v2 =	vsel vm2, $0x1E03, v2;
	v1 =	vsel vm3, $0x1E04, v1;
	[tilespmem:$0x1FF10] =	vst v50  }
0xdb: {  	v3 =	vsel vm2, $0x2003, v3;
	v2 =	vsel vm3, $0x2004, v2;
	v1 =	vsel vm4, $0x2005, v1;
	[tilespmem:$0x1FF20] =	vst v7  }
0xdc: {  	v3 =	vsel vm3, $0x2204, v3;
	v2 =	vsel vm4, $0x2205, v2;
	v1 =	vsel vm5, $0x2206, v1;
	[tilespmem:$0x1FF30] =	vst v53  }
0xdd: {  	v3 =	vsel vm4, $0x2405, v3;
	v2 =	vsel vm5, $0x2406, v2;
	v1 =	vsel vm6, $0x2407, v1;
	[tilespmem:$0x1FF40] =	vst v6  }
0xde: {  	v3 =	vsel vm5, $0x2606, v3;
	v2 =	vsel vm6, $0x2607, v2;
	v1 =	vsel vm7, $0x2608, v1;
	[tilespmem:$0x1FF50] =	vst v38  }
0xdf: {  	v3 =	vsel vm6, $0x2807, v3;
	v2 =	vsel vm7, $0x2808, v2;
	v1 =	vsel vm8, $0x2809, v1;
	[tilespmem:$0x1FF60] =	vst v5  }
0xe0: {  	v3 =	vsel vm7, $0x2A08, v3;
	v2 =	vsel vm8, $0x2A09, v2;
	v1 =	vsel vm9, $0x2A0A, v1;
	[tilespmem:$0x1FF70] =	vst v19  }
0xe1: {  	v3 =	vsel vm8, $0x2C09, v3;
	v2 =	vsel vm9, $0x2C0A, v2;
	v1 =	vsel vm10, $0x2C0B, v1;
	[tilespmem:$0x1FF80] =	vst v40  }
0xe2: {  	v3 =	vsel vm9, $0x2E0A, v3;
	v2 =	vsel vm10, $0x2E0B, v2;
	v1 =	vsel vm11, $0x2E0C, v1;
	[tilespmem:$0x1FF90] =	vst v41  }
0xe3: {  	v3 =	vsel vm10, $0x300B, v3;
	v2 =	vsel vm11, $0x300C, v2;
	v1 =	vsel vm12, $0x300D, v1;
	[tilespmem:$0x1FFA0] =	vst v52  }
0xe4: {  	v3 =	vsel vm11, $0x320C, v3;
	v2 =	vsel vm12, $0x320D, v2;
	v34 =	vsel vm13, $0x320E, v1;
	[tilespmem:$0x1FFB0] =	vst v37  }
0xe5: {  	v3 =	vsel vm12, $0x340D, v3;
	v46 =	vsel vm13, $0x340E, v2;
	[tilespmem:$0x1FFC0] =	vst v34  }
0xe6: {  	v51 =	vsel vm13, $0x360E, v3;
	[tilespmem:$0x1FFD0] =	vst v46  }
0xe7: {  	v23 =	vadd.s32 $0x5782, v4;
	[tilespmem:$0x1FFE0] =	vst v51  }
0xe8: {  	s0 =	srdreg.scid;
	s2 =	stileid.u32;
	v30 =	vor.u32 $0x3, v4;
	[tilespmem:$0x1FD40] =	vst v23  }
0xe9: {  	s0 =	sand.u32 $0x1, s0;
	s2 =	sshll.u32 s2, $0x1;
	v31 =	vadd.s32 $0xC83, v4;
	[tilespmem:$0x1FD50] =	vst v30  }
0xea: {  	s2 =	sor.u32 s0, s2;
	v32 =	vadd.s32 $0x1903, v4;
	[tilespmem:$0x1FD60] =	vst v31  }
0xeb: {  	s4 =	smul.u32 $0xC80, s2;
	v33 =	vadd.s32 $0x2583, v4;
	[tilespmem:$0x1FD70] =	vst v32  }
0xec: {  	s12 =	simm.s32 $0x6800;
	v35 =	vadd.s32 $0x3203, v4;
	[tilespmem:$0x1FD80] =	vst v33  }
0xed: {  	s18 =	simm.s32 $0xA800;
	s21 =	simm.s32 $0xE800;
	s5 =	sadd.s32 s4, s1;
	v36 =	vadd.s32 $0x3E83, v4;
	[tilespmem:$0x1FD90] =	vst v35  }
0xee: {  	s25 =	simm.s32 $0x4;
	s0 =	ssub.s32 $0x2, s0;
	s29 =	sadd.s32 $0xBE000, s5;
	v39 =	vadd.s32 $0x4B03, v4;
	[tilespmem:$0x1FDA0] =	vst v36  }
0xef: {  	s6 =	sshrl.u32 s0, $0x1;
	s30 =	sshll.u32 s2, $0x7;
	[dreg:$0x3] =	wrdreg s29;
	v42 =	vadd.s32 $0x5783, v4;
	v55 =	vmul.u32 $0x20, v0;
	v0 =	vmul.u32 $0x201, v0;
	[tilespmem:$0x1FDB0] =	vst v39  }
0xf0: {  	s31 =	sadd.s32 $0x40, s7;
	s0 =	ssub.s32 s0, s6;
	[dreg:$0x4] =	wrdreg s30;
	[tilespmem:$0x1FDD0] =	vst v42  }
0xf1: {  	s26 =	simm.s32 $0x12400;
	s0 =	smax.u32 s0, $0x1;
	[dreg:$0x5] =	wrdreg s31;
	[tilespmem:$0x1FDE0] =	vst v0  }
0xf2: {  	vm14 =	vcmask $0x1F10;
	s2 =	simm.s32 $0x0;
	s4 =	sadd.s32 $0x5C400, s1;
	[dreg:$0x6] =	wrdreg s0;
	[tilespmem:$0x1FFF0] =	vst v55  }
.LBB2_1:
0xf3: {  	[dreg:$0x7] =	wrdreg s2  }
0xf4: {  	s0 =	rddreg [dreg:$0x3];
	s24 =	simm.s32 $0x7  }
0xf5: {  	[tilespmem:s3], [sflag:$0x7] =	stream.linear.gather [hbm4b:s0+s3], $0x6400, $0x38;
	[tilespmem:$0x16000] =	vst v63  }
0xf6: {  	_ =	swait.ge [sflag:s24], $0x6400  }
0xf7: {  	v0 =	vld [tilespmem:$0x1FDC0];
	_ =	sdelay $0x5  }
0xf8: {  	[sflag:s24] =	ssyncset.done $0x0;
	v51 =	vld [tilespmem:$0x1FBE0]  }
0xf9: {  	[sflag:s24] =	ssyncadd.s32 $0xFFFF9C00  }
0xfa: {  	v1 =	vld.idx.msk [tilespmem:v0+s3+$0x0], $0xffff;
	_ =	sdelay $0x3  }
0xfb: {  	v52 =	vld [tilespmem:$0x1FBF0]  }
0xfc: {  	[tilespmem:$0x6400] =	vst v1  }
0xfd: {  	v1 =	vld.idx.msk [tilespmem:v51+s3+$0x0], $0xffff;
	_ =	sdelay $0x3  }
0xfe: {  	v55 =	vld [tilespmem:$0x1FC00]  }
0xff: {  	[tilespmem:$0x6410] =	vst v1  }
0x100: {  	v1 =	vld.idx.msk [tilespmem:v52+s3+$0x0], $0xffff;
	_ =	sdelay $0x3  }
0x101: {  	v9 =	vld [tilespmem:$0x1FC10]  }
0x102: {  	[tilespmem:$0x6420] =	vst v1  }
0x103: {  	v1 =	vld.idx.msk [tilespmem:v55+s3+$0x0], $0xffff;
	_ =	sdelay $0x3  }
0x104: {  	v10 =	vld [tilespmem:$0x1FC20]  }
0x105: {  	[tilespmem:$0x6430] =	vst v1  }
0x106: {  	v1 =	vld.idx.msk [tilespmem:v9+s3+$0x0], $0xffff;
	_ =	sdelay $0x3  }
0x107: {  	v11 =	vld [tilespmem:$0x1FC30]  }
0x108: {  	[tilespmem:$0x6440] =	vst v1  }
0x109: {  	v1 =	vld.idx.msk [tilespmem:v10+s3+$0x0], $0xffff;
	_ =	sdelay $0x3  }
0x10a: {  	v16 =	vld [tilespmem:$0x1FC40]  }
0x10b: {  	[tilespmem:$0x6450] =	vst v1  }
0x10c: {  	v1 =	vld.idx.msk [tilespmem:v11+s3+$0x0], $0xffff;
	_ =	sdelay $0x3  }
0x10d: {  	v17 =	vld [tilespmem:$0x1FC50]  }
0x10e: {  	[tilespmem:$0x6460] =	vst v1  }
0x10f: {  	v1 =	vld.idx.msk [tilespmem:v16+s3+$0x0], $0xffff;
	_ =	sdelay $0x3  }
0x110: {  	v18 =	vld [tilespmem:$0x1FC60]  }
0x111: {  	[tilespmem:$0x6470] =	vst v1  }
0x112: {  	v1 =	vld.idx.msk [tilespmem:v17+s3+$0x0], $0xffff;
	_ =	sdelay $0x3  }
0x113: {  	v19 =	vld [tilespmem:$0x1FC70]  }
0x114: {  	[tilespmem:$0x6480] =	vst v1  }
0x115: {  	v1 =	vld.idx.msk [tilespmem:v18+s3+$0x0], $0xffff;
	_ =	sdelay $0x3  }
0x116: {  	v20 =	vld [tilespmem:$0x1FC80]  }
0x117: {  	[tilespmem:$0x6490] =	vst v1  }
0x118: {  	v1 =	vld.idx.msk [tilespmem:v19+s3+$0x0], $0xffff;
	_ =	sdelay $0x3  }
0x119: {  	v21 =	vld [tilespmem:$0x1FC90]  }
0x11a: {  	[tilespmem:$0x64A0] =	vst v1  }
0x11b: {  	v1 =	vld.idx.msk [tilespmem:v20+s3+$0x0], $0xffff;
	_ =	sdelay $0x3  }
0x11c: {  	v22 =	vld [tilespmem:$0x1FCA0]  }
0x11d: {  	[tilespmem:$0x64B0] =	vst v1  }
0x11e: {  	v1 =	vld.idx.msk [tilespmem:v21+s3+$0x0], $0xffff;
	_ =	sdelay $0x3  }
0x11f: {  	v23 =	vld [tilespmem:$0x1FCB0]  }
0x120: {  	[tilespmem:$0x64C0] =	vst v1  }
0x121: {  	v1 =	vld.idx.msk [tilespmem:v22+s3+$0x0], $0xffff;
	_ =	sdelay $0x3  }
0x122: {  	v30 =	vld [tilespmem:$0x1FCC0]  }
0x123: {  	[tilespmem:$0x64D0] =	vst v1  }
0x124: {  	v1 =	vld.idx.msk [tilespmem:v23+s3+$0x0], $0xffff;
	_ =	sdelay $0x3  }
0x125: {  	v31 =	vld [tilespmem:$0x1FCD0]  }
0x126: {  	[tilespmem:$0x64E0] =	vst v1  }
0x127: {  	v1 =	vld.idx.msk [tilespmem:v30+s3+$0x0], $0xffff;
	_ =	sdelay $0x3  }
0x128: {  	v32 =	vld [tilespmem:$0x1FCE0]  }
0x129: {  	[tilespmem:$0x64F0] =	vst v1  }
0x12a: {  	v1 =	vld.idx.msk [tilespmem:v31+s3+$0x0], $0xffff;
	_ =	sdelay $0x3  }
0x12b: {  	v33 =	vld [tilespmem:$0x1FCF0]  }
0x12c: {  	[tilespmem:$0x6500] =	vst v1  }
0x12d: {  	v1 =	vld.idx.msk [tilespmem:v32+s3+$0x0], $0xffff;
	_ =	sdelay $0x3  }
0x12e: {  	v34 =	vld [tilespmem:$0x1FD00]  }
0x12f: {  	[tilespmem:$0x6510] =	vst v1  }
0x130: {  	v1 =	vld.idx.msk [tilespmem:v33+s3+$0x0], $0xffff;
	_ =	sdelay $0x3  }
0x131: {  	v35 =	vld [tilespmem:$0x1FD10]  }
0x132: {  	[tilespmem:$0x6520] =	vst v1  }
0x133: {  	v1 =	vld.idx.msk [tilespmem:v34+s3+$0x0], $0xffff;
	_ =	sdelay $0x3  }
0x134: {  	v36 =	vld [tilespmem:$0x1FD20]  }
0x135: {  	[tilespmem:$0x6530] =	vst v1  }
0x136: {  	v1 =	vld.idx.msk [tilespmem:v35+s3+$0x0], $0xffff;
	_ =	sdelay $0x3  }
0x137: {  	v37 =	vld [tilespmem:$0x1FD30]  }
0x138: {  	[tilespmem:$0x6540] =	vst v1  }
0x139: {  	v1 =	vld.idx.msk [tilespmem:v36+s3+$0x0], $0xffff;
	_ =	sdelay $0x3  }
0x13a: {  	v38 =	vld [tilespmem:$0x1FD40]  }
0x13b: {  	[tilespmem:$0x6550] =	vst v1  }
0x13c: {  	v1 =	vld.idx.msk [tilespmem:v37+s3+$0x0], $0xffff;
	_ =	sdelay $0x3  }
0x13d: {  	v39 =	vld [tilespmem:$0x1FD50]  }
0x13e: {  	[tilespmem:$0x6560] =	vst v1  }
0x13f: {  	v1 =	vld.idx.msk [tilespmem:v38+s3+$0x0], $0xffff;
	_ =	sdelay $0x3  }
0x140: {  	v40 =	vld [tilespmem:$0x1FD60]  }
0x141: {  	[tilespmem:$0x6570] =	vst v1  }
0x142: {  	v1 =	vld.idx.msk [tilespmem:v39+s3+$0x0], $0xffff;
	_ =	sdelay $0x3  }
0x143: {  	v41 =	vld [tilespmem:$0x1FD70]  }
0x144: {  	[tilespmem:$0x6580] =	vst v1  }
0x145: {  	v1 =	vld.idx.msk [tilespmem:v40+s3+$0x0], $0xffff;
	_ =	sdelay $0x3  }
0x146: {  	v42 =	vld [tilespmem:$0x1FD80]  }
0x147: {  	[tilespmem:$0x6590] =	vst v1  }
0x148: {  	v1 =	vld.idx.msk [tilespmem:v41+s3+$0x0], $0xffff;
	_ =	sdelay $0x3  }
0x149: {  	v46 =	vld [tilespmem:$0x1FD90]  }
0x14a: {  	[tilespmem:$0x65A0] =	vst v1  }
0x14b: {  	v1 =	vld.idx.msk [tilespmem:v42+s3+$0x0], $0xffff;
	_ =	sdelay $0x3  }
0x14c: {  	v51 =	vld [tilespmem:$0x1FDA0]  }
0x14d: {  	[tilespmem:$0x65B0] =	vst v1  }
0x14e: {  	v1 =	vld.idx.msk [tilespmem:v46+s3+$0x0], $0xffff;
	_ =	sdelay $0x3  }
0x14f: {  	v52 =	vld [tilespmem:$0x1FDB0]  }
0x150: {  	[tilespmem:$0x65C0] =	vst v1  }
0x151: {  	v1 =	vld.idx.msk [tilespmem:v51+s3+$0x0], $0xffff;
	_ =	sdelay $0x3  }
0x152: {  	v55 =	vld [tilespmem:$0x1FDD0]  }
0x153: {  	[tilespmem:$0x65D0] =	vst v1  }
0x154: {  	v1 =	vld.idx.msk [tilespmem:v52+s3+$0x0], $0xffff;
	_ =	sdelay $0x4  }
0x155: {  	[tilespmem:$0x65E0] =	vst v1  }
0x156: {  	v1 =	vld.idx.msk [tilespmem:v55+s3+$0x0], $0xffff;
	_ =	sdelay $0x4  }
0x157: {  	s28 =	simm.s32 $0x100;
	s1 =	simm.s32 $0x6400;
	[tilespmem:$0x65F0] =	vst v1  }
0x158: {  	[tilespmem:s12], [sflag:$0x1] =	stream.indirect.gather [hbm4b:s4+s28], $0x20, s1, s28, $0xb8;
	[tilespmem:$0x16000] =	vst v63  }
0x159: {  	s29 =	simm.s32 $0x6500;
	s30 =	simm.s32 $0x8800;
	s31 =	simm.s32 $0x0  }
0x15a: {  	[tilespmem:s30], [sflag:$0x3] =	stream.indirect.gather [hbm4b:s4+s28], $0x20, s29, s28, $0xb8;
	[tilespmem:$0x16000] =	vst v63  }
.LBB2_2:
0x15b: {  	s2 =	simm.s32 $0x1  }
0x15c: {  	_ =	swait.ge [sflag:s2], $0x2000  }
0x15d: {  	v0 =	vld [tilespmem:$0x1FDC0];
	_ =	sdelay $0x2  }
0x15e: {  	s0 =	sshll.u32 s31, $0x3  }
0x15f: {  	s1 =	sor.u32 $0x4, s0  }
0x160: {  	[sflag:s2] =	ssyncset.done $0x0;
	v1 =	vadd.s32 s1, v0  }
0x161: {  	s11 =	simm.s32 $0x3;
	[sflag:s2] =	ssyncadd.s32 $0xFFFFE000  }
0x162: {  	_ =	swait.ge [sflag:s11], $0x2000  }
0x163: {  	[sflag:s11] =	ssyncset.done $0x0  }
0x164: {  	[sflag:s11] =	ssyncadd.s32 $0xFFFFE000  }
0x165: {  	s13 =	sadd.s32 $0xC84, s0;
	v1 =	vld.idx.msk [tilespmem:v1+s3+$0x0], $0xffff  }
0x166: {  	v2 =	vadd.s32 s13, v0;
	_ =	sdelay $0x3  }
0x167: {  	[tilespmem:$0x6600] =	vst v1  }
0x168: {  	s14 =	sor.u32 $0x1904, s0;
	v1 =	vld.idx.msk [tilespmem:v2+s3+$0x0], $0xffff  }
0x169: {  	v2 =	vadd.s32 s14, v0;
	_ =	sdelay $0x3  }
0x16a: {  	[tilespmem:$0x6610] =	vst v1  }
0x16b: {  	s15 =	sadd.s32 $0x2584, s0;
	v1 =	vld.idx.msk [tilespmem:v2+s3+$0x0], $0xffff  }
0x16c: {  	v2 =	vadd.s32 s15, v0;
	_ =	sdelay $0x3  }
0x16d: {  	[tilespmem:$0x6620] =	vst v1  }
0x16e: {  	s16 =	sor.u32 $0x3204, s0;
	v1 =	vld.idx.msk [tilespmem:v2+s3+$0x0], $0xffff  }
0x16f: {  	v2 =	vadd.s32 s16, v0;
	_ =	sdelay $0x3  }
0x170: {  	[tilespmem:$0x6630] =	vst v1  }
0x171: {  	s17 =	sadd.s32 $0x3E84, s0;
	v1 =	vld.idx.msk [tilespmem:v2+s3+$0x0], $0xffff  }
0x172: {  	v2 =	vadd.s32 s17, v0;
	_ =	sdelay $0x3  }
0x173: {  	[tilespmem:$0x6640] =	vst v1  }
0x174: {  	s19 =	sor.u32 $0x4B04, s0;
	v1 =	vld.idx.msk [tilespmem:v2+s3+$0x0], $0xffff  }
0x175: {  	v2 =	vadd.s32 s19, v0;
	_ =	sdelay $0x3  }
0x176: {  	[tilespmem:$0x6650] =	vst v1  }
0x177: {  	s20 =	sadd.s32 $0x5784, s0;
	v1 =	vld.idx.msk [tilespmem:v2+s3+$0x0], $0xffff  }
0x178: {  	v2 =	vadd.s32 s20, v0;
	_ =	sdelay $0x3  }
0x179: {  	[tilespmem:$0x6660] =	vst v1  }
0x17a: {  	s22 =	sor.u32 $0x5, s0;
	v1 =	vld.idx.msk [tilespmem:v2+s3+$0x0], $0xffff  }
0x17b: {  	v2 =	vadd.s32 s22, v0;
	_ =	sdelay $0x3  }
0x17c: {  	[tilespmem:$0x6670] =	vst v1  }
0x17d: {  	s23 =	sadd.s32 $0xC85, s0;
	v1 =	vld.idx.msk [tilespmem:v2+s3+$0x0], $0xffff  }
0x17e: {  	v2 =	vadd.s32 s23, v0;
	_ =	sdelay $0x3  }
0x17f: {  	[tilespmem:$0x6680] =	vst v1  }
0x180: {  	s24 =	sor.u32 $0x1905, s0;
	v1 =	vld.idx.msk [tilespmem:v2+s3+$0x0], $0xffff  }
0x181: {  	v2 =	vadd.s32 s24, v0;
	_ =	sdelay $0x3  }
0x182: {  	[tilespmem:$0x6690] =	vst v1  }
0x183: {  	s2 =	sadd.s32 $0x2585, s0;
	v1 =	vld.idx.msk [tilespmem:v2+s3+$0x0], $0xffff  }
0x184: {  	v2 =	vadd.s32 s2, v0;
	_ =	sdelay $0x3  }
0x185: {  	[tilespmem:$0x66A0] =	vst v1  }
0x186: {  	s5 =	sor.u32 $0x3205, s0;
	v1 =	vld.idx.msk [tilespmem:v2+s3+$0x0], $0xffff  }
0x187: {  	v2 =	vadd.s32 s5, v0;
	_ =	sdelay $0x3  }
0x188: {  	[tilespmem:$0x66B0] =	vst v1  }
0x189: {  	s6 =	sadd.s32 $0x3E85, s0;
	v1 =	vld.idx.msk [tilespmem:v2+s3+$0x0], $0xffff  }
0x18a: {  	v2 =	vadd.s32 s6, v0;
	_ =	sdelay $0x3  }
0x18b: {  	[tilespmem:$0x66C0] =	vst v1  }
0x18c: {  	s7 =	sor.u32 $0x4B05, s0;
	v1 =	vld.idx.msk [tilespmem:v2+s3+$0x0], $0xffff  }
0x18d: {  	v2 =	vadd.s32 s7, v0;
	_ =	sdelay $0x3  }
0x18e: {  	[tilespmem:$0x66D0] =	vst v1  }
0x18f: {  	s8 =	sadd.s32 $0x5785, s0;
	v1 =	vld.idx.msk [tilespmem:v2+s3+$0x0], $0xffff  }
0x190: {  	v2 =	vadd.s32 s8, v0;
	_ =	sdelay $0x3  }
0x191: {  	[tilespmem:$0x66E0] =	vst v1  }
0x192: {  	s9 =	sor.u32 $0x6, s0;
	v1 =	vld.idx.msk [tilespmem:v2+s3+$0x0], $0xffff  }
0x193: {  	v2 =	vadd.s32 s9, v0;
	_ =	sdelay $0x3  }
0x194: {  	[tilespmem:$0x66F0] =	vst v1  }
0x195: {  	s10 =	sadd.s32 $0xC86, s0;
	v1 =	vld.idx.msk [tilespmem:v2+s3+$0x0], $0xffff  }
0x196: {  	v2 =	vadd.s32 s10, v0;
	_ =	sdelay $0x3  }
0x197: {  	[tilespmem:$0x6700] =	vst v1  }
0x198: {  	s11 =	sor.u32 $0x1906, s0;
	v1 =	vld.idx.msk [tilespmem:v2+s3+$0x0], $0xffff  }
0x199: {  	v2 =	vadd.s32 s11, v0;
	_ =	sdelay $0x3  }
0x19a: {  	[tilespmem:$0x6710] =	vst v1  }
0x19b: {  	s13 =	sadd.s32 $0x2586, s0;
	v1 =	vld.idx.msk [tilespmem:v2+s3+$0x0], $0xffff  }
0x19c: {  	v2 =	vadd.s32 s13, v0;
	_ =	sdelay $0x3  }
0x19d: {  	[tilespmem:$0x6720] =	vst v1  }
0x19e: {  	s14 =	sor.u32 $0x3206, s0;
	v1 =	vld.idx.msk [tilespmem:v2+s3+$0x0], $0xffff  }
0x19f: {  	v2 =	vadd.s32 s14, v0;
	_ =	sdelay $0x3  }
0x1a0: {  	[tilespmem:$0x6730] =	vst v1  }
0x1a1: {  	s15 =	sadd.s32 $0x3E86, s0;
	v1 =	vld.idx.msk [tilespmem:v2+s3+$0x0], $0xffff  }
0x1a2: {  	v2 =	vadd.s32 s15, v0;
	_ =	sdelay $0x3  }
0x1a3: {  	[tilespmem:$0x6740] =	vst v1  }
0x1a4: {  	s16 =	sor.u32 $0x4B06, s0;
	v1 =	vld.idx.msk [tilespmem:v2+s3+$0x0], $0xffff  }
0x1a5: {  	v2 =	vadd.s32 s16, v0;
	_ =	sdelay $0x3  }
0x1a6: {  	[tilespmem:$0x6750] =	vst v1  }
0x1a7: {  	s17 =	sadd.s32 $0x5786, s0;
	v1 =	vld.idx.msk [tilespmem:v2+s3+$0x0], $0xffff  }
0x1a8: {  	v2 =	vadd.s32 s17, v0;
	_ =	sdelay $0x3  }
0x1a9: {  	[tilespmem:$0x6760] =	vst v1  }
0x1aa: {  	s19 =	sshllo.u32 s31, $0x3;
	v1 =	vld.idx.msk [tilespmem:v2+s3+$0x0], $0xffff  }
0x1ab: {  	v2 =	vadd.s32 s19, v0;
	_ =	sdelay $0x3  }
0x1ac: {  	[tilespmem:$0x6770] =	vst v1  }
0x1ad: {  	s20 =	sadd.s32 $0xC87, s0;
	v1 =	vld.idx.msk [tilespmem:v2+s3+$0x0], $0xffff  }
0x1ae: {  	v2 =	vadd.s32 s20, v0;
	_ =	sdelay $0x3  }
0x1af: {  	[tilespmem:$0x6780] =	vst v1  }
0x1b0: {  	s22 =	sor.u32 $0x1907, s0;
	v1 =	vld.idx.msk [tilespmem:v2+s3+$0x0], $0xffff  }
0x1b1: {  	v2 =	vadd.s32 s22, v0;
	_ =	sdelay $0x3  }
0x1b2: {  	[tilespmem:$0x6790] =	vst v1  }
0x1b3: {  	s23 =	sadd.s32 $0x2587, s0;
	v1 =	vld.idx.msk [tilespmem:v2+s3+$0x0], $0xffff  }
0x1b4: {  	v2 =	vadd.s32 s23, v0;
	_ =	sdelay $0x3  }
0x1b5: {  	[tilespmem:$0x67A0] =	vst v1  }
0x1b6: {  	s24 =	sor.u32 $0x3207, s0;
	v1 =	vld.idx.msk [tilespmem:v2+s3+$0x0], $0xffff  }
0x1b7: {  	v2 =	vadd.s32 s24, v0;
	_ =	sdelay $0x3  }
0x1b8: {  	[tilespmem:$0x67B0] =	vst v1  }
0x1b9: {  	s2 =	sadd.s32 $0x3E87, s0;
	v1 =	vld.idx.msk [tilespmem:v2+s3+$0x0], $0xffff  }
0x1ba: {  	v2 =	vadd.s32 s2, v0;
	_ =	sdelay $0x3  }
0x1bb: {  	[tilespmem:$0x67C0] =	vst v1  }
0x1bc: {  	s5 =	sor.u32 $0x4B07, s0;
	v1 =	vld.idx.msk [tilespmem:v2+s3+$0x0], $0xffff  }
0x1bd: {  	v2 =	vadd.s32 s5, v0;
	_ =	sdelay $0x3  }
0x1be: {  	[tilespmem:$0x67D0] =	vst v1  }
0x1bf: {  	s6 =	sadd.s32 $0x5787, s0;
	v1 =	vld.idx.msk [tilespmem:v2+s3+$0x0], $0xffff  }
0x1c0: {  	v2 =	vadd.s32 s6, v0;
	_ =	sdelay $0x3  }
0x1c1: {  	[tilespmem:$0x67E0] =	vst v1  }
0x1c2: {  	v1 =	vld.idx.msk [tilespmem:v2+s3+$0x0], $0xffff;
	_ =	sdelay $0x3  }
0x1c3: {  	p0 =	seq.s32 s31, $0x0;
	v52 =	vld [tilespmem:$0x1FFF0]  }
0x1c4: {  	s7 =	simm.s32 $0x0;
	s8 =	simm.s32 $0x100;
	s5 =	simm.s32 $0x6600;
	[tilespmem:$0x67F0] =	vst v1  }
0x1c5: {  	[tilespmem:s18], [sflag:$0x2] =	stream.indirect.gather [hbm4b:s4+s8], $0x20, s5, s8, $0xb8;
	[tilespmem:$0x16000] =	vst v63  }
0x1c6: {  	s9 =	simm.s32 $0x6700;
	s6 =	simm.s32 $0xC800;
	v1 =	vmov s7;
	s5 =	simm.s32 @!p0 $0x5  }
0x1c7: {  	v1 =	vshll.u32 v1, $0x5;
	[tilespmem:s6], [sflag:$0x4] =	stream.indirect.gather [hbm4b:s4+s8], $0x20, s9, s8, $0xb8;
	[tilespmem:$0x16000] =	vst v63  }
0x1c8: {  	v39 =	vlaneseq.u32;
	v32 =	vor.u32 v52, v1;
	_ =	swait.ge @!p0 [sflag:s5], $0x3C00  }
0x1c9: {  	v1 =	vor.u32 v39, v32;
	v40 =	vld [tilespmem:$0x1FDE0];
	_ =	sdelay $0x1  }
0x1ca: {  	s10 =	simm.s32 $0x0  }
0x1cb: {  	s17 =	sand.u32 $0xFFFFFF80, s10;
	s2 =	sand.u32 $0x70, s7;
	[sflag:s5] =	ssyncset.done @!p0 $0x0  }
0x1cc: {  	s23 =	sor.u32 s2, s17;
	[sflag:s5] =	ssyncadd.s32 @!p0 $0xFFFFC400  }
0x1cd: {  	v1 =	vld.idx.msk [tilespmem:v1+s12+$0x0], $0xffff;
	v2 =	vor.u32 s23, v40  }
0x1ce: {  	v41 =	vld [tilespmem:$0x1F9C0];
	_ =	sdelay $0x3  }
0x1cf: {  	[tilespmem:v2+s21+$0x0] =	vst.idx.msk $0xffff, v1  }
0x1d0: {  	v3 =	vor.u32 v41, v32;
	v42 =	vld [tilespmem:$0x1F9D0];
	_ =	sdelay $0x4  }
0x1d1: {  	v1 =	vld.idx.msk [tilespmem:v3+s12+$0x0], $0xffff;
	v3 =	vor.u32 s23, v42  }
0x1d2: {  	v5 =	vor.u32 v54, v32  }
0x1d3: {  	s11 =	simm.s32 $0x10  }
0x1d4: {  	v2 =	vmov s11  }
0x1d5: {  	v2 =	vshll.u32 v2, $0x5  }
0x1d6: {  	v2 =	vor.u32 v52, v2;
	[tilespmem:v3+s21+$0x0] =	vst.idx.msk $0xffff, v1  }
0x1d7: {  	v6 =	vor.u32 v39, v2;
	v3 =	vor.u32 s23, v57;
	v1 =	vld.idx.msk [tilespmem:v5+s12+$0x0], $0xffff  }
0x1d8: {  	v5 =	vor.u32 v58, v32  }
0x1d9: {  	s13 =	simm.s32 $0x10  }
0x1da: {  	s28 =	sand.u32 $0x70, s11;
	s30 =	sand.u32 $0xFFFFFF80, s13  }
0x1db: {  	s20 =	sor.u32 s28, s30  }
0x1dc: {  	v9 =	vor.u32 s20, v40;
	v6 =	vld.idx.msk [tilespmem:v6+s12+$0x0], $0xffff;
	[tilespmem:v3+s21+$0x0] =	vst.idx.msk $0xffff, v1  }
0x1dd: {  	v10 =	vor.u32 v41, v2;
	v3 =	vor.u32 s23, v12;
	v1 =	vld.idx.msk [tilespmem:v5+s12+$0x0], $0xffff  }
0x1de: {  	v5 =	vor.u32 v56, v32;
	_ =	sdelay $0x2  }
0x1df: {  	[tilespmem:v9+s21+$0x0] =	vst.idx.msk $0xffff, v6  }
0x1e0: {  	v9 =	vor.u32 s20, v42;
	v6 =	vld.idx.msk [tilespmem:v10+s12+$0x0], $0xffff;
	[tilespmem:v3+s21+$0x0] =	vst.idx.msk $0xffff, v1  }
0x1e1: {  	v10 =	vor.u32 v54, v2;
	v3 =	vor.u32 s23, v59;
	v1 =	vld.idx.msk [tilespmem:v5+s12+$0x0], $0xffff;
	_ =	sdelay $0x2  }
0x1e2: {  	s14 =	simm.s32 $0x20  }
0x1e3: {  	[tilespmem:v9+s21+$0x0] =	vst.idx.msk $0xffff, v6;
	v5 =	vmov s14  }
0x1e4: {  	v13 =	vor.u32 v60, v32;
	v9 =	vld.idx.msk [tilespmem:v10+s12+$0x0], $0xffff;
	v10 =	vor.u32 s20, v57;
	v5 =	vshll.u32 v5, $0x5;
	[tilespmem:v3+s21+$0x0] =	vst.idx.msk $0xffff, v1  }
0x1e5: {  	v14 =	vor.u32 v58, v2;
	v5 =	vor.u32 v52, v5;
	v8 =	vld [tilespmem:$0x1FA80]  }
0x1e6: {  	v6 =	vor.u32 v39, v5;
	_ =	sdelay $0x1  }
0x1e7: {  	s15 =	simm.s32 $0x20  }
0x1e8: {  	s13 =	sand.u32 $0x70, s14;
	s14 =	sand.u32 $0xFFFFFF80, s15;
	v3 =	vor.u32 s23, v63;
	v1 =	vld.idx.msk [tilespmem:v13+s12+$0x0], $0xffff;
	[tilespmem:v10+s21+$0x0] =	vst.idx.msk $0xffff, v9  }
0x1e9: {  	s29 =	sor.u32 s13, s14;
	v10 =	vld.idx.msk [tilespmem:v14+s12+$0x0], $0xffff;
	v14 =	vor.u32 s20, v12;
	v13 =	vor.u32 v8, v32  }
0x1ea: {  	v16 =	vor.u32 v56, v2;
	v15 =	vor.u32 s29, v40;
	v6 =	vld.idx.msk [tilespmem:v6+s12+$0x0], $0xffff  }
0x1eb: {  	v9 =	vor.u32 v41, v5;
	_ =	sdelay $0x1  }
0x1ec: {  	[tilespmem:v3+s21+$0x0] =	vst.idx.msk $0xffff, v1  }
0x1ed: {  	v3 =	vor.u32 s23, v43;
	[tilespmem:v14+s21+$0x0] =	vst.idx.msk $0xffff, v10;
	v1 =	vld.idx.msk [tilespmem:v13+s12+$0x0], $0xffff  }
0x1ee: {  	[tilespmem:v15+s21+$0x0] =	vst.idx.msk $0xffff, v6;
	v14 =	vld.idx.msk [tilespmem:v16+s12+$0x0], $0xffff;
	v15 =	vor.u32 s20, v59  }
0x1ef: {  	v16 =	vor.u32 v60, v2;
	v9 =	vld.idx.msk [tilespmem:v9+s12+$0x0], $0xffff;
	v13 =	vor.u32 s29, v42;
	_ =	sdelay $0x2  }
0x1f0: {  	v10 =	vor.u32 v54, v5;
	[tilespmem:v3+s21+$0x0] =	vst.idx.msk $0xffff, v1  }
0x1f1: {  	v6 =	vor.u32 v44, v32;
	v11 =	vld [tilespmem:$0x1FA90];
	[tilespmem:v15+s21+$0x0] =	vst.idx.msk $0xffff, v14  }
0x1f2: {  	[tilespmem:v13+s21+$0x0] =	vst.idx.msk $0xffff, v9;
	v15 =	vld.idx.msk [tilespmem:v16+s12+$0x0], $0xffff  }
0x1f3: {  	v0 =	vld [tilespmem:$0x1F9A0]  }
0x1f4: {  	s16 =	simm.s32 $0x30;
	v16 =	vor.u32 s20, v63;
	v4 =	vld [tilespmem:$0x1F9B0]  }
0x1f5: {  	v19 =	vor.u32 v8, v2;
	v1 =	vmov s16;
	v13 =	vor.u32 s29, v57;
	v10 =	vld.idx.msk [tilespmem:v10+s12+$0x0], $0xffff  }
0x1f6: {  	v3 =	vld.idx.msk [tilespmem:v6+s12+$0x0], $0xffff;
	v1 =	vshll.u32 v1, $0x5;
	v14 =	vor.u32 v58, v5;
	v17 =	vor.u32 s23, v11  }
0x1f7: {  	v6 =	vor.u32 v52, v1;
	v1 =	vor.u32 v62, v32  }
0x1f8: {  	v9 =	vor.u32 v39, v6  }
0x1f9: {  	v18 =	vcombine.low v0, v4;
	[tilespmem:v16+s21+$0x0] =	vst.idx.msk $0xffff, v15  }
0x1fa: {  	s19 =	simm.s32 $0x30;
	[tilespmem:v13+s21+$0x0] =	vst.idx.msk $0xffff, v10;
	v16 =	vld.idx.msk [tilespmem:v19+s12+$0x0], $0xffff;
	v19 =	vor.u32 s20, v43  }
0x1fb: {  	s9 =	sand.u32 $0x70, s16;
	s11 =	sand.u32 $0xFFFFFF80, s19;
	v21 =	vor.u32 v44, v2;
	v14 =	vld.idx.msk [tilespmem:v14+s12+$0x0], $0xffff;
	v55 =	vand.u32 $0xF, v18;
	v18 =	vor.u32 s29, v12;
	[tilespmem:v17+s21+$0x0] =	vst.idx.msk $0xffff, v3  }
0x1fc: {  	s6 =	sor.u32 s9, s11;
	v15 =	vor.u32 v56, v5;
	v3 =	vor.u32 s23, v61;
	v1 =	vld.idx.msk [tilespmem:v1+s12+$0x0], $0xffff  }
0x1fd: {  	v9 =	vld.idx.msk [tilespmem:v9+s12+$0x0], $0xffff;
	v10 =	vor.u32 v55, v32;
	v17 =	vor.u32 s6, v40  }
0x1fe: {  	v13 =	vor.u32 v41, v6;
	v0 =	vld [tilespmem:$0x1F9E0]  }
0x1ff: {  	v4 =	vld [tilespmem:$0x1F9F0];
	[tilespmem:v19+s21+$0x0] =	vst.idx.msk $0xffff, v16  }
0x200: {  	[tilespmem:v18+s21+$0x0] =	vst.idx.msk $0xffff, v14;
	v19 =	vld.idx.msk [tilespmem:v21+s12+$0x0], $0xffff  }
0x201: {  	v21 =	vor.u32 s20, v11;
	v15 =	vld.idx.msk [tilespmem:v15+s12+$0x0], $0xffff;
	[tilespmem:v3+s21+$0x0] =	vst.idx.msk $0xffff, v1  }
0x202: {  	v18 =	vor.u32 s29, v59;
	[tilespmem:v17+s21+$0x0] =	vst.idx.msk $0xffff, v9;
	v1 =	vld.idx.msk [tilespmem:v10+s12+$0x0], $0xffff  }
0x203: {  	v22 =	vor.u32 v62, v2;
	v3 =	vor.u32 s23, v45;
	v10 =	vld.idx.msk [tilespmem:v13+s12+$0x0], $0xffff  }
0x204: {  	v16 =	vor.u32 v60, v5;
	v20 =	vcombine.low v0, v4;
	v13 =	vor.u32 s6, v42;
	v0 =	vld [tilespmem:$0x1FA00]  }
0x205: {  	s22 =	simm.s32 $0x40;
	v4 =	vld [tilespmem:$0x1FA10]  }
0x206: {  	v9 =	vmov s22;
	v46 =	vand.u32 $0xF, v20;
	[tilespmem:v21+s21+$0x0] =	vst.idx.msk $0xffff, v19  }
0x207: {  	v9 =	vshll.u32 v9, $0x5;
	v14 =	vor.u32 v46, v32;
	[tilespmem:v18+s21+$0x0] =	vst.idx.msk $0xffff, v15  }
0x208: {  	v17 =	vor.u32 v54, v6;
	v9 =	vor.u32 v52, v9;
	v21 =	vld.idx.msk [tilespmem:v22+s12+$0x0], $0xffff;
	[tilespmem:v3+s21+$0x0] =	vst.idx.msk $0xffff, v1  }
0x209: {  	v16 =	vld.idx.msk [tilespmem:v16+s12+$0x0], $0xffff;
	v1 =	vor.u32 v39, v9;
	[tilespmem:v13+s21+$0x0] =	vst.idx.msk $0xffff, v10  }
0x20a: {  	v22 =	vor.u32 s20, v61;
	v20 =	vcombine.low v0, v4;
	v0 =	vld [tilespmem:$0x1FA20]  }
0x20b: {  	s8 =	simm.s32 $0x40;
	v18 =	vor.u32 s29, v63;
	v4 =	vld [tilespmem:$0x1FA30]  }
0x20c: {  	s1 =	sand.u32 $0x70, s22;
	s24 =	sand.u32 $0xFFFFFF80, s8;
	v19 =	vor.u32 v8, v5;
	v10 =	vor.u32 s23, v47;
	v3 =	vld.idx.msk [tilespmem:v14+s12+$0x0], $0xffff;
	v20 =	vand.u32 $0xF, v20  }
0x20d: {  	s7 =	sor.u32 s1, s24;
	v13 =	vld.idx.msk [tilespmem:v17+s12+$0x0], $0xffff;
	v14 =	vor.u32 s6, v57;
	v15 =	vor.u32 v20, v32  }
0x20e: {  	v24 =	vor.u32 s7, v40;
	v17 =	vor.u32 v58, v6;
	v1 =	vld.idx.msk [tilespmem:v1+s12+$0x0], $0xffff  }
0x20f: {  	[tilespmem:v22+s21+$0x0] =	vst.idx.msk $0xffff, v21  }
0x210: {  	[tilespmem:v18+s21+$0x0] =	vst.idx.msk $0xffff, v16;
	v23 =	vcombine.low v0, v4  }
0x211: {  	v19 =	vld.idx.msk [tilespmem:v19+s12+$0x0], $0xffff;
	[tilespmem:v10+s21+$0x0] =	vst.idx.msk $0xffff, v3;
	v3 =	vor.u32 v55, v2  }
0x212: {  	[tilespmem:v14+s21+$0x0] =	vst.idx.msk $0xffff, v13;
	v13 =	vor.u32 v41, v9;
	v14 =	vor.u32 s23, v48;
	v10 =	vld.idx.msk [tilespmem:v15+s12+$0x0], $0xffff;
	v51 =	vand.u32 $0xF, v23  }
0x213: {  	v15 =	vld.idx.msk [tilespmem:v17+s12+$0x0], $0xffff;
	v23 =	vor.u32 s6, v12;
	v16 =	vor.u32 v51, v32;
	[tilespmem:v24+s21+$0x0] =	vst.idx.msk $0xffff, v1  }
0x214: {  	v25 =	vor.u32 s29, v43;
	v18 =	vor.u32 v56, v6;
	v0 =	vld [tilespmem:$0x1FA40]  }
0x215: {  	v1 =	vor.u32 v44, v5;
	v4 =	vld [tilespmem:$0x1FA50]  }
0x216: {  	v22 =	vor.u32 s20, v45;
	v3 =	vld.idx.msk [tilespmem:v3+s12+$0x0], $0xffff  }
0x217: {  	v17 =	vcombine.low v26, v27;
	v13 =	vld.idx.msk [tilespmem:v13+s12+$0x0], $0xffff;
	[tilespmem:v14+s21+$0x0] =	vst.idx.msk $0xffff, v10;
	v14 =	vor.u32 s7, v42  }
0x218: {  	v24 =	vor.u32 v46, v2;
	[tilespmem:v23+s21+$0x0] =	vst.idx.msk $0xffff, v15;
	v23 =	vor.u32 s23, v49;
	v15 =	vld.idx.msk [tilespmem:v16+s12+$0x0], $0xffff  }
0x219: {  	v26 =	vor.u32 s6, v59;
	[tilespmem:v25+s21+$0x0] =	vst.idx.msk $0xffff, v19;
	v16 =	vor.u32 v54, v9;
	v18 =	vld.idx.msk [tilespmem:v18+s12+$0x0], $0xffff  }
0x21a: {  	v28 =	vor.u32 s29, v11;
	v25 =	vor.u32 v60, v6;
	v27 =	vld.idx.msk [tilespmem:v1+s12+$0x0], $0xffff;
	v21 =	vcombine.low v0, v4  }
0x21b: {  	s5 =	simm.s32 $0x50;
	[tilespmem:v22+s21+$0x0] =	vst.idx.msk $0xffff, v3  }
0x21c: {  	v10 =	vmov s5;
	v21 =	vand.u32 $0xF, v21;
	[tilespmem:v14+s21+$0x0] =	vst.idx.msk $0xffff, v13  }
0x21d: {  	v1 =	vshll.u32 v10, $0x5;
	v13 =	vld.idx.msk [tilespmem:v24+s12+$0x0], $0xffff;
	v19 =	vor.u32 v21, v32;
	[tilespmem:v23+s21+$0x0] =	vst.idx.msk $0xffff, v15  }
0x21e: {  	v10 =	vor.u32 v52, v1;
	v3 =	vor.u32 v62, v5;
	v16 =	vld.idx.msk [tilespmem:v16+s12+$0x0], $0xffff;
	[tilespmem:v26+s21+$0x0] =	vst.idx.msk $0xffff, v18  }
0x21f: {  	v22 =	vor.u32 s20, v47;
	v14 =	vor.u32 v39, v10;
	v25 =	vld.idx.msk [tilespmem:v25+s12+$0x0], $0xffff;
	[tilespmem:v28+s21+$0x0] =	vst.idx.msk $0xffff, v27  }
0x220: {  	v15 =	vor.u32 s7, v57;
	v23 =	vor.u32 v20, v2;
	v1 =	vld [tilespmem:$0x1FA60]  }
0x221: {  	v26 =	vor.u32 s6, v63;
	v4 =	vld [tilespmem:$0x1FA70]  }
0x222: {  	s10 =	simm.s32 $0x50;
	v0 =	vand.u32 $0xF, v17;
	v24 =	vor.u32 s23, v50;
	v18 =	vld.idx.msk [tilespmem:v19+s12+$0x0], $0xffff;
	v19 =	vor.u32 v58, v9  }
0x223: {  	s10 =	sand.u32 $0xFFFFFF80, s10;
	s15 =	sand.u32 $0x70, s5;
	v30 =	vor.u32 s29, v61;
	v27 =	vor.u32 v0, v32;
	v3 =	vld.idx.msk [tilespmem:v3+s12+$0x0], $0xffff  }
0x224: {  	s22 =	sor.u32 s15, s10;
	v28 =	vor.u32 v8, v6;
	v14 =	vld.idx.msk [tilespmem:v14+s12+$0x0], $0xffff;
	[tilespmem:v22+s21+$0x0] =	vst.idx.msk $0xffff, v13  }
0x225: {  	v13 =	vor.u32 s22, v40;
	v22 =	vor.u32 v55, v5;
	[tilespmem:v15+s21+$0x0] =	vst.idx.msk $0xffff, v16;
	v15 =	vld.idx.msk [tilespmem:v23+s12+$0x0], $0xffff  }
0x226: {  	v16 =	vor.u32 v41, v10;
	v23 =	vor.u32 s20, v48;
	[tilespmem:v26+s21+$0x0] =	vst.idx.msk $0xffff, v25;
	v29 =	vcombine.low v1, v4  }
0x227: {  	v31 =	vor.u32 v51, v2;
	v19 =	vld.idx.msk [tilespmem:v19+s12+$0x0], $0xffff;
	[tilespmem:v24+s21+$0x0] =	vst.idx.msk $0xffff, v18;
	v18 =	vor.u32 s7, v12  }
0x228: {  	v35 =	vor.u32 s23, v7;
	v34 =	vor.u32 v56, v9;
	[tilespmem:v30+s21+$0x0] =	vst.idx.msk $0xffff, v3;
	v1 =	vand.u32 $0xF, v29;
	v27 =	vld.idx.msk [tilespmem:v27+s12+$0x0], $0xffff  }
0x229: {  	v37 =	vor.u32 s6, v43;
	v36 =	vld.idx.msk [tilespmem:v28+s12+$0x0], $0xffff;
	v38 =	vor.u32 v1, v32;
	[tilespmem:$0x1F990] =	vst v32  }
0x22a: {  	[tilespmem:v13+s21+$0x0] =	vst.idx.msk $0xffff, v14;
	v13 =	vor.u32 v44, v6;
	v24 =	vld.idx.msk [tilespmem:v22+s12+$0x0], $0xffff  }
0x22b: {  	v33 =	vor.u32 v54, v10;
	v26 =	vor.u32 s29, v45;
	[tilespmem:v23+s21+$0x0] =	vst.idx.msk $0xffff, v15;
	v30 =	vld.idx.msk [tilespmem:v16+s12+$0x0], $0xffff  }
0x22c: {  	v25 =	vor.u32 v46, v5;
	v32 =	vor.u32 s22, v42;
	[tilespmem:v18+s21+$0x0] =	vst.idx.msk $0xffff, v19;
	v19 =	vld.idx.msk [tilespmem:v31+s12+$0x0], $0xffff  }
0x22d: {  	v3 =	vor.u32 v21, v2;
	v23 =	vor.u32 s20, v49;
	v28 =	vld.idx.msk [tilespmem:v34+s12+$0x0], $0xffff;
	[tilespmem:v35+s21+$0x0] =	vst.idx.msk $0xffff, v27  }
0x22e: {  	s10 =	simm.s32 $0x60;
	v29 =	vor.u32 s7, v59;
	[tilespmem:v37+s21+$0x0] =	vst.idx.msk $0xffff, v36;
	v22 =	vor.u32 s23, v53;
	v14 =	vmov v6;
	v18 =	vld.idx.msk [tilespmem:v38+s12+$0x0], $0xffff  }
0x22f: {  	s19 =	simm.s32 $0x5;
	s15 =	simm.s32 $0x6;
	s23 =	simm.s32 $0x7;
	v15 =	vmovc v5;
	v16 =	vmovc v2;
	v31 =	vor.u32 v60, v9;
	v34 =	vmov s10;
	v27 =	vld.idx.msk [tilespmem:v13+s12+$0x0], $0xffff;
	v13 =	vmov v9  }
.LBB2_3:
0x230: {  	p0 =	sne.s32 s23, $0x1F;
	v34 =	vshll.u32 v34, $0x5;
	v35 =	vor.u32 s6, v11;
	[tilespmem:v26+s21+$0x0] =	vst.idx.msk $0xffff, v24;
	v36 =	vmov v10;
	s16 =	smov.u32 s6;
	s6 =	smov.u32 s7  }
0x231: {  	v24 =	vor.u32 v62, v14;
	s7 =	smov.u32 s22;
	v10 =	vor.u32 v52, v34;
	[tilespmem:v32+s21+$0x0] =	vst.idx.msk $0xffff, v30;
	v25 =	vld.idx.msk [tilespmem:v25+s12+$0x0], $0xffff  }
0x232: {  	v32 =	vor.u32 s29, v47;
	v26 =	vor.u32 v39, v10;
	v30 =	vld.idx.msk [tilespmem:v33+s12+$0x0], $0xffff;
	[tilespmem:v23+s21+$0x0] =	vst.idx.msk $0xffff, v19  }
0x233: {  	v19 =	vor.u32 s7, v57;
	v23 =	vor.u32 v20, v15;
	[tilespmem:v29+s21+$0x0] =	vst.idx.msk $0xffff, v28;
	v3 =	vld.idx.msk [tilespmem:v3+s12+$0x0], $0xffff  }
0x234: {  	v33 =	vand.u32 $0xF, v17;
	v28 =	vor.u32 v58, v36;
	v29 =	vld.idx.msk [tilespmem:v31+s12+$0x0], $0xffff;
	v31 =	vor.u32 s20, v50;
	[tilespmem:v22+s21+$0x0] =	vst.idx.msk $0xffff, v18  }
0x235: {  	s22 =	sshll.u32 s15, $0x4;
	s15 =	smov.u32 s23;
	v18 =	vor.u32 s6, v63;
	v22 =	vor.u32 v33, v16;
	[tilespmem:v35+s21+$0x0] =	vst.idx.msk $0xffff, v27  }
0x236: {  	s24 =	sand.u32 $0x70, s10;
	s22 =	sand.u32 $0xFFFFFF80, s22;
	v27 =	vor.u32 v8, v13;
	v24 =	vld.idx.msk [tilespmem:v24+s12+$0x0], $0xffff  }
0x237: {  	s22 =	sor.u32 s24, s22;
	v33 =	vor.u32 s16, v61;
	v26 =	vld.idx.msk [tilespmem:v26+s12+$0x0], $0xffff;
	[tilespmem:v32+s21+$0x0] =	vst.idx.msk $0xffff, v25  }
0x238: {  	v25 =	vor.u32 s22, v40;
	[tilespmem:v19+s21+$0x0] =	vst.idx.msk $0xffff, v30;
	v19 =	vor.u32 v55, v14;
	v23 =	vld.idx.msk [tilespmem:v23+s12+$0x0], $0xffff  }
0x239: {  	v32 =	vor.u32 s29, v48;
	v30 =	vor.u32 v41, v10;
	v28 =	vld.idx.msk [tilespmem:v28+s12+$0x0], $0xffff;
	[tilespmem:v31+s21+$0x0] =	vst.idx.msk $0xffff, v3  }
0x23a: {  	v3 =	vor.u32 s7, v12;
	[tilespmem:v18+s21+$0x0] =	vst.idx.msk $0xffff, v29;
	v18 =	vor.u32 v51, v15;
	v22 =	vld.idx.msk [tilespmem:v22+s12+$0x0], $0xffff  }
0x23b: {  	v31 =	vor.u32 s20, v7;
	v29 =	vor.u32 v56, v36;
	v27 =	vld.idx.msk [tilespmem:v27+s12+$0x0], $0xffff  }
0x23c: {  	v34 =	vor.u32 s6, v43;
	v35 =	vor.u32 v1, v16;
	[tilespmem:v33+s21+$0x0] =	vst.idx.msk $0xffff, v24  }
0x23d: {  	v37 =	vor.u32 v44, v13;
	[tilespmem:v25+s21+$0x0] =	vst.idx.msk $0xffff, v26;
	v24 =	vld.idx.msk [tilespmem:v19+s12+$0x0], $0xffff  }
.Ltmp0:
0x23e: {  	v26 =	vor.u32 s16, v45;
	v30 =	vld.idx.msk [tilespmem:v30+s12+$0x0], $0xffff;
	[tilespmem:v32+s21+$0x0] =	vst.idx.msk $0xffff, v23;
	(pc) =	sbr.rel @p0 .LBB2_3-.Ltmp0, $4  }
0x23f: {  	v16 =	vmov v15;
	v25 =	vor.u32 v46, v14;
	v32 =	vor.u32 s22, v42;
	[tilespmem:v3+s21+$0x0] =	vst.idx.msk $0xffff, v28;
	v19 =	vld.idx.msk [tilespmem:v18+s12+$0x0], $0xffff  }
0x240: {  	v33 =	vor.u32 v54, v10;
	v23 =	vor.u32 s29, v49;
	v28 =	vld.idx.msk [tilespmem:v29+s12+$0x0], $0xffff;
	[tilespmem:v31+s21+$0x0] =	vst.idx.msk $0xffff, v22  }
0x241: {  	s10 =	sadd.s32 $0x10, s10;
	v15 =	vmov v14;
	v3 =	vor.u32 v21, v16;
	v29 =	vor.u32 s7, v59;
	[tilespmem:v34+s21+$0x0] =	vst.idx.msk $0xffff, v27;
	v18 =	vld.idx.msk [tilespmem:v35+s12+$0x0], $0xffff  }
0x242: {  	s23 =	sadd.s32 $0x1, s23;
	v14 =	vmovc v13;
	v13 =	vmovc v36;
	v31 =	vor.u32 v60, v36;
	v22 =	vor.u32 s20, v53;
	s20 =	smov.u32 s29;
	s29 =	smov.u32 s16;
	v34 =	vmov s10;
	v27 =	vld.idx.msk [tilespmem:v37+s12+$0x0], $0xffff  }
0x243: {  	v17 =	vshll.u32 v34, $0x5  }
0x244: {  	v17 =	vor.u32 v52, v17  }
0x245: {  	v38 =	vor.u32 v39, v17;
	_ =	sdelay $0x1  }
0x246: {  	s15 =	sshll.u32 s15, $0x4  }
0x247: {  	s10 =	sand.u32 $0x70, s10;
	s15 =	sand.u32 $0xFFFFFF80, s15  }
0x248: {  	s23 =	sor.u32 s10, s15  }
0x249: {  	v35 =	vor.u32 s23, v40;
	v34 =	vld.idx.msk [tilespmem:v38+s12+$0x0], $0xffff  }
0x24a: {  	v36 =	vor.u32 v41, v17;
	_ =	sdelay $0x3  }
0x24b: {  	[tilespmem:v35+s21+$0x0] =	vst.idx.msk $0xffff, v34  }
0x24c: {  	v52 =	vor.u32 s23, v42;
	v34 =	vld.idx.msk [tilespmem:v36+s12+$0x0], $0xffff  }
0x24d: {  	v54 =	vor.u32 v54, v17;
	_ =	sdelay $0x1  }
0x24e: {  	[tilespmem:v32+s21+$0x0] =	vst.idx.msk $0xffff, v30  }
0x24f: {  	v30 =	vld.idx.msk [tilespmem:v33+s12+$0x0], $0xffff;
	v41 =	vor.u32 s22, v57  }
0x250: {  	v42 =	vor.u32 v58, v10;
	[tilespmem:v52+s21+$0x0] =	vst.idx.msk $0xffff, v34  }
0x251: {  	v52 =	vor.u32 s23, v57;
	v34 =	vld.idx.msk [tilespmem:v54+s12+$0x0], $0xffff  }
0x252: {  	v54 =	vor.u32 v58, v17;
	_ =	sdelay $0x1  }
0x253: {  	[tilespmem:v41+s21+$0x0] =	vst.idx.msk $0xffff, v30  }
0x254: {  	v30 =	vld.idx.msk [tilespmem:v42+s12+$0x0], $0xffff;
	v57 =	vor.u32 s22, v12  }
0x255: {  	v58 =	vor.u32 v56, v10;
	[tilespmem:v52+s21+$0x0] =	vst.idx.msk $0xffff, v34  }
0x256: {  	v41 =	vor.u32 s23, v12;
	v34 =	vld.idx.msk [tilespmem:v54+s12+$0x0], $0xffff  }
0x257: {  	v42 =	vor.u32 v56, v17;
	_ =	sdelay $0x1  }
0x258: {  	[tilespmem:v57+s21+$0x0] =	vst.idx.msk $0xffff, v30  }
0x259: {  	v30 =	vld.idx.msk [tilespmem:v58+s12+$0x0], $0xffff;
	v52 =	vor.u32 s22, v59  }
0x25a: {  	v54 =	vor.u32 v60, v10;
	[tilespmem:v41+s21+$0x0] =	vst.idx.msk $0xffff, v34  }
0x25b: {  	v56 =	vor.u32 s23, v59;
	v34 =	vld.idx.msk [tilespmem:v42+s12+$0x0], $0xffff  }
0x25c: {  	v57 =	vor.u32 v60, v17  }
0x25d: {  	[tilespmem:v29+s21+$0x0] =	vst.idx.msk $0xffff, v28  }
0x25e: {  	v29 =	vor.u32 s7, v63;
	v28 =	vld.idx.msk [tilespmem:v31+s12+$0x0], $0xffff;
	[tilespmem:v52+s21+$0x0] =	vst.idx.msk $0xffff, v30  }
0x25f: {  	v58 =	vor.u32 s22, v63;
	v30 =	vor.u32 v8, v13;
	v31 =	vld.idx.msk [tilespmem:v54+s12+$0x0], $0xffff  }
0x260: {  	v59 =	vor.u32 v8, v10;
	[tilespmem:v56+s21+$0x0] =	vst.idx.msk $0xffff, v34  }
0x261: {  	v60 =	vor.u32 s23, v63;
	v34 =	vld.idx.msk [tilespmem:v57+s12+$0x0], $0xffff  }
0x262: {  	v63 =	vor.u32 v8, v17  }
0x263: {  	[tilespmem:v29+s21+$0x0] =	vst.idx.msk $0xffff, v28  }
0x264: {  	v29 =	vor.u32 s7, v43;
	v28 =	vld.idx.msk [tilespmem:v30+s12+$0x0], $0xffff;
	[tilespmem:v58+s21+$0x0] =	vst.idx.msk $0xffff, v31  }
0x265: {  	v41 =	vor.u32 s22, v43;
	v30 =	vor.u32 v44, v13;
	v31 =	vld.idx.msk [tilespmem:v59+s12+$0x0], $0xffff  }
0x266: {  	v42 =	vor.u32 v44, v10;
	[tilespmem:v60+s21+$0x0] =	vst.idx.msk $0xffff, v34  }
0x267: {  	v43 =	vor.u32 s23, v43;
	v34 =	vld.idx.msk [tilespmem:v63+s12+$0x0], $0xffff  }
0x268: {  	v52 =	vor.u32 v44, v17  }
0x269: {  	v37 =	vor.u32 s6, v11;
	[tilespmem:v29+s21+$0x0] =	vst.idx.msk $0xffff, v28  }
0x26a: {  	v28 =	vor.u32 v62, v14;
	v29 =	vld.idx.msk [tilespmem:v30+s12+$0x0], $0xffff;
	v30 =	vor.u32 s7, v11;
	[tilespmem:v41+s21+$0x0] =	vst.idx.msk $0xffff, v31  }
0x26b: {  	v54 =	vor.u32 s22, v11;
	v31 =	vor.u32 v62, v13;
	v32 =	vld.idx.msk [tilespmem:v42+s12+$0x0], $0xffff  }
0x26c: {  	v56 =	vor.u32 v62, v10;
	[tilespmem:v43+s21+$0x0] =	vst.idx.msk $0xffff, v34  }
0x26d: {  	v57 =	vor.u32 s23, v11;
	v35 =	vld.idx.msk [tilespmem:v52+s12+$0x0], $0xffff  }
0x26e: {  	[tilespmem:v37+s21+$0x0] =	vst.idx.msk $0xffff, v27;
	v38 =	vor.u32 v62, v17  }
0x26f: {  	v27 =	vld.idx.msk [tilespmem:v28+s12+$0x0], $0xffff;
	v28 =	vor.u32 s6, v61;
	[tilespmem:v30+s21+$0x0] =	vst.idx.msk $0xffff, v29  }
0x270: {  	v29 =	vor.u32 v55, v14;
	v30 =	vld.idx.msk [tilespmem:v31+s12+$0x0], $0xffff;
	v31 =	vor.u32 s7, v61;
	[tilespmem:v54+s21+$0x0] =	vst.idx.msk $0xffff, v32  }
0x271: {  	v58 =	vor.u32 v55, v13;
	v59 =	vor.u32 s22, v61;
	v33 =	vld.idx.msk [tilespmem:v56+s12+$0x0], $0xffff  }
0x272: {  	v60 =	vor.u32 v55, v10;
	[tilespmem:v57+s21+$0x0] =	vst.idx.msk $0xffff, v35  }
0x273: {  	v61 =	vor.u32 s23, v61;
	v36 =	vld.idx.msk [tilespmem:v38+s12+$0x0], $0xffff;
	[tilespmem:$0x1F8C0] =	vst v55  }
0x274: {  	v62 =	vor.u32 v55, v17;
	[tilespmem:v28+s21+$0x0] =	vst.idx.msk $0xffff, v27  }
0x275: {  	v28 =	vor.u32 s6, v45;
	[tilespmem:v31+s21+$0x0] =	vst.idx.msk $0xffff, v30;
	v27 =	vld.idx.msk [tilespmem:v29+s12+$0x0], $0xffff  }
0x276: {  	v31 =	vor.u32 s7, v45;
	[tilespmem:v59+s21+$0x0] =	vst.idx.msk $0xffff, v33;
	v30 =	vld.idx.msk [tilespmem:v58+s12+$0x0], $0xffff  }
0x277: {  	v41 =	vor.u32 s22, v45;
	[tilespmem:v26+s21+$0x0] =	vst.idx.msk $0xffff, v24;
	v29 =	vor.u32 v46, v14;
	v33 =	vld.idx.msk [tilespmem:v60+s12+$0x0], $0xffff  }
0x278: {  	v63 =	vor.u32 v46, v13;
	[tilespmem:v61+s21+$0x0] =	vst.idx.msk $0xffff, v36  }
0x279: {  	v42 =	vor.u32 v46, v10;
	v43 =	vor.u32 s23, v45;
	v36 =	vld.idx.msk [tilespmem:v62+s12+$0x0], $0xffff;
	[tilespmem:$0x1F8D0] =	vst v46  }
0x27a: {  	v26 =	vor.u32 s29, v47;
	v25 =	vld.idx.msk [tilespmem:v25+s12+$0x0], $0xffff;
	[tilespmem:v28+s21+$0x0] =	vst.idx.msk $0xffff, v27  }
0x27b: {  	v24 =	vor.u32 v46, v17;
	[tilespmem:v31+s21+$0x0] =	vst.idx.msk $0xffff, v30  }
0x27c: {  	v27 =	vor.u32 v20, v15;
	[tilespmem:v41+s21+$0x0] =	vst.idx.msk $0xffff, v33;
	v28 =	vld.idx.msk [tilespmem:v29+s12+$0x0], $0xffff;
	v29 =	vor.u32 s6, v47  }
0x27d: {  	v44 =	vor.u32 s7, v47;
	[tilespmem:v23+s21+$0x0] =	vst.idx.msk $0xffff, v19;
	v31 =	vld.idx.msk [tilespmem:v63+s12+$0x0], $0xffff  }
0x27e: {  	v46 =	vor.u32 s22, v47;
	v30 =	vor.u32 v20, v14;
	v34 =	vld.idx.msk [tilespmem:v42+s12+$0x0], $0xffff;
	[tilespmem:v43+s21+$0x0] =	vst.idx.msk $0xffff, v36  }
0x27f: {  	v45 =	vor.u32 v20, v13;
	[tilespmem:v26+s21+$0x0] =	vst.idx.msk $0xffff, v25  }
0x280: {  	v19 =	vor.u32 v20, v10;
	v23 =	vld.idx.msk [tilespmem:v24+s12+$0x0], $0xffff;
	v24 =	vor.u32 s23, v47;
	[tilespmem:$0x1F8E0] =	vst v20  }
0x281: {  	v25 =	vor.u32 v20, v17;
	v26 =	vld.idx.msk [tilespmem:v27+s12+$0x0], $0xffff;
	v27 =	vor.u32 s29, v48;
	[tilespmem:v29+s21+$0x0] =	vst.idx.msk $0xffff, v28  }
0x282: {  	[tilespmem:v44+s21+$0x0] =	vst.idx.msk $0xffff, v31  }
0x283: {  	[tilespmem:v46+s21+$0x0] =	vst.idx.msk $0xffff, v34;
	v29 =	vld.idx.msk [tilespmem:v30+s12+$0x0], $0xffff;
	v30 =	vor.u32 s6, v48  }
0x284: {  	v47 =	vor.u32 s7, v48;
	[tilespmem:v22+s21+$0x0] =	vst.idx.msk $0xffff, v18;
	v32 =	vld.idx.msk [tilespmem:v45+s12+$0x0], $0xffff  }
0x285: {  	v54 =	vor.u32 s22, v48;
	v19 =	vld.idx.msk [tilespmem:v19+s12+$0x0], $0xffff;
	[tilespmem:v24+s21+$0x0] =	vst.idx.msk $0xffff, v23  }
0x286: {  	v28 =	vor.u32 v51, v15;
	v23 =	vor.u32 s23, v48;
	v22 =	vld.idx.msk [tilespmem:v25+s12+$0x0], $0xffff;
	[tilespmem:v27+s21+$0x0] =	vst.idx.msk $0xffff, v26  }
0x287: {  	[tilespmem:$0x1F8F0] =	vst v51  }
0x288: {  	[tilespmem:v30+s21+$0x0] =	vst.idx.msk $0xffff, v29  }
0x289: {  	v31 =	vor.u32 v51, v14;
	[tilespmem:v47+s21+$0x0] =	vst.idx.msk $0xffff, v32  }
0x28a: {  	v52 =	vor.u32 v51, v13;
	[tilespmem:v54+s21+$0x0] =	vst.idx.msk $0xffff, v19  }
0x28b: {  	v18 =	vor.u32 v51, v10;
	v25 =	vld.idx.msk [tilespmem:v28+s12+$0x0], $0xffff;
	[tilespmem:v23+s21+$0x0] =	vst.idx.msk $0xffff, v22  }
0x28c: {  	v26 =	vor.u32 s29, v49;
	v4 =	vld [tilespmem:$0x1FE60]  }
0x28d: {  	v24 =	vor.u32 v51, v17;
	v8 =	vld [tilespmem:$0x1FE70]  }
0x28e: {  	v27 =	vor.u32 v21, v15;
	v29 =	vor.u32 s6, v49;
	v28 =	vld.idx.msk [tilespmem:v31+s12+$0x0], $0xffff  }
0x28f: {  	v55 =	vor.u32 s7, v49;
	v31 =	vld.idx.msk [tilespmem:v52+s12+$0x0], $0xffff  }
0x290: {  	v56 =	vor.u32 s22, v49;
	v30 =	vor.u32 v21, v14;
	v18 =	vld.idx.msk [tilespmem:v18+s12+$0x0], $0xffff  }
0x291: {  	v58 =	vor.u32 s20, v50;
	v19 =	vor.u32 v21, v13;
	v3 =	vld.idx.msk [tilespmem:v3+s12+$0x0], $0xffff;
	[tilespmem:v26+s21+$0x0] =	vst.idx.msk $0xffff, v25  }
0x292: {  	v57 =	vor.u32 s23, v49;
	v23 =	vor.u32 v21, v10;
	v24 =	vld.idx.msk [tilespmem:v24+s12+$0x0], $0xffff;
	[tilespmem:$0x1F900] =	vst v21;
	v22 =	vcombine.low v4, v8  }
0x293: {  	v59 =	vor.u32 s29, v50;
	v25 =	vor.u32 v21, v17;
	v27 =	vld.idx.msk [tilespmem:v27+s12+$0x0], $0xffff;
	[tilespmem:v29+s21+$0x0] =	vst.idx.msk $0xffff, v28  }
0x294: {  	v26 =	vor.u32 v0, v16;
	[tilespmem:v55+s21+$0x0] =	vst.idx.msk $0xffff, v31;
	v0 =	vand.u32 $0xF, v22  }
0x295: {  	v29 =	vor.u32 s6, v50;
	[tilespmem:v56+s21+$0x0] =	vst.idx.msk $0xffff, v18;
	v28 =	vld.idx.msk [tilespmem:v30+s12+$0x0], $0xffff;
	v22 =	vor.u32 v0, v15  }
0x296: {  	v31 =	vor.u32 s7, v50;
	[tilespmem:v58+s21+$0x0] =	vst.idx.msk $0xffff, v3;
	v19 =	vld.idx.msk [tilespmem:v19+s12+$0x0], $0xffff  }
0x297: {  	v60 =	vor.u32 s22, v50;
	v23 =	vld.idx.msk [tilespmem:v23+s12+$0x0], $0xffff;
	[tilespmem:v57+s21+$0x0] =	vst.idx.msk $0xffff, v24;
	v30 =	vor.u32 v0, v14  }
0x298: {  	v24 =	vld.idx.msk [tilespmem:v25+s12+$0x0], $0xffff;
	v25 =	vor.u32 s23, v50;
	v18 =	vor.u32 v0, v13;
	[tilespmem:v59+s21+$0x0] =	vst.idx.msk $0xffff, v27  }
0x299: {  	v61 =	vor.u32 s20, v7;
	v26 =	vld.idx.msk [tilespmem:v26+s12+$0x0], $0xffff;
	v3 =	vor.u32 v0, v10;
	[tilespmem:$0x1F910] =	vst v0  }
0x29a: {  	v62 =	vor.u32 s29, v7;
	v16 =	vor.u32 v1, v16;
	[tilespmem:v29+s21+$0x0] =	vst.idx.msk $0xffff, v28;
	v22 =	vld.idx.msk [tilespmem:v22+s12+$0x0], $0xffff  }
0x29b: {  	v27 =	vor.u32 v0, v17;
	[tilespmem:v31+s21+$0x0] =	vst.idx.msk $0xffff, v19  }
0x29c: {  	v29 =	vor.u32 s6, v7;
	[tilespmem:v60+s21+$0x0] =	vst.idx.msk $0xffff, v23;
	v28 =	vld.idx.msk [tilespmem:v30+s12+$0x0], $0xffff  }
0x29d: {  	v19 =	vor.u32 s7, v7;
	[tilespmem:v25+s21+$0x0] =	vst.idx.msk $0xffff, v24;
	v18 =	vld.idx.msk [tilespmem:v18+s12+$0x0], $0xffff  }
0x29e: {  	v23 =	vor.u32 s22, v7;
	[tilespmem:v61+s21+$0x0] =	vst.idx.msk $0xffff, v26;
	v3 =	vld.idx.msk [tilespmem:v3+s12+$0x0], $0xffff  }
0x29f: {  	v16 =	vld.idx.msk [tilespmem:v16+s12+$0x0], $0xffff;
	[tilespmem:v62+s21+$0x0] =	vst.idx.msk $0xffff, v22  }
0x2a0: {  	v24 =	vld.idx.msk [tilespmem:v27+s12+$0x0], $0xffff;
	[tilespmem:$0x1F920] =	vst v1  }
0x2a1: {  	v15 =	vor.u32 v1, v15;
	[tilespmem:v29+s21+$0x0] =	vst.idx.msk $0xffff, v28  }
0x2a2: {  	v14 =	vor.u32 v1, v14;
	[tilespmem:v19+s21+$0x0] =	vst.idx.msk $0xffff, v18  }
0x2a3: {  	v13 =	vor.u32 v1, v13;
	[tilespmem:v23+s21+$0x0] =	vst.idx.msk $0xffff, v3  }
0x2a4: {  	v25 =	vor.u32 s23, v7;
	v0 =	vld [tilespmem:$0x1FAA0]  }
0x2a5: {  	v10 =	vor.u32 v1, v10;
	v26 =	vor.u32 s20, v53  }
0x2a6: {  	v17 =	vor.u32 v1, v17;
	v22 =	vor.u32 s29, v53;
	v15 =	vld.idx.msk [tilespmem:v15+s12+$0x0], $0xffff  }
0x2a7: {  	v27 =	vor.u32 s6, v53;
	v14 =	vld.idx.msk [tilespmem:v14+s12+$0x0], $0xffff  }
0x2a8: {  	v18 =	vor.u32 s7, v53;
	v13 =	vld.idx.msk [tilespmem:v13+s12+$0x0], $0xffff  }
0x2a9: {  	[tilespmem:v25+s21+$0x0] =	vst.idx.msk $0xffff, v24;
	v3 =	vsel vm0, $0x2001, v0  }
0x2aa: {  	v19 =	vor.u32 s22, v53;
	v10 =	vld.idx.msk [tilespmem:v10+s12+$0x0], $0xffff;
	[tilespmem:v26+s21+$0x0] =	vst.idx.msk $0xffff, v16;
	v3 =	vsel vm1, $0x2202, v3  }
0x2ab: {  	v16 =	vld.idx.msk [tilespmem:v17+s12+$0x0], $0xffff;
	[tilespmem:v22+s21+$0x0] =	vst.idx.msk $0xffff, v15;
	v3 =	vsel vm2, $0x2403, v3  }
0x2ac: {  	v17 =	vor.u32 s23, v53;
	v53 =	vld [tilespmem:$0x1F990];
	[tilespmem:v27+s21+$0x0] =	vst.idx.msk $0xffff, v14;
	v3 =	vsel vm3, $0x2604, v3  }
0x2ad: {  	[tilespmem:v18+s21+$0x0] =	vst.idx.msk $0xffff, v13;
	v0 =	vsel vm4, $0x2805, v3  }
0x2ae: {  	[tilespmem:$0x1F930] =	vst v0  }
0x2af: {  	[tilespmem:v19+s21+$0x0] =	vst.idx.msk $0xffff, v10  }
0x2b0: {  	v3 =	vsel vm5, $0x2A06, v0;
	v0 =	vld [tilespmem:$0x1FAB0]  }
0x2b1: {  	v1 =	vld [tilespmem:$0x1FAC0]  }
0x2b2: {  	v4 =	vld [tilespmem:$0x1FAD0]  }
0x2b3: {  	v7 =	vld [tilespmem:$0x1FAE0]  }
0x2b4: {  	v57 =	vadd.s32 $0xE, v39  }
0x2b5: {  	v15 =	vor.u32 v57, v53;
	_ =	sdelay $0x2  }
0x2b6: {  	v3 =	vsel vm6, $0x2C07, v3;
	v10 =	vsel vm14, v1, v0;
	v14 =	vsel vm14, v7, v4  }
0x2b7: {  	s17 =	sor.u32 s2, s17;
	v11 =	vadd.s32 $0x1C00, v40;
	[tilespmem:v17+s21+$0x0] =	vst.idx.msk $0xffff, v16;
	v3 =	vsel vm7, $0x2E08, v3;
	v19 =	vcombine.low v14, v10  }
0x2b8: {  	v16 =	vor.u32 s17, v11;
	v3 =	vsel vm8, $0x3009, v3;
	v15 =	vld.idx.msk [tilespmem:v15+s12+$0x0], $0xffff  }
0x2b9: {  	v20 =	vld [tilespmem:$0x1FB10];
	v3 =	vsel vm9, $0x320A, v3;
	v17 =	vor.u32 v19, v53  }
0x2ba: {  	v27 =	vld [tilespmem:$0x1FB20];
	v3 =	vsel vm10, $0x340B, v3  }
0x2bb: {  	v8 =	vld [tilespmem:$0x1FAF0];
	v3 =	vsel vm11, $0x360C, v3  }
0x2bc: {  	v12 =	vld [tilespmem:$0x1FB00];
	v3 =	vsel vm12, $0x380D, v3  }
0x2bd: {  	v41 =	vsel vm13, $0x3A0E, v3;
	[tilespmem:v16+s21+$0x0] =	vst.idx.msk $0xffff, v15  }
0x2be: {  	v15 =	vor.u32 s17, v41;
	v3 =	vld.idx.msk [tilespmem:v17+s12+$0x0], $0xffff;
	_ =	sdelay $0x1  }
0x2bf: {  	v28 =	vld [tilespmem:$0x1FB30]  }
0x2c0: {  	v13 =	vsel vm14, v27, v20;
	v54 =	vsel vm14, v12, v8;
	v29 =	vld [tilespmem:$0x1FB40]  }
0x2c1: {  	v42 =	vcombine.low v13, v54;
	v30 =	vld [tilespmem:$0x1FB50]  }
0x2c2: {  	v31 =	vld [tilespmem:$0x1FB60];
	[tilespmem:v15+s21+$0x0] =	vst.idx.msk $0xffff, v3  }
0x2c3: {  	v16 =	vor.u32 v42, v53;
	v49 =	vld [tilespmem:$0x1FF40];
	_ =	sdelay $0x4  }
0x2c4: {  	v3 =	vld.idx.msk [tilespmem:v16+s12+$0x0], $0xffff;
	v15 =	vor.u32 s17, v49;
	_ =	sdelay $0x1  }
0x2c5: {  	v37 =	vld [tilespmem:$0x1FB90]  }
0x2c6: {  	v17 =	vsel vm14, v29, v28;
	v18 =	vsel vm14, v31, v30;
	v63 =	vld [tilespmem:$0x1FBA0]  }
0x2c7: {  	v50 =	vcombine.low v18, v17;
	v35 =	vld [tilespmem:$0x1FB70]  }
0x2c8: {  	v36 =	vld [tilespmem:$0x1FB80];
	[tilespmem:v15+s21+$0x0] =	vst.idx.msk $0xffff, v3  }
0x2c9: {  	v16 =	vor.u32 v50, v53;
	v34 =	vld [tilespmem:$0x1FF50];
	_ =	sdelay $0x4  }
0x2ca: {  	v3 =	vld.idx.msk [tilespmem:v16+s12+$0x0], $0xffff;
	v15 =	vor.u32 s17, v34;
	_ =	sdelay $0x2  }
0x2cb: {  	v55 =	vsel vm14, v63, v37;
	v22 =	vsel vm14, v36, v35  }
0x2cc: {  	v38 =	vcombine.low v55, v22  }
0x2cd: {  	v16 =	vor.u32 v57, v2;
	[tilespmem:v15+s21+$0x0] =	vst.idx.msk $0xffff, v3  }
0x2ce: {  	v33 =	vsel vm14, v0, v7;
	v23 =	vor.u32 v38, v53;
	v0 =	vld [tilespmem:$0x1FBB0];
	_ =	sdelay $0x2  }
0x2cf: {  	s2 =	sor.u32 s28, s30  }
0x2d0: {  	v3 =	vld.idx.msk [tilespmem:v16+s12+$0x0], $0xffff;
	v15 =	vor.u32 s2, v11  }
0x2d1: {  	v16 =	vld.idx.msk [tilespmem:v23+s12+$0x0], $0xffff;
	v24 =	vor.u32 s17, v0;
	_ =	sdelay $0x2  }
0x2d2: {  	v32 =	vsel vm14, v4, v1  }
0x2d3: {  	v40 =	vcombine.low v33, v32;
	[tilespmem:v15+s21+$0x0] =	vst.idx.msk $0xffff, v3  }
0x2d4: {  	v23 =	vor.u32 v19, v2;
	[tilespmem:v24+s21+$0x0] =	vst.idx.msk $0xffff, v16  }
0x2d5: {  	v26 =	vsel vm14, v20, v12;
	v25 =	vor.u32 v40, v53;
	v20 =	vld [tilespmem:$0x1FBC0];
	_ =	sdelay $0x3  }
0x2d6: {  	v15 =	vor.u32 s2, v41;
	v3 =	vld.idx.msk [tilespmem:v23+s12+$0x0], $0xffff  }
0x2d7: {  	v16 =	vld.idx.msk [tilespmem:v25+s12+$0x0], $0xffff;
	v24 =	vor.u32 s17, v20;
	_ =	sdelay $0x2  }
0x2d8: {  	v27 =	vsel vm14, v8, v27  }
0x2d9: {  	v56 =	vcombine.low v27, v26;
	[tilespmem:v15+s21+$0x0] =	vst.idx.msk $0xffff, v3  }
0x2da: {  	v23 =	vor.u32 v42, v2;
	[tilespmem:v24+s21+$0x0] =	vst.idx.msk $0xffff, v16  }
0x2db: {  	v8 =	vmov v19;
	v25 =	vor.u32 v56, v53;
	v19 =	vld [tilespmem:$0x1FBD0];
	_ =	sdelay $0x3  }
0x2dc: {  	v15 =	vor.u32 s2, v49;
	v3 =	vld.idx.msk [tilespmem:v23+s12+$0x0], $0xffff  }
0x2dd: {  	v16 =	vld.idx.msk [tilespmem:v25+s12+$0x0], $0xffff;
	v24 =	vor.u32 s17, v19;
	_ =	sdelay $0x2  }
0x2de: {  	v28 =	vsel vm14, v28, v31;
	v30 =	vsel vm14, v30, v29  }
0x2df: {  	v58 =	vcombine.low v28, v30;
	[tilespmem:v15+s21+$0x0] =	vst.idx.msk $0xffff, v3  }
0x2e0: {  	v23 =	vor.u32 v50, v2;
	[tilespmem:v24+s21+$0x0] =	vst.idx.msk $0xffff, v16  }
0x2e1: {  	v25 =	vor.u32 v58, v53;
	v48 =	vld [tilespmem:$0x1FF60];
	_ =	sdelay $0x3  }
0x2e2: {  	v15 =	vor.u32 s2, v34;
	v3 =	vld.idx.msk [tilespmem:v23+s12+$0x0], $0xffff  }
0x2e3: {  	v23 =	vld.idx.msk [tilespmem:v25+s12+$0x0], $0xffff;
	v24 =	vor.u32 s17, v48;
	_ =	sdelay $0x2  }
0x2e4: {  	v29 =	vsel vm14, v35, v63;
	v31 =	vsel vm14, v37, v36  }
0x2e5: {  	v63 =	vcombine.low v29, v31;
	v16 =	vor.u32 v57, v5;
	[tilespmem:v15+s21+$0x0] =	vst.idx.msk $0xffff, v3  }
0x2e6: {  	v25 =	vor.u32 v38, v2;
	[tilespmem:v24+s21+$0x0] =	vst.idx.msk $0xffff, v23  }
0x2e7: {  	v29 =	vor.u32 v63, v53;
	v21 =	vld [tilespmem:$0x1FF70];
	_ =	sdelay $0x2  }
0x2e8: {  	v3 =	vld.idx.msk [tilespmem:v16+s12+$0x0], $0xffff  }
0x2e9: {  	v36 =	vcombine.low v10, v14;
	v16 =	vor.u32 s2, v0;
	v14 =	vld.idx.msk [tilespmem:v25+s12+$0x0], $0xffff  }
0x2ea: {  	s6 =	sor.u32 s13, s14;
	v24 =	vor.u32 v40, v2;
	v1 =	vld.idx.msk [tilespmem:v29+s12+$0x0], $0xffff;
	v25 =	vor.u32 s17, v21  }
0x2eb: {  	v10 =	vor.u32 s6, v11;
	v29 =	vor.u32 v36, v53;
	_ =	sdelay $0x2  }
0x2ec: {  	[tilespmem:v16+s21+$0x0] =	vst.idx.msk $0xffff, v14  }
0x2ed: {  	v15 =	vor.u32 v8, v5;
	v14 =	vld.idx.msk [tilespmem:v24+s12+$0x0], $0xffff;
	[tilespmem:v25+s21+$0x0] =	vst.idx.msk $0xffff, v1  }
0x2ee: {  	[tilespmem:v10+s21+$0x0] =	vst.idx.msk $0xffff, v3;
	v24 =	vld.idx.msk [tilespmem:v29+s12+$0x0], $0xffff  }
0x2ef: {  	v29 =	vld [tilespmem:$0x1FF80];
	_ =	sdelay $0x2  }
0x2f0: {  	v10 =	vor.u32 s6, v41;
	v3 =	vld.idx.msk [tilespmem:v15+s12+$0x0], $0xffff  }
0x2f1: {  	v16 =	vor.u32 s2, v20  }
0x2f2: {  	v25 =	vor.u32 s17, v29;
	_ =	sdelay $0x2  }
0x2f3: {  	[tilespmem:v10+s21+$0x0] =	vst.idx.msk $0xffff, v3  }
0x2f4: {  	v7 =	vcombine.low v54, v13;
	v15 =	vor.u32 v42, v5;
	[tilespmem:v16+s21+$0x0] =	vst.idx.msk $0xffff, v14  }
0x2f5: {  	v12 =	vmov v0;
	v0 =	vor.u32 v56, v2;
	[tilespmem:v25+s21+$0x0] =	vst.idx.msk $0xffff, v24  }
0x2f6: {  	v31 =	vor.u32 v7, v53;
	v59 =	vld [tilespmem:$0x1FF90];
	_ =	sdelay $0x2  }
0x2f7: {  	v10 =	vor.u32 s6, v49;
	v3 =	vld.idx.msk [tilespmem:v15+s12+$0x0], $0xffff  }
0x2f8: {  	v16 =	vor.u32 s2, v19;
	v14 =	vld.idx.msk [tilespmem:v0+s12+$0x0], $0xffff  }
0x2f9: {  	v23 =	vcombine.low v17, v18;
	v17 =	vld.idx.msk [tilespmem:v31+s12+$0x0], $0xffff;
	v24 =	vor.u32 s17, v59;
	_ =	sdelay $0x2  }
0x2fa: {  	[tilespmem:v10+s21+$0x0] =	vst.idx.msk $0xffff, v3  }
0x2fb: {  	v15 =	vor.u32 v50, v5;
	[tilespmem:v16+s21+$0x0] =	vst.idx.msk $0xffff, v14  }
0x2fc: {  	v18 =	vor.u32 v58, v2;
	[tilespmem:v24+s21+$0x0] =	vst.idx.msk $0xffff, v17  }
0x2fd: {  	v25 =	vor.u32 v23, v53;
	v45 =	vld [tilespmem:$0x1FFA0];
	_ =	sdelay $0x2  }
0x2fe: {  	v14 =	vor.u32 v57, v6;
	v10 =	vld.idx.msk [tilespmem:v15+s12+$0x0], $0xffff;
	v15 =	vor.u32 s6, v34  }
0x2ff: {  	v16 =	vld.idx.msk [tilespmem:v18+s12+$0x0], $0xffff;
	v18 =	vor.u32 s2, v48;
	v17 =	vor.u32 v38, v5  }
0x300: {  	v4 =	vcombine.low v22, v55;
	v24 =	vor.u32 v63, v2;
	v0 =	vld.idx.msk [tilespmem:v25+s12+$0x0], $0xffff;
	v22 =	vor.u32 s17, v45;
	_ =	sdelay $0x2  }
0x301: {  	[tilespmem:v15+s21+$0x0] =	vst.idx.msk $0xffff, v10;
	v10 =	vld.idx.msk [tilespmem:v14+s12+$0x0], $0xffff  }
0x302: {  	[tilespmem:v18+s21+$0x0] =	vst.idx.msk $0xffff, v16;
	v15 =	vld.idx.msk [tilespmem:v17+s12+$0x0], $0xffff  }
0x303: {  	s7 =	sor.u32 s9, s11;
	v24 =	vld.idx.msk [tilespmem:v24+s12+$0x0], $0xffff;
	[tilespmem:v22+s21+$0x0] =	vst.idx.msk $0xffff, v0  }
0x304: {  	v25 =	vor.u32 v4, v53;
	v14 =	vor.u32 s7, v11;
	v0 =	vor.u32 v40, v5;
	[tilespmem:$0x1F940] =	vst v40;
	v40 =	vld [tilespmem:$0x1FFB0]  }
0x305: {  	v18 =	vor.u32 s6, v12  }
0x306: {  	v17 =	vor.u32 v8, v6  }
0x307: {  	v22 =	vor.u32 s2, v21;
	_ =	sdelay $0x1  }
0x308: {  	v25 =	vld.idx.msk [tilespmem:v25+s12+$0x0], $0xffff;
	[tilespmem:v14+s21+$0x0] =	vst.idx.msk $0xffff, v10;
	v46 =	vor.u32 s17, v40  }
0x309: {  	[tilespmem:v18+s21+$0x0] =	vst.idx.msk $0xffff, v15  }
0x30a: {  	v10 =	vld.idx.msk [tilespmem:v17+s12+$0x0], $0xffff;
	[tilespmem:$0x1F950] =	vst v41  }
0x30b: {  	[tilespmem:v22+s21+$0x0] =	vst.idx.msk $0xffff, v24  }
0x30c: {  	v3 =	vcombine.low v32, v33;
	v15 =	vld.idx.msk [tilespmem:v0+s12+$0x0], $0xffff;
	[tilespmem:$0x1F960] =	vst v42  }
0x30d: {  	v31 =	vor.u32 v36, v2;
	[tilespmem:v46+s21+$0x0] =	vst.idx.msk $0xffff, v25  }
0x30e: {  	v47 =	vor.u32 v3, v53;
	v0 =	vld [tilespmem:$0x1FFC0];
	_ =	sdelay $0x1  }
0x30f: {  	v14 =	vor.u32 s7, v41  }
0x310: {  	v18 =	vor.u32 s6, v20  }
0x311: {  	v24 =	vor.u32 s2, v29;
	v22 =	vld.idx.msk [tilespmem:v31+s12+$0x0], $0xffff  }
0x312: {  	v43 =	vmovc v21;
	v21 =	vcombine.low v26, v27;
	v17 =	vor.u32 v42, v6;
	v31 =	vld.idx.msk [tilespmem:v47+s12+$0x0], $0xffff;
	v27 =	vor.u32 s17, v0;
	_ =	sdelay $0x1  }
0x313: {  	[tilespmem:v14+s21+$0x0] =	vst.idx.msk $0xffff, v10  }
0x314: {  	v25 =	vor.u32 v56, v5;
	[tilespmem:v18+s21+$0x0] =	vst.idx.msk $0xffff, v15  }
0x315: {  	v61 =	vor.u32 v58, v5;
	v26 =	vor.u32 v7, v2;
	[tilespmem:v24+s21+$0x0] =	vst.idx.msk $0xffff, v22  }
0x316: {  	v52 =	vmov v11;
	v44 =	vmov v36;
	v55 =	vor.u32 v21, v53;
	v10 =	vld.idx.msk [tilespmem:v17+s12+$0x0], $0xffff;
	[tilespmem:v27+s21+$0x0] =	vst.idx.msk $0xffff, v31  }
0x317: {  	v60 =	vor.u32 v23, v2;
	v1 =	vmovc v34;
	v62 =	vor.u32 s2, v59;
	v16 =	vmovc v19;
	v14 =	vor.u32 s7, v49;
	v17 =	vld [tilespmem:$0x1FFD0]  }
0x318: {  	v19 =	vmovc v56;
	v11 =	vmovc v58;
	v41 =	vmov v29;
	v29 =	vmov v23;
	v42 =	vmov v59  }
0x319: {  	v39 =	vmovc v40;
	v46 =	vor.u32 s2, v45;
	v47 =	vmovc v49;
	v49 =	vmov v50;
	v22 =	vor.u32 s6, v16;
	v15 =	vld.idx.msk [tilespmem:v25+s12+$0x0], $0xffff  }
0x31a: {  	v18 =	vor.u32 v50, v6;
	v24 =	vor.u32 v23, v5;
	v37 =	vld.idx.msk [tilespmem:v26+s12+$0x0], $0xffff;
	v26 =	vor.u32 v23, v6  }
0x31b: {  	v50 =	vmovc v57;
	v23 =	vmov v4;
	v25 =	vor.u32 s2, v40;
	v0 =	vcombine.low v30, v28;
	v34 =	vld.idx.msk [tilespmem:v55+s12+$0x0], $0xffff;
	[tilespmem:$0x1F970] =	vst v7  }
0x31c: {  	v28 =	vor.u32 v7, v5;
	v30 =	vor.u32 v36, v6;
	[tilespmem:v14+s21+$0x0] =	vst.idx.msk $0xffff, v10;
	v58 =	vor.u32 s17, v17  }
0x31d: {  	v53 =	vor.u32 v0, v53;
	v31 =	vor.u32 v36, v5;
	v27 =	vor.u32 v7, v6;
	[tilespmem:$0x1F980] =	vst v21;
	v7 =	vld [tilespmem:$0x1FFE0]  }
0x31e: {  	v40 =	vmov v0;
	v36 =	vor.u32 v4, v2;
	v55 =	vor.u32 v21, v2;
	[tilespmem:v22+s21+$0x0] =	vst.idx.msk $0xffff, v15  }
0x31f: {  	v14 =	vor.u32 v21, v5;
	v10 =	vmov v32;
	v21 =	vmov v48;
	v59 =	vld.idx.msk [tilespmem:v18+s12+$0x0], $0xffff;
	[tilespmem:v62+s21+$0x0] =	vst.idx.msk $0xffff, v37  }
0x320: {  	v62 =	vor.u32 v57, v9;
	v57 =	vor.u32 s6, v48;
	v48 =	vmovc v38;
	v22 =	vmovc v4;
	v18 =	vmov v0;
	v56 =	vld.idx.msk [tilespmem:v61+s12+$0x0], $0xffff  }
0x321: {  	v15 =	vmov v0;
	v61 =	vor.u32 s7, v1;
	v37 =	vld.idx.msk [tilespmem:v60+s12+$0x0], $0xffff;
	v60 =	vor.u32 v38, v6;
	[tilespmem:v58+s21+$0x0] =	vst.idx.msk $0xffff, v34  }
0x322: {  	v38 =	vmovc v45;
	v45 =	vmovc v63;
	v17 =	vor.u32 s17, v7;
	v58 =	vor.u32 v63, v5;
	v34 =	vmov v33;
	v35 =	vld.idx.msk [tilespmem:v53+s12+$0x0], $0xffff  }
.LBB2_5:
0x323: {  	v0 =	vld [tilespmem:$0x1F930];
	_ =	sdelay $0x4  }
0x324: {  	[tilespmem:v61+s21+$0x0] =	vst.idx.msk $0xffff, v59;
	v4 =	vsel vm5, $0x2A06, v0  }
0x325: {  	s10 =	sand.u32 $0xFFFFFF80, s8;
	v61 =	vld.idx.msk [tilespmem:v62+s12+$0x0], $0xffff;
	[tilespmem:v57+s21+$0x0] =	vst.idx.msk $0xffff, v56;
	v0 =	vsel vm6, $0x2C07, v4  }
0x326: {  	s10 =	sor.u32 s1, s10;
	v60 =	vld.idx.msk [tilespmem:v60+s12+$0x0], $0xffff;
	v57 =	vsel vm7, $0x2E08, v0  }
0x327: {  	v51 =	vmovc v6;
	v6 =	vmov v9;
	v56 =	vor.u32 s10, v52;
	v58 =	vld.idx.msk [tilespmem:v58+s12+$0x0], $0xffff;
	[tilespmem:v46+s21+$0x0] =	vst.idx.msk $0xffff, v37;
	v7 =	vsel vm8, $0x3009, v57  }
0x328: {  	v53 =	vcombine.low v33, v32;
	v36 =	vld.idx.msk [tilespmem:v36+s12+$0x0], $0xffff;
	v0 =	vor.u32 v8, v6;
	v4 =	vsel vm9, $0x320A, v7  }
0x329: {  	[tilespmem:v17+s21+$0x0] =	vst.idx.msk $0xffff, v35;
	v57 =	vor.u32 s7, v12;
	v17 =	vsel vm10, $0x340B, v4;
	v4 =	vld [tilespmem:$0x1FFC0]  }
0x32a: {  	v37 =	vor.u32 v53, v51;
	v53 =	vor.u32 s6, v43;
	v17 =	vsel vm11, $0x360C, v17  }
0x32b: {  	v17 =	vsel vm12, $0x380D, v17  }
0x32c: {  	v3 =	vor.u32 v3, v2;
	[tilespmem:v56+s21+$0x0] =	vst.idx.msk $0xffff, v61;
	v17 =	vsel vm13, $0x3A0E, v17  }
0x32d: {  	v0 =	vld.idx.msk [tilespmem:v0+s12+$0x0], $0xffff;
	v17 =	vor.u32 s10, v17  }
0x32e: {  	[tilespmem:v57+s21+$0x0] =	vst.idx.msk $0xffff, v60;
	v46 =	vor.u32 s2, v4;
	v4 =	vld [tilespmem:$0x1F980]  }
0x32f: {  	v37 =	vld.idx.msk [tilespmem:v37+s12+$0x0], $0xffff;
	[tilespmem:v53+s21+$0x0] =	vst.idx.msk $0xffff, v58  }
0x330: {  	v62 =	vcombine.low v13, v54;
	v58 =	vld.idx.msk [tilespmem:v31+s12+$0x0], $0xffff;
	[tilespmem:v25+s21+$0x0] =	vst.idx.msk $0xffff, v36  }
0x331: {  	v61 =	vld.idx.msk [tilespmem:v3+s12+$0x0], $0xffff  }
0x332: {  	v35 =	vor.u32 v62, v6;
	v57 =	vor.u32 s7, v20;
	[tilespmem:v17+s21+$0x0] =	vst.idx.msk $0xffff, v0;
	v0 =	vld [tilespmem:$0x1FFE0]  }
0x333: {  	v60 =	vor.u32 s6, v41;
	v53 =	vor.u32 v19, v51;
	v62 =	vor.u32 v4, v51;
	v4 =	vld [tilespmem:$0x1FFD0];
	_ =	sdelay $0x3  }
0x334: {  	v17 =	vor.u32 s2, v0;
	v0 =	vld.idx.msk [tilespmem:v35+s12+$0x0], $0xffff;
	[tilespmem:v57+s21+$0x0] =	vst.idx.msk $0xffff, v37;
	v35 =	vor.u32 s10, v47  }
0x335: {  	v56 =	vor.u32 v44, v6;
	v37 =	vld.idx.msk [tilespmem:v53+s12+$0x0], $0xffff;
	[tilespmem:v60+s21+$0x0] =	vst.idx.msk $0xffff, v58;
	v58 =	vor.u32 s2, v4;
	s2 =	smov.u32 s6;
	s6 =	smov.u32 s7  }
0x336: {  	v31 =	vmovc v30;
	v30 =	vmov v56;
	v56 =	vor.u32 v49, v6;
	v57 =	vor.u32 s6, v16  }
0x337: {  	v60 =	vld.idx.msk [tilespmem:v28+s12+$0x0], $0xffff;
	[tilespmem:v46+s21+$0x0] =	vst.idx.msk $0xffff, v61;
	v46 =	vor.u32 v11, v51;
	v7 =	vor.u32 s2, v42  }
0x338: {  	v9 =	vmovc v22;
	v25 =	vcombine.low v54, v13;
	v53 =	vmovc v8;
	v8 =	vor.u32 v18, v2;
	v2 =	vmov s5;
	v4 =	vld.idx.msk [tilespmem:v55+s12+$0x0], $0xffff  }
0x339: {  	v22 =	vmovc v23;
	v63 =	vmovc v34;
	v34 =	vmov v33;
	v59 =	vmov v10;
	[tilespmem:v35+s21+$0x0] =	vst.idx.msk $0xffff, v0;
	v0 =	vshll.u32 v2, $0x5;
	v2 =	vld [tilespmem:$0x1FFF0]  }
0x33a: {  	p0 =	sne.s32 s19, $0x1F;
	v10 =	vmovc v32;
	v36 =	vor.u32 v9, v5;
	v3 =	vcombine.low v59, v63;
	v59 =	vor.u32 v25, v6  }
.Ltmp1:
0x33b: {  	v63 =	vor.u32 v29, v6;
	s7 =	smov.u32 s10;
	v28 =	vmov v27;
	v27 =	vmov v59;
	v59 =	vld.idx.msk [tilespmem:v56+s12+$0x0], $0xffff;
	[tilespmem:v57+s21+$0x0] =	vst.idx.msk $0xffff, v37;
	(pc) =	sbr.rel @p0 .LBB2_5-.Ltmp1, $4  }
0x33c: {  	v18 =	vmovc v15;
	v15 =	vmov v40;
	v25 =	vor.u32 s2, v39;
	v61 =	vor.u32 s7, v1;
	v56 =	vld.idx.msk [tilespmem:v46+s12+$0x0], $0xffff;
	[tilespmem:v7+s21+$0x0] =	vst.idx.msk $0xffff, v60  }
0x33d: {  	s11 =	sand.u32 $0x70, s5;
	v55 =	vmovc v14;
	v14 =	vmovc v62;
	v57 =	vor.u32 s6, v21;
	v60 =	vor.u32 v48, v6;
	v46 =	vor.u32 s2, v38;
	v37 =	vld.idx.msk [tilespmem:v24+s12+$0x0], $0xffff  }
0x33e: {  	s30 =	smov.u32 s19;
	s9 =	sadd.s32 $0x1, s19;
	s1 =	smov.u32 s11;
	[tilespmem:v58+s21+$0x0] =	vst.idx.msk $0xffff, v4;
	v58 =	vor.u32 v45, v51;
	v24 =	vmov v26;
	v9 =	vor.u32 v2, v0  }
0x33f: {  	s8 =	sshll.u32 s30, $0x4;
	s19 =	smov.u32 s9;
	s5 =	sadd.s32 $0x10, s5;
	v26 =	vmovc v63;
	v2 =	vmovc v5;
	v35 =	vld.idx.msk [tilespmem:v8+s12+$0x0], $0xffff;
	v8 =	vmov v53;
	v5 =	vmov v51;
	v62 =	vor.u32 v50, v9  }
0x340: {  	_ =	sdelay $0x1  }
0x341: {  	s5 =	sand.u32 $0xFFFFFF80, s8  }
0x342: {  	[tilespmem:$0x1F800] =	vst v50;
	s1 =	sor.u32 s1, s5  }
0x343: {  	v0 =	vld.idx.msk [tilespmem:v62+s12+$0x0], $0xffff;
	v4 =	vor.u32 s1, v52  }
0x344: {  	v7 =	vor.u32 v8, v9;
	_ =	sdelay $0x2  }
0x345: {  	[tilespmem:$0x1F810] =	vst v52  }
0x346: {  	v54 =	vld [tilespmem:$0x1FFF0];
	[tilespmem:v4+s21+$0x0] =	vst.idx.msk $0xffff, v0  }
0x347: {  	v0 =	vld.idx.msk [tilespmem:v7+s12+$0x0], $0xffff  }
0x348: {  	v4 =	vld [tilespmem:$0x1F950]  }
0x349: {  	v7 =	vld [tilespmem:$0x1F960];
	_ =	sdelay $0x3  }
0x34a: {  	v4 =	vor.u32 s1, v4  }
0x34b: {  	v7 =	vor.u32 v7, v9;
	_ =	sdelay $0x3  }
0x34c: {  	[tilespmem:v4+s21+$0x0] =	vst.idx.msk $0xffff, v0  }
0x34d: {  	v4 =	vor.u32 s1, v47;
	v0 =	vld.idx.msk [tilespmem:v7+s12+$0x0], $0xffff  }
0x34e: {  	v7 =	vor.u32 v49, v9;
	_ =	sdelay $0x2  }
0x34f: {  	[tilespmem:$0x1F820] =	vst v49  }
0x350: {  	[tilespmem:v4+s21+$0x0] =	vst.idx.msk $0xffff, v0  }
0x351: {  	v4 =	vor.u32 s1, v1;
	v0 =	vld.idx.msk [tilespmem:v7+s12+$0x0], $0xffff;
	_ =	sdelay $0x2  }
0x352: {  	[tilespmem:$0x1F830] =	vst v48  }
0x353: {  	[tilespmem:v61+s21+$0x0] =	vst.idx.msk $0xffff, v59  }
0x354: {  	[tilespmem:v4+s21+$0x0] =	vst.idx.msk $0xffff, v0  }
0x355: {  	v7 =	vor.u32 v48, v9;
	v1 =	vld [tilespmem:$0x1F940];
	_ =	sdelay $0x3  }
0x356: {  	v13 =	vor.u32 s7, v12;
	v8 =	vld.idx.msk [tilespmem:v60+s12+$0x0], $0xffff  }
0x357: {  	v4 =	vld.idx.msk [tilespmem:v7+s12+$0x0], $0xffff;
	v7 =	vor.u32 s1, v12;
	v0 =	vor.u32 v1, v6  }
0x358: {  	v1 =	vor.u32 v1, v9;
	_ =	sdelay $0x2  }
0x359: {  	[tilespmem:v13+s21+$0x0] =	vst.idx.msk $0xffff, v8  }
0x35a: {  	v8 =	vor.u32 s7, v20;
	[tilespmem:v7+s21+$0x0] =	vst.idx.msk $0xffff, v4;
	v0 =	vld.idx.msk [tilespmem:v0+s12+$0x0], $0xffff  }
0x35b: {  	v13 =	vor.u32 s1, v20;
	v4 =	vor.u32 v19, v6;
	v7 =	vld.idx.msk [tilespmem:v1+s12+$0x0], $0xffff  }
0x35c: {  	v62 =	vor.u32 v19, v9;
	_ =	sdelay $0x1  }
0x35d: {  	[tilespmem:$0x1F840] =	vst v19  }
0x35e: {  	[tilespmem:v8+s21+$0x0] =	vst.idx.msk $0xffff, v0  }
0x35f: {  	[tilespmem:v13+s21+$0x0] =	vst.idx.msk $0xffff, v7;
	v0 =	vld.idx.msk [tilespmem:v4+s12+$0x0], $0xffff;
	v4 =	vor.u32 s7, v16  }
0x360: {  	v7 =	vor.u32 v11, v6;
	v13 =	vor.u32 s1, v16;
	v8 =	vld.idx.msk [tilespmem:v62+s12+$0x0], $0xffff  }
0x361: {  	v63 =	vor.u32 v11, v9;
	_ =	sdelay $0x2  }
0x362: {  	[tilespmem:v4+s21+$0x0] =	vst.idx.msk $0xffff, v0  }
0x363: {  	v4 =	vor.u32 s7, v21;
	[tilespmem:v13+s21+$0x0] =	vst.idx.msk $0xffff, v8;
	v0 =	vld.idx.msk [tilespmem:v7+s12+$0x0], $0xffff  }
0x364: {  	v13 =	vor.u32 s1, v21;
	v7 =	vor.u32 v45, v6;
	v8 =	vld.idx.msk [tilespmem:v63+s12+$0x0], $0xffff  }
0x365: {  	[tilespmem:$0x1F850] =	vst v45;
	v45 =	vor.u32 v45, v9;
	_ =	sdelay $0x1  }
0x366: {  	[tilespmem:v57+s21+$0x0] =	vst.idx.msk $0xffff, v56  }
0x367: {  	v51 =	vld.idx.msk [tilespmem:v58+s12+$0x0], $0xffff;
	[tilespmem:v4+s21+$0x0] =	vst.idx.msk $0xffff, v0;
	v0 =	vor.u32 s6, v43  }
0x368: {  	[tilespmem:v13+s21+$0x0] =	vst.idx.msk $0xffff, v8;
	v4 =	vld.idx.msk [tilespmem:v7+s12+$0x0], $0xffff;
	v7 =	vor.u32 s7, v43  }
0x369: {  	v13 =	vor.u32 s1, v43;
	v8 =	vld.idx.msk [tilespmem:v45+s12+$0x0], $0xffff;
	_ =	sdelay $0x1  }
0x36a: {  	[tilespmem:$0x1F860] =	vst v44  }
0x36b: {  	[tilespmem:v0+s21+$0x0] =	vst.idx.msk $0xffff, v51  }
0x36c: {  	[tilespmem:v7+s21+$0x0] =	vst.idx.msk $0xffff, v4  }
0x36d: {  	v47 =	vor.u32 v44, v9;
	[tilespmem:v13+s21+$0x0] =	vst.idx.msk $0xffff, v8  }
0x36e: {  	v1 =	vld [tilespmem:$0x1F970];
	_ =	sdelay $0x1  }
0x36f: {  	v0 =	vld.idx.msk [tilespmem:v31+s12+$0x0], $0xffff;
	v31 =	vor.u32 s6, v41  }
0x370: {  	v7 =	vor.u32 s7, v41;
	v4 =	vld.idx.msk [tilespmem:v30+s12+$0x0], $0xffff  }
0x371: {  	v13 =	vor.u32 s1, v41;
	v8 =	vld.idx.msk [tilespmem:v47+s12+$0x0], $0xffff  }
0x372: {  	v30 =	vor.u32 v1, v9;
	_ =	sdelay $0x1  }
0x373: {  	[tilespmem:v31+s21+$0x0] =	vst.idx.msk $0xffff, v0  }
0x374: {  	v0 =	vld.idx.msk [tilespmem:v28+s12+$0x0], $0xffff;
	v28 =	vor.u32 s6, v42;
	[tilespmem:v7+s21+$0x0] =	vst.idx.msk $0xffff, v4  }
0x375: {  	v7 =	vor.u32 s7, v42;
	[tilespmem:v13+s21+$0x0] =	vst.idx.msk $0xffff, v8;
	v4 =	vld.idx.msk [tilespmem:v27+s12+$0x0], $0xffff  }
0x376: {  	v13 =	vor.u32 s1, v42;
	v8 =	vld.idx.msk [tilespmem:v30+s12+$0x0], $0xffff  }
0x377: {  	v27 =	vor.u32 v29, v9  }
0x378: {  	[tilespmem:$0x1F870] =	vst v29  }
0x379: {  	[tilespmem:v28+s21+$0x0] =	vst.idx.msk $0xffff, v0  }
0x37a: {  	[tilespmem:v7+s21+$0x0] =	vst.idx.msk $0xffff, v4;
	v0 =	vld.idx.msk [tilespmem:v24+s12+$0x0], $0xffff;
	v24 =	vor.u32 s6, v38  }
0x37b: {  	v4 =	vor.u32 v22, v5;
	v22 =	vor.u32 s7, v38;
	v7 =	vld.idx.msk [tilespmem:v26+s12+$0x0], $0xffff;
	[tilespmem:v13+s21+$0x0] =	vst.idx.msk $0xffff, v8  }
0x37c: {  	v26 =	vor.u32 s1, v38;
	v8 =	vor.u32 v23, v6;
	v13 =	vld.idx.msk [tilespmem:v27+s12+$0x0], $0xffff;
	[tilespmem:$0x1F880] =	vst v23  }
0x37d: {  	v27 =	vor.u32 v23, v9;
	[tilespmem:v46+s21+$0x0] =	vst.idx.msk $0xffff, v37  }
0x37e: {  	v28 =	vld.idx.msk [tilespmem:v36+s12+$0x0], $0xffff  }
0x37f: {  	[tilespmem:v24+s21+$0x0] =	vst.idx.msk $0xffff, v0  }
0x380: {  	v1 =	vcombine.low v32, v33;
	[tilespmem:v22+s21+$0x0] =	vst.idx.msk $0xffff, v7;
	v4 =	vld.idx.msk [tilespmem:v4+s12+$0x0], $0xffff  }
0x381: {  	v8 =	vld.idx.msk [tilespmem:v8+s12+$0x0], $0xffff;
	[tilespmem:v26+s21+$0x0] =	vst.idx.msk $0xffff, v13  }
0x382: {  	v24 =	vld.idx.msk [tilespmem:v27+s12+$0x0], $0xffff;
	[tilespmem:$0x1F890] =	vst v1  }
0x383: {  	v10 =	vcombine.low v10, v34;
	[tilespmem:v25+s21+$0x0] =	vst.idx.msk $0xffff, v28  }
0x384: {  	v30 =	vor.u32 v3, v2;
	v13 =	vor.u32 v1, v6;
	v26 =	vor.u32 v1, v9;
	v1 =	vld [tilespmem:$0x1FFC0]  }
0x385: {  	v0 =	vor.u32 s6, v39  }
0x386: {  	v7 =	vor.u32 v10, v5;
	v10 =	vor.u32 s7, v39  }
0x387: {  	v22 =	vor.u32 s1, v39;
	_ =	sdelay $0x1  }
0x388: {  	v27 =	vld.idx.msk [tilespmem:v30+s12+$0x0], $0xffff;
	v25 =	vor.u32 s2, v1  }
0x389: {  	[tilespmem:v0+s21+$0x0] =	vst.idx.msk $0xffff, v4  }
0x38a: {  	[tilespmem:v10+s21+$0x0] =	vst.idx.msk $0xffff, v8  }
0x38b: {  	v4 =	vld.idx.msk [tilespmem:v7+s12+$0x0], $0xffff;
	[tilespmem:v22+s21+$0x0] =	vst.idx.msk $0xffff, v24  }
0x38c: {  	v52 =	vld [tilespmem:$0x1F980]  }
0x38d: {  	v8 =	vld.idx.msk [tilespmem:v13+s12+$0x0], $0xffff;
	[tilespmem:v25+s21+$0x0] =	vst.idx.msk $0xffff, v27  }
0x38e: {  	v0 =	vor.u32 s6, v1;
	v7 =	vor.u32 s7, v1;
	v13 =	vor.u32 s1, v1;
	v1 =	vld [tilespmem:$0x1FFD0];
	_ =	sdelay $0x2  }
0x38f: {  	v22 =	vld.idx.msk [tilespmem:v26+s12+$0x0], $0xffff;
	v10 =	vor.u32 v52, v6  }
0x390: {  	v24 =	vor.u32 v52, v9  }
0x391: {  	v26 =	vld.idx.msk [tilespmem:v55+s12+$0x0], $0xffff;
	v25 =	vor.u32 s2, v1  }
0x392: {  	[tilespmem:v0+s21+$0x0] =	vst.idx.msk $0xffff, v4  }
0x393: {  	[tilespmem:v7+s21+$0x0] =	vst.idx.msk $0xffff, v8;
	v4 =	vld.idx.msk [tilespmem:v14+s12+$0x0], $0xffff  }
0x394: {  	[tilespmem:v13+s21+$0x0] =	vst.idx.msk $0xffff, v22;
	v8 =	vld.idx.msk [tilespmem:v10+s12+$0x0], $0xffff  }
0x395: {  	v13 =	vld.idx.msk [tilespmem:v24+s12+$0x0], $0xffff;
	[tilespmem:$0x1F8A0] =	vst v40  }
0x396: {  	v0 =	vor.u32 v18, v2;
	[tilespmem:v25+s21+$0x0] =	vst.idx.msk $0xffff, v26  }
0x397: {  	v2 =	vor.u32 s6, v1;
	v7 =	vor.u32 s7, v1;
	v10 =	vor.u32 s1, v1;
	v1 =	vld [tilespmem:$0x1FFE0]  }
0x398: {  	v5 =	vor.u32 v15, v5  }
0x399: {  	v6 =	vor.u32 v40, v6;
	_ =	sdelay $0x2  }
0x39a: {  	v9 =	vor.u32 v40, v9;
	v0 =	vld.idx.msk [tilespmem:v0+s12+$0x0], $0xffff;
	[tilespmem:v2+s21+$0x0] =	vst.idx.msk $0xffff, v4;
	v14 =	vor.u32 s2, v1  }
0x39b: {  	[tilespmem:v7+s21+$0x0] =	vst.idx.msk $0xffff, v8;
	v4 =	vld.idx.msk [tilespmem:v5+s12+$0x0], $0xffff;
	v2 =	vor.u32 s6, v1  }
0x39c: {  	v6 =	vld.idx.msk [tilespmem:v6+s12+$0x0], $0xffff;
	v5 =	vor.u32 s7, v1  }
0x39d: {  	[tilespmem:v10+s21+$0x0] =	vst.idx.msk $0xffff, v13  }
0x39e: {  	[tilespmem:v17+s21+$0x0] =	vst.idx.msk $0xffff, v35  }
0x39f: {  	v8 =	vld.idx.msk [tilespmem:v9+s12+$0x0], $0xffff;
	v7 =	vor.u32 s1, v1;
	[tilespmem:v14+s21+$0x0] =	vst.idx.msk $0xffff, v0  }
0x3a0: {  	[tilespmem:v2+s21+$0x0] =	vst.idx.msk $0xffff, v4  }
0x3a1: {  	[tilespmem:v5+s21+$0x0] =	vst.idx.msk $0xffff, v6  }
0x3a2: {  	s19 =	sshll.u32 s31, $0xC;
	p0 =	seq.s32 s31, $0x18;
	s20 =	rddreg [dreg:$0x4]  }
0x3a3: {  	s22 =	rddreg [dreg:$0x1];
	s24 =	simm.s32 $0x200;
	s1 =	sor.u32 s20, s19  }
0x3a4: {  	s29 =	simm.s32 $0xC8000;
	s23 =	simm.s32 $0x2;
	v0 =	vlaneseq.u32 @!p0;
	[tilespmem:v7+s21+$0x0] =	vst.idx.msk $0xffff, v8;
	s2 =	sadd.s32 s22, s1  }
0x3a5: {  	v2 =	vmul.u32 @!p0 $0xC8, v0;
	[hbm4b:s2+s24] =	stream.strided.scatter [tilespmem:s21], [sflag:$0x5], $0x3C00, s29, s24, $0x38;
	[tilespmem:$0x16000] =	vst v63  }
0x3a6: {  	s2 =	sadd.s32 @!p0 $0x8, s0;
	_ =	swait.ge [sflag:s23], $0x2000  }
0x3a7: {  	v0 =	vadd.s32 @!p0 s2, v2;
	[sflag:s23] =	ssyncset.done $0x0  }
0x3a8: {  	[sflag:s23] =	ssyncadd.s32 $0xFFFFE000  }
0x3a9: {  	_ =	swait.ge [sflag:s25], $0x2000  }
0x3aa: {  	[sflag:s25] =	ssyncset.done $0x0  }
0x3ab: {  	s2 =	simm.s32 @!p0 $0x0;
	[sflag:s25] =	ssyncadd.s32 $0xFFFFE000  }
0x3ac: {  	s5 =	sadd.s32 @!p0 $0xC88, s0;
	v0 =	vld.idx.msk @!p0 [tilespmem:v0+s2+$0x0], $0xffff  }
0x3ad: {  	v4 =	vadd.s32 @!p0 s5, v2;
	_ =	sdelay $0x3  }
0x3ae: {  	[tilespmem:$0x6400] =	vst @!p0 v0  }
0x3af: {  	s5 =	sadd.s32 @!p0 $0x1908, s0;
	v0 =	vld.idx.msk @!p0 [tilespmem:v4+s2+$0x0], $0xffff  }
0x3b0: {  	v4 =	vadd.s32 @!p0 s5, v2;
	_ =	sdelay $0x3  }
0x3b1: {  	[tilespmem:$0x6410] =	vst @!p0 v0  }
0x3b2: {  	s5 =	sadd.s32 @!p0 $0x2588, s0;
	v0 =	vld.idx.msk @!p0 [tilespmem:v4+s2+$0x0], $0xffff  }
0x3b3: {  	v4 =	vadd.s32 @!p0 s5, v2;
	_ =	sdelay $0x3  }
0x3b4: {  	[tilespmem:$0x6420] =	vst @!p0 v0  }
0x3b5: {  	s5 =	sadd.s32 @!p0 $0x3208, s0;
	v0 =	vld.idx.msk @!p0 [tilespmem:v4+s2+$0x0], $0xffff  }
0x3b6: {  	v4 =	vadd.s32 @!p0 s5, v2;
	_ =	sdelay $0x3  }
0x3b7: {  	[tilespmem:$0x6430] =	vst @!p0 v0  }
0x3b8: {  	s5 =	sadd.s32 @!p0 $0x3E88, s0;
	v0 =	vld.idx.msk @!p0 [tilespmem:v4+s2+$0x0], $0xffff  }
0x3b9: {  	v4 =	vadd.s32 @!p0 s5, v2;
	_ =	sdelay $0x3  }
0x3ba: {  	[tilespmem:$0x6440] =	vst @!p0 v0  }
0x3bb: {  	s5 =	sadd.s32 @!p0 $0x4B08, s0;
	v0 =	vld.idx.msk @!p0 [tilespmem:v4+s2+$0x0], $0xffff  }
0x3bc: {  	v4 =	vadd.s32 @!p0 s5, v2;
	_ =	sdelay $0x3  }
0x3bd: {  	[tilespmem:$0x6450] =	vst @!p0 v0  }
0x3be: {  	s5 =	sadd.s32 @!p0 $0x5788, s0;
	v0 =	vld.idx.msk @!p0 [tilespmem:v4+s2+$0x0], $0xffff  }
0x3bf: {  	v4 =	vadd.s32 @!p0 s5, v2;
	_ =	sdelay $0x3  }
0x3c0: {  	[tilespmem:$0x6460] =	vst @!p0 v0  }
0x3c1: {  	s5 =	sadd.s32 @!p0 $0x9, s0;
	v0 =	vld.idx.msk @!p0 [tilespmem:v4+s2+$0x0], $0xffff  }
0x3c2: {  	v4 =	vadd.s32 @!p0 s5, v2;
	_ =	sdelay $0x3  }
0x3c3: {  	[tilespmem:$0x6470] =	vst @!p0 v0  }
0x3c4: {  	s5 =	sadd.s32 @!p0 $0xC89, s0;
	v0 =	vld.idx.msk @!p0 [tilespmem:v4+s2+$0x0], $0xffff  }
0x3c5: {  	v4 =	vadd.s32 @!p0 s5, v2;
	_ =	sdelay $0x3  }
0x3c6: {  	[tilespmem:$0x6480] =	vst @!p0 v0  }
0x3c7: {  	s5 =	sadd.s32 @!p0 $0x1909, s0;
	v0 =	vld.idx.msk @!p0 [tilespmem:v4+s2+$0x0], $0xffff  }
0x3c8: {  	v4 =	vadd.s32 @!p0 s5, v2;
	_ =	sdelay $0x3  }
0x3c9: {  	[tilespmem:$0x6490] =	vst @!p0 v0  }
0x3ca: {  	s5 =	sadd.s32 @!p0 $0x2589, s0;
	v0 =	vld.idx.msk @!p0 [tilespmem:v4+s2+$0x0], $0xffff  }
0x3cb: {  	v4 =	vadd.s32 @!p0 s5, v2;
	_ =	sdelay $0x3  }
0x3cc: {  	[tilespmem:$0x64A0] =	vst @!p0 v0  }
0x3cd: {  	s5 =	sadd.s32 @!p0 $0x3209, s0;
	v0 =	vld.idx.msk @!p0 [tilespmem:v4+s2+$0x0], $0xffff  }
0x3ce: {  	v4 =	vadd.s32 @!p0 s5, v2;
	_ =	sdelay $0x3  }
0x3cf: {  	[tilespmem:$0x64B0] =	vst @!p0 v0  }
0x3d0: {  	s5 =	sadd.s32 @!p0 $0x3E89, s0;
	v0 =	vld.idx.msk @!p0 [tilespmem:v4+s2+$0x0], $0xffff  }
0x3d1: {  	v4 =	vadd.s32 @!p0 s5, v2;
	_ =	sdelay $0x3  }
0x3d2: {  	[tilespmem:$0x64C0] =	vst @!p0 v0  }
0x3d3: {  	s5 =	sadd.s32 @!p0 $0x4B09, s0;
	v0 =	vld.idx.msk @!p0 [tilespmem:v4+s2+$0x0], $0xffff  }
0x3d4: {  	v4 =	vadd.s32 @!p0 s5, v2;
	_ =	sdelay $0x3  }
0x3d5: {  	[tilespmem:$0x64D0] =	vst @!p0 v0  }
0x3d6: {  	s5 =	sadd.s32 @!p0 $0x5789, s0;
	v0 =	vld.idx.msk @!p0 [tilespmem:v4+s2+$0x0], $0xffff  }
0x3d7: {  	v4 =	vadd.s32 @!p0 s5, v2;
	_ =	sdelay $0x3  }
0x3d8: {  	[tilespmem:$0x64E0] =	vst @!p0 v0  }
0x3d9: {  	s5 =	sadd.s32 @!p0 $0xA, s0;
	v0 =	vld.idx.msk @!p0 [tilespmem:v4+s2+$0x0], $0xffff  }
0x3da: {  	v4 =	vadd.s32 @!p0 s5, v2;
	_ =	sdelay $0x3  }
0x3db: {  	[tilespmem:$0x64F0] =	vst @!p0 v0  }
0x3dc: {  	s5 =	sadd.s32 @!p0 $0xC8A, s0;
	v0 =	vld.idx.msk @!p0 [tilespmem:v4+s2+$0x0], $0xffff  }
0x3dd: {  	v4 =	vadd.s32 @!p0 s5, v2;
	_ =	sdelay $0x3  }
0x3de: {  	[tilespmem:$0x6500] =	vst @!p0 v0  }
0x3df: {  	s5 =	sadd.s32 @!p0 $0x190A, s0;
	v0 =	vld.idx.msk @!p0 [tilespmem:v4+s2+$0x0], $0xffff  }
0x3e0: {  	v4 =	vadd.s32 @!p0 s5, v2;
	_ =	sdelay $0x3  }
0x3e1: {  	[tilespmem:$0x6510] =	vst @!p0 v0  }
0x3e2: {  	s5 =	sadd.s32 @!p0 $0x258A, s0;
	v0 =	vld.idx.msk @!p0 [tilespmem:v4+s2+$0x0], $0xffff  }
0x3e3: {  	v4 =	vadd.s32 @!p0 s5, v2;
	_ =	sdelay $0x3  }
0x3e4: {  	[tilespmem:$0x6520] =	vst @!p0 v0  }
0x3e5: {  	s5 =	sadd.s32 @!p0 $0x320A, s0;
	v0 =	vld.idx.msk @!p0 [tilespmem:v4+s2+$0x0], $0xffff  }
0x3e6: {  	v4 =	vadd.s32 @!p0 s5, v2;
	_ =	sdelay $0x3  }
0x3e7: {  	[tilespmem:$0x6530] =	vst @!p0 v0  }
0x3e8: {  	s5 =	sadd.s32 @!p0 $0x3E8A, s0;
	v0 =	vld.idx.msk @!p0 [tilespmem:v4+s2+$0x0], $0xffff  }
0x3e9: {  	v4 =	vadd.s32 @!p0 s5, v2;
	_ =	sdelay $0x3  }
0x3ea: {  	[tilespmem:$0x6540] =	vst @!p0 v0  }
0x3eb: {  	s5 =	sadd.s32 @!p0 $0x4B0A, s0;
	v0 =	vld.idx.msk @!p0 [tilespmem:v4+s2+$0x0], $0xffff  }
0x3ec: {  	v4 =	vadd.s32 @!p0 s5, v2;
	_ =	sdelay $0x3  }
0x3ed: {  	[tilespmem:$0x6550] =	vst @!p0 v0  }
0x3ee: {  	s5 =	sadd.s32 @!p0 $0x578A, s0;
	v0 =	vld.idx.msk @!p0 [tilespmem:v4+s2+$0x0], $0xffff  }
0x3ef: {  	v4 =	vadd.s32 @!p0 s5, v2;
	_ =	sdelay $0x3  }
0x3f0: {  	[tilespmem:$0x6560] =	vst @!p0 v0  }
0x3f1: {  	s5 =	sadd.s32 @!p0 $0xB, s0;
	v0 =	vld.idx.msk @!p0 [tilespmem:v4+s2+$0x0], $0xffff  }
0x3f2: {  	v4 =	vadd.s32 @!p0 s5, v2;
	_ =	sdelay $0x3  }
0x3f3: {  	[tilespmem:$0x6570] =	vst @!p0 v0  }
0x3f4: {  	s5 =	sadd.s32 @!p0 $0xC8B, s0;
	v0 =	vld.idx.msk @!p0 [tilespmem:v4+s2+$0x0], $0xffff  }
0x3f5: {  	v4 =	vadd.s32 @!p0 s5, v2;
	_ =	sdelay $0x3  }
0x3f6: {  	[tilespmem:$0x6580] =	vst @!p0 v0  }
0x3f7: {  	s5 =	sadd.s32 @!p0 $0x190B, s0;
	v0 =	vld.idx.msk @!p0 [tilespmem:v4+s2+$0x0], $0xffff  }
0x3f8: {  	v4 =	vadd.s32 @!p0 s5, v2;
	_ =	sdelay $0x3  }
0x3f9: {  	[tilespmem:$0x6590] =	vst @!p0 v0  }
0x3fa: {  	s5 =	sadd.s32 @!p0 $0x258B, s0;
	v0 =	vld.idx.msk @!p0 [tilespmem:v4+s2+$0x0], $0xffff  }
0x3fb: {  	v4 =	vadd.s32 @!p0 s5, v2;
	_ =	sdelay $0x3  }
0x3fc: {  	[tilespmem:$0x65A0] =	vst @!p0 v0  }
0x3fd: {  	s5 =	sadd.s32 @!p0 $0x320B, s0;
	v0 =	vld.idx.msk @!p0 [tilespmem:v4+s2+$0x0], $0xffff  }
0x3fe: {  	v4 =	vadd.s32 @!p0 s5, v2;
	_ =	sdelay $0x3  }
0x3ff: {  	[tilespmem:$0x65B0] =	vst @!p0 v0  }
0x400: {  	s5 =	sadd.s32 @!p0 $0x3E8B, s0;
	v0 =	vld.idx.msk @!p0 [tilespmem:v4+s2+$0x0], $0xffff  }
0x401: {  	v4 =	vadd.s32 @!p0 s5, v2;
	_ =	sdelay $0x3  }
0x402: {  	[tilespmem:$0x65C0] =	vst @!p0 v0  }
0x403: {  	s5 =	sadd.s32 @!p0 $0x4B0B, s0;
	v0 =	vld.idx.msk @!p0 [tilespmem:v4+s2+$0x0], $0xffff  }
0x404: {  	v4 =	vadd.s32 @!p0 s5, v2;
	_ =	sdelay $0x3  }
0x405: {  	[tilespmem:$0x65D0] =	vst @!p0 v0  }
0x406: {  	s0 =	sadd.s32 @!p0 $0x578B, s0;
	v0 =	vld.idx.msk @!p0 [tilespmem:v4+s2+$0x0], $0xffff  }
0x407: {  	v2 =	vadd.s32 @!p0 s0, v2;
	_ =	sdelay $0x3  }
0x408: {  	[tilespmem:$0x65E0] =	vst @!p0 v0  }
0x409: {  	v0 =	vld.idx.msk @!p0 [tilespmem:v2+s2+$0x0], $0xffff;
	_ =	sdelay $0x3  }
0x40a: {  	p1 =	seq.s32 @!p0 s31, $0x0  }
0x40b: {  	s0 =	simm.s32 @!p0 $0x100;
	s5 =	simm.s32 @!p0 $0x6800;
	s2 =	simm.s32 @!p0 $0x6400;
	[tilespmem:$0x65F0] =	vst @!p0 v0  }
0x40c: {  	[tilespmem:s5], [sflag:$0x1] =	stream.indirect.gather @!p0 [hbm4b:s4+s0], $0x20, s2, s0, $0xb8;
	[tilespmem:$0x16000] =	vst v63  }
0x40d: {  	s6 =	simm.s32 $0x0;
	s2 =	simm.s32 @!p0 $0x6500;
	s5 =	simm.s32 @!p0 $0x8800  }
0x40e: {  	[tilespmem:s5], [sflag:$0x3] =	stream.indirect.gather @!p0 [hbm4b:s4+s0], $0x20, s2, s0, $0xb8;
	[tilespmem:$0x16000] =	vst v63  }
0x40f: {  	v0 =	vmov s6;
	p0 =	por p0, !p1  }
0x410: {  	[tilespmem:$0x1F8B0] =	vst v11;
	v0 =	vshll.u32 v0, $0x5;
	s0 =	simm.s32 @p0 $0x6  }
0x411: {  	v29 =	vlaneseq.u32;
	v20 =	vor.u32 v54, v0;
	_ =	swait.ge @p0 [sflag:s0], $0x3C00  }
0x412: {  	v0 =	vor.u32 v29, v20;
	v30 =	vld [tilespmem:$0x1FDE0];
	_ =	sdelay $0x1  }
0x413: {  	s7 =	simm.s32 $0x0;
	[sflag:s0] =	ssyncset.done @p0 $0x0  }
0x414: {  	s2 =	sand.u32 $0xFFFFFF80, s7;
	[sflag:s0] =	ssyncadd.s32 @p0 $0xFFFFC400;
	s0 =	sand.u32 $0x70, s6  }
0x415: {  	s5 =	sor.u32 s0, s2  }
0x416: {  	v0 =	vld.idx.msk [tilespmem:v0+s18+$0x0], $0xffff;
	v2 =	vor.u32 s5, v30  }
0x417: {  	v33 =	vld [tilespmem:$0x1F9C0];
	_ =	sdelay $0x3  }
0x418: {  	[tilespmem:v2+s26+$0x0] =	vst.idx.msk $0xffff, v0  }
0x419: {  	v4 =	vor.u32 v33, v20;
	v52 =	vld [tilespmem:$0x1F9D0];
	_ =	sdelay $0x4  }
0x41a: {  	v2 =	vld.idx.msk [tilespmem:v4+s18+$0x0], $0xffff;
	v4 =	vor.u32 s5, v52  }
0x41b: {  	v19 =	vld [tilespmem:$0x1FDF0];
	_ =	sdelay $0x3  }
0x41c: {  	[tilespmem:v4+s26+$0x0] =	vst.idx.msk $0xffff, v2  }
0x41d: {  	v6 =	vor.u32 v19, v20;
	v57 =	vld [tilespmem:$0x1FE20]  }
0x41e: {  	s8 =	simm.s32 $0x10  }
0x41f: {  	v0 =	vmov s8  }
0x420: {  	v0 =	vshll.u32 v0, $0x5  }
0x421: {  	v5 =	vor.u32 v54, v0  }
0x422: {  	v0 =	vor.u32 v29, v5;
	v2 =	vld.idx.msk [tilespmem:v6+s18+$0x0], $0xffff;
	v4 =	vor.u32 s5, v57  }
0x423: {  	v58 =	vld [tilespmem:$0x1FE30];
	_ =	sdelay $0x1  }
0x424: {  	s9 =	simm.s32 $0x10  }
0x425: {  	s0 =	sand.u32 $0x70, s8;
	s2 =	sand.u32 $0xFFFFFF80, s9  }
0x426: {  	s13 =	sor.u32 s0, s2;
	v0 =	vld.idx.msk [tilespmem:v0+s18+$0x0], $0xffff;
	[tilespmem:v4+s26+$0x0] =	vst.idx.msk $0xffff, v2  }
0x427: {  	v7 =	vor.u32 s13, v30;
	v6 =	vor.u32 v58, v20;
	v36 =	vld [tilespmem:$0x1FE00];
	_ =	sdelay $0x4  }
0x428: {  	v8 =	vor.u32 v33, v5;
	v2 =	vld.idx.msk [tilespmem:v6+s18+$0x0], $0xffff;
	[tilespmem:v7+s26+$0x0] =	vst.idx.msk $0xffff, v0;
	v4 =	vor.u32 s5, v36  }
0x429: {  	v37 =	vld [tilespmem:$0x1FE10];
	_ =	sdelay $0x3  }
0x42a: {  	v7 =	vld.idx.msk [tilespmem:v8+s18+$0x0], $0xffff;
	[tilespmem:v4+s26+$0x0] =	vst.idx.msk $0xffff, v2  }
0x42b: {  	v8 =	vor.u32 s13, v52;
	v0 =	vor.u32 v37, v20;
	v59 =	vld [tilespmem:$0x1FE40];
	_ =	sdelay $0x4  }
0x42c: {  	v9 =	vor.u32 v19, v5;
	v0 =	vld.idx.msk [tilespmem:v0+s18+$0x0], $0xffff;
	[tilespmem:v8+s26+$0x0] =	vst.idx.msk $0xffff, v7;
	v2 =	vor.u32 s5, v59  }
0x42d: {  	s10 =	simm.s32 $0x20;
	v60 =	vld [tilespmem:$0x1FE90]  }
0x42e: {  	v6 =	vmov s10  }
0x42f: {  	v6 =	vshll.u32 v6, $0x5  }
0x430: {  	v14 =	vor.u32 v54, v6  }
0x431: {  	v6 =	vor.u32 v29, v14;
	v7 =	vld.idx.msk [tilespmem:v9+s18+$0x0], $0xffff;
	[tilespmem:v2+s26+$0x0] =	vst.idx.msk $0xffff, v0  }
0x432: {  	v8 =	vor.u32 s13, v57;
	v4 =	vor.u32 v60, v20;
	v21 =	vld [tilespmem:$0x1FE50]  }
0x433: {  	s11 =	simm.s32 $0x20  }
0x434: {  	s0 =	sand.u32 $0x70, s10;
	s2 =	sand.u32 $0xFFFFFF80, s11  }
0x435: {  	s0 =	sor.u32 s0, s2  }
0x436: {  	v10 =	vor.u32 s0, v30;
	v6 =	vld.idx.msk [tilespmem:v6+s18+$0x0], $0xffff  }
0x437: {  	v9 =	vor.u32 v58, v5;
	v0 =	vld.idx.msk [tilespmem:v4+s18+$0x0], $0xffff;
	[tilespmem:v8+s26+$0x0] =	vst.idx.msk $0xffff, v7;
	v2 =	vor.u32 s5, v21  }
0x438: {  	v31 =	vld [tilespmem:$0x1FA80];
	_ =	sdelay $0x2  }
0x439: {  	[tilespmem:v10+s26+$0x0] =	vst.idx.msk $0xffff, v6  }
0x43a: {  	v13 =	vor.u32 v33, v14;
	v7 =	vld.idx.msk [tilespmem:v9+s18+$0x0], $0xffff;
	[tilespmem:v2+s26+$0x0] =	vst.idx.msk $0xffff, v0  }
0x43b: {  	v8 =	vor.u32 s13, v36;
	v4 =	vor.u32 v31, v20;
	v38 =	vld [tilespmem:$0x1FE80];
	_ =	sdelay $0x3  }
0x43c: {  	v10 =	vld.idx.msk [tilespmem:v13+s18+$0x0], $0xffff;
	v13 =	vor.u32 s0, v52  }
0x43d: {  	v9 =	vor.u32 v37, v5;
	v0 =	vld.idx.msk [tilespmem:v4+s18+$0x0], $0xffff;
	[tilespmem:v8+s26+$0x0] =	vst.idx.msk $0xffff, v7;
	v4 =	vor.u32 s5, v38  }
0x43e: {  	s14 =	simm.s32 $0x30;
	v40 =	vld [tilespmem:$0x1FEA0]  }
0x43f: {  	v6 =	vmov s14  }
0x440: {  	v6 =	vshll.u32 v6, $0x5  }
0x441: {  	v15 =	vor.u32 v19, v14;
	v55 =	vor.u32 v54, v6;
	[tilespmem:v13+s26+$0x0] =	vst.idx.msk $0xffff, v10  }
0x442: {  	v2 =	vor.u32 v29, v55;
	v7 =	vld.idx.msk [tilespmem:v9+s18+$0x0], $0xffff;
	[tilespmem:v4+s26+$0x0] =	vst.idx.msk $0xffff, v0  }
0x443: {  	v8 =	vor.u32 s13, v59;
	v6 =	vor.u32 v40, v20;
	v16 =	vld [tilespmem:$0x1FA90]  }
0x444: {  	s15 =	simm.s32 $0x30  }
0x445: {  	s6 =	sand.u32 $0xFFFFFF80, s15;
	s2 =	sand.u32 $0x70, s14  }
0x446: {  	s11 =	sor.u32 s2, s6;
	v13 =	vor.u32 s0, v57;
	v10 =	vld.idx.msk [tilespmem:v15+s18+$0x0], $0xffff  }
0x447: {  	v2 =	vld.idx.msk [tilespmem:v2+s18+$0x0], $0xffff;
	v0 =	vor.u32 s11, v30  }
0x448: {  	v9 =	vor.u32 v60, v5;
	v4 =	vld.idx.msk [tilespmem:v6+s18+$0x0], $0xffff;
	[tilespmem:v8+s26+$0x0] =	vst.idx.msk $0xffff, v7;
	v17 =	vor.u32 s5, v16  }
0x449: {  	v32 =	vld [tilespmem:$0x1FEB0];
	_ =	sdelay $0x1  }
0x44a: {  	[tilespmem:v13+s26+$0x0] =	vst.idx.msk $0xffff, v10  }
0x44b: {  	v15 =	vor.u32 v58, v14;
	[tilespmem:v0+s26+$0x0] =	vst.idx.msk $0xffff, v2  }
0x44c: {  	v6 =	vor.u32 v33, v55;
	v8 =	vld.idx.msk [tilespmem:v9+s18+$0x0], $0xffff;
	[tilespmem:v17+s26+$0x0] =	vst.idx.msk $0xffff, v4  }
0x44d: {  	v9 =	vor.u32 s13, v21;
	v7 =	vor.u32 v32, v20;
	v3 =	vld [tilespmem:$0x1FEC0];
	_ =	sdelay $0x2  }
0x44e: {  	v15 =	vld.idx.msk [tilespmem:v15+s18+$0x0], $0xffff;
	v0 =	vor.u32 s0, v36  }
0x44f: {  	v6 =	vld.idx.msk [tilespmem:v6+s18+$0x0], $0xffff;
	v4 =	vor.u32 s11, v52  }
0x450: {  	v10 =	vor.u32 v31, v5;
	v7 =	vld.idx.msk [tilespmem:v7+s18+$0x0], $0xffff;
	[tilespmem:v9+s26+$0x0] =	vst.idx.msk $0xffff, v8;
	v22 =	vor.u32 s5, v3  }
0x451: {  	s16 =	simm.s32 $0x40;
	v35 =	vld [tilespmem:$0x1F8C0]  }
0x452: {  	v2 =	vmov s16  }
0x453: {  	v18 =	vor.u32 v37, v14;
	v2 =	vshll.u32 v2, $0x5;
	[tilespmem:v0+s26+$0x0] =	vst.idx.msk $0xffff, v15  }
0x454: {  	v13 =	vor.u32 v54, v2;
	v17 =	vor.u32 v19, v55;
	[tilespmem:v4+s26+$0x0] =	vst.idx.msk $0xffff, v6  }
0x455: {  	v9 =	vor.u32 v29, v13;
	v8 =	vld.idx.msk [tilespmem:v10+s18+$0x0], $0xffff;
	v10 =	vor.u32 s13, v38;
	[tilespmem:v22+s26+$0x0] =	vst.idx.msk $0xffff, v7  }
0x456: {  	v2 =	vor.u32 v35, v20;
	v12 =	vld [tilespmem:$0x1FED0]  }
0x457: {  	s17 =	simm.s32 $0x40  }
0x458: {  	s2 =	sand.u32 $0x70, s16;
	s6 =	sand.u32 $0xFFFFFF80, s17;
	v15 =	vld.idx.msk [tilespmem:v18+s18+$0x0], $0xffff;
	v4 =	vor.u32 s0, v59  }
0x459: {  	s14 =	sor.u32 s2, s6;
	v6 =	vld.idx.msk [tilespmem:v17+s18+$0x0], $0xffff;
	v7 =	vor.u32 s11, v57  }
0x45a: {  	v9 =	vld.idx.msk [tilespmem:v9+s18+$0x0], $0xffff;
	[tilespmem:v10+s26+$0x0] =	vst.idx.msk $0xffff, v8;
	v8 =	vor.u32 s14, v30  }
0x45b: {  	v0 =	vor.u32 v40, v5;
	v2 =	vld.idx.msk [tilespmem:v2+s18+$0x0], $0xffff;
	v22 =	vor.u32 s5, v12  }
0x45c: {  	v1 =	vld [tilespmem:$0x1F8D0]  }
0x45d: {  	[tilespmem:v4+s26+$0x0] =	vst.idx.msk $0xffff, v15  }
0x45e: {  	v17 =	vor.u32 v60, v14;
	[tilespmem:v7+s26+$0x0] =	vst.idx.msk $0xffff, v6  }
0x45f: {  	v18 =	vor.u32 v58, v55;
	[tilespmem:v8+s26+$0x0] =	vst.idx.msk $0xffff, v9  }
0x460: {  	v25 =	vor.u32 s13, v16;
	v24 =	vor.u32 v33, v13;
	v0 =	vld.idx.msk [tilespmem:v0+s18+$0x0], $0xffff;
	[tilespmem:v22+s26+$0x0] =	vst.idx.msk $0xffff, v2  }
0x461: {  	v10 =	vor.u32 v1, v20;
	v51 =	vld [tilespmem:$0x1FEE0];
	_ =	sdelay $0x1  }
0x462: {  	v4 =	vor.u32 v32, v5;
	v15 =	vld.idx.msk [tilespmem:v17+s18+$0x0], $0xffff;
	v6 =	vor.u32 s0, v21  }
0x463: {  	v7 =	vld.idx.msk [tilespmem:v18+s18+$0x0], $0xffff;
	v2 =	vor.u32 s11, v36  }
0x464: {  	v22 =	vld.idx.msk [tilespmem:v24+s18+$0x0], $0xffff;
	[tilespmem:v25+s26+$0x0] =	vst.idx.msk $0xffff, v0;
	v0 =	vor.u32 s14, v52  }
0x465: {  	v8 =	vld.idx.msk [tilespmem:v10+s18+$0x0], $0xffff;
	v10 =	vor.u32 s5, v51  }
0x466: {  	v62 =	vld [tilespmem:$0x1F8E0]  }
0x467: {  	v26 =	vor.u32 s13, v3;
	v17 =	vor.u32 v31, v14;
	v4 =	vld.idx.msk [tilespmem:v4+s18+$0x0], $0xffff;
	[tilespmem:v6+s26+$0x0] =	vst.idx.msk $0xffff, v15  }
0x468: {  	[tilespmem:v2+s26+$0x0] =	vst.idx.msk $0xffff, v7  }
0x469: {  	s19 =	simm.s32 $0x50;
	v9 =	vor.u32 v37, v55;
	[tilespmem:v0+s26+$0x0] =	vst.idx.msk $0xffff, v22  }
0x46a: {  	v18 =	vmov s19;
	v25 =	vor.u32 v19, v13;
	[tilespmem:v10+s26+$0x0] =	vst.idx.msk $0xffff, v8  }
0x46b: {  	v18 =	vshll.u32 v18, $0x5;
	v24 =	vor.u32 v62, v20;
	v23 =	vld [tilespmem:$0x1FEF0]  }
0x46c: {  	v11 =	vmov v54;
	v54 =	vor.u32 v54, v18;
	v15 =	vld.idx.msk [tilespmem:v17+s18+$0x0], $0xffff;
	[tilespmem:v26+s26+$0x0] =	vst.idx.msk $0xffff, v4  }
0x46d: {  	v17 =	vor.u32 v29, v54;
	v2 =	vor.u32 s0, v38;
	v56 =	vld [tilespmem:$0x1F8F0]  }
0x46e: {  	v6 =	vor.u32 v35, v5;
	v7 =	vld.idx.msk [tilespmem:v9+s18+$0x0], $0xffff;
	v8 =	vor.u32 s11, v59  }
0x46f: {  	v9 =	vor.u32 v40, v14;
	v22 =	vld.idx.msk [tilespmem:v25+s18+$0x0], $0xffff;
	v4 =	vor.u32 s14, v57  }
0x470: {  	v10 =	vor.u32 v60, v55;
	v0 =	vld.idx.msk [tilespmem:v24+s18+$0x0], $0xffff;
	v18 =	vor.u32 s5, v23;
	_ =	sdelay $0x1  }
0x471: {  	s20 =	simm.s32 $0x50;
	v17 =	vld.idx.msk [tilespmem:v17+s18+$0x0], $0xffff;
	[tilespmem:v2+s26+$0x0] =	vst.idx.msk $0xffff, v15;
	v24 =	vor.u32 v56, v20  }
0x472: {  	s2 =	sand.u32 $0x70, s19;
	s6 =	sand.u32 $0xFFFFFF80, s20;
	v25 =	vor.u32 v58, v13;
	v26 =	vor.u32 s13, v12;
	v6 =	vld.idx.msk [tilespmem:v6+s18+$0x0], $0xffff;
	[tilespmem:v8+s26+$0x0] =	vst.idx.msk $0xffff, v7  }
0x473: {  	s8 =	sor.u32 s2, s6;
	v9 =	vld.idx.msk [tilespmem:v9+s18+$0x0], $0xffff;
	[tilespmem:v4+s26+$0x0] =	vst.idx.msk $0xffff, v22  }
0x474: {  	v2 =	vor.u32 s8, v30;
	v15 =	vor.u32 v1, v5;
	v8 =	vld.idx.msk [tilespmem:v10+s18+$0x0], $0xffff;
	[tilespmem:v18+s26+$0x0] =	vst.idx.msk $0xffff, v0  }
0x475: {  	v43 =	vld [tilespmem:$0x1FF00]  }
0x476: {  	v7 =	vor.u32 s0, v16;
	v4 =	vld.idx.msk [tilespmem:v24+s18+$0x0], $0xffff  }
0x477: {  	v0 =	vor.u32 s11, v21;
	v24 =	vld.idx.msk [tilespmem:v25+s18+$0x0], $0xffff;
	[tilespmem:v26+s26+$0x0] =	vst.idx.msk $0xffff, v6  }
0x478: {  	v6 =	vor.u32 s14, v36;
	v44 =	vld [tilespmem:$0x1F900]  }
0x479: {  	v27 =	vor.u32 v33, v54;
	[tilespmem:v2+s26+$0x0] =	vst.idx.msk $0xffff, v17;
	v2 =	vld.idx.msk [tilespmem:v15+s18+$0x0], $0xffff;
	v17 =	vor.u32 s13, v51  }
0x47a: {  	v10 =	vor.u32 v32, v14;
	v22 =	vor.u32 s5, v43  }
0x47b: {  	[tilespmem:v7+s26+$0x0] =	vst.idx.msk $0xffff, v9  }
0x47c: {  	v18 =	vor.u32 v31, v55;
	[tilespmem:v0+s26+$0x0] =	vst.idx.msk $0xffff, v8  }
0x47d: {  	v15 =	vor.u32 v37, v13;
	[tilespmem:v6+s26+$0x0] =	vst.idx.msk $0xffff, v24  }
0x47e: {  	v7 =	vor.u32 s8, v52;
	v9 =	vor.u32 v62, v5;
	v27 =	vld.idx.msk [tilespmem:v27+s18+$0x0], $0xffff;
	[tilespmem:v17+s26+$0x0] =	vst.idx.msk $0xffff, v2  }
0x47f: {  	v10 =	vld.idx.msk [tilespmem:v10+s18+$0x0], $0xffff;
	v0 =	vor.u32 s0, v3;
	[tilespmem:v22+s26+$0x0] =	vst.idx.msk $0xffff, v4  }
0x480: {  	s22 =	simm.s32 $0x60;
	v25 =	vor.u32 v44, v20;
	v2 =	vld [tilespmem:$0x1FF10]  }
0x481: {  	v26 =	vmov s22;
	v8 =	vld.idx.msk [tilespmem:v18+s18+$0x0], $0xffff  }
0x482: {  	v28 =	vor.u32 v19, v54;
	v26 =	vshll.u32 v26, $0x5;
	v6 =	vor.u32 s11, v38;
	v15 =	vld.idx.msk [tilespmem:v15+s18+$0x0], $0xffff  }
0x483: {  	v50 =	vor.u32 v11, v26;
	v9 =	vld.idx.msk [tilespmem:v9+s18+$0x0], $0xffff;
	[tilespmem:v7+s26+$0x0] =	vst.idx.msk $0xffff, v27;
	v7 =	vor.u32 s14, v59  }
0x484: {  	v39 =	vmovc v3;
	v3 =	vmov v11;
	v18 =	vor.u32 v35, v14;
	v11 =	vld [tilespmem:$0x1F910];
	[tilespmem:v0+s26+$0x0] =	vst.idx.msk $0xffff, v10;
	v0 =	vor.u32 s13, v23  }
0x485: {  	v24 =	vor.u32 v40, v55;
	v22 =	vld.idx.msk [tilespmem:v25+s18+$0x0], $0xffff;
	v49 =	vmov v2;
	v2 =	vor.u32 s5, v2;
	_ =	sdelay $0x1  }
0x486: {  	v4 =	vor.u32 v29, v50;
	[tilespmem:v6+s26+$0x0] =	vst.idx.msk $0xffff, v8  }
0x487: {  	v26 =	vor.u32 v60, v13;
	v25 =	vld.idx.msk [tilespmem:v28+s18+$0x0], $0xffff;
	[tilespmem:v7+s26+$0x0] =	vst.idx.msk $0xffff, v15  }
0x488: {  	v27 =	vor.u32 v56, v5;
	v10 =	vor.u32 s8, v57;
	v18 =	vld.idx.msk [tilespmem:v18+s18+$0x0], $0xffff;
	[tilespmem:v0+s26+$0x0] =	vst.idx.msk $0xffff, v9  }
0x489: {  	s23 =	simm.s32 $0x60;
	v34 =	vld.idx.msk [tilespmem:v24+s18+$0x0], $0xffff;
	[tilespmem:v2+s26+$0x0] =	vst.idx.msk $0xffff, v22  }
0x48a: {  	s28 =	sand.u32 $0x70, s22;
	s30 =	sand.u32 $0xFFFFFF80, s23;
	v17 =	vor.u32 v11, v20;
	v0 =	vld [tilespmem:$0x1FF20]  }
0x48b: {  	v48 =	vmovc v19;
	s2 =	sor.u32 s28, s30;
	v41 =	vmovc v38;
	v61 =	vmov v35;
	v47 =	vmov v12;
	v6 =	vor.u32 s0, v12;
	v4 =	vld.idx.msk [tilespmem:v4+s18+$0x0], $0xffff  }
0x48c: {  	v63 =	vmovc v1;
	v19 =	vmovc v33;
	v28 =	vor.u32 v58, v54;
	v12 =	vmov v30;
	v8 =	vor.u32 s2, v30;
	v30 =	vld.idx.msk [tilespmem:v26+s18+$0x0], $0xffff  }
0x48d: {  	v38 =	vmov v40;
	v24 =	vor.u32 v1, v14;
	v7 =	vor.u32 s11, v16;
	v26 =	vld.idx.msk [tilespmem:v27+s18+$0x0], $0xffff;
	[tilespmem:v10+s26+$0x0] =	vst.idx.msk $0xffff, v25  }
0x48e: {  	v40 =	vmovc v23;
	v42 =	vmovc v43;
	v29 =	vmov v32;
	v56 =	vor.u32 v32, v55;
	v32 =	vor.u32 s14, v21;
	v9 =	vld [tilespmem:$0x1F920]  }
0x48f: {  	v23 =	vmovc v16;
	v2 =	vor.u32 v33, v50;
	v17 =	vld.idx.msk [tilespmem:v17+s18+$0x0], $0xffff;
	[tilespmem:$0x1F7F0] =	vst v20;
	v1 =	vmov v0;
	v0 =	vor.u32 s5, v0  }
0x490: {  	v45 =	vmovc v11;
	v11 =	vmov v21;
	v21 =	vmov v37;
	v37 =	vor.u32 v37, v54;
	[tilespmem:v6+s26+$0x0] =	vst.idx.msk $0xffff, v18  }
0x491: {  	v16 =	vmov v31;
	v33 =	vor.u32 v31, v13;
	v31 =	vor.u32 s13, v43;
	v35 =	vld.idx.msk [tilespmem:v28+s18+$0x0], $0xffff;
	[tilespmem:v8+s26+$0x0] =	vst.idx.msk $0xffff, v4  }
0x492: {  	s22 =	simm.s32 $0x70;
	v43 =	vmovc v51;
	v10 =	vmov v50;
	[tilespmem:v7+s26+$0x0] =	vst.idx.msk $0xffff, v34;
	v28 =	vor.u32 s0, v51;
	v51 =	vor.u32 s2, v52;
	v25 =	vld.idx.msk [tilespmem:v24+s18+$0x0], $0xffff  }
0x493: {  	s15 =	simm.s32 $0x7;
	s9 =	simm.s32 $0x7;
	s23 =	smov.u32 s5;
	v4 =	vmov s22;
	v18 =	vor.u32 v62, v14;
	v6 =	vmovc v13;
	v34 =	vmovc v14;
	v27 =	vld.idx.msk [tilespmem:v56+s18+$0x0], $0xffff;
	v22 =	vor.u32 v9, v20  }
0x494: {  	s10 =	simm.s32 $0x8;
	s20 =	smov.u32 s13;
	s6 =	smov.u32 s11;
	v24 =	vor.u32 v44, v5;
	v15 =	vshll.u32 v4, $0x5;
	v44 =	vmov v52;
	v46 =	vld.idx.msk [tilespmem:v2+s18+$0x0], $0xffff;
	[tilespmem:v0+s26+$0x0] =	vst.idx.msk $0xffff, v17  }
0x495: {  	s7 =	smov.u32 s14;
	s17 =	smov.u32 s8;
	s19 =	smov.u32 s0;
	v2 =	vmovc v55;
	v20 =	vmovc v36;
	v36 =	vor.u32 s8, v36;
	v9 =	vmov v54;
	v17 =	vmov v5;
	v52 =	vld [tilespmem:$0x1FF30]  }
.LBB2_7:
0x496: {  	_ = 	snop  }
0x497: {  	[tilespmem:v32+s26+$0x0] =	vst.idx.msk $0xffff, v30  }
0x498: {  	v7 =	vld.idx.msk [tilespmem:v22+s18+$0x0], $0xffff  }
0x499: {  	v22 =	vld.idx.msk [tilespmem:v33+s18+$0x0], $0xffff;
	[tilespmem:v31+s26+$0x0] =	vst.idx.msk $0xffff, v26  }
0x49a: {  	v0 =	vor.u32 v48, v10;
	v4 =	vor.u32 s6, v39;
	[tilespmem:v36+s26+$0x0] =	vst.idx.msk $0xffff, v35  }
0x49b: {  	v8 =	vor.u32 s23, v52;
	s23 =	smov.u32 s20;
	v30 =	vor.u32 v61, v2;
	v24 =	vld.idx.msk [tilespmem:v24+s18+$0x0], $0xffff  }
0x49c: {  	s20 =	smov.u32 s19;
	v15 =	vor.u32 v3, v15;
	s19 =	smov.u32 s6;
	s6 =	smov.u32 s7;
	v26 =	vlaneseq.u32;
	v32 =	vld.idx.msk [tilespmem:v37+s18+$0x0], $0xffff;
	[tilespmem:v28+s26+$0x0] =	vst.idx.msk $0xffff, v25  }
0x49d: {  	v31 =	vor.u32 s6, v41;
	v26 =	vor.u32 v26, v15;
	[tilespmem:v51+s26+$0x0] =	vst.idx.msk $0xffff, v46  }
0x49e: {  	s7 =	smov.u32 s17;
	v33 =	vor.u32 v38, v6;
	v25 =	vor.u32 s23, v49;
	v18 =	vld.idx.msk [tilespmem:v18+s18+$0x0], $0xffff  }
0x49f: {  	v28 =	vor.u32 s7, v59;
	v0 =	vld.idx.msk [tilespmem:v0+s18+$0x0], $0xffff;
	[tilespmem:v4+s26+$0x0] =	vst.idx.msk $0xffff, v27  }
0x4a0: {  	v56 =	vmov v9;
	v35 =	vor.u32 v45, v17;
	v36 =	vld.idx.msk [tilespmem:v30+s18+$0x0], $0xffff  }
0x4a1: {  	s17 =	smov.u32 s2;
	v9 =	vmovc v10;
	v10 =	vmov v15;
	v15 =	vor.u32 v60, v56;
	v4 =	vor.u32 s20, v40;
	v30 =	vld [tilespmem:$0x1F8F0];
	[tilespmem:v8+s26+$0x0] =	vst.idx.msk $0xffff, v7  }
0x4a2: {  	v27 =	vor.u32 s17, v57;
	v7 =	vld.idx.msk [tilespmem:v26+s18+$0x0], $0xffff;
	[tilespmem:v31+s26+$0x0] =	vst.idx.msk $0xffff, v22  }
0x4a3: {  	v51 =	vld.idx.msk [tilespmem:v33+s18+$0x0], $0xffff;
	[tilespmem:v25+s26+$0x0] =	vst.idx.msk $0xffff, v24  }
0x4a4: {  	s2 =	sshll.u32 s15, $0x4;
	[tilespmem:v28+s26+$0x0] =	vst.idx.msk $0xffff, v32  }
0x4a5: {  	s16 =	sand.u32 $0x70, s22;
	s2 =	sand.u32 $0xFFFFFF80, s2;
	v8 =	vor.u32 v58, v9;
	v59 =	vld.idx.msk [tilespmem:v35+s18+$0x0], $0xffff  }
0x4a6: {  	s2 =	sor.u32 s16, s2;
	v31 =	vor.u32 s19, v47;
	v37 =	vor.u32 v30, v34;
	v30 =	vld.idx.msk [tilespmem:v15+s18+$0x0], $0xffff;
	[tilespmem:v4+s26+$0x0] =	vst.idx.msk $0xffff, v18  }
0x4a7: {  	v46 =	vor.u32 s2, v12;
	[tilespmem:v27+s26+$0x0] =	vst.idx.msk $0xffff, v0;
	v0 =	vld [tilespmem:$0x1F920]  }
0x4a8: {  	v57 =	vor.u32 v63, v2;
	_ =	sdelay $0x1  }
0x4a9: {  	v58 =	vor.u32 v19, v10;
	v35 =	vld.idx.msk [tilespmem:v8+s18+$0x0], $0xffff  }
0x4aa: {  	v28 =	vor.u32 s6, v23;
	v26 =	vld.idx.msk [tilespmem:v37+s18+$0x0], $0xffff;
	[tilespmem:v31+s26+$0x0] =	vst.idx.msk $0xffff, v36  }
0x4ab: {  	v60 =	vor.u32 v29, v6;
	v22 =	vor.u32 v0, v17;
	[tilespmem:v46+s26+$0x0] =	vst.idx.msk $0xffff, v7;
	v0 =	vld [tilespmem:$0x1F900]  }
0x4ac: {  	v25 =	vld.idx.msk [tilespmem:v57+s18+$0x0], $0xffff  }
0x4ad: {  	p0 =	sne.s32 s10, $0x1F;
	v4 =	vor.u32 s23, v1;
	v57 =	vld [tilespmem:$0x1FE20]  }
.Ltmp2:
0x4ae: {  	v46 =	vld.idx.msk [tilespmem:v58+s18+$0x0], $0xffff;
	(pc) =	sbr.rel @p0 .LBB2_7-.Ltmp2, $4  }
0x4af: {  	v33 =	vor.u32 v16, v56;
	v32 =	vor.u32 s7, v11;
	v58 =	vld [tilespmem:$0x1FE30];
	[tilespmem:v28+s26+$0x0] =	vst.idx.msk $0xffff, v51  }
0x4b0: {  	s22 =	sadd.s32 $0x10, s22;
	v31 =	vor.u32 s20, v42;
	v36 =	vor.u32 s17, v20;
	v37 =	vor.u32 v21, v9;
	v17 =	vmovc v34;
	v27 =	vld.idx.msk [tilespmem:v60+s18+$0x0], $0xffff  }
0x4b1: {  	v34 =	vmovc v2;
	v2 =	vmovc v6;
	v28 =	vor.u32 s19, v43;
	v60 =	vld [tilespmem:$0x1FE90];
	v24 =	vor.u32 v0, v17;
	v0 =	vmov s22  }
0x4b2: {  	s15 =	smov.u32 s10;
	s10 =	sadd.s32 $0x1, s10;
	v6 =	vmovc v56;
	v51 =	vor.u32 s2, v44;
	v18 =	vor.u32 v62, v34;
	[tilespmem:v4+s26+$0x0] =	vst.idx.msk $0xffff, v59;
	v59 =	vld [tilespmem:$0x1FE40];
	v15 =	vshll.u32 v0, $0x5  }
0x4b3: {  	v15 =	vor.u32 v3, v15;
	v0 =	vlaneseq.u32  }
0x4b4: {  	v0 =	vor.u32 v0, v15;
	_ =	sdelay $0x1  }
0x4b5: {  	s10 =	sshll.u32 s15, $0x4  }
0x4b6: {  	s22 =	sand.u32 $0x70, s22;
	s10 =	sand.u32 $0xFFFFFF80, s10  }
0x4b7: {  	s22 =	sor.u32 s22, s10  }
0x4b8: {  	v4 =	vor.u32 s22, v12;
	v0 =	vld.idx.msk [tilespmem:v0+s18+$0x0], $0xffff  }
0x4b9: {  	v7 =	vor.u32 v19, v15;
	_ =	sdelay $0x3  }
0x4ba: {  	[tilespmem:v4+s26+$0x0] =	vst.idx.msk $0xffff, v0  }
0x4bb: {  	v0 =	vor.u32 v48, v10;
	v4 =	vld.idx.msk [tilespmem:v7+s18+$0x0], $0xffff;
	v7 =	vor.u32 s22, v44  }
0x4bc: {  	v8 =	vor.u32 v48, v15;
	_ =	sdelay $0x2  }
0x4bd: {  	[tilespmem:v51+s26+$0x0] =	vst.idx.msk $0xffff, v46  }
0x4be: {  	v46 =	vor.u32 s2, v57;
	v0 =	vld.idx.msk [tilespmem:v0+s18+$0x0], $0xffff;
	[tilespmem:v7+s26+$0x0] =	vst.idx.msk $0xffff, v4  }
0x4bf: {  	v4 =	vor.u32 v58, v10;
	v7 =	vld.idx.msk [tilespmem:v8+s18+$0x0], $0xffff;
	v8 =	vor.u32 s22, v57  }
0x4c0: {  	v56 =	vor.u32 v58, v15;
	_ =	sdelay $0x2  }
0x4c1: {  	[tilespmem:v46+s26+$0x0] =	vst.idx.msk $0xffff, v0  }
0x4c2: {  	v0 =	vld.idx.msk [tilespmem:v4+s18+$0x0], $0xffff;
	v4 =	vor.u32 s2, v20;
	[tilespmem:v8+s26+$0x0] =	vst.idx.msk $0xffff, v7  }
0x4c3: {  	v57 =	vor.u32 s22, v20;
	v7 =	vor.u32 v21, v10;
	v8 =	vld.idx.msk [tilespmem:v56+s18+$0x0], $0xffff  }
0x4c4: {  	v56 =	vor.u32 v21, v15  }
0x4c5: {  	[tilespmem:v36+s26+$0x0] =	vst.idx.msk $0xffff, v35  }
0x4c6: {  	v35 =	vld.idx.msk [tilespmem:v37+s18+$0x0], $0xffff;
	v36 =	vor.u32 s17, v59  }
0x4c7: {  	[tilespmem:v4+s26+$0x0] =	vst.idx.msk $0xffff, v0;
	v0 =	vor.u32 v60, v9  }
0x4c8: {  	v4 =	vld.idx.msk [tilespmem:v7+s18+$0x0], $0xffff;
	v7 =	vor.u32 s2, v59;
	[tilespmem:v57+s26+$0x0] =	vst.idx.msk $0xffff, v8  }
0x4c9: {  	v8 =	vor.u32 v60, v10;
	v57 =	vor.u32 s22, v59;
	v37 =	vld.idx.msk [tilespmem:v56+s18+$0x0], $0xffff  }
0x4ca: {  	v56 =	vor.u32 v60, v15  }
0x4cb: {  	[tilespmem:v36+s26+$0x0] =	vst.idx.msk $0xffff, v35  }
0x4cc: {  	v35 =	vor.u32 s17, v11;
	v0 =	vld.idx.msk [tilespmem:v0+s18+$0x0], $0xffff  }
0x4cd: {  	[tilespmem:v7+s26+$0x0] =	vst.idx.msk $0xffff, v4;
	v4 =	vor.u32 v16, v9  }
0x4ce: {  	v7 =	vld.idx.msk [tilespmem:v8+s18+$0x0], $0xffff;
	v8 =	vor.u32 s2, v11;
	[tilespmem:v57+s26+$0x0] =	vst.idx.msk $0xffff, v37  }
0x4cf: {  	v46 =	vor.u32 s22, v11;
	v57 =	vor.u32 v16, v10;
	v37 =	vld.idx.msk [tilespmem:v56+s18+$0x0], $0xffff  }
0x4d0: {  	[tilespmem:v32+s26+$0x0] =	vst.idx.msk $0xffff, v30;
	v56 =	vor.u32 v16, v15  }
0x4d1: {  	v32 =	vor.u32 s7, v41;
	v30 =	vld.idx.msk [tilespmem:v33+s18+$0x0], $0xffff;
	[tilespmem:v35+s26+$0x0] =	vst.idx.msk $0xffff, v0  }
0x4d2: {  	v33 =	vor.u32 s17, v41;
	v0 =	vor.u32 v38, v6;
	v4 =	vld.idx.msk [tilespmem:v4+s18+$0x0], $0xffff  }
0x4d3: {  	[tilespmem:v8+s26+$0x0] =	vst.idx.msk $0xffff, v7  }
0x4d4: {  	v7 =	vor.u32 v38, v9;
	v8 =	vld.idx.msk [tilespmem:v57+s18+$0x0], $0xffff;
	v57 =	vor.u32 s2, v41;
	[tilespmem:v46+s26+$0x0] =	vst.idx.msk $0xffff, v37  }
0x4d5: {  	[tilespmem:v31+s26+$0x0] =	vst.idx.msk $0xffff, v26;
	v48 =	vor.u32 v38, v10;
	v37 =	vld.idx.msk [tilespmem:v56+s18+$0x0], $0xffff;
	v56 =	vor.u32 s22, v41  }
0x4d6: {  	v26 =	vor.u32 v38, v15;
	[tilespmem:v32+s26+$0x0] =	vst.idx.msk $0xffff, v30  }
0x4d7: {  	v0 =	vld.idx.msk [tilespmem:v0+s18+$0x0], $0xffff;
	[tilespmem:v33+s26+$0x0] =	vst.idx.msk $0xffff, v4;
	v4 =	vor.u32 s7, v23  }
0x4d8: {  	v30 =	vor.u32 s6, v39  }
0x4d9: {  	v31 =	vor.u32 s17, v23;
	v7 =	vld.idx.msk [tilespmem:v7+s18+$0x0], $0xffff;
	[tilespmem:v57+s26+$0x0] =	vst.idx.msk $0xffff, v8;
	v8 =	vor.u32 v29, v6  }
0x4da: {  	v57 =	vor.u32 v29, v9;
	v36 =	vld.idx.msk [tilespmem:v48+s18+$0x0], $0xffff;
	[tilespmem:v56+s26+$0x0] =	vst.idx.msk $0xffff, v37;
	v37 =	vor.u32 s2, v23  }
0x4db: {  	[tilespmem:v28+s26+$0x0] =	vst.idx.msk $0xffff, v25;
	v25 =	vor.u32 v29, v10;
	v28 =	vor.u32 s22, v23;
	v26 =	vld.idx.msk [tilespmem:v26+s18+$0x0], $0xffff  }
0x4dc: {  	[tilespmem:v4+s26+$0x0] =	vst.idx.msk $0xffff, v0;
	v0 =	vld.idx.msk [tilespmem:v24+s18+$0x0], $0xffff;
	v4 =	vor.u32 s20, v49  }
0x4dd: {  	v22 =	vld.idx.msk [tilespmem:v22+s18+$0x0], $0xffff;
	[tilespmem:v30+s26+$0x0] =	vst.idx.msk $0xffff, v27;
	v27 =	vor.u32 s23, v52;
	v30 =	vor.u32 v29, v15  }
0x4de: {  	v24 =	vor.u32 s7, v39;
	[tilespmem:v31+s26+$0x0] =	vst.idx.msk $0xffff, v7;
	v7 =	vor.u32 v61, v2;
	v8 =	vld.idx.msk [tilespmem:v8+s18+$0x0], $0xffff  }
0x4df: {  	v38 =	vor.u32 s17, v39;
	v31 =	vor.u32 v61, v6;
	v32 =	vld.idx.msk [tilespmem:v57+s18+$0x0], $0xffff;
	[tilespmem:v37+s26+$0x0] =	vst.idx.msk $0xffff, v36  }
0x4e0: {  	[tilespmem:v28+s26+$0x0] =	vst.idx.msk $0xffff, v26;
	v25 =	vld.idx.msk [tilespmem:v25+s18+$0x0], $0xffff;
	v28 =	vor.u32 s2, v39  }
0x4e1: {  	v26 =	vor.u32 v61, v9;
	[tilespmem:v4+s26+$0x0] =	vst.idx.msk $0xffff, v0;
	v0 =	vld.idx.msk [tilespmem:v18+s18+$0x0], $0xffff;
	v4 =	vor.u32 s19, v40  }
0x4e2: {  	[tilespmem:v27+s26+$0x0] =	vst.idx.msk $0xffff, v22;
	v22 =	vor.u32 v61, v10;
	v27 =	vld.idx.msk [tilespmem:v30+s18+$0x0], $0xffff;
	v30 =	vor.u32 s22, v39  }
0x4e3: {  	v18 =	vor.u32 v61, v15;
	v7 =	vld.idx.msk [tilespmem:v7+s18+$0x0], $0xffff;
	[tilespmem:v24+s26+$0x0] =	vst.idx.msk $0xffff, v8;
	v24 =	vor.u32 s6, v47  }
0x4e4: {  	v44 =	vor.u32 s7, v47;
	v8 =	vor.u32 v45, v17;
	[tilespmem:v38+s26+$0x0] =	vst.idx.msk $0xffff, v32;
	v31 =	vld.idx.msk [tilespmem:v31+s18+$0x0], $0xffff  }
0x4e5: {  	[tilespmem:v28+s26+$0x0] =	vst.idx.msk $0xffff, v25  }
0x4e6: {  	v41 =	vor.u32 v63, v2;
	v26 =	vld.idx.msk [tilespmem:v26+s18+$0x0], $0xffff;
	[tilespmem:v4+s26+$0x0] =	vst.idx.msk $0xffff, v0  }
0x4e7: {  	v25 =	vor.u32 v63, v6;
	v28 =	vor.u32 s17, v47;
	[tilespmem:v30+s26+$0x0] =	vst.idx.msk $0xffff, v27;
	v22 =	vld.idx.msk [tilespmem:v22+s18+$0x0], $0xffff  }
0x4e8: {  	v30 =	vor.u32 s2, v47;
	v4 =	vld.idx.msk [tilespmem:v18+s18+$0x0], $0xffff;
	[tilespmem:v24+s26+$0x0] =	vst.idx.msk $0xffff, v7  }
0x4e9: {  	v27 =	vor.u32 v63, v9;
	v18 =	vor.u32 s22, v47;
	v7 =	vld.idx.msk [tilespmem:v8+s18+$0x0], $0xffff;
	[tilespmem:v44+s26+$0x0] =	vst.idx.msk $0xffff, v31  }
0x4ea: {  	v0 =	vor.u32 v63, v10;
	v8 =	vor.u32 s20, v1;
	v46 =	vld [tilespmem:$0x1F8F0]  }
0x4eb: {  	v24 =	vor.u32 v63, v15;
	v47 =	vor.u32 s6, v43;
	v32 =	vld.idx.msk [tilespmem:v41+s18+$0x0], $0xffff  }
0x4ec: {  	[tilespmem:v28+s26+$0x0] =	vst.idx.msk $0xffff, v26;
	v26 =	vor.u32 v62, v2;
	v25 =	vld.idx.msk [tilespmem:v25+s18+$0x0], $0xffff;
	v28 =	vor.u32 s7, v43  }
0x4ed: {  	[tilespmem:v30+s26+$0x0] =	vst.idx.msk $0xffff, v22  }
0x4ee: {  	v22 =	vor.u32 v62, v6;
	v27 =	vld.idx.msk [tilespmem:v27+s18+$0x0], $0xffff;
	[tilespmem:v18+s26+$0x0] =	vst.idx.msk $0xffff, v4  }
0x4ef: {  	v30 =	vor.u32 s17, v43;
	v0 =	vld.idx.msk [tilespmem:v0+s18+$0x0], $0xffff;
	[tilespmem:v8+s26+$0x0] =	vst.idx.msk $0xffff, v7;
	v31 =	vor.u32 v46, v34  }
0x4f0: {  	v18 =	vor.u32 s2, v43;
	v8 =	vld.idx.msk [tilespmem:v24+s18+$0x0], $0xffff;
	[tilespmem:v47+s26+$0x0] =	vst.idx.msk $0xffff, v32  }
0x4f1: {  	v24 =	vor.u32 s22, v43;
	[tilespmem:v28+s26+$0x0] =	vst.idx.msk $0xffff, v25;
	v25 =	vld.idx.msk [tilespmem:v26+s18+$0x0], $0xffff  }
0x4f2: {  	v26 =	vor.u32 s6, v40;
	v19 =	vld [tilespmem:$0x1F920]  }
0x4f3: {  	v28 =	vor.u32 s7, v40;
	v22 =	vld.idx.msk [tilespmem:v22+s18+$0x0], $0xffff  }
0x4f4: {  	v48 =	vor.u32 s19, v42;
	[tilespmem:v30+s26+$0x0] =	vst.idx.msk $0xffff, v27;
	v31 =	vld.idx.msk [tilespmem:v31+s18+$0x0], $0xffff  }
0x4f5: {  	[tilespmem:v18+s26+$0x0] =	vst.idx.msk $0xffff, v0  }
0x4f6: {  	v4 =	vor.u32 v62, v9;
	[tilespmem:v24+s26+$0x0] =	vst.idx.msk $0xffff, v8  }
0x4f7: {  	v7 =	vor.u32 v62, v10;
	[tilespmem:v26+s26+$0x0] =	vst.idx.msk $0xffff, v25  }
0x4f8: {  	v3 =	vor.u32 v62, v15;
	[tilespmem:v28+s26+$0x0] =	vst.idx.msk $0xffff, v22  }
0x4f9: {  	v17 =	vor.u32 v19, v17;
	[tilespmem:v48+s26+$0x0] =	vst.idx.msk $0xffff, v31  }
0x4fa: {  	v27 =	vor.u32 v46, v2;
	v11 =	vld [tilespmem:$0x1F900]  }
0x4fb: {  	v0 =	vor.u32 v46, v6;
	v4 =	vld.idx.msk [tilespmem:v4+s18+$0x0], $0xffff;
	v18 =	vor.u32 s17, v40  }
0x4fc: {  	v8 =	vor.u32 v46, v9;
	v7 =	vld.idx.msk [tilespmem:v7+s18+$0x0], $0xffff;
	v24 =	vor.u32 s2, v40  }
0x4fd: {  	v20 =	vmov v52;
	v30 =	vor.u32 v46, v10;
	v3 =	vld.idx.msk [tilespmem:v3+s18+$0x0], $0xffff;
	v31 =	vor.u32 s22, v40  }
0x4fe: {  	v25 =	vor.u32 s20, v20;
	v26 =	vor.u32 v46, v15;
	v17 =	vld.idx.msk [tilespmem:v17+s18+$0x0], $0xffff  }
0x4ff: {  	v27 =	vld.idx.msk [tilespmem:v27+s18+$0x0], $0xffff;
	v28 =	vor.u32 s6, v42;
	v22 =	vor.u32 v11, v34  }
0x500: {  	v0 =	vld.idx.msk [tilespmem:v0+s18+$0x0], $0xffff;
	[tilespmem:v18+s26+$0x0] =	vst.idx.msk $0xffff, v4;
	v18 =	vor.u32 s7, v42;
	v4 =	vor.u32 v11, v2  }
0x501: {  	[tilespmem:v24+s26+$0x0] =	vst.idx.msk $0xffff, v7;
	v24 =	vor.u32 s17, v42;
	v8 =	vld.idx.msk [tilespmem:v8+s18+$0x0], $0xffff;
	v7 =	vor.u32 v11, v6  }
0x502: {  	v16 =	vmov v1;
	v30 =	vld.idx.msk [tilespmem:v30+s18+$0x0], $0xffff;
	[tilespmem:v31+s26+$0x0] =	vst.idx.msk $0xffff, v3;
	v31 =	vor.u32 s2, v42;
	v1 =	vor.u32 v11, v9  }
0x503: {  	[tilespmem:v25+s26+$0x0] =	vst.idx.msk $0xffff, v17;
	v17 =	vor.u32 v11, v10;
	v25 =	vld.idx.msk [tilespmem:v26+s18+$0x0], $0xffff;
	v26 =	vor.u32 s22, v42  }
0x504: {  	[tilespmem:v28+s26+$0x0] =	vst.idx.msk $0xffff, v27;
	v27 =	vor.u32 s19, v49;
	v21 =	vor.u32 v11, v15;
	v22 =	vld.idx.msk [tilespmem:v22+s18+$0x0], $0xffff  }
0x505: {  	[tilespmem:v18+s26+$0x0] =	vst.idx.msk $0xffff, v0;
	v0 =	vor.u32 v45, v34;
	v18 =	vor.u32 s6, v49;
	v4 =	vld.idx.msk [tilespmem:v4+s18+$0x0], $0xffff  }
0x506: {  	[tilespmem:v24+s26+$0x0] =	vst.idx.msk $0xffff, v8;
	v8 =	vor.u32 v45, v2;
	v24 =	vor.u32 s7, v49;
	v7 =	vld.idx.msk [tilespmem:v7+s18+$0x0], $0xffff  }
0x507: {  	v28 =	vor.u32 v45, v6;
	[tilespmem:v31+s26+$0x0] =	vst.idx.msk $0xffff, v30;
	v30 =	vor.u32 s17, v49;
	v12 =	vld.idx.msk [tilespmem:v1+s18+$0x0], $0xffff  }
0x508: {  	[tilespmem:v26+s26+$0x0] =	vst.idx.msk $0xffff, v25;
	v25 =	vor.u32 v45, v9;
	v17 =	vld.idx.msk [tilespmem:v17+s18+$0x0], $0xffff;
	v26 =	vor.u32 s2, v49  }
0x509: {  	v21 =	vld.idx.msk [tilespmem:v21+s18+$0x0], $0xffff;
	[tilespmem:v27+s26+$0x0] =	vst.idx.msk $0xffff, v22;
	v22 =	vor.u32 v45, v10;
	v27 =	vor.u32 s22, v49  }
0x50a: {  	v1 =	vor.u32 v45, v15;
	[tilespmem:v18+s26+$0x0] =	vst.idx.msk $0xffff, v4;
	v4 =	vor.u32 s19, v16;
	v0 =	vld.idx.msk [tilespmem:v0+s18+$0x0], $0xffff  }
0x50b: {  	[tilespmem:v24+s26+$0x0] =	vst.idx.msk $0xffff, v7;
	v7 =	vor.u32 v19, v34;
	v18 =	vor.u32 s6, v16;
	v8 =	vld.idx.msk [tilespmem:v8+s18+$0x0], $0xffff  }
0x50c: {  	v2 =	vor.u32 v19, v2;
	[tilespmem:v30+s26+$0x0] =	vst.idx.msk $0xffff, v12;
	v24 =	vor.u32 s7, v16;
	v3 =	vld.idx.msk [tilespmem:v28+s18+$0x0], $0xffff  }
0x50d: {  	[tilespmem:v26+s26+$0x0] =	vst.idx.msk $0xffff, v17;
	v17 =	vld.idx.msk [tilespmem:v25+s18+$0x0], $0xffff;
	v25 =	vor.u32 s17, v16  }
0x50e: {  	v6 =	vor.u32 v19, v6;
	[tilespmem:v27+s26+$0x0] =	vst.idx.msk $0xffff, v21;
	v21 =	vld.idx.msk [tilespmem:v22+s18+$0x0], $0xffff;
	v22 =	vor.u32 s2, v16  }
0x50f: {  	v9 =	vor.u32 v19, v9;
	[tilespmem:v4+s26+$0x0] =	vst.idx.msk $0xffff, v0;
	v1 =	vld.idx.msk [tilespmem:v1+s18+$0x0], $0xffff;
	v4 =	vor.u32 s22, v16  }
0x510: {  	v0 =	vor.u32 v19, v10;
	[tilespmem:v18+s26+$0x0] =	vst.idx.msk $0xffff, v8;
	v8 =	vor.u32 s19, v20;
	v7 =	vld.idx.msk [tilespmem:v7+s18+$0x0], $0xffff  }
0x511: {  	v10 =	vor.u32 v19, v15;
	v15 =	vor.u32 s6, v20;
	[tilespmem:v24+s26+$0x0] =	vst.idx.msk $0xffff, v3;
	v2 =	vld.idx.msk [tilespmem:v2+s18+$0x0], $0xffff  }
0x512: {  	[tilespmem:v25+s26+$0x0] =	vst.idx.msk $0xffff, v17  }
0x513: {  	v6 =	vld.idx.msk [tilespmem:v6+s18+$0x0], $0xffff;
	[tilespmem:v22+s26+$0x0] =	vst.idx.msk $0xffff, v21  }
0x514: {  	v18 =	vor.u32 s7, v20;
	v9 =	vld.idx.msk [tilespmem:v9+s18+$0x0], $0xffff;
	[tilespmem:v4+s26+$0x0] =	vst.idx.msk $0xffff, v1  }
0x515: {  	v17 =	vor.u32 s17, v20;
	v0 =	vld.idx.msk [tilespmem:v0+s18+$0x0], $0xffff;
	[tilespmem:v8+s26+$0x0] =	vst.idx.msk $0xffff, v7  }
0x516: {  	v3 =	vor.u32 s2, v20;
	v1 =	vld.idx.msk [tilespmem:v10+s18+$0x0], $0xffff;
	[tilespmem:v15+s26+$0x0] =	vst.idx.msk $0xffff, v2  }
0x517: {  	v4 =	vor.u32 s22, v20;
	v25 =	vld [tilespmem:$0x1F7F0]  }
0x518: {  	v42 =	vld [tilespmem:$0x1F800]  }
0x519: {  	[tilespmem:v18+s26+$0x0] =	vst.idx.msk $0xffff, v6  }
0x51a: {  	[tilespmem:v17+s26+$0x0] =	vst.idx.msk $0xffff, v9  }
0x51b: {  	[tilespmem:v3+s26+$0x0] =	vst.idx.msk $0xffff, v0  }
0x51c: {  	[tilespmem:v4+s26+$0x0] =	vst.idx.msk $0xffff, v1  }
0x51d: {  	v2 =	vor.u32 v42, v25;
	v36 =	vld [tilespmem:$0x1F810];
	_ =	sdelay $0x4  }
0x51e: {  	v0 =	vld.idx.msk [tilespmem:v2+s18+$0x0], $0xffff;
	v1 =	vor.u32 s5, v36;
	_ =	sdelay $0x4  }
0x51f: {  	[tilespmem:v1+s26+$0x0] =	vst.idx.msk $0xffff, v0  }
0x520: {  	v2 =	vor.u32 v53, v25;
	v28 =	vld [tilespmem:$0x1F950];
	_ =	sdelay $0x4  }
0x521: {  	v0 =	vld.idx.msk [tilespmem:v2+s18+$0x0], $0xffff;
	v1 =	vor.u32 s5, v28  }
0x522: {  	v29 =	vld [tilespmem:$0x1F960];
	_ =	sdelay $0x3  }
0x523: {  	[tilespmem:v1+s26+$0x0] =	vst.idx.msk $0xffff, v0  }
0x524: {  	v2 =	vor.u32 v29, v25;
	v26 =	vld [tilespmem:$0x1FF40];
	_ =	sdelay $0x4  }
0x525: {  	v4 =	vor.u32 v42, v5;
	v0 =	vld.idx.msk [tilespmem:v2+s18+$0x0], $0xffff;
	v1 =	vor.u32 s5, v26  }
0x526: {  	v57 =	vld [tilespmem:$0x1F820];
	_ =	sdelay $0x3  }
0x527: {  	v4 =	vld.idx.msk [tilespmem:v4+s18+$0x0], $0xffff;
	[tilespmem:v1+s26+$0x0] =	vst.idx.msk $0xffff, v0  }
0x528: {  	v6 =	vor.u32 s13, v36;
	v2 =	vor.u32 v57, v25;
	v16 =	vld [tilespmem:$0x1FF50];
	_ =	sdelay $0x4  }
0x529: {  	v7 =	vor.u32 v53, v5;
	v0 =	vld.idx.msk [tilespmem:v2+s18+$0x0], $0xffff;
	[tilespmem:v6+s26+$0x0] =	vst.idx.msk $0xffff, v4;
	v1 =	vor.u32 s5, v16  }
0x52a: {  	v63 =	vld [tilespmem:$0x1F830];
	_ =	sdelay $0x3  }
0x52b: {  	v4 =	vld.idx.msk [tilespmem:v7+s18+$0x0], $0xffff;
	[tilespmem:v1+s26+$0x0] =	vst.idx.msk $0xffff, v0  }
0x52c: {  	v6 =	vor.u32 s13, v28;
	v2 =	vor.u32 v63, v25;
	v3 =	vld [tilespmem:$0x1FBB0];
	_ =	sdelay $0x4  }
0x52d: {  	v7 =	vor.u32 v29, v5;
	v0 =	vld.idx.msk [tilespmem:v2+s18+$0x0], $0xffff;
	[tilespmem:v6+s26+$0x0] =	vst.idx.msk $0xffff, v4;
	v1 =	vor.u32 s5, v3  }
0x52e: {  	v56 =	vld [tilespmem:$0x1F940];
	_ =	sdelay $0x3  }
0x52f: {  	v8 =	vor.u32 v42, v14;
	v4 =	vld.idx.msk [tilespmem:v7+s18+$0x0], $0xffff;
	[tilespmem:v1+s26+$0x0] =	vst.idx.msk $0xffff, v0  }
0x530: {  	v6 =	vor.u32 s13, v26;
	v2 =	vor.u32 v56, v25;
	v23 =	vld [tilespmem:$0x1FBC0];
	_ =	sdelay $0x3  }
0x531: {  	v8 =	vld.idx.msk [tilespmem:v8+s18+$0x0], $0xffff;
	v9 =	vor.u32 s0, v36  }
0x532: {  	v7 =	vor.u32 v57, v5;
	v0 =	vld.idx.msk [tilespmem:v2+s18+$0x0], $0xffff;
	[tilespmem:v6+s26+$0x0] =	vst.idx.msk $0xffff, v4;
	v1 =	vor.u32 s5, v23  }
0x533: {  	v39 =	vld [tilespmem:$0x1F840];
	_ =	sdelay $0x2  }
0x534: {  	[tilespmem:v9+s26+$0x0] =	vst.idx.msk $0xffff, v8  }
0x535: {  	v10 =	vor.u32 v53, v14;
	v4 =	vld.idx.msk [tilespmem:v7+s18+$0x0], $0xffff;
	[tilespmem:v1+s26+$0x0] =	vst.idx.msk $0xffff, v0  }
0x536: {  	v6 =	vor.u32 s13, v16;
	v2 =	vor.u32 v39, v25;
	v33 =	vld [tilespmem:$0x1FBD0];
	_ =	sdelay $0x3  }
0x537: {  	v9 =	vor.u32 s0, v28;
	v8 =	vld.idx.msk [tilespmem:v10+s18+$0x0], $0xffff  }
0x538: {  	v7 =	vor.u32 v63, v5;
	v0 =	vld.idx.msk [tilespmem:v2+s18+$0x0], $0xffff;
	[tilespmem:v6+s26+$0x0] =	vst.idx.msk $0xffff, v4;
	v2 =	vor.u32 s5, v33  }
0x539: {  	v62 =	vld [tilespmem:$0x1F8B0];
	_ =	sdelay $0x2  }
0x53a: {  	v10 =	vor.u32 v29, v14;
	[tilespmem:v9+s26+$0x0] =	vst.idx.msk $0xffff, v8  }
0x53b: {  	v1 =	vor.u32 v42, v55;
	v6 =	vld.idx.msk [tilespmem:v7+s18+$0x0], $0xffff;
	[tilespmem:v2+s26+$0x0] =	vst.idx.msk $0xffff, v0  }
0x53c: {  	v7 =	vor.u32 s13, v3;
	v4 =	vor.u32 v62, v25;
	v30 =	vld [tilespmem:$0x1FF60];
	_ =	sdelay $0x2  }
0x53d: {  	v9 =	vld.idx.msk [tilespmem:v10+s18+$0x0], $0xffff;
	v10 =	vor.u32 s0, v26  }
0x53e: {  	v1 =	vld.idx.msk [tilespmem:v1+s18+$0x0], $0xffff;
	v0 =	vor.u32 s11, v36  }
0x53f: {  	v8 =	vor.u32 v56, v5;
	v2 =	vld.idx.msk [tilespmem:v4+s18+$0x0], $0xffff;
	[tilespmem:v7+s26+$0x0] =	vst.idx.msk $0xffff, v6;
	v17 =	vor.u32 s5, v30  }
0x540: {  	v49 =	vld [tilespmem:$0x1F850];
	_ =	sdelay $0x1  }
0x541: {  	[tilespmem:v10+s26+$0x0] =	vst.idx.msk $0xffff, v9  }
0x542: {  	v15 =	vor.u32 v57, v14;
	[tilespmem:v0+s26+$0x0] =	vst.idx.msk $0xffff, v1  }
0x543: {  	v4 =	vor.u32 v53, v55;
	v7 =	vld.idx.msk [tilespmem:v8+s18+$0x0], $0xffff;
	[tilespmem:v17+s26+$0x0] =	vst.idx.msk $0xffff, v2  }
0x544: {  	v8 =	vor.u32 s13, v23;
	v6 =	vor.u32 v49, v25;
	v11 =	vld [tilespmem:$0x1FF70];
	_ =	sdelay $0x2  }
0x545: {  	v10 =	vld.idx.msk [tilespmem:v15+s18+$0x0], $0xffff;
	v0 =	vor.u32 s0, v16  }
0x546: {  	v1 =	vld.idx.msk [tilespmem:v4+s18+$0x0], $0xffff;
	v2 =	vor.u32 s11, v28  }
0x547: {  	v9 =	vor.u32 v39, v5;
	v6 =	vld.idx.msk [tilespmem:v6+s18+$0x0], $0xffff;
	[tilespmem:v8+s26+$0x0] =	vst.idx.msk $0xffff, v7;
	v17 =	vor.u32 s5, v11  }
0x548: {  	v35 =	vld [tilespmem:$0x1F860];
	_ =	sdelay $0x1  }
0x549: {  	v4 =	vor.u32 v63, v14;
	[tilespmem:v0+s26+$0x0] =	vst.idx.msk $0xffff, v10  }
0x54a: {  	v15 =	vor.u32 v29, v55;
	[tilespmem:v2+s26+$0x0] =	vst.idx.msk $0xffff, v1  }
0x54b: {  	v18 =	vor.u32 s13, v33;
	v8 =	vld.idx.msk [tilespmem:v9+s18+$0x0], $0xffff;
	v9 =	vor.u32 v42, v13;
	[tilespmem:v17+s26+$0x0] =	vst.idx.msk $0xffff, v6  }
0x54c: {  	v7 =	vor.u32 v35, v25;
	v40 =	vld [tilespmem:$0x1FF80];
	_ =	sdelay $0x1  }
0x54d: {  	v4 =	vld.idx.msk [tilespmem:v4+s18+$0x0], $0xffff;
	v1 =	vor.u32 s0, v3  }
0x54e: {  	v2 =	vld.idx.msk [tilespmem:v15+s18+$0x0], $0xffff;
	v6 =	vor.u32 s11, v26  }
0x54f: {  	v0 =	vor.u32 v62, v5;
	v9 =	vld.idx.msk [tilespmem:v9+s18+$0x0], $0xffff;
	[tilespmem:v18+s26+$0x0] =	vst.idx.msk $0xffff, v8;
	v8 =	vor.u32 s14, v36  }
0x550: {  	v7 =	vld.idx.msk [tilespmem:v7+s18+$0x0], $0xffff;
	v17 =	vor.u32 s5, v40  }
0x551: {  	v48 =	vld [tilespmem:$0x1F970]  }
0x552: {  	v10 =	vor.u32 v56, v14;
	[tilespmem:v1+s26+$0x0] =	vst.idx.msk $0xffff, v4  }
0x553: {  	v15 =	vor.u32 v57, v55;
	[tilespmem:v6+s26+$0x0] =	vst.idx.msk $0xffff, v2  }
0x554: {  	v20 =	vor.u32 v53, v13;
	v21 =	vor.u32 s13, v30;
	v0 =	vld.idx.msk [tilespmem:v0+s18+$0x0], $0xffff;
	[tilespmem:v8+s26+$0x0] =	vst.idx.msk $0xffff, v9  }
0x555: {  	[tilespmem:v17+s26+$0x0] =	vst.idx.msk $0xffff, v7  }
0x556: {  	v18 =	vor.u32 v48, v25;
	v41 =	vld [tilespmem:$0x1FF90]  }
0x557: {  	v4 =	vld.idx.msk [tilespmem:v10+s18+$0x0], $0xffff  }
0x558: {  	v1 =	vor.u32 v49, v5;
	v2 =	vor.u32 s0, v23;
	v6 =	vld.idx.msk [tilespmem:v15+s18+$0x0], $0xffff  }
0x559: {  	v7 =	vor.u32 s11, v16;
	v17 =	vld.idx.msk [tilespmem:v20+s18+$0x0], $0xffff;
	[tilespmem:v21+s26+$0x0] =	vst.idx.msk $0xffff, v0  }
0x55a: {  	v0 =	vor.u32 s14, v28;
	v47 =	vld [tilespmem:$0x1F870]  }
0x55b: {  	v10 =	vor.u32 v39, v14;
	v8 =	vld.idx.msk [tilespmem:v18+s18+$0x0], $0xffff;
	v15 =	vor.u32 s5, v41;
	_ =	sdelay $0x1  }
0x55c: {  	v9 =	vor.u32 v63, v55;
	v21 =	vor.u32 s13, v11;
	v1 =	vld.idx.msk [tilespmem:v1+s18+$0x0], $0xffff;
	[tilespmem:v2+s26+$0x0] =	vst.idx.msk $0xffff, v4  }
0x55d: {  	[tilespmem:v7+s26+$0x0] =	vst.idx.msk $0xffff, v6  }
0x55e: {  	[tilespmem:v0+s26+$0x0] =	vst.idx.msk $0xffff, v17;
	v18 =	vor.u32 v47, v25  }
0x55f: {  	v20 =	vor.u32 v29, v13;
	v4 =	vld.idx.msk [tilespmem:v10+s18+$0x0], $0xffff;
	[tilespmem:v15+s26+$0x0] =	vst.idx.msk $0xffff, v8  }
0x560: {  	v52 =	vld [tilespmem:$0x1FFA0]  }
0x561: {  	v7 =	vld.idx.msk [tilespmem:v9+s18+$0x0], $0xffff;
	[tilespmem:v21+s26+$0x0] =	vst.idx.msk $0xffff, v1  }
0x562: {  	v10 =	vor.u32 v42, v54;
	v6 =	vor.u32 s0, v33;
	v45 =	vld [tilespmem:$0x1F880]  }
0x563: {  	v2 =	vor.u32 v35, v5;
	v8 =	vor.u32 s11, v3;
	v0 =	vld.idx.msk [tilespmem:v18+s18+$0x0], $0xffff  }
0x564: {  	v9 =	vor.u32 v62, v14;
	v18 =	vld.idx.msk [tilespmem:v20+s18+$0x0], $0xffff;
	v1 =	vor.u32 s14, v26  }
0x565: {  	v15 =	vor.u32 v56, v55;
	v17 =	vor.u32 s5, v52;
	_ =	sdelay $0x1  }
0x566: {  	v10 =	vld.idx.msk [tilespmem:v10+s18+$0x0], $0xffff;
	[tilespmem:v6+s26+$0x0] =	vst.idx.msk $0xffff, v4;
	v20 =	vor.u32 v45, v25  }
0x567: {  	v22 =	vor.u32 s13, v40;
	v21 =	vor.u32 v57, v13;
	v2 =	vld.idx.msk [tilespmem:v2+s18+$0x0], $0xffff;
	[tilespmem:v8+s26+$0x0] =	vst.idx.msk $0xffff, v7  }
0x568: {  	v9 =	vld.idx.msk [tilespmem:v9+s18+$0x0], $0xffff;
	[tilespmem:v1+s26+$0x0] =	vst.idx.msk $0xffff, v18  }
0x569: {  	v4 =	vor.u32 s8, v36;
	v6 =	vor.u32 v48, v5;
	v8 =	vld.idx.msk [tilespmem:v15+s18+$0x0], $0xffff;
	[tilespmem:v17+s26+$0x0] =	vst.idx.msk $0xffff, v0  }
0x56a: {  	v37 =	vld [tilespmem:$0x1FFB0]  }
0x56b: {  	v7 =	vor.u32 s0, v30;
	v1 =	vld.idx.msk [tilespmem:v20+s18+$0x0], $0xffff  }
0x56c: {  	v0 =	vor.u32 s11, v23;
	v20 =	vld.idx.msk [tilespmem:v21+s18+$0x0], $0xffff;
	[tilespmem:v22+s26+$0x0] =	vst.idx.msk $0xffff, v2  }
0x56d: {  	v2 =	vor.u32 s14, v16;
	v61 =	vld [tilespmem:$0x1F890]  }
0x56e: {  	v24 =	vor.u32 v53, v54;
	[tilespmem:v4+s26+$0x0] =	vst.idx.msk $0xffff, v10;
	v4 =	vld.idx.msk [tilespmem:v6+s18+$0x0], $0xffff;
	v10 =	vor.u32 s13, v41  }
0x56f: {  	v15 =	vor.u32 v49, v14;
	v18 =	vor.u32 s5, v37  }
0x570: {  	[tilespmem:v7+s26+$0x0] =	vst.idx.msk $0xffff, v9  }
0x571: {  	v17 =	vor.u32 v39, v55;
	[tilespmem:v0+s26+$0x0] =	vst.idx.msk $0xffff, v8  }
0x572: {  	v6 =	vor.u32 v63, v13;
	[tilespmem:v2+s26+$0x0] =	vst.idx.msk $0xffff, v20  }
0x573: {  	v7 =	vor.u32 s8, v28;
	v9 =	vor.u32 v47, v5;
	v22 =	vld.idx.msk [tilespmem:v24+s18+$0x0], $0xffff;
	[tilespmem:v10+s26+$0x0] =	vst.idx.msk $0xffff, v4  }
0x574: {  	v15 =	vld.idx.msk [tilespmem:v15+s18+$0x0], $0xffff;
	v0 =	vor.u32 s0, v11;
	[tilespmem:v18+s26+$0x0] =	vst.idx.msk $0xffff, v1  }
0x575: {  	v21 =	vor.u32 v61, v25;
	v34 =	vld [tilespmem:$0x1FFC0]  }
0x576: {  	v8 =	vld.idx.msk [tilespmem:v17+s18+$0x0], $0xffff  }
0x577: {  	v2 =	vor.u32 s11, v33;
	v6 =	vld.idx.msk [tilespmem:v6+s18+$0x0], $0xffff  }
0x578: {  	v24 =	vor.u32 v29, v54;
	v9 =	vld.idx.msk [tilespmem:v9+s18+$0x0], $0xffff;
	[tilespmem:v7+s26+$0x0] =	vst.idx.msk $0xffff, v22;
	v7 =	vor.u32 s14, v3  }
0x579: {  	v17 =	vor.u32 v35, v14;
	v44 =	vld [tilespmem:$0x1F980];
	[tilespmem:v0+s26+$0x0] =	vst.idx.msk $0xffff, v15;
	v0 =	vor.u32 s13, v52  }
0x57a: {  	v18 =	vld.idx.msk [tilespmem:v21+s18+$0x0], $0xffff;
	v4 =	vor.u32 s5, v34;
	_ =	sdelay $0x1  }
0x57b: {  	v1 =	vor.u32 v42, v50;
	[tilespmem:v2+s26+$0x0] =	vst.idx.msk $0xffff, v8  }
0x57c: {  	v19 =	vmov v11;
	v20 =	vor.u32 v62, v55;
	v21 =	vld.idx.msk [tilespmem:v24+s18+$0x0], $0xffff;
	[tilespmem:v7+s26+$0x0] =	vst.idx.msk $0xffff, v6  }
0x57d: {  	v11 =	vmov v26;
	v15 =	vor.u32 s8, v26;
	v26 =	vld.idx.msk [tilespmem:v17+s18+$0x0], $0xffff;
	v17 =	vor.u32 v45, v5;
	[tilespmem:v0+s26+$0x0] =	vst.idx.msk $0xffff, v9  }
0x57e: {  	[tilespmem:v4+s26+$0x0] =	vst.idx.msk $0xffff, v18  }
0x57f: {  	v10 =	vor.u32 v44, v25;
	v46 =	vld [tilespmem:$0x1FFD0]  }
0x580: {  	v22 =	vor.u32 v56, v13;
	v8 =	vor.u32 s0, v40;
	v1 =	vld.idx.msk [tilespmem:v1+s18+$0x0], $0xffff  }
0x581: {  	v12 =	vmov v30;
	v27 =	vor.u32 v48, v14;
	v30 =	vor.u32 s11, v30;
	v18 =	vld.idx.msk [tilespmem:v20+s18+$0x0], $0xffff  }
0x582: {  	s2 =	sor.u32 s28, s30;
	v0 =	vor.u32 v49, v55;
	v17 =	vld.idx.msk [tilespmem:v17+s18+$0x0], $0xffff;
	[tilespmem:v15+s26+$0x0] =	vst.idx.msk $0xffff, v21  }
0x583: {  	v2 =	vor.u32 v57, v54;
	v4 =	vor.u32 s2, v36;
	v43 =	vld [tilespmem:$0x1F8A0]  }
0x584: {  	v7 =	vor.u32 v53, v50;
	v31 =	vld.idx.msk [tilespmem:v10+s18+$0x0], $0xffff;
	v51 =	vor.u32 s5, v46  }
0x585: {  	v20 =	vld.idx.msk [tilespmem:v22+s18+$0x0], $0xffff;
	[tilespmem:v8+s26+$0x0] =	vst.idx.msk $0xffff, v26  }
0x586: {  	v10 =	vld.idx.msk [tilespmem:v27+s18+$0x0], $0xffff;
	[tilespmem:v30+s26+$0x0] =	vst.idx.msk $0xffff, v18  }
0x587: {  	v24 =	vor.u32 v39, v13;
	v9 =	vor.u32 v61, v5;
	v22 =	vor.u32 s14, v23;
	v15 =	vld.idx.msk [tilespmem:v0+s18+$0x0], $0xffff  }
0x588: {  	s6 =	simm.s32 $0x70;
	v21 =	vor.u32 s13, v37;
	v26 =	vor.u32 s8, v16;
	[tilespmem:v4+s26+$0x0] =	vst.idx.msk $0xffff, v1;
	v6 =	vor.u32 v43, v25;
	v25 =	vld.idx.msk [tilespmem:v2+s18+$0x0], $0xffff  }
0x589: {  	v27 =	vor.u32 v63, v54;
	v1 =	vmov s6;
	v18 =	vor.u32 s0, v41;
	v2 =	vmovc v28;
	v28 =	vld.idx.msk [tilespmem:v7+s18+$0x0], $0xffff;
	[tilespmem:v51+s26+$0x0] =	vst.idx.msk $0xffff, v31  }
0x58a: {  	s7 =	simm.s32 $0x8;
	v38 =	vmovc v16;
	v16 =	vmovc v33;
	v1 =	vshll.u32 v1, $0x5;
	v30 =	vor.u32 s2, v2;
	v2 =	vor.u32 v47, v14;
	v51 =	vld [tilespmem:$0x1FFE0]  }
.LBB2_9:
0x58b: {  	v8 =	vld [tilespmem:$0x1FFF0];
	_ =	sdelay $0x2  }
0x58c: {  	[tilespmem:v22+s26+$0x0] =	vst.idx.msk $0xffff, v20  }
0x58d: {  	v6 =	vld.idx.msk [tilespmem:v6+s18+$0x0], $0xffff  }
0x58e: {  	v1 =	vor.u32 v8, v1;
	v8 =	vld.idx.msk [tilespmem:v24+s18+$0x0], $0xffff;
	[tilespmem:v21+s26+$0x0] =	vst.idx.msk $0xffff, v17  }
0x58f: {  	v0 =	vor.u32 v29, v50;
	v4 =	vor.u32 s11, v19;
	v7 =	vor.u32 s5, v51;
	s5 =	smov.u32 s13;
	[tilespmem:v26+s26+$0x0] =	vst.idx.msk $0xffff, v25  }
0x590: {  	s13 =	smov.u32 s0;
	s0 =	smov.u32 s11;
	s11 =	smov.u32 s14;
	v20 =	vor.u32 v35, v55;
	v9 =	vld.idx.msk [tilespmem:v9+s18+$0x0], $0xffff  }
0x591: {  	v21 =	vor.u32 s11, v16;
	v17 =	vor.u32 v42, v1;
	v22 =	vld.idx.msk [tilespmem:v27+s18+$0x0], $0xffff;
	[tilespmem:v18+s26+$0x0] =	vst.idx.msk $0xffff, v10  }
0x592: {  	s14 =	smov.u32 s8;
	v24 =	vor.u32 v62, v13;
	v10 =	vor.u32 s5, v34;
	[tilespmem:v30+s26+$0x0] =	vst.idx.msk $0xffff, v28  }
0x593: {  	v18 =	vor.u32 s14, v3;
	v2 =	vld.idx.msk [tilespmem:v2+s18+$0x0], $0xffff  }
0x594: {  	v31 =	vmov v54;
	v54 =	vmov v50;
	v25 =	vor.u32 v44, v5;
	v0 =	vld.idx.msk [tilespmem:v0+s18+$0x0], $0xffff;
	[tilespmem:v4+s26+$0x0] =	vst.idx.msk $0xffff, v15  }
0x595: {  	s8 =	smov.u32 s2;
	v50 =	vmov v1;
	v1 =	vor.u32 v56, v31;
	v4 =	vor.u32 s13, v52;
	v26 =	vld.idx.msk [tilespmem:v20+s18+$0x0], $0xffff;
	[tilespmem:v7+s26+$0x0] =	vst.idx.msk $0xffff, v6  }
0x596: {  	s30 =	sshll.u32 s9, $0x4;
	v15 =	vor.u32 s8, v11;
	v7 =	vld.idx.msk [tilespmem:v17+s18+$0x0], $0xffff;
	[tilespmem:v21+s26+$0x0] =	vst.idx.msk $0xffff, v8  }
0x597: {  	s10 =	sand.u32 $0x70, s6;
	s2 =	sand.u32 $0xFFFFFF80, s30;
	v27 =	vor.u32 v45, v14;
	v32 =	vld.idx.msk [tilespmem:v24+s18+$0x0], $0xffff;
	[tilespmem:v10+s26+$0x0] =	vst.idx.msk $0xffff, v9  }
0x598: {  	s2 =	sor.u32 s10, s2;
	v28 =	vor.u32 v57, v54;
	v8 =	vor.u32 s0, v40;
	[tilespmem:v18+s26+$0x0] =	vst.idx.msk $0xffff, v22  }
0x599: {  	v30 =	vor.u32 s2, v36;
	v35 =	vld.idx.msk [tilespmem:v25+s18+$0x0], $0xffff  }
0x59a: {  	v33 =	vor.u32 v48, v55;
	v20 =	vld.idx.msk [tilespmem:v1+s18+$0x0], $0xffff;
	[tilespmem:v4+s26+$0x0] =	vst.idx.msk $0xffff, v2  }
0x59b: {  	v34 =	vor.u32 v53, v50;
	[tilespmem:v15+s26+$0x0] =	vst.idx.msk $0xffff, v0  }
0x59c: {  	v18 =	vor.u32 s11, v12;
	v17 =	vld.idx.msk [tilespmem:v27+s18+$0x0], $0xffff  }
0x59d: {  	v36 =	vor.u32 v49, v13;
	v25 =	vld.idx.msk [tilespmem:v28+s18+$0x0], $0xffff;
	[tilespmem:v8+s26+$0x0] =	vst.idx.msk $0xffff, v26  }
0x59e: {  	v8 =	vld [tilespmem:$0x1F950];
	[tilespmem:v30+s26+$0x0] =	vst.idx.msk $0xffff, v7  }
0x59f: {  	p0 =	sne.s32 s7, $0x1F;
	v4 =	vor.u32 s5, v46;
	v10 =	vld.idx.msk [tilespmem:v33+s18+$0x0], $0xffff  }
.Ltmp3:
0x5a0: {  	v6 =	vor.u32 v43, v5;
	v28 =	vld.idx.msk [tilespmem:v34+s18+$0x0], $0xffff;
	(pc) =	sbr.rel @p0 .LBB2_9-.Ltmp3, $4  }
0x5a1: {  	v5 =	vmovc v14;
	v14 =	vmov v55;
	v21 =	vor.u32 s13, v37;
	v24 =	vor.u32 v39, v31;
	v34 =	vld [tilespmem:$0x1FFC0];
	[tilespmem:v18+s26+$0x0] =	vst.idx.msk $0xffff, v32  }
0x5a2: {  	s6 =	sadd.s32 $0x10, s6;
	v9 =	vor.u32 v61, v5;
	v22 =	vor.u32 s14, v23;
	v2 =	vor.u32 v47, v14;
	v15 =	vld.idx.msk [tilespmem:v36+s18+$0x0], $0xffff  }
0x5a3: {  	v0 =	vmov s6;
	v26 =	vor.u32 s8, v38;
	v27 =	vor.u32 v63, v54;
	v36 =	vld [tilespmem:$0x1F810]  }
0x5a4: {  	s9 =	smov.u32 s7;
	s7 =	sadd.s32 $0x1, s7;
	v55 =	vmovc v13;
	v13 =	vmovc v31;
	v1 =	vshll.u32 v0, $0x5;
	v18 =	vor.u32 s0, v41;
	[tilespmem:v4+s26+$0x0] =	vst.idx.msk $0xffff, v35;
	v35 =	vld [tilespmem:$0x1F860];
	v30 =	vor.u32 s2, v8  }
0x5a5: {  	v0 =	vld [tilespmem:$0x1FFF0];
	_ =	sdelay $0x4  }
0x5a6: {  	v1 =	vor.u32 v0, v1  }
0x5a7: {  	v0 =	vor.u32 v42, v1;
	_ =	sdelay $0x1  }
0x5a8: {  	s7 =	sshll.u32 s9, $0x4  }
0x5a9: {  	s6 =	sand.u32 $0x70, s6;
	s7 =	sand.u32 $0xFFFFFF80, s7  }
0x5aa: {  	s6 =	sor.u32 s6, s7  }
0x5ab: {  	v4 =	vor.u32 s6, v36;
	v0 =	vld.idx.msk [tilespmem:v0+s18+$0x0], $0xffff  }
0x5ac: {  	v7 =	vor.u32 v53, v1;
	_ =	sdelay $0x3  }
0x5ad: {  	v32 =	vor.u32 v29, v50;
	[tilespmem:v4+s26+$0x0] =	vst.idx.msk $0xffff, v0  }
0x5ae: {  	v4 =	vld.idx.msk [tilespmem:v7+s18+$0x0], $0xffff;
	v7 =	vor.u32 s6, v8  }
0x5af: {  	v8 =	vor.u32 v29, v1;
	_ =	sdelay $0x1  }
0x5b0: {  	[tilespmem:v30+s26+$0x0] =	vst.idx.msk $0xffff, v28  }
0x5b1: {  	v28 =	vor.u32 s2, v11;
	v0 =	vld.idx.msk [tilespmem:v32+s18+$0x0], $0xffff  }
0x5b2: {  	[tilespmem:v7+s26+$0x0] =	vst.idx.msk $0xffff, v4;
	v4 =	vor.u32 v57, v50  }
0x5b3: {  	v7 =	vld.idx.msk [tilespmem:v8+s18+$0x0], $0xffff;
	v8 =	vor.u32 s6, v11  }
0x5b4: {  	v33 =	vor.u32 v57, v1;
	_ =	sdelay $0x1  }
0x5b5: {  	[tilespmem:v28+s26+$0x0] =	vst.idx.msk $0xffff, v0  }
0x5b6: {  	v0 =	vld.idx.msk [tilespmem:v4+s18+$0x0], $0xffff;
	v4 =	vor.u32 s2, v38  }
0x5b7: {  	[tilespmem:v8+s26+$0x0] =	vst.idx.msk $0xffff, v7;
	v7 =	vor.u32 v63, v50  }
0x5b8: {  	v28 =	vor.u32 s6, v38;
	v8 =	vld.idx.msk [tilespmem:v33+s18+$0x0], $0xffff  }
0x5b9: {  	v36 =	vor.u32 v63, v1  }
0x5ba: {  	[tilespmem:v26+s26+$0x0] =	vst.idx.msk $0xffff, v25  }
0x5bb: {  	v26 =	vor.u32 s8, v3;
	v25 =	vld.idx.msk [tilespmem:v27+s18+$0x0], $0xffff;
	[tilespmem:v4+s26+$0x0] =	vst.idx.msk $0xffff, v0  }
0x5bc: {  	v38 =	vor.u32 v56, v54;
	v4 =	vld.idx.msk [tilespmem:v7+s18+$0x0], $0xffff;
	v7 =	vor.u32 s2, v3  }
0x5bd: {  	[tilespmem:v28+s26+$0x0] =	vst.idx.msk $0xffff, v8;
	v8 =	vor.u32 v56, v50  }
0x5be: {  	v28 =	vor.u32 s6, v3;
	v27 =	vld.idx.msk [tilespmem:v36+s18+$0x0], $0xffff  }
0x5bf: {  	v42 =	vor.u32 v56, v1  }
0x5c0: {  	[tilespmem:v26+s26+$0x0] =	vst.idx.msk $0xffff, v25  }
0x5c1: {  	v25 =	vor.u32 s8, v23;
	v0 =	vld.idx.msk [tilespmem:v38+s18+$0x0], $0xffff;
	[tilespmem:v7+s26+$0x0] =	vst.idx.msk $0xffff, v4  }
0x5c2: {  	v4 =	vor.u32 v39, v54;
	v7 =	vld.idx.msk [tilespmem:v8+s18+$0x0], $0xffff;
	v8 =	vor.u32 s2, v23  }
0x5c3: {  	v26 =	vor.u32 v39, v50;
	[tilespmem:v28+s26+$0x0] =	vst.idx.msk $0xffff, v27  }
0x5c4: {  	[tilespmem:v22+s26+$0x0] =	vst.idx.msk $0xffff, v20;
	v28 =	vor.u32 s6, v23;
	v27 =	vld.idx.msk [tilespmem:v42+s18+$0x0], $0xffff  }
0x5c5: {  	v20 =	vld.idx.msk [tilespmem:v24+s18+$0x0], $0xffff;
	v53 =	vor.u32 v39, v1;
	v56 =	vor.u32 s14, v16  }
0x5c6: {  	v57 =	vor.u32 v62, v13;
	[tilespmem:v25+s26+$0x0] =	vst.idx.msk $0xffff, v0  }
0x5c7: {  	v24 =	vor.u32 s8, v16;
	v4 =	vld.idx.msk [tilespmem:v4+s18+$0x0], $0xffff;
	[tilespmem:v8+s26+$0x0] =	vst.idx.msk $0xffff, v7  }
0x5c8: {  	[tilespmem:v21+s26+$0x0] =	vst.idx.msk $0xffff, v17;
	v25 =	vor.u32 s2, v16;
	v7 =	vor.u32 v62, v54;
	v8 =	vld.idx.msk [tilespmem:v26+s18+$0x0], $0xffff  }
0x5c9: {  	v30 =	vor.u32 s11, v19;
	v26 =	vor.u32 v62, v50;
	[tilespmem:v28+s26+$0x0] =	vst.idx.msk $0xffff, v27  }
0x5ca: {  	[tilespmem:v56+s26+$0x0] =	vst.idx.msk $0xffff, v20;
	v28 =	vor.u32 s6, v16;
	v27 =	vld.idx.msk [tilespmem:v53+s18+$0x0], $0xffff  }
0x5cb: {  	v31 =	vor.u32 s14, v12;
	[tilespmem:v18+s26+$0x0] =	vst.idx.msk $0xffff, v10;
	v63 =	vor.u32 v62, v1;
	v0 =	vld.idx.msk [tilespmem:v57+s18+$0x0], $0xffff  }
0x5cc: {  	v9 =	vld.idx.msk [tilespmem:v9+s18+$0x0], $0xffff;
	v38 =	vor.u32 s13, v34;
	[tilespmem:v24+s26+$0x0] =	vst.idx.msk $0xffff, v4;
	v4 =	vor.u32 v49, v13  }
0x5cd: {  	v32 =	vor.u32 s8, v12;
	v7 =	vld.idx.msk [tilespmem:v7+s18+$0x0], $0xffff;
	[tilespmem:v25+s26+$0x0] =	vst.idx.msk $0xffff, v8  }
0x5ce: {  	[tilespmem:v30+s26+$0x0] =	vst.idx.msk $0xffff, v15;
	v8 =	vor.u32 v49, v54;
	v25 =	vor.u32 s2, v12;
	v24 =	vld.idx.msk [tilespmem:v26+s18+$0x0], $0xffff  }
0x5cf: {  	v6 =	vld.idx.msk [tilespmem:v6+s18+$0x0], $0xffff;
	v33 =	vor.u32 v49, v50;
	v26 =	vor.u32 s5, v51;
	[tilespmem:v28+s26+$0x0] =	vst.idx.msk $0xffff, v27  }
0x5d0: {  	v36 =	vor.u32 s6, v12;
	v39 =	vor.u32 v35, v55;
	[tilespmem:v31+s26+$0x0] =	vst.idx.msk $0xffff, v0;
	v17 =	vld.idx.msk [tilespmem:v63+s18+$0x0], $0xffff  }
0x5d1: {  	v15 =	vor.u32 v49, v1;
	[tilespmem:v38+s26+$0x0] =	vst.idx.msk $0xffff, v9;
	v42 =	vor.u32 s14, v19;
	v4 =	vld.idx.msk [tilespmem:v4+s18+$0x0], $0xffff  }
0x5d2: {  	v2 =	vld.idx.msk [tilespmem:v2+s18+$0x0], $0xffff;
	v56 =	vor.u32 s0, v52;
	[tilespmem:v32+s26+$0x0] =	vst.idx.msk $0xffff, v7;
	v7 =	vor.u32 v35, v13  }
0x5d3: {  	v62 =	vor.u32 v44, v5;
	v49 =	vor.u32 s8, v19;
	v8 =	vld.idx.msk [tilespmem:v8+s18+$0x0], $0xffff;
	[tilespmem:v25+s26+$0x0] =	vst.idx.msk $0xffff, v24  }
0x5d4: {  	v24 =	vor.u32 v35, v54;
	v25 =	vor.u32 s2, v19;
	[tilespmem:v26+s26+$0x0] =	vst.idx.msk $0xffff, v6;
	v10 =	vld.idx.msk [tilespmem:v33+s18+$0x0], $0xffff  }
0x5d5: {  	v0 =	vld.idx.msk [tilespmem:v39+s18+$0x0], $0xffff;
	v6 =	vor.u32 v35, v50;
	v26 =	vor.u32 s11, v40;
	[tilespmem:v36+s26+$0x0] =	vst.idx.msk $0xffff, v17  }
0x5d6: {  	v53 =	vor.u32 s6, v19;
	[tilespmem:v42+s26+$0x0] =	vst.idx.msk $0xffff, v4;
	v4 =	vor.u32 v48, v55;
	v15 =	vld.idx.msk [tilespmem:v15+s18+$0x0], $0xffff  }
0x5d7: {  	v57 =	vor.u32 v35, v1;
	[tilespmem:v56+s26+$0x0] =	vst.idx.msk $0xffff, v2;
	v63 =	vor.u32 s14, v40;
	v7 =	vld.idx.msk [tilespmem:v7+s18+$0x0], $0xffff  }
0x5d8: {  	v32 =	vld.idx.msk [tilespmem:v62+s18+$0x0], $0xffff;
	v33 =	vor.u32 s13, v46;
	[tilespmem:v49+s26+$0x0] =	vst.idx.msk $0xffff, v8;
	v8 =	vor.u32 v48, v13  }
0x5d9: {  	v22 =	vld.idx.msk [tilespmem:v24+s18+$0x0], $0xffff;
	v24 =	vor.u32 s8, v40;
	[tilespmem:v25+s26+$0x0] =	vst.idx.msk $0xffff, v10  }
0x5da: {  	v30 =	vor.u32 v48, v54;
	[tilespmem:v26+s26+$0x0] =	vst.idx.msk $0xffff, v0;
	v25 =	vor.u32 s2, v40;
	v6 =	vld.idx.msk [tilespmem:v6+s18+$0x0], $0xffff  }
0x5db: {  	v31 =	vor.u32 v48, v50;
	v26 =	vor.u32 s11, v41;
	v4 =	vld.idx.msk [tilespmem:v4+s18+$0x0], $0xffff;
	[tilespmem:v53+s26+$0x0] =	vst.idx.msk $0xffff, v15  }
0x5dc: {  	v15 =	vor.u32 s6, v40;
	[tilespmem:v63+s26+$0x0] =	vst.idx.msk $0xffff, v7;
	v7 =	vor.u32 v47, v55;
	v9 =	vld.idx.msk [tilespmem:v57+s18+$0x0], $0xffff  }
0x5dd: {  	v38 =	vor.u32 s14, v41;
	v35 =	vor.u32 v48, v1;
	[tilespmem:v33+s26+$0x0] =	vst.idx.msk $0xffff, v32;
	v8 =	vld.idx.msk [tilespmem:v8+s18+$0x0], $0xffff  }
0x5de: {  	v5 =	vor.u32 v43, v5;
	[tilespmem:v24+s26+$0x0] =	vst.idx.msk $0xffff, v22  }
0x5df: {  	v39 =	vor.u32 v47, v13;
	v24 =	vor.u32 s8, v41;
	v10 =	vld.idx.msk [tilespmem:v30+s18+$0x0], $0xffff;
	[tilespmem:v25+s26+$0x0] =	vst.idx.msk $0xffff, v6  }
0x5e0: {  	v6 =	vor.u32 v47, v54;
	v25 =	vor.u32 s2, v41;
	[tilespmem:v26+s26+$0x0] =	vst.idx.msk $0xffff, v4;
	v2 =	vld.idx.msk [tilespmem:v31+s18+$0x0], $0xffff  }
0x5e1: {  	v48 =	vor.u32 s11, v52;
	v40 =	vor.u32 v47, v50;
	v7 =	vld.idx.msk [tilespmem:v7+s18+$0x0], $0xffff;
	[tilespmem:v15+s26+$0x0] =	vst.idx.msk $0xffff, v9  }
0x5e2: {  	v15 =	vor.u32 s6, v41;
	[tilespmem:v38+s26+$0x0] =	vst.idx.msk $0xffff, v8;
	v8 =	vor.u32 v45, v55;
	v0 =	vld.idx.msk [tilespmem:v35+s18+$0x0], $0xffff  }
0x5e3: {  	v5 =	vld.idx.msk [tilespmem:v5+s18+$0x0], $0xffff;
	v63 =	vor.u32 s13, v51;
	v4 =	vor.u32 v47, v1  }
0x5e4: {  	v36 =	vor.u32 v45, v14;
	v49 =	vor.u32 s14, v52;
	v20 =	vld.idx.msk [tilespmem:v39+s18+$0x0], $0xffff;
	[tilespmem:v24+s26+$0x0] =	vst.idx.msk $0xffff, v10  }
0x5e5: {  	v56 =	vor.u32 s8, v52;
	v53 =	vor.u32 v45, v13;
	v6 =	vld.idx.msk [tilespmem:v6+s18+$0x0], $0xffff;
	[tilespmem:v25+s26+$0x0] =	vst.idx.msk $0xffff, v2  }
0x5e6: {  	v57 =	vor.u32 v45, v54;
	v24 =	vor.u32 s2, v52;
	[tilespmem:v48+s26+$0x0] =	vst.idx.msk $0xffff, v7;
	v9 =	vld.idx.msk [tilespmem:v40+s18+$0x0], $0xffff  }
0x5e7: {  	v62 =	vor.u32 v45, v50;
	v31 =	vor.u32 s11, v37;
	v8 =	vld.idx.msk [tilespmem:v8+s18+$0x0], $0xffff;
	[tilespmem:v15+s26+$0x0] =	vst.idx.msk $0xffff, v0  }
0x5e8: {  	v32 =	vor.u32 v61, v55;
	[tilespmem:v63+s26+$0x0] =	vst.idx.msk $0xffff, v5;
	v15 =	vor.u32 s6, v52;
	v4 =	vld.idx.msk [tilespmem:v4+s18+$0x0], $0xffff  }
0x5e9: {  	v42 =	vor.u32 s0, v37;
	v41 =	vld.idx.msk [tilespmem:v36+s18+$0x0], $0xffff;
	v7 =	vor.u32 v45, v1;
	[tilespmem:v49+s26+$0x0] =	vst.idx.msk $0xffff, v20  }
0x5ea: {  	v33 =	vor.u32 s14, v37;
	v30 =	vor.u32 v61, v14;
	v10 =	vld.idx.msk [tilespmem:v53+s18+$0x0], $0xffff;
	[tilespmem:v56+s26+$0x0] =	vst.idx.msk $0xffff, v6  }
0x5eb: {  	v35 =	vor.u32 s8, v37;
	v6 =	vor.u32 v61, v13;
	v2 =	vld.idx.msk [tilespmem:v57+s18+$0x0], $0xffff;
	[tilespmem:v24+s26+$0x0] =	vst.idx.msk $0xffff, v9  }
0x5ec: {  	v36 =	vor.u32 v61, v54;
	v24 =	vor.u32 s2, v37;
	[tilespmem:v31+s26+$0x0] =	vst.idx.msk $0xffff, v8;
	v0 =	vld.idx.msk [tilespmem:v62+s18+$0x0], $0xffff  }
0x5ed: {  	v40 =	vor.u32 s11, v34;
	v39 =	vld.idx.msk [tilespmem:v32+s18+$0x0], $0xffff;
	[tilespmem:v15+s26+$0x0] =	vst.idx.msk $0xffff, v4;
	v4 =	vor.u32 v61, v50  }
0x5ee: {  	[tilespmem:v42+s26+$0x0] =	vst.idx.msk $0xffff, v41;
	v41 =	vor.u32 v44, v55;
	v5 =	vld.idx.msk [tilespmem:v7+s18+$0x0], $0xffff;
	v7 =	vor.u32 s6, v37  }
0x5ef: {  	v38 =	vor.u32 v61, v1;
	v15 =	vld.idx.msk [tilespmem:v30+s18+$0x0], $0xffff;
	[tilespmem:v33+s26+$0x0] =	vst.idx.msk $0xffff, v10;
	v37 =	vor.u32 s0, v34  }
0x5f0: {  	v42 =	vor.u32 s14, v34;
	v8 =	vor.u32 v44, v14;
	v6 =	vld.idx.msk [tilespmem:v6+s18+$0x0], $0xffff;
	[tilespmem:v35+s26+$0x0] =	vst.idx.msk $0xffff, v2  }
0x5f1: {  	v47 =	vor.u32 s8, v34;
	v9 =	vld.idx.msk [tilespmem:v36+s18+$0x0], $0xffff;
	[tilespmem:v24+s26+$0x0] =	vst.idx.msk $0xffff, v0  }
0x5f2: {  	v45 =	vor.u32 v44, v13;
	v49 =	vor.u32 s2, v34;
	[tilespmem:v40+s26+$0x0] =	vst.idx.msk $0xffff, v39;
	v4 =	vld.idx.msk [tilespmem:v4+s18+$0x0], $0xffff  }
0x5f3: {  	v48 =	vor.u32 v44, v54;
	v53 =	vor.u32 s11, v46;
	v10 =	vld.idx.msk [tilespmem:v41+s18+$0x0], $0xffff;
	[tilespmem:v7+s26+$0x0] =	vst.idx.msk $0xffff, v5  }
0x5f4: {  	[tilespmem:v37+s26+$0x0] =	vst.idx.msk $0xffff, v15;
	v5 =	vor.u32 v44, v50;
	v7 =	vor.u32 s6, v34;
	v3 =	vld.idx.msk [tilespmem:v38+s18+$0x0], $0xffff  }
0x5f5: {  	v52 =	vor.u32 v44, v1;
	v15 =	vor.u32 s0, v46;
	[tilespmem:v42+s26+$0x0] =	vst.idx.msk $0xffff, v6;
	v8 =	vld.idx.msk [tilespmem:v8+s18+$0x0], $0xffff  }
0x5f6: {  	v6 =	vor.u32 v43, v55;
	[tilespmem:v47+s26+$0x0] =	vst.idx.msk $0xffff, v9  }
0x5f7: {  	v14 =	vor.u32 v43, v14;
	v55 =	vor.u32 s14, v46;
	v2 =	vld.idx.msk [tilespmem:v45+s18+$0x0], $0xffff;
	[tilespmem:v49+s26+$0x0] =	vst.idx.msk $0xffff, v4  }
0x5f8: {  	v56 =	vor.u32 v43, v13;
	v13 =	vor.u32 s8, v46;
	v0 =	vld.idx.msk [tilespmem:v48+s18+$0x0], $0xffff;
	[tilespmem:v53+s26+$0x0] =	vst.idx.msk $0xffff, v10  }
0x5f9: {  	v57 =	vor.u32 s2, v46;
	v4 =	vor.u32 v43, v54;
	v5 =	vld.idx.msk [tilespmem:v5+s18+$0x0], $0xffff;
	[tilespmem:v7+s26+$0x0] =	vst.idx.msk $0xffff, v3  }
0x5fa: {  	v61 =	vor.u32 v43, v50;
	[tilespmem:v15+s26+$0x0] =	vst.idx.msk $0xffff, v8;
	v8 =	vor.u32 s6, v46;
	v7 =	vld.idx.msk [tilespmem:v52+s18+$0x0], $0xffff  }
0x5fb: {  	v1 =	vor.u32 v43, v1;
	v62 =	vor.u32 s11, v51;
	v6 =	vld.idx.msk [tilespmem:v6+s18+$0x0], $0xffff  }
0x5fc: {  	v15 =	vor.u32 s0, v51;
	[tilespmem:v55+s26+$0x0] =	vst.idx.msk $0xffff, v2;
	v14 =	vld.idx.msk [tilespmem:v14+s18+$0x0], $0xffff  }
0x5fd: {  	v63 =	vor.u32 s14, v51;
	v2 =	vld.idx.msk [tilespmem:v56+s18+$0x0], $0xffff;
	[tilespmem:v13+s26+$0x0] =	vst.idx.msk $0xffff, v0  }
0x5fe: {  	v0 =	vld.idx.msk [tilespmem:v4+s18+$0x0], $0xffff;
	v4 =	vor.u32 s8, v51;
	[tilespmem:v57+s26+$0x0] =	vst.idx.msk $0xffff, v5  }
0x5ff: {  	v5 =	vor.u32 s2, v51;
	v3 =	vld.idx.msk [tilespmem:v61+s18+$0x0], $0xffff;
	[tilespmem:v8+s26+$0x0] =	vst.idx.msk $0xffff, v7  }
0x600: {  	[tilespmem:v62+s26+$0x0] =	vst.idx.msk $0xffff, v6;
	v7 =	vor.u32 s6, v51;
	v1 =	vld.idx.msk [tilespmem:v1+s18+$0x0], $0xffff  }
0x601: {  	[tilespmem:v15+s26+$0x0] =	vst.idx.msk $0xffff, v14  }
0x602: {  	[tilespmem:v63+s26+$0x0] =	vst.idx.msk $0xffff, v2  }
0x603: {  	[tilespmem:v4+s26+$0x0] =	vst.idx.msk $0xffff, v0  }
0x604: {  	[tilespmem:v5+s26+$0x0] =	vst.idx.msk $0xffff, v3  }
0x605: {  	[tilespmem:v7+s26+$0x0] =	vst.idx.msk $0xffff, v1  }
0x606: {  	v26 =	vld [tilespmem:$0x1FE60]  }
0x607: {  	v27 =	vld [tilespmem:$0x1FE70]  }
0x608: {  	v43 =	vld [tilespmem:$0x1FE80]  }
0x609: {  	v44 =	vld [tilespmem:$0x1FEA0]  }
0x60a: {  	v45 =	vld [tilespmem:$0x1FED0]  }
0x60b: {  	v47 =	vld [tilespmem:$0x1FEE0]  }
0x60c: {  	v48 =	vld [tilespmem:$0x1FEF0]  }
0x60d: {  	v49 =	vld [tilespmem:$0x1FF00]  }
0x60e: {  	v50 =	vld [tilespmem:$0x1FF10]  }
0x60f: {  	v7 =	vld [tilespmem:$0x1FF20]  }
0x610: {  	v53 =	vld [tilespmem:$0x1FF30]  }
0x611: {  	s31 =	sadd.s32 $0x1, s31;
	v54 =	vld [tilespmem:$0x1FDF0]  }
0x612: {  	p0 =	sne.s32 s31, $0x19;
	v12 =	vld [tilespmem:$0x1FE00]  }
.Ltmp4:
0x613: {  	v56 =	vld [tilespmem:$0x1FE10];
	(pc) =	sbr.rel @p0 .LBB2_2-.Ltmp4, $4  }
0x614: {  	v62 =	vld [tilespmem:$0x1FEB0]  }
0x615: {  	s30 =	rddreg [dreg:$0x5];
	v63 =	vld [tilespmem:$0x1FE50]  }
0x616: {  	v57 =	vld [tilespmem:$0x1FE20];
	s0 =	sadd.s32 s1, s30  }
0x617: {  	v61 =	vld [tilespmem:$0x1FEC0];
	[hbm4b:s0+s24] =	stream.strided.scatter [tilespmem:s26], [sflag:$0x6], $0x3C00, s29, s24, $0x38  }
0x618: {  	s0 =	simm.s32 $0x5  }
0x619: {  	_ =	swait.ge [sflag:s0], $0x3C00  }
0x61a: {  	[sflag:s0] =	ssyncset.done $0x0  }
0x61b: {  	s1 =	simm.s32 $0x6;
	[sflag:s0] =	ssyncadd.s32 $0xFFFFC400  }
0x61c: {  	_ =	swait.ge [sflag:s1], $0x3C00  }
0x61d: {  	s2 =	rddreg [dreg:$0x7]  }
0x61e: {  	s31 =	rddreg [dreg:$0x6];
	s2 =	sadd.s32 $0x1, s2  }
0x61f: {  	p0 =	sne.s32 s2, s31  }
.Ltmp5:
0x620: {  	_ = 	snop;
	(pc) =	sbr.rel @p0 .LBB2_1-.Ltmp5, $3  }
0x621: {  	_ =	sdelay $0x1  }
0x622: {  	[sflag:s1] =	ssyncset.done $0x0  }
0x623: {  	[sflag:s1] =	ssyncadd.s32 $0xFFFFC400  }
0x624: {  	_ =	sfence.sel $0x180000  }
0x625: {  	[bflag:$0x0] =	sbarrier.arrive $0xFFFF  }
0x626: {  	_ =	strace $0x9000004A  }
0x627: {  	s0 =	stileid.u32;
	[bflag:$0x2] =	sbarrier.arrive $0xFFFF  }
0x628: {  	p0 =	sne.s32 s0, $0x0;
	s0 =	rddreg [dreg:$0x2]  }
0x629: {  	s0 =	sadd.s32 @!p0 $0x100000, s0  }
0x62a: {  	[sflag:s0] =	ssyncadd.tile.s32 @!p0 $0x1;
	_ =	shalt  }
.Lfunc_end2:
_tile_overlayer_lowered:
.L_overlay_start_2:
0x62b: {  	(tag) =	ssettag $0x2  }
0x62c: {  	s0 =	rddreg [dreg:$0x0];
	s2 =	stileid.u32  }
0x62d: {  	s1 =	rddreg [dreg:$0x1];
	p0 =	sne.s32 s2, $0x0  }
0x62e: {  	s3 =	rddreg [dreg:$0x2];
	[bflag:$0x3] =	sbarrier.arrive $0xFFFF;
	s2 =	simm.s32 @!p0 $0x1C07  }
0x62f: {  	[timem:s3], [sflag:s2] =	dma.local @!p0 [hbm:s0], s1  }
0x630: {  	s0 =	simm.s32 @!p0 $0x7  }
0x631: {  	_ =	swait.ge @!p0 [sflag:s0], s1  }
0x632: {  	s1 =	ssub.s32 @!p0 $0x0, s1;
	[sflag:s0] =	ssyncset.done @!p0 $0x0  }
0x633: {  	[sflag:s0] =	ssyncadd.s32 @!p0 s1  }
0x634: {  	[bflag:$0x3] =	sbarrier.arrive $0xFFFF  }
0x635: {  	_ =	shalt  }

</sc_bundles>
